<compile_context>
chip_gen: v7x
topology: tpu7x:2x2x1
jax: 0.10.2.dev20260603
libtpu: 0.0.44.dev20260713+nightly
codegen_flags: <defaults>
</compile_context>

<pallas_src>
import jax
import jax.numpy as jnp
from jax import lax
from jax.experimental import pallas as pl
from jax.experimental.pallas import tpu as pltpu
from jax.experimental.pallas import tpu_sc as plsc

NUM_EMB = 1000
EMB = 32
B = 16384
L = 200
N = B * L
OUT_W = 2 * EMB + 1

NC = 2
NS = 16
NW = NC * NS
PER_W = N // NW
CHUNK = 160
STEPS = PER_W // CHUNK
GRP = CHUNK // 16
TPC = CHUNK // 8
TR = N // 8


def _body(de1_hbm, de2_hbm, f_hbm, w1_hbm, w2_hbm, out_hbm,
          w1_v, w2_v, idx1_v, idx2_v, f_v, out_v, in_sems, out_sems):
    wid = lax.axis_index("s") * NC + lax.axis_index("c")
    base0 = wid * PER_W

    pltpu.sync_copy(w1_hbm, w1_v)
    pltpu.sync_copy(w2_hbm, w2_v)

    lanes = lax.iota(jnp.int32, 16)

    def start_in(i, b):
        base = base0 + i * CHUNK
        pltpu.async_copy(de1_hbm.at[pl.ds(base, CHUNK)], idx1_v[b], in_sems[b])
        pltpu.async_copy(de2_hbm.at[pl.ds(base, CHUNK)], idx2_v[b], in_sems[b])
        pltpu.async_copy(f_hbm.at[pl.ds(base, CHUNK)], f_v[b], in_sems[b])

    def wait_in(b):
        pltpu.make_async_copy(de1_hbm.at[pl.ds(0, CHUNK)], idx1_v[b],
                              in_sems[b]).wait()
        pltpu.make_async_copy(de2_hbm.at[pl.ds(0, CHUNK)], idx2_v[b],
                              in_sems[b]).wait()
        pltpu.make_async_copy(f_hbm.at[pl.ds(0, CHUNK)], f_v[b],
                              in_sems[b]).wait()

    dnums = lax.GatherDimensionNumbers(
        offset_dims=(), collapsed_slice_dims=(0,), start_index_map=(0,))

    def splat_lane(vec, t):
        return lax.gather(vec, jnp.full((16, 1), t, jnp.int32), dnums, (1,),
                          mode=lax.GatherScatterMode.PROMISE_IN_BOUNDS)

    def compute(b):
        @plsc.parallel_loop(0, GRP, unroll=2)
        def group(j):
            idx1 = idx1_v[b][pl.ds(j * 16, 16)]
            idx2 = idx2_v[b][pl.ds(j * 16, 16)]
            src1 = idx1 * EMB
            src2 = idx2 * EMB
            for t in range(16):
                s1 = splat_lane(src1, t)
                s2 = splat_lane(src2, t)
                a0 = plsc.load_gather(w1_v, [s1 + lanes])
                a1 = plsc.load_gather(w1_v, [s1 + (lanes + 16)])
                b0 = plsc.load_gather(w2_v, [s2 + lanes])
                b1 = plsc.load_gather(w2_v, [s2 + (lanes + 16)])
                tr = 2 * j + t // 8
                r = t % 8
                out_v[b][tr, r, pl.ds(0, 16)] = a0
                out_v[b][tr, r, pl.ds(16, 16)] = a1
                out_v[b][tr, r, pl.ds(32, 16)] = b0
                out_v[b][tr, r, pl.ds(48, 16)] = b1
            fv = f_v[b][pl.ds(j * 16, 16)]
            trv = 2 * j + lanes // 8
            rv = lanes % 8
            cv = jnp.full((16,), 2 * EMB, jnp.int32)
            plsc.store_scatter(out_v[b], [trv, rv, cv], fv)

    def start_out(i, b):
        base = base0 + i * CHUNK
        pltpu.async_copy(out_v[b], out_hbm.at[pl.ds(base // 8, TPC)],
                         out_sems[b])

    def wait_out(b):
        pltpu.make_async_copy(out_v[b], out_hbm.at[pl.ds(0, TPC)],
                              out_sems[b]).wait()

    start_in(0, 0)

    def step(k, carry):
        i0 = 2 * k
        start_in(i0 + 1, 1)
        wait_in(0)

        @pl.when(k > 0)
        def _():
            wait_out(0)

        compute(0)
        start_out(i0, 0)

        @pl.when(k < STEPS // 2 - 1)
        def _():
            start_in(i0 + 2, 0)

        wait_in(1)

        @pl.when(k > 0)
        def _():
            wait_out(1)

        compute(1)
        start_out(i0 + 1, 1)
        return carry

    lax.fori_loop(0, STEPS // 2, step, 0)
    wait_out(0)
    wait_out(1)


@jax.jit
def _run(de1f, de2f, ff, W1f, W2f):
    mesh = plsc.VectorSubcoreMesh(core_axis_name="c", subcore_axis_name="s")
    return pl.kernel(
        _body,
        out_type=jax.ShapeDtypeStruct((TR, 8, OUT_W), jnp.float32),
        mesh=mesh,
        scratch_types=[
            pltpu.VMEM((NUM_EMB * EMB,), jnp.float32),
            pltpu.VMEM((NUM_EMB * EMB,), jnp.float32),
            [pltpu.VMEM((CHUNK,), jnp.int32) for _ in range(2)],
            [pltpu.VMEM((CHUNK,), jnp.int32) for _ in range(2)],
            [pltpu.VMEM((CHUNK,), jnp.float32) for _ in range(2)],
            [pltpu.VMEM((TPC, 8, OUT_W), jnp.float32) for _ in range(2)],
            [pltpu.SemaphoreType.DMA for _ in range(2)],
            [pltpu.SemaphoreType.DMA for _ in range(2)],
        ],
        compiler_params=pltpu.CompilerParams(
            needs_layout_passes=False, disable_bounds_checks=True),
    )(de1f, de2f, ff, W1f, W2f)


def kernel(de1, de2, f, W1, W2):
    out = _run(de1.reshape(N), de2.reshape(N), f.reshape(N),
               W1.reshape(NUM_EMB * EMB), W2.reshape(NUM_EMB * EMB))
    return out.reshape(B, L, OUT_W)

# --- scband reference (transcript-rebuilt; emitter-appended) ---
"""Pipeline reference for scband-dependency-distance-68307159875918 (READ-ONLY COPY).

The authoritative reference and input builder live on the scoring server;
editing this copy changes nothing except your own understanding.
"""

import jax, jax.numpy as jnp
import numpy as np

NUM_EMB = 1000
EMB = 32
B = 16384
L = 200
PAD = NUM_EMB - 1


def setup_inputs(seed: int = 0) -> dict:
    key = jax.random.key(seed)
    k1, k2, k3, k4, k5 = jax.random.split(key, 5)
    de1 = jax.random.randint(k1, (B, L), 0, NUM_EMB, dtype=jnp.int32)
    de2 = jax.random.randint(k2, (B, L), 0, NUM_EMB, dtype=jnp.int32)
    f = jax.random.uniform(k3, (B, L), dtype=jnp.float32)
    W1 = jax.random.normal(k4, (NUM_EMB, EMB), dtype=jnp.float32) * 0.02
    W2 = jax.random.normal(k5, (NUM_EMB, EMB), dtype=jnp.float32) * 0.02
    # padding_idx row initialized to zero, as nn.Embedding does
    W1 = W1.at[PAD].set(0.0)
    W2 = W2.at[PAD].set(0.0)
    return {"de1": de1, "de2": de2, "f": f, "W1": W1, "W2": W2}


def reference(de1, de2, f, W1, W2):
    # Dropout layers are identity in eval mode.
    a = jnp.take(W1, de1, axis=0)            # [B, L, EMB]
    b = jnp.take(W2, de2, axis=0)            # [B, L, EMB]
    f_us = f[:, :, None]                      # [B, L, 1]
    return jnp.concatenate((a, b, f_us), axis=2)  # [B, L, 2*EMB+1]

if __name__ == "__main__":
    import jax
    _d = setup_inputs()
    print(jax.jit(kernel)(*tuple(_d.values())))

</pallas_src>

<mosaic_0001>
#map = affine_map<(d0, d1) -> (0)>
#map1 = affine_map<(d0, d1) -> (0, 0, 0)>
module attributes {stable_mosaic.version = 14 : i64} {
  func.func @_body(%arg0: i32, %arg1: i32, %arg2: memref<3276800xi32, #tpu.memory_space<hbm>>, %arg3: memref<3276800xi32, #tpu.memory_space<hbm>>, %arg4: memref<3276800xf32, #tpu.memory_space<hbm>>, %arg5: memref<32000xf32, #tpu.memory_space<hbm>>, %arg6: memref<32000xf32, #tpu.memory_space<hbm>>, %arg7: memref<409600x8x65xf32, #tpu.memory_space<hbm>>, %arg8: memref<32000xf32, #tpu.memory_space<vmem>>, %arg9: memref<32000xf32, #tpu.memory_space<vmem>>, %arg10: memref<160xi32, #tpu.memory_space<vmem>>, %arg11: memref<160xi32, #tpu.memory_space<vmem>>, %arg12: memref<160xi32, #tpu.memory_space<vmem>>, %arg13: memref<160xi32, #tpu.memory_space<vmem>>, %arg14: memref<160xf32, #tpu.memory_space<vmem>>, %arg15: memref<160xf32, #tpu.memory_space<vmem>>, %arg16: memref<20x8x65xf32, #tpu.memory_space<vmem>>, %arg17: memref<20x8x65xf32, #tpu.memory_space<vmem>>, %arg18: memref<!tpu.dma_semaphore, #tpu.memory_space<semaphore_mem>>, %arg19: memref<!tpu.dma_semaphore, #tpu.memory_space<semaphore_mem>>, %arg20: memref<!tpu.dma_semaphore, #tpu.memory_space<semaphore_mem>>, %arg21: memref<!tpu.dma_semaphore, #tpu.memory_space<semaphore_mem>>) attributes {dimension_semantics = [#tpu.dimension_semantics<core_parallel>, #tpu.dimension_semantics<subcore_parallel>], iteration_bounds = array<i64: 2, 16>, scalar_prefetch = 0 : i64, scratch_operands = 14 : i64, tpu.core_type = #tpu.core_type<sc_vector_subcore>, window_params = [{transform_indices = #map}, {transform_indices = #map}, {transform_indices = #map}, {transform_indices = #map}, {transform_indices = #map}, {transform_indices = #map1}]} {
    %mul3A = arith.constant 2 : i32
    %mul3A_0 = arith.muli %arg1, %mul3A : i32
    %add3A = arith.addi %mul3A_0, %arg0 : i32
    %mul3A_1 = arith.constant 102400 : i32
    %mul3A_2 = arith.muli %add3A, %mul3A_1 : i32
    "tpu.region"() ({
      %run_scoped3A = tpu.sem_alloc : memref<!tpu.dma_semaphore, #tpu.memory_space<semaphore_mem>>
      tpu.enqueue_dma source(%arg5 : memref<32000xf32, #tpu.memory_space<hbm>>) target(%arg8 : memref<32000xf32, #tpu.memory_space<vmem>>) target_semaphore(%run_scoped3A : memref<!tpu.dma_semaphore, #tpu.memory_space<semaphore_mem>>)
      tpu.wait_dma2 semaphore(%run_scoped3A : memref<!tpu.dma_semaphore, #tpu.memory_space<semaphore_mem>>) src(%arg5 : memref<32000xf32, #tpu.memory_space<hbm>>) dst(%arg8 : memref<32000xf32, #tpu.memory_space<vmem>>)
      tpu.yield
    }) : () -> ()
    "tpu.region"() ({
      %run_scoped3A = tpu.sem_alloc : memref<!tpu.dma_semaphore, #tpu.memory_space<semaphore_mem>>
      tpu.enqueue_dma source(%arg6 : memref<32000xf32, #tpu.memory_space<hbm>>) target(%arg9 : memref<32000xf32, #tpu.memory_space<vmem>>) target_semaphore(%run_scoped3A : memref<!tpu.dma_semaphore, #tpu.memory_space<semaphore_mem>>)
      tpu.wait_dma2 semaphore(%run_scoped3A : memref<!tpu.dma_semaphore, #tpu.memory_space<semaphore_mem>>) src(%arg6 : memref<32000xf32, #tpu.memory_space<hbm>>) dst(%arg9 : memref<32000xf32, #tpu.memory_space<vmem>>)
      tpu.yield
    }) : () -> ()
    %iota3A = tpu.iota {dimensions = array<i32: 0>} : vector<16xi32>
    %add3A_3 = arith.constant 0 : i32
    %add3A_4 = arith.addi %mul3A_2, %add3A_3 : i32
    %dma_start3A = tpu.memref_slice %arg2[%add3A_4] : memref<3276800xi32, #tpu.memory_space<hbm>> -> memref<160xi32, #tpu.memory_space<hbm>>
    %dma_start3A_5 = tpu.memref_slice %arg2[%add3A_4] : memref<3276800xi32, #tpu.memory_space<hbm>> -> memref<160xi32, #tpu.memory_space<hbm>>
    tpu.enqueue_dma source(%dma_start3A_5 : memref<160xi32, #tpu.memory_space<hbm>>) target(%arg10 : memref<160xi32, #tpu.memory_space<vmem>>) target_semaphore(%arg18 : memref<!tpu.dma_semaphore, #tpu.memory_space<semaphore_mem>>)
    %dma_start3A_6 = tpu.memref_slice %arg3[%add3A_4] : memref<3276800xi32, #tpu.memory_space<hbm>> -> memref<160xi32, #tpu.memory_space<hbm>>
    %dma_start3A_7 = tpu.memref_slice %arg3[%add3A_4] : memref<3276800xi32, #tpu.memory_space<hbm>> -> memref<160xi32, #tpu.memory_space<hbm>>
    tpu.enqueue_dma source(%dma_start3A_7 : memref<160xi32, #tpu.memory_space<hbm>>) target(%arg12 : memref<160xi32, #tpu.memory_space<vmem>>) target_semaphore(%arg18 : memref<!tpu.dma_semaphore, #tpu.memory_space<semaphore_mem>>)
    %dma_start3A_8 = tpu.memref_slice %arg4[%add3A_4] : memref<3276800xf32, #tpu.memory_space<hbm>> -> memref<160xf32, #tpu.memory_space<hbm>>
    %dma_start3A_9 = tpu.memref_slice %arg4[%add3A_4] : memref<3276800xf32, #tpu.memory_space<hbm>> -> memref<160xf32, #tpu.memory_space<hbm>>
    tpu.enqueue_dma source(%dma_start3A_9 : memref<160xf32, #tpu.memory_space<hbm>>) target(%arg14 : memref<160xf32, #tpu.memory_space<vmem>>) target_semaphore(%arg18 : memref<!tpu.dma_semaphore, #tpu.memory_space<semaphore_mem>>)
    %scan3A = arith.constant 0 : i32
    %scan3A_10 = arith.constant 0 : i32
    %scan3A_11 = arith.constant 320 : i32
    %scan3A_12 = arith.addi %scan3A_10, %scan3A_11 : i32
    %scan3A_13 = arith.constant 1 : i32
    scf.for %scan3A_30 = %scan3A_10 to %scan3A_12 step %scan3A_13  : i32 {
      %mul3A_31 = arith.constant 2 : i32
      %mul3A_32 = arith.muli %mul3A_31, %scan3A_30 : i32
      %add3A_33 = arith.constant 1 : i32
      %add3A_34 = arith.addi %mul3A_32, %add3A_33 : i32
      %mul3A_35 = arith.constant 160 : i32
      %mul3A_36 = arith.muli %add3A_34, %mul3A_35 : i32
      %add3A_37 = arith.addi %mul3A_2, %mul3A_36 : i32
      %dma_start3A_38 = tpu.memref_slice %arg2[%add3A_37] : memref<3276800xi32, #tpu.memory_space<hbm>> -> memref<160xi32, #tpu.memory_space<hbm>>
      %dma_start3A_39 = tpu.memref_slice %arg2[%add3A_37] : memref<3276800xi32, #tpu.memory_space<hbm>> -> memref<160xi32, #tpu.memory_space<hbm>>
      tpu.enqueue_dma source(%dma_start3A_39 : memref<160xi32, #tpu.memory_space<hbm>>) target(%arg11 : memref<160xi32, #tpu.memory_space<vmem>>) target_semaphore(%arg19 : memref<!tpu.dma_semaphore, #tpu.memory_space<semaphore_mem>>)
      %dma_start3A_40 = tpu.memref_slice %arg3[%add3A_37] : memref<3276800xi32, #tpu.memory_space<hbm>> -> memref<160xi32, #tpu.memory_space<hbm>>
      %dma_start3A_41 = tpu.memref_slice %arg3[%add3A_37] : memref<3276800xi32, #tpu.memory_space<hbm>> -> memref<160xi32, #tpu.memory_space<hbm>>
      tpu.enqueue_dma source(%dma_start3A_41 : memref<160xi32, #tpu.memory_space<hbm>>) target(%arg13 : memref<160xi32, #tpu.memory_space<vmem>>) target_semaphore(%arg19 : memref<!tpu.dma_semaphore, #tpu.memory_space<semaphore_mem>>)
      %dma_start3A_42 = tpu.memref_slice %arg4[%add3A_37] : memref<3276800xf32, #tpu.memory_space<hbm>> -> memref<160xf32, #tpu.memory_space<hbm>>
      %dma_start3A_43 = tpu.memref_slice %arg4[%add3A_37] : memref<3276800xf32, #tpu.memory_space<hbm>> -> memref<160xf32, #tpu.memory_space<hbm>>
      tpu.enqueue_dma source(%dma_start3A_43 : memref<160xf32, #tpu.memory_space<hbm>>) target(%arg15 : memref<160xf32, #tpu.memory_space<vmem>>) target_semaphore(%arg19 : memref<!tpu.dma_semaphore, #tpu.memory_space<semaphore_mem>>)
      %dma_wait3A_44 = arith.constant 0 : i32
      %dma_wait3A_45 = tpu.memref_slice %arg2[%dma_wait3A_44] : memref<3276800xi32, #tpu.memory_space<hbm>> -> memref<160xi32, #tpu.memory_space<hbm>>
      %dma_wait3A_46 = arith.constant 0 : i32
      %dma_wait3A_47 = tpu.memref_slice %arg2[%dma_wait3A_46] : memref<3276800xi32, #tpu.memory_space<hbm>> -> memref<160xi32, #tpu.memory_space<hbm>>
      tpu.wait_dma2 semaphore(%arg18 : memref<!tpu.dma_semaphore, #tpu.memory_space<semaphore_mem>>) src(%dma_wait3A_47 : memref<160xi32, #tpu.memory_space<hbm>>) dst(%arg10 : memref<160xi32, #tpu.memory_space<vmem>>)
      %dma_wait3A_48 = arith.constant 0 : i32
      %dma_wait3A_49 = tpu.memref_slice %arg3[%dma_wait3A_48] : memref<3276800xi32, #tpu.memory_space<hbm>> -> memref<160xi32, #tpu.memory_space<hbm>>
      %dma_wait3A_50 = arith.constant 0 : i32
      %dma_wait3A_51 = tpu.memref_slice %arg3[%dma_wait3A_50] : memref<3276800xi32, #tpu.memory_space<hbm>> -> memref<160xi32, #tpu.memory_space<hbm>>
      tpu.wait_dma2 semaphore(%arg18 : memref<!tpu.dma_semaphore, #tpu.memory_space<semaphore_mem>>) src(%dma_wait3A_51 : memref<160xi32, #tpu.memory_space<hbm>>) dst(%arg12 : memref<160xi32, #tpu.memory_space<vmem>>)
      %dma_wait3A_52 = arith.constant 0 : i32
      %dma_wait3A_53 = tpu.memref_slice %arg4[%dma_wait3A_52] : memref<3276800xf32, #tpu.memory_space<hbm>> -> memref<160xf32, #tpu.memory_space<hbm>>
      %dma_wait3A_54 = arith.constant 0 : i32
      %dma_wait3A_55 = tpu.memref_slice %arg4[%dma_wait3A_54] : memref<3276800xf32, #tpu.memory_space<hbm>> -> memref<160xf32, #tpu.memory_space<hbm>>
      tpu.wait_dma2 semaphore(%arg18 : memref<!tpu.dma_semaphore, #tpu.memory_space<semaphore_mem>>) src(%dma_wait3A_55 : memref<160xf32, #tpu.memory_space<hbm>>) dst(%arg14 : memref<160xf32, #tpu.memory_space<vmem>>)
      %gt3A = arith.constant 0 : i32
      %gt3A_56 = arith.cmpi sgt, %scan3A_30, %gt3A : i32
      %convert_element_type3A = arith.extui %gt3A_56 : i1 to i32
      %cond3A = arith.constant 0 : i32
      %cond3A_57 = arith.cmpi ne, %convert_element_type3A, %cond3A : i32
      scf.if %cond3A_57 {
        %dma_wait3A_144 = arith.constant 0 : i32
        %dma_wait3A_145 = arith.constant 0 : i32
        %dma_wait3A_146 = arith.constant 0 : i32
        %dma_wait3A_147 = tpu.memref_slice %arg7[%dma_wait3A_144, %dma_wait3A_145, %dma_wait3A_146] : memref<409600x8x65xf32, #tpu.memory_space<hbm>> -> memref<20x8x65xf32, #tpu.memory_space<hbm>>
        %dma_wait3A_148 = arith.constant 0 : i32
        %dma_wait3A_149 = arith.constant 0 : i32
        %dma_wait3A_150 = arith.constant 0 : i32
        %dma_wait3A_151 = tpu.memref_slice %arg7[%dma_wait3A_148, %dma_wait3A_149, %dma_wait3A_150] : memref<409600x8x65xf32, #tpu.memory_space<hbm>> -> memref<20x8x65xf32, #tpu.memory_space<hbm>>
        tpu.wait_dma2 semaphore(%arg20 : memref<!tpu.dma_semaphore, #tpu.memory_space<semaphore_mem>>) src(%arg16 : memref<20x8x65xf32, #tpu.memory_space<vmem>>) dst(%dma_wait3A_151 : memref<20x8x65xf32, #tpu.memory_space<hbm>>)
      } else {
      }
      %parallel_loop3A = arith.constant 0 : i32
      %parallel_loop3A_58 = arith.constant 10 : i32
      %parallel_loop3A_59 = arith.constant 1 : i32
      scf.for %parallel_loop3A_144 = %parallel_loop3A to %parallel_loop3A_58 step %parallel_loop3A_59  : i32 {
        %parallel_loop3A_145 = arith.constant 16 : i32
        %parallel_loop3A_146 = arith.muli %parallel_loop3A_144, %parallel_loop3A_145 : i32
        %parallel_loop3A_147 = arith.index_cast %parallel_loop3A_146 : i32 to index
        %parallel_loop3A_148 = tpu.vector_load %arg10[%parallel_loop3A_147] {strides = array<i32>} : memref<160xi32, #tpu.memory_space<vmem>>, vector<16xi32>,
        %parallel_loop3A_149 = arith.constant 16 : i32
        %parallel_loop3A_150 = arith.muli %parallel_loop3A_144, %parallel_loop3A_149 : i32
        %parallel_loop3A_151 = arith.index_cast %parallel_loop3A_150 : i32 to index
        %parallel_loop3A_152 = tpu.vector_load %arg12[%parallel_loop3A_151] {strides = array<i32>} : memref<160xi32, #tpu.memory_space<vmem>>, vector<16xi32>,
        %parallel_loop3A_153 = arith.constant 32 : i32
        %parallel_loop3A_154 = vector.broadcast %parallel_loop3A_153 : i32 to vector<16xi32>
        %parallel_loop3A_155 = arith.muli %parallel_loop3A_148, %parallel_loop3A_154 : vector<16xi32>
        %parallel_loop3A_156 = arith.constant 32 : i32
        %parallel_loop3A_157 = vector.broadcast %parallel_loop3A_156 : i32 to vector<16xi32>
        %parallel_loop3A_158 = arith.muli %parallel_loop3A_152, %parallel_loop3A_157 : vector<16xi32>
        %parallel_loop3A_159 = arith.constant 0 : i32
        %parallel_loop3A_160 = vector.broadcast %parallel_loop3A_159 : i32 to vector<16x1xi32>
        %parallel_loop3A_161 = vector.shape_cast %parallel_loop3A_160 : vector<16x1xi32> to vector<16xi32>
        %parallel_loop3A_162 = tpu.dynamic_gather %parallel_loop3A_155[%parallel_loop3A_161] in [0] : vector<16xi32>, vector<16xi32> -> vector<16xi32>
        %parallel_loop3A_163 = arith.constant 0 : i32
        %parallel_loop3A_164 = vector.broadcast %parallel_loop3A_163 : i32 to vector<16x1xi32>
        %parallel_loop3A_165 = vector.shape_cast %parallel_loop3A_164 : vector<16x1xi32> to vector<16xi32>
        %parallel_loop3A_166 = tpu.dynamic_gather %parallel_loop3A_158[%parallel_loop3A_165] in [0] : vector<16xi32>, vector<16xi32> -> vector<16xi32>
        %parallel_loop3A_167 = arith.addi %parallel_loop3A_162, %iota3A : vector<16xi32>
        %parallel_loop3A_168 = tpu.vector_load_idx %arg8[%parallel_loop3A_167] : memref<32000xf32, #tpu.memory_space<vmem>>[vector<16xi32>], vector<16xf32>,
        %parallel_loop3A_169 = arith.constant 16 : i32
        %parallel_loop3A_170 = vector.broadcast %parallel_loop3A_169 : i32 to vector<16xi32>
        %parallel_loop3A_171 = arith.addi %iota3A, %parallel_loop3A_170 : vector<16xi32>
        %parallel_loop3A_172 = arith.addi %parallel_loop3A_162, %parallel_loop3A_171 : vector<16xi32>
        %parallel_loop3A_173 = tpu.vector_load_idx %arg8[%parallel_loop3A_172] : memref<32000xf32, #tpu.memory_space<vmem>>[vector<16xi32>], vector<16xf32>,
        %parallel_loop3A_174 = arith.addi %parallel_loop3A_166, %iota3A : vector<16xi32>
        %parallel_loop3A_175 = tpu.vector_load_idx %arg9[%parallel_loop3A_174] : memref<32000xf32, #tpu.memory_space<vmem>>[vector<16xi32>], vector<16xf32>,
        %parallel_loop3A_176 = arith.constant 16 : i32
        %parallel_loop3A_177 = vector.broadcast %parallel_loop3A_176 : i32 to vector<16xi32>
        %parallel_loop3A_178 = arith.addi %iota3A, %parallel_loop3A_177 : vector<16xi32>
        %parallel_loop3A_179 = arith.addi %parallel_loop3A_166, %parallel_loop3A_178 : vector<16xi32>
        %parallel_loop3A_180 = tpu.vector_load_idx %arg9[%parallel_loop3A_179] : memref<32000xf32, #tpu.memory_space<vmem>>[vector<16xi32>], vector<16xf32>,
        %parallel_loop3A_181 = arith.constant 2 : i32
        %parallel_loop3A_182 = arith.muli %parallel_loop3A_181, %parallel_loop3A_144 : i32
        %parallel_loop3A_183 = arith.constant 0 : i32
        %parallel_loop3A_184 = arith.addi %parallel_loop3A_182, %parallel_loop3A_183 : i32
        %parallel_loop3A_185 = arith.constant 0 : i32
        %parallel_loop3A_186 = arith.index_cast %parallel_loop3A_184 : i32 to index
        %parallel_loop3A_187 = arith.index_cast %parallel_loop3A_185 : i32 to index
        %parallel_loop3A_188 = arith.constant 0 : index
        %parallel_loop3A_189 = tpu.vector_load %arg16[%parallel_loop3A_186, %parallel_loop3A_187, %parallel_loop3A_188] {strides = array<i32>} : memref<20x8x65xf32, #tpu.memory_space<vmem>>, vector<16xf32>,
        tpu.vector_store %arg16[%parallel_loop3A_186, %parallel_loop3A_187, %parallel_loop3A_188], %parallel_loop3A_168 {strides = array<i32>} : memref<20x8x65xf32, #tpu.memory_space<vmem>>, vector<16xf32>,
        %parallel_loop3A_190 = arith.constant 0 : i32
        %parallel_loop3A_191 = arith.index_cast %parallel_loop3A_184 : i32 to index
        %parallel_loop3A_192 = arith.index_cast %parallel_loop3A_190 : i32 to index
        %parallel_loop3A_193 = arith.constant 16 : index
        %parallel_loop3A_194 = tpu.vector_load %arg16[%parallel_loop3A_191, %parallel_loop3A_192, %parallel_loop3A_193] {strides = array<i32>} : memref<20x8x65xf32, #tpu.memory_space<vmem>>, vector<16xf32>,
        tpu.vector_store %arg16[%parallel_loop3A_191, %parallel_loop3A_192, %parallel_loop3A_193], %parallel_loop3A_173 {strides = array<i32>} : memref<20x8x65xf32, #tpu.memory_space<vmem>>, vector<16xf32>,
        %parallel_loop3A_195 = arith.constant 0 : i32
        %parallel_loop3A_196 = arith.index_cast %parallel_loop3A_184 : i32 to index
        %parallel_loop3A_197 = arith.index_cast %parallel_loop3A_195 : i32 to index
        %parallel_loop3A_198 = arith.constant 32 : index
        %parallel_loop3A_199 = tpu.vector_load %arg16[%parallel_loop3A_196, %parallel_loop3A_197, %parallel_loop3A_198] {strides = array<i32>} : memref<20x8x65xf32, #tpu.memory_space<vmem>>, vector<16xf32>,
        tpu.vector_store %arg16[%parallel_loop3A_196, %parallel_loop3A_197, %parallel_loop3A_198], %parallel_loop3A_175 {strides = array<i32>} : memref<20x8x65xf32, #tpu.memory_space<vmem>>, vector<16xf32>,
        %parallel_loop3A_200 = arith.constant 0 : i32
        %parallel_loop3A_201 = arith.index_cast %parallel_loop3A_184 : i32 to index
        %parallel_loop3A_202 = arith.index_cast %parallel_loop3A_200 : i32 to index
        %parallel_loop3A_203 = arith.constant 48 : index
        %parallel_loop3A_204 = tpu.vector_load %arg16[%parallel_loop3A_201, %parallel_loop3A_202, %parallel_loop3A_203] {strides = array<i32>} : memref<20x8x65xf32, #tpu.memory_space<vmem>>, vector<16xf32>,
        tpu.vector_store %arg16[%parallel_loop3A_201, %parallel_loop3A_202, %parallel_loop3A_203], %parallel_loop3A_180 {strides = array<i32>} : memref<20x8x65xf32, #tpu.memory_space<vmem>>, vector<16xf32>,
        %parallel_loop3A_205 = arith.constant 1 : i32
        %parallel_loop3A_206 = vector.broadcast %parallel_loop3A_205 : i32 to vector<16x1xi32>
        %parallel_loop3A_207 = vector.shape_cast %parallel_loop3A_206 : vector<16x1xi32> to vector<16xi32>
        %parallel_loop3A_208 = tpu.dynamic_gather %parallel_loop3A_155[%parallel_loop3A_207] in [0] : vector<16xi32>, vector<16xi32> -> vector<16xi32>
        %parallel_loop3A_209 = arith.constant 1 : i32
        %parallel_loop3A_210 = vector.broadcast %parallel_loop3A_209 : i32 to vector<16x1xi32>
        %parallel_loop3A_211 = vector.shape_cast %parallel_loop3A_210 : vector<16x1xi32> to vector<16xi32>
        %parallel_loop3A_212 = tpu.dynamic_gather %parallel_loop3A_158[%parallel_loop3A_211] in [0] : vector<16xi32>, vector<16xi32> -> vector<16xi32>
        %parallel_loop3A_213 = arith.addi %parallel_loop3A_208, %iota3A : vector<16xi32>
        %parallel_loop3A_214 = tpu.vector_load_idx %arg8[%parallel_loop3A_213] : memref<32000xf32, #tpu.memory_space<vmem>>[vector<16xi32>], vector<16xf32>,
        %parallel_loop3A_215 = arith.constant 16 : i32
        %parallel_loop3A_216 = vector.broadcast %parallel_loop3A_215 : i32 to vector<16xi32>
        %parallel_loop3A_217 = arith.addi %iota3A, %parallel_loop3A_216 : vector<16xi32>
        %parallel_loop3A_218 = arith.addi %parallel_loop3A_208, %parallel_loop3A_217 : vector<16xi32>
        %parallel_loop3A_219 = tpu.vector_load_idx %arg8[%parallel_loop3A_218] : memref<32000xf32, #tpu.memory_space<vmem>>[vector<16xi32>], vector<16xf32>,
        %parallel_loop3A_220 = arith.addi %parallel_loop3A_212, %iota3A : vector<16xi32>
        %parallel_loop3A_221 = tpu.vector_load_idx %arg9[%parallel_loop3A_220] : memref<32000xf32, #tpu.memory_space<vmem>>[vector<16xi32>], vector<16xf32>,
        %parallel_loop3A_222 = arith.constant 16 : i32
        %parallel_loop3A_223 = vector.broadcast %parallel_loop3A_222 : i32 to vector<16xi32>
        %parallel_loop3A_224 = arith.addi %iota3A, %parallel_loop3A_223 : vector<16xi32>
        %parallel_loop3A_225 = arith.addi %parallel_loop3A_212, %parallel_loop3A_224 : vector<16xi32>
        %parallel_loop3A_226 = tpu.vector_load_idx %arg9[%parallel_loop3A_225] : memref<32000xf32, #tpu.memory_space<vmem>>[vector<16xi32>], vector<16xf32>,
        %parallel_loop3A_227 = arith.constant 2 : i32
        %parallel_loop3A_228 = arith.muli %parallel_loop3A_227, %parallel_loop3A_144 : i32
        %parallel_loop3A_229 = arith.constant 0 : i32
        %parallel_loop3A_230 = arith.addi %parallel_loop3A_228, %parallel_loop3A_229 : i32
        %parallel_loop3A_231 = arith.constant 1 : i32
        %parallel_loop3A_232 = arith.index_cast %parallel_loop3A_230 : i32 to index
        %parallel_loop3A_233 = arith.index_cast %parallel_loop3A_231 : i32 to index
        %parallel_loop3A_234 = arith.constant 0 : index
        %parallel_loop3A_235 = tpu.vector_load %arg16[%parallel_loop3A_232, %parallel_loop3A_233, %parallel_loop3A_234] {strides = array<i32>} : memref<20x8x65xf32, #tpu.memory_space<vmem>>, vector<16xf32>,
        tpu.vector_store %arg16[%parallel_loop3A_232, %parallel_loop3A_233, %parallel_loop3A_234], %parallel_loop3A_214 {strides = array<i32>} : memref<20x8x65xf32, #tpu.memory_space<vmem>>, vector<16xf32>,
        %parallel_loop3A_236 = arith.constant 1 : i32
        %parallel_loop3A_237 = arith.index_cast %parallel_loop3A_230 : i32 to index
        %parallel_loop3A_238 = arith.index_cast %parallel_loop3A_236 : i32 to index
        %parallel_loop3A_239 = arith.constant 16 : index
        %parallel_loop3A_240 = tpu.vector_load %arg16[%parallel_loop3A_237, %parallel_loop3A_238, %parallel_loop3A_239] {strides = array<i32>} : memref<20x8x65xf32, #tpu.memory_space<vmem>>, vector<16xf32>,
        tpu.vector_store %arg16[%parallel_loop3A_237, %parallel_loop3A_238, %parallel_loop3A_239], %parallel_loop3A_219 {strides = array<i32>} : memref<20x8x65xf32, #tpu.memory_space<vmem>>, vector<16xf32>,
        %parallel_loop3A_241 = arith.constant 1 : i32
        %parallel_loop3A_242 = arith.index_cast %parallel_loop3A_230 : i32 to index
        %parallel_loop3A_243 = arith.index_cast %parallel_loop3A_241 : i32 to index
        %parallel_loop3A_244 = arith.constant 32 : index
        %parallel_loop3A_245 = tpu.vector_load %arg16[%parallel_loop3A_242, %parallel_loop3A_243, %parallel_loop3A_244] {strides = array<i32>} : memref<20x8x65xf32, #tpu.memory_space<vmem>>, vector<16xf32>,
        tpu.vector_store %arg16[%parallel_loop3A_242, %parallel_loop3A_243, %parallel_loop3A_244], %parallel_loop3A_221 {strides = array<i32>} : memref<20x8x65xf32, #tpu.memory_space<vmem>>, vector<16xf32>,
        %parallel_loop3A_246 = arith.constant 1 : i32
        %parallel_loop3A_247 = arith.index_cast %parallel_loop3A_230 : i32 to index
        %parallel_loop3A_248 = arith.index_cast %parallel_loop3A_246 : i32 to index
        %parallel_loop3A_249 = arith.constant 48 : index
        %parallel_loop3A_250 = tpu.vector_load %arg16[%parallel_loop3A_247, %parallel_loop3A_248, %parallel_loop3A_249] {strides = array<i32>} : memref<20x8x65xf32, #tpu.memory_space<vmem>>, vector<16xf32>,
        tpu.vector_store %arg16[%parallel_loop3A_247, %parallel_loop3A_248, %parallel_loop3A_249], %parallel_loop3A_226 {strides = array<i32>} : memref<20x8x65xf32, #tpu.memory_space<vmem>>, vector<16xf32>,
        %parallel_loop3A_251 = arith.constant 2 : i32
        %parallel_loop3A_252 = vector.broadcast %parallel_loop3A_251 : i32 to vector<16x1xi32>
        %parallel_loop3A_253 = vector.shape_cast %parallel_loop3A_252 : vector<16x1xi32> to vector<16xi32>
        %parallel_loop3A_254 = tpu.dynamic_gather %parallel_loop3A_155[%parallel_loop3A_253] in [0] : vector<16xi32>, vector<16xi32> -> vector<16xi32>
        %parallel_loop3A_255 = arith.constant 2 : i32
        %parallel_loop3A_256 = vector.broadcast %parallel_loop3A_255 : i32 to vector<16x1xi32>
        %parallel_loop3A_257 = vector.shape_cast %parallel_loop3A_256 : vector<16x1xi32> to vector<16xi32>
        %parallel_loop3A_258 = tpu.dynamic_gather %parallel_loop3A_158[%parallel_loop3A_257] in [0] : vector<16xi32>, vector<16xi32> -> vector<16xi32>
        %parallel_loop3A_259 = arith.addi %parallel_loop3A_254, %iota3A : vector<16xi32>
        %parallel_loop3A_260 = tpu.vector_load_idx %arg8[%parallel_loop3A_259] : memref<32000xf32, #tpu.memory_space<vmem>>[vector<16xi32>], vector<16xf32>,
        %parallel_loop3A_261 = arith.constant 16 : i32
        %parallel_loop3A_262 = vector.broadcast %parallel_loop3A_261 : i32 to vector<16xi32>
        %parallel_loop3A_263 = arith.addi %iota3A, %parallel_loop3A_262 : vector<16xi32>
        %parallel_loop3A_264 = arith.addi %parallel_loop3A_254, %parallel_loop3A_263 : vector<16xi32>
        %parallel_loop3A_265 = tpu.vector_load_idx %arg8[%parallel_loop3A_264] : memref<32000xf32, #tpu.memory_space<vmem>>[vector<16xi32>], vector<16xf32>,
        %parallel_loop3A_266 = arith.addi %parallel_loop3A_258, %iota3A : vector<16xi32>
        %parallel_loop3A_267 = tpu.vector_load_idx %arg9[%parallel_loop3A_266] : memref<32000xf32, #tpu.memory_space<vmem>>[vector<16xi32>], vector<16xf32>,
        %parallel_loop3A_268 = arith.constant 16 : i32
        %parallel_loop3A_269 = vector.broadcast %parallel_loop3A_268 : i32 to vector<16xi32>
        %parallel_loop3A_270 = arith.addi %iota3A, %parallel_loop3A_269 : vector<16xi32>
        %parallel_loop3A_271 = arith.addi %parallel_loop3A_258, %parallel_loop3A_270 : vector<16xi32>
        %parallel_loop3A_272 = tpu.vector_load_idx %arg9[%parallel_loop3A_271] : memref<32000xf32, #tpu.memory_space<vmem>>[vector<16xi32>], vector<16xf32>,
        %parallel_loop3A_273 = arith.constant 2 : i32
        %parallel_loop3A_274 = arith.muli %parallel_loop3A_273, %parallel_loop3A_144 : i32
        %parallel_loop3A_275 = arith.constant 0 : i32
        %parallel_loop3A_276 = arith.addi %parallel_loop3A_274, %parallel_loop3A_275 : i32
        %parallel_loop3A_277 = arith.constant 2 : i32
        %parallel_loop3A_278 = arith.index_cast %parallel_loop3A_276 : i32 to index
        %parallel_loop3A_279 = arith.index_cast %parallel_loop3A_277 : i32 to index
        %parallel_loop3A_280 = arith.constant 0 : index
        %parallel_loop3A_281 = tpu.vector_load %arg16[%parallel_loop3A_278, %parallel_loop3A_279, %parallel_loop3A_280] {strides = array<i32>} : memref<20x8x65xf32, #tpu.memory_space<vmem>>, vector<16xf32>,
        tpu.vector_store %arg16[%parallel_loop3A_278, %parallel_loop3A_279, %parallel_loop3A_280], %parallel_loop3A_260 {strides = array<i32>} : memref<20x8x65xf32, #tpu.memory_space<vmem>>, vector<16xf32>,
        %parallel_loop3A_282 = arith.constant 2 : i32
        %parallel_loop3A_283 = arith.index_cast %parallel_loop3A_276 : i32 to index
        %parallel_loop3A_284 = arith.index_cast %parallel_loop3A_282 : i32 to index
        %parallel_loop3A_285 = arith.constant 16 : index
        %parallel_loop3A_286 = tpu.vector_load %arg16[%parallel_loop3A_283, %parallel_loop3A_284, %parallel_loop3A_285] {strides = array<i32>} : memref<20x8x65xf32, #tpu.memory_space<vmem>>, vector<16xf32>,
        tpu.vector_store %arg16[%parallel_loop3A_283, %parallel_loop3A_284, %parallel_loop3A_285], %parallel_loop3A_265 {strides = array<i32>} : memref<20x8x65xf32, #tpu.memory_space<vmem>>, vector<16xf32>,
        %parallel_loop3A_287 = arith.constant 2 : i32
        %parallel_loop3A_288 = arith.index_cast %parallel_loop3A_276 : i32 to index
        %parallel_loop3A_289 = arith.index_cast %parallel_loop3A_287 : i32 to index
        %parallel_loop3A_290 = arith.constant 32 : index
        %parallel_loop3A_291 = tpu.vector_load %arg16[%parallel_loop3A_288, %parallel_loop3A_289, %parallel_loop3A_290] {strides = array<i32>} : memref<20x8x65xf32, #tpu.memory_space<vmem>>, vector<16xf32>,
        tpu.vector_store %arg16[%parallel_loop3A_288, %parallel_loop3A_289, %parallel_loop3A_290], %parallel_loop3A_267 {strides = array<i32>} : memref<20x8x65xf32, #tpu.memory_space<vmem>>, vector<16xf32>,
        %parallel_loop3A_292 = arith.constant 2 : i32
        %parallel_loop3A_293 = arith.index_cast %parallel_loop3A_276 : i32 to index
        %parallel_loop3A_294 = arith.index_cast %parallel_loop3A_292 : i32 to index
        %parallel_loop3A_295 = arith.constant 48 : index
        %parallel_loop3A_296 = tpu.vector_load %arg16[%parallel_loop3A_293, %parallel_loop3A_294, %parallel_loop3A_295] {strides = array<i32>} : memref<20x8x65xf32, #tpu.memory_space<vmem>>, vector<16xf32>,
        tpu.vector_store %arg16[%parallel_loop3A_293, %parallel_loop3A_294, %parallel_loop3A_295], %parallel_loop3A_272 {strides = array<i32>} : memref<20x8x65xf32, #tpu.memory_space<vmem>>, vector<16xf32>,
        %parallel_loop3A_297 = arith.constant 3 : i32
        %parallel_loop3A_298 = vector.broadcast %parallel_loop3A_297 : i32 to vector<16x1xi32>
        %parallel_loop3A_299 = vector.shape_cast %parallel_loop3A_298 : vector<16x1xi32> to vector<16xi32>
        %parallel_loop3A_300 = tpu.dynamic_gather %parallel_loop3A_155[%parallel_loop3A_299] in [0] : vector<16xi32>, vector<16xi32> -> vector<16xi32>
        %parallel_loop3A_301 = arith.constant 3 : i32
        %parallel_loop3A_302 = vector.broadcast %parallel_loop3A_301 : i32 to vector<16x1xi32>
        %parallel_loop3A_303 = vector.shape_cast %parallel_loop3A_302 : vector<16x1xi32> to vector<16xi32>
        %parallel_loop3A_304 = tpu.dynamic_gather %parallel_loop3A_158[%parallel_loop3A_303] in [0] : vector<16xi32>, vector<16xi32> -> vector<16xi32>
        %parallel_loop3A_305 = arith.addi %parallel_loop3A_300, %iota3A : vector<16xi32>
        %parallel_loop3A_306 = tpu.vector_load_idx %arg8[%parallel_loop3A_305] : memref<32000xf32, #tpu.memory_space<vmem>>[vector<16xi32>], vector<16xf32>,
        %parallel_loop3A_307 = arith.constant 16 : i32
        %parallel_loop3A_308 = vector.broadcast %parallel_loop3A_307 : i32 to vector<16xi32>
        %parallel_loop3A_309 = arith.addi %iota3A, %parallel_loop3A_308 : vector<16xi32>
        %parallel_loop3A_310 = arith.addi %parallel_loop3A_300, %parallel_loop3A_309 : vector<16xi32>
        %parallel_loop3A_311 = tpu.vector_load_idx %arg8[%parallel_loop3A_310] : memref<32000xf32, #tpu.memory_space<vmem>>[vector<16xi32>], vector<16xf32>,
        %parallel_loop3A_312 = arith.addi %parallel_loop3A_304, %iota3A : vector<16xi32>
        %parallel_loop3A_313 = tpu.vector_load_idx %arg9[%parallel_loop3A_312] : memref<32000xf32, #tpu.memory_space<vmem>>[vector<16xi32>], vector<16xf32>,
        %parallel_loop3A_314 = arith.constant 16 : i32
        %parallel_loop3A_315 = vector.broadcast %parallel_loop3A_314 : i32 to vector<16xi32>
        %parallel_loop3A_316 = arith.addi %iota3A, %parallel_loop3A_315 : vector<16xi32>
        %parallel_loop3A_317 = arith.addi %parallel_loop3A_304, %parallel_loop3A_316 : vector<16xi32>
        %parallel_loop3A_318 = tpu.vector_load_idx %arg9[%parallel_loop3A_317] : memref<32000xf32, #tpu.memory_space<vmem>>[vector<16xi32>], vector<16xf32>,
        %parallel_loop3A_319 = arith.constant 2 : i32
        %parallel_loop3A_320 = arith.muli %parallel_loop3A_319, %parallel_loop3A_144 : i32
        %parallel_loop3A_321 = arith.constant 0 : i32
        %parallel_loop3A_322 = arith.addi %parallel_loop3A_320, %parallel_loop3A_321 : i32
        %parallel_loop3A_323 = arith.constant 3 : i32
        %parallel_loop3A_324 = arith.index_cast %parallel_loop3A_322 : i32 to index
        %parallel_loop3A_325 = arith.index_cast %parallel_loop3A_323 : i32 to index
        %parallel_loop3A_326 = arith.constant 0 : index
        %parallel_loop3A_327 = tpu.vector_load %arg16[%parallel_loop3A_324, %parallel_loop3A_325, %parallel_loop3A_326] {strides = array<i32>} : memref<20x8x65xf32, #tpu.memory_space<vmem>>, vector<16xf32>,
        tpu.vector_store %arg16[%parallel_loop3A_324, %parallel_loop3A_325, %parallel_loop3A_326], %parallel_loop3A_306 {strides = array<i32>} : memref<20x8x65xf32, #tpu.memory_space<vmem>>, vector<16xf32>,
        %parallel_loop3A_328 = arith.constant 3 : i32
        %parallel_loop3A_329 = arith.index_cast %parallel_loop3A_322 : i32 to index
        %parallel_loop3A_330 = arith.index_cast %parallel_loop3A_328 : i32 to index
        %parallel_loop3A_331 = arith.constant 16 : index
        %parallel_loop3A_332 = tpu.vector_load %arg16[%parallel_loop3A_329, %parallel_loop3A_330, %parallel_loop3A_331] {strides = array<i32>} : memref<20x8x65xf32, #tpu.memory_space<vmem>>, vector<16xf32>,
        tpu.vector_store %arg16[%parallel_loop3A_329, %parallel_loop3A_330, %parallel_loop3A_331], %parallel_loop3A_311 {strides = array<i32>} : memref<20x8x65xf32, #tpu.memory_space<vmem>>, vector<16xf32>,
        %parallel_loop3A_333 = arith.constant 3 : i32
        %parallel_loop3A_334 = arith.index_cast %parallel_loop3A_322 : i32 to index
        %parallel_loop3A_335 = arith.index_cast %parallel_loop3A_333 : i32 to index
        %parallel_loop3A_336 = arith.constant 32 : index
        %parallel_loop3A_337 = tpu.vector_load %arg16[%parallel_loop3A_334, %parallel_loop3A_335, %parallel_loop3A_336] {strides = array<i32>} : memref<20x8x65xf32, #tpu.memory_space<vmem>>, vector<16xf32>,
        tpu.vector_store %arg16[%parallel_loop3A_334, %parallel_loop3A_335, %parallel_loop3A_336], %parallel_loop3A_313 {strides = array<i32>} : memref<20x8x65xf32, #tpu.memory_space<vmem>>, vector<16xf32>,
        %parallel_loop3A_338 = arith.constant 3 : i32
        %parallel_loop3A_339 = arith.index_cast %parallel_loop3A_322 : i32 to index
        %parallel_loop3A_340 = arith.index_cast %parallel_loop3A_338 : i32 to index
        %parallel_loop3A_341 = arith.constant 48 : index
        %parallel_loop3A_342 = tpu.vector_load %arg16[%parallel_loop3A_339, %parallel_loop3A_340, %parallel_loop3A_341] {strides = array<i32>} : memref<20x8x65xf32, #tpu.memory_space<vmem>>, vector<16xf32>,
        tpu.vector_store %arg16[%parallel_loop3A_339, %parallel_loop3A_340, %parallel_loop3A_341], %parallel_loop3A_318 {strides = array<i32>} : memref<20x8x65xf32, #tpu.memory_space<vmem>>, vector<16xf32>,
        %parallel_loop3A_343 = arith.constant 4 : i32
        %parallel_loop3A_344 = vector.broadcast %parallel_loop3A_343 : i32 to vector<16x1xi32>
        %parallel_loop3A_345 = vector.shape_cast %parallel_loop3A_344 : vector<16x1xi32> to vector<16xi32>
        %parallel_loop3A_346 = tpu.dynamic_gather %parallel_loop3A_155[%parallel_loop3A_345] in [0] : vector<16xi32>, vector<16xi32> -> vector<16xi32>
        %parallel_loop3A_347 = arith.constant 4 : i32
        %parallel_loop3A_348 = vector.broadcast %parallel_loop3A_347 : i32 to vector<16x1xi32>
        %parallel_loop3A_349 = vector.shape_cast %parallel_loop3A_348 : vector<16x1xi32> to vector<16xi32>
        %parallel_loop3A_350 = tpu.dynamic_gather %parallel_loop3A_158[%parallel_loop3A_349] in [0] : vector<16xi32>, vector<16xi32> -> vector<16xi32>
        %parallel_loop3A_351 = arith.addi %parallel_loop3A_346, %iota3A : vector<16xi32>
        %parallel_loop3A_352 = tpu.vector_load_idx %arg8[%parallel_loop3A_351] : memref<32000xf32, #tpu.memory_space<vmem>>[vector<16xi32>], vector<16xf32>,
        %parallel_loop3A_353 = arith.constant 16 : i32
        %parallel_loop3A_354 = vector.broadcast %parallel_loop3A_353 : i32 to vector<16xi32>
        %parallel_loop3A_355 = arith.addi %iota3A, %parallel_loop3A_354 : vector<16xi32>
        %parallel_loop3A_356 = arith.addi %parallel_loop3A_346, %parallel_loop3A_355 : vector<16xi32>
        %parallel_loop3A_357 = tpu.vector_load_idx %arg8[%parallel_loop3A_356] : memref<32000xf32, #tpu.memory_space<vmem>>[vector<16xi32>], vector<16xf32>,
        %parallel_loop3A_358 = arith.addi %parallel_loop3A_350, %iota3A : vector<16xi32>
        %parallel_loop3A_359 = tpu.vector_load_idx %arg9[%parallel_loop3A_358] : memref<32000xf32, #tpu.memory_space<vmem>>[vector<16xi32>], vector<16xf32>,
        %parallel_loop3A_360 = arith.constant 16 : i32
        %parallel_loop3A_361 = vector.broadcast %parallel_loop3A_360 : i32 to vector<16xi32>
        %parallel_loop3A_362 = arith.addi %iota3A, %parallel_loop3A_361 : vector<16xi32>
        %parallel_loop3A_363 = arith.addi %parallel_loop3A_350, %parallel_loop3A_362 : vector<16xi32>
        %parallel_loop3A_364 = tpu.vector_load_idx %arg9[%parallel_loop3A_363] : memref<32000xf32, #tpu.memory_space<vmem>>[vector<16xi32>], vector<16xf32>,
        %parallel_loop3A_365 = arith.constant 2 : i32
        %parallel_loop3A_366 = arith.muli %parallel_loop3A_365, %parallel_loop3A_144 : i32
        %parallel_loop3A_367 = arith.constant 0 : i32
        %parallel_loop3A_368 = arith.addi %parallel_loop3A_366, %parallel_loop3A_367 : i32
        %parallel_loop3A_369 = arith.constant 4 : i32
        %parallel_loop3A_370 = arith.index_cast %parallel_loop3A_368 : i32 to index
        %parallel_loop3A_371 = arith.index_cast %parallel_loop3A_369 : i32 to index
        %parallel_loop3A_372 = arith.constant 0 : index
        %parallel_loop3A_373 = tpu.vector_load %arg16[%parallel_loop3A_370, %parallel_loop3A_371, %parallel_loop3A_372] {strides = array<i32>} : memref<20x8x65xf32, #tpu.memory_space<vmem>>, vector<16xf32>,
        tpu.vector_store %arg16[%parallel_loop3A_370, %parallel_loop3A_371, %parallel_loop3A_372], %parallel_loop3A_352 {strides = array<i32>} : memref<20x8x65xf32, #tpu.memory_space<vmem>>, vector<16xf32>,
        %parallel_loop3A_374 = arith.constant 4 : i32
        %parallel_loop3A_375 = arith.index_cast %parallel_loop3A_368 : i32 to index
        %parallel_loop3A_376 = arith.index_cast %parallel_loop3A_374 : i32 to index
        %parallel_loop3A_377 = arith.constant 16 : index
        %parallel_loop3A_378 = tpu.vector_load %arg16[%parallel_loop3A_375, %parallel_loop3A_376, %parallel_loop3A_377] {strides = array<i32>} : memref<20x8x65xf32, #tpu.memory_space<vmem>>, vector<16xf32>,
        tpu.vector_store %arg16[%parallel_loop3A_375, %parallel_loop3A_376, %parallel_loop3A_377], %parallel_loop3A_357 {strides = array<i32>} : memref<20x8x65xf32, #tpu.memory_space<vmem>>, vector<16xf32>,
        %parallel_loop3A_379 = arith.constant 4 : i32
        %parallel_loop3A_380 = arith.index_cast %parallel_loop3A_368 : i32 to index
        %parallel_loop3A_381 = arith.index_cast %parallel_loop3A_379 : i32 to index
        %parallel_loop3A_382 = arith.constant 32 : index
        %parallel_loop3A_383 = tpu.vector_load %arg16[%parallel_loop3A_380, %parallel_loop3A_381, %parallel_loop3A_382] {strides = array<i32>} : memref<20x8x65xf32, #tpu.memory_space<vmem>>, vector<16xf32>,
        tpu.vector_store %arg16[%parallel_loop3A_380, %parallel_loop3A_381, %parallel_loop3A_382], %parallel_loop3A_359 {strides = array<i32>} : memref<20x8x65xf32, #tpu.memory_space<vmem>>, vector<16xf32>,
        %parallel_loop3A_384 = arith.constant 4 : i32
        %parallel_loop3A_385 = arith.index_cast %parallel_loop3A_368 : i32 to index
        %parallel_loop3A_386 = arith.index_cast %parallel_loop3A_384 : i32 to index
        %parallel_loop3A_387 = arith.constant 48 : index
        %parallel_loop3A_388 = tpu.vector_load %arg16[%parallel_loop3A_385, %parallel_loop3A_386, %parallel_loop3A_387] {strides = array<i32>} : memref<20x8x65xf32, #tpu.memory_space<vmem>>, vector<16xf32>,
        tpu.vector_store %arg16[%parallel_loop3A_385, %parallel_loop3A_386, %parallel_loop3A_387], %parallel_loop3A_364 {strides = array<i32>} : memref<20x8x65xf32, #tpu.memory_space<vmem>>, vector<16xf32>,
        %parallel_loop3A_389 = arith.constant 5 : i32
        %parallel_loop3A_390 = vector.broadcast %parallel_loop3A_389 : i32 to vector<16x1xi32>
        %parallel_loop3A_391 = vector.shape_cast %parallel_loop3A_390 : vector<16x1xi32> to vector<16xi32>
        %parallel_loop3A_392 = tpu.dynamic_gather %parallel_loop3A_155[%parallel_loop3A_391] in [0] : vector<16xi32>, vector<16xi32> -> vector<16xi32>
        %parallel_loop3A_393 = arith.constant 5 : i32
        %parallel_loop3A_394 = vector.broadcast %parallel_loop3A_393 : i32 to vector<16x1xi32>
        %parallel_loop3A_395 = vector.shape_cast %parallel_loop3A_394 : vector<16x1xi32> to vector<16xi32>
        %parallel_loop3A_396 = tpu.dynamic_gather %parallel_loop3A_158[%parallel_loop3A_395] in [0] : vector<16xi32>, vector<16xi32> -> vector<16xi32>
        %parallel_loop3A_397 = arith.addi %parallel_loop3A_392, %iota3A : vector<16xi32>
        %parallel_loop3A_398 = tpu.vector_load_idx %arg8[%parallel_loop3A_397] : memref<32000xf32, #tpu.memory_space<vmem>>[vector<16xi32>], vector<16xf32>,
        %parallel_loop3A_399 = arith.constant 16 : i32
        %parallel_loop3A_400 = vector.broadcast %parallel_loop3A_399 : i32 to vector<16xi32>
        %parallel_loop3A_401 = arith.addi %iota3A, %parallel_loop3A_400 : vector<16xi32>
        %parallel_loop3A_402 = arith.addi %parallel_loop3A_392, %parallel_loop3A_401 : vector<16xi32>
        %parallel_loop3A_403 = tpu.vector_load_idx %arg8[%parallel_loop3A_402] : memref<32000xf32, #tpu.memory_space<vmem>>[vector<16xi32>], vector<16xf32>,
        %parallel_loop3A_404 = arith.addi %parallel_loop3A_396, %iota3A : vector<16xi32>
        %parallel_loop3A_405 = tpu.vector_load_idx %arg9[%parallel_loop3A_404] : memref<32000xf32, #tpu.memory_space<vmem>>[vector<16xi32>], vector<16xf32>,
        %parallel_loop3A_406 = arith.constant 16 : i32
        %parallel_loop3A_407 = vector.broadcast %parallel_loop3A_406 : i32 to vector<16xi32>
        %parallel_loop3A_408 = arith.addi %iota3A, %parallel_loop3A_407 : vector<16xi32>
        %parallel_loop3A_409 = arith.addi %parallel_loop3A_396, %parallel_loop3A_408 : vector<16xi32>
        %parallel_loop3A_410 = tpu.vector_load_idx %arg9[%parallel_loop3A_409] : memref<32000xf32, #tpu.memory_space<vmem>>[vector<16xi32>], vector<16xf32>,
        %parallel_loop3A_411 = arith.constant 2 : i32
        %parallel_loop3A_412 = arith.muli %parallel_loop3A_411, %parallel_loop3A_144 : i32
        %parallel_loop3A_413 = arith.constant 0 : i32
        %parallel_loop3A_414 = arith.addi %parallel_loop3A_412, %parallel_loop3A_413 : i32
        %parallel_loop3A_415 = arith.constant 5 : i32
        %parallel_loop3A_416 = arith.index_cast %parallel_loop3A_414 : i32 to index
        %parallel_loop3A_417 = arith.index_cast %parallel_loop3A_415 : i32 to index
        %parallel_loop3A_418 = arith.constant 0 : index
        %parallel_loop3A_419 = tpu.vector_load %arg16[%parallel_loop3A_416, %parallel_loop3A_417, %parallel_loop3A_418] {strides = array<i32>} : memref<20x8x65xf32, #tpu.memory_space<vmem>>, vector<16xf32>,
        tpu.vector_store %arg16[%parallel_loop3A_416, %parallel_loop3A_417, %parallel_loop3A_418], %parallel_loop3A_398 {strides = array<i32>} : memref<20x8x65xf32, #tpu.memory_space<vmem>>, vector<16xf32>,
        %parallel_loop3A_420 = arith.constant 5 : i32
        %parallel_loop3A_421 = arith.index_cast %parallel_loop3A_414 : i32 to index
        %parallel_loop3A_422 = arith.index_cast %parallel_loop3A_420 : i32 to index
        %parallel_loop3A_423 = arith.constant 16 : index
        %parallel_loop3A_424 = tpu.vector_load %arg16[%parallel_loop3A_421, %parallel_loop3A_422, %parallel_loop3A_423] {strides = array<i32>} : memref<20x8x65xf32, #tpu.memory_space<vmem>>, vector<16xf32>,
        tpu.vector_store %arg16[%parallel_loop3A_421, %parallel_loop3A_422, %parallel_loop3A_423], %parallel_loop3A_403 {strides = array<i32>} : memref<20x8x65xf32, #tpu.memory_space<vmem>>, vector<16xf32>,
        %parallel_loop3A_425 = arith.constant 5 : i32
        %parallel_loop3A_426 = arith.index_cast %parallel_loop3A_414 : i32 to index
        %parallel_loop3A_427 = arith.index_cast %parallel_loop3A_425 : i32 to index
        %parallel_loop3A_428 = arith.constant 32 : index
        %parallel_loop3A_429 = tpu.vector_load %arg16[%parallel_loop3A_426, %parallel_loop3A_427, %parallel_loop3A_428] {strides = array<i32>} : memref<20x8x65xf32, #tpu.memory_space<vmem>>, vector<16xf32>,
        tpu.vector_store %arg16[%parallel_loop3A_426, %parallel_loop3A_427, %parallel_loop3A_428], %parallel_loop3A_405 {strides = array<i32>} : memref<20x8x65xf32, #tpu.memory_space<vmem>>, vector<16xf32>,
        %parallel_loop3A_430 = arith.constant 5 : i32
        %parallel_loop3A_431 = arith.index_cast %parallel_loop3A_414 : i32 to index
        %parallel_loop3A_432 = arith.index_cast %parallel_loop3A_430 : i32 to index
        %parallel_loop3A_433 = arith.constant 48 : index
        %parallel_loop3A_434 = tpu.vector_load %arg16[%parallel_loop3A_431, %parallel_loop3A_432, %parallel_loop3A_433] {strides = array<i32>} : memref<20x8x65xf32, #tpu.memory_space<vmem>>, vector<16xf32>,
        tpu.vector_store %arg16[%parallel_loop3A_431, %parallel_loop3A_432, %parallel_loop3A_433], %parallel_loop3A_410 {strides = array<i32>} : memref<20x8x65xf32, #tpu.memory_space<vmem>>, vector<16xf32>,
        %parallel_loop3A_435 = arith.constant 6 : i32
        %parallel_loop3A_436 = vector.broadcast %parallel_loop3A_435 : i32 to vector<16x1xi32>
        %parallel_loop3A_437 = vector.shape_cast %parallel_loop3A_436 : vector<16x1xi32> to vector<16xi32>
        %parallel_loop3A_438 = tpu.dynamic_gather %parallel_loop3A_155[%parallel_loop3A_437] in [0] : vector<16xi32>, vector<16xi32> -> vector<16xi32>
        %parallel_loop3A_439 = arith.constant 6 : i32
        %parallel_loop3A_440 = vector.broadcast %parallel_loop3A_439 : i32 to vector<16x1xi32>
        %parallel_loop3A_441 = vector.shape_cast %parallel_loop3A_440 : vector<16x1xi32> to vector<16xi32>
        %parallel_loop3A_442 = tpu.dynamic_gather %parallel_loop3A_158[%parallel_loop3A_441] in [0] : vector<16xi32>, vector<16xi32> -> vector<16xi32>
        %parallel_loop3A_443 = arith.addi %parallel_loop3A_438, %iota3A : vector<16xi32>
        %parallel_loop3A_444 = tpu.vector_load_idx %arg8[%parallel_loop3A_443] : memref<32000xf32, #tpu.memory_space<vmem>>[vector<16xi32>], vector<16xf32>,
        %parallel_loop3A_445 = arith.constant 16 : i32
        %parallel_loop3A_446 = vector.broadcast %parallel_loop3A_445 : i32 to vector<16xi32>
        %parallel_loop3A_447 = arith.addi %iota3A, %parallel_loop3A_446 : vector<16xi32>
        %parallel_loop3A_448 = arith.addi %parallel_loop3A_438, %parallel_loop3A_447 : vector<16xi32>
        %parallel_loop3A_449 = tpu.vector_load_idx %arg8[%parallel_loop3A_448] : memref<32000xf32, #tpu.memory_space<vmem>>[vector<16xi32>], vector<16xf32>,
        %parallel_loop3A_450 = arith.addi %parallel_loop3A_442, %iota3A : vector<16xi32>
        %parallel_loop3A_451 = tpu.vector_load_idx %arg9[%parallel_loop3A_450] : memref<32000xf32, #tpu.memory_space<vmem>>[vector<16xi32>], vector<16xf32>,
        %parallel_loop3A_452 = arith.constant 16 : i32
        %parallel_loop3A_453 = vector.broadcast %parallel_loop3A_452 : i32 to vector<16xi32>
        %parallel_loop3A_454 = arith.addi %iota3A, %parallel_loop3A_453 : vector<16xi32>
        %parallel_loop3A_455 = arith.addi %parallel_loop3A_442, %parallel_loop3A_454 : vector<16xi32>
        %parallel_loop3A_456 = tpu.vector_load_idx %arg9[%parallel_loop3A_455] : memref<32000xf32, #tpu.memory_space<vmem>>[vector<16xi32>], vector<16xf32>,
        %parallel_loop3A_457 = arith.constant 2 : i32
        %parallel_loop3A_458 = arith.muli %parallel_loop3A_457, %parallel_loop3A_144 : i32
        %parallel_loop3A_459 = arith.constant 0 : i32
        %parallel_loop3A_460 = arith.addi %parallel_loop3A_458, %parallel_loop3A_459 : i32
        %parallel_loop3A_461 = arith.constant 6 : i32
        %parallel_loop3A_462 = arith.index_cast %parallel_loop3A_460 : i32 to index
        %parallel_loop3A_463 = arith.index_cast %parallel_loop3A_461 : i32 to index
        %parallel_loop3A_464 = arith.constant 0 : index
        %parallel_loop3A_465 = tpu.vector_load %arg16[%parallel_loop3A_462, %parallel_loop3A_463, %parallel_loop3A_464] {strides = array<i32>} : memref<20x8x65xf32, #tpu.memory_space<vmem>>, vector<16xf32>,
        tpu.vector_store %arg16[%parallel_loop3A_462, %parallel_loop3A_463, %parallel_loop3A_464], %parallel_loop3A_444 {strides = array<i32>} : memref<20x8x65xf32, #tpu.memory_space<vmem>>, vector<16xf32>,
        %parallel_loop3A_466 = arith.constant 6 : i32
        %parallel_loop3A_467 = arith.index_cast %parallel_loop3A_460 : i32 to index
        %parallel_loop3A_468 = arith.index_cast %parallel_loop3A_466 : i32 to index
        %parallel_loop3A_469 = arith.constant 16 : index
        %parallel_loop3A_470 = tpu.vector_load %arg16[%parallel_loop3A_467, %parallel_loop3A_468, %parallel_loop3A_469] {strides = array<i32>} : memref<20x8x65xf32, #tpu.memory_space<vmem>>, vector<16xf32>,
        tpu.vector_store %arg16[%parallel_loop3A_467, %parallel_loop3A_468, %parallel_loop3A_469], %parallel_loop3A_449 {strides = array<i32>} : memref<20x8x65xf32, #tpu.memory_space<vmem>>, vector<16xf32>,
        %parallel_loop3A_471 = arith.constant 6 : i32
        %parallel_loop3A_472 = arith.index_cast %parallel_loop3A_460 : i32 to index
        %parallel_loop3A_473 = arith.index_cast %parallel_loop3A_471 : i32 to index
        %parallel_loop3A_474 = arith.constant 32 : index
        %parallel_loop3A_475 = tpu.vector_load %arg16[%parallel_loop3A_472, %parallel_loop3A_473, %parallel_loop3A_474] {strides = array<i32>} : memref<20x8x65xf32, #tpu.memory_space<vmem>>, vector<16xf32>,
        tpu.vector_store %arg16[%parallel_loop3A_472, %parallel_loop3A_473, %parallel_loop3A_474], %parallel_loop3A_451 {strides = array<i32>} : memref<20x8x65xf32, #tpu.memory_space<vmem>>, vector<16xf32>,
        %parallel_loop3A_476 = arith.constant 6 : i32
        %parallel_loop3A_477 = arith.index_cast %parallel_loop3A_460 : i32 to index
        %parallel_loop3A_478 = arith.index_cast %parallel_loop3A_476 : i32 to index
        %parallel_loop3A_479 = arith.constant 48 : index
        %parallel_loop3A_480 = tpu.vector_load %arg16[%parallel_loop3A_477, %parallel_loop3A_478, %parallel_loop3A_479] {strides = array<i32>} : memref<20x8x65xf32, #tpu.memory_space<vmem>>, vector<16xf32>,
        tpu.vector_store %arg16[%parallel_loop3A_477, %parallel_loop3A_478, %parallel_loop3A_479], %parallel_loop3A_456 {strides = array<i32>} : memref<20x8x65xf32, #tpu.memory_space<vmem>>, vector<16xf32>,
        %parallel_loop3A_481 = arith.constant 7 : i32
        %parallel_loop3A_482 = vector.broadcast %parallel_loop3A_481 : i32 to vector<16x1xi32>
        %parallel_loop3A_483 = vector.shape_cast %parallel_loop3A_482 : vector<16x1xi32> to vector<16xi32>
        %parallel_loop3A_484 = tpu.dynamic_gather %parallel_loop3A_155[%parallel_loop3A_483] in [0] : vector<16xi32>, vector<16xi32> -> vector<16xi32>
        %parallel_loop3A_485 = arith.constant 7 : i32
        %parallel_loop3A_486 = vector.broadcast %parallel_loop3A_485 : i32 to vector<16x1xi32>
        %parallel_loop3A_487 = vector.shape_cast %parallel_loop3A_486 : vector<16x1xi32> to vector<16xi32>
        %parallel_loop3A_488 = tpu.dynamic_gather %parallel_loop3A_158[%parallel_loop3A_487] in [0] : vector<16xi32>, vector<16xi32> -> vector<16xi32>
        %parallel_loop3A_489 = arith.addi %parallel_loop3A_484, %iota3A : vector<16xi32>
        %parallel_loop3A_490 = tpu.vector_load_idx %arg8[%parallel_loop3A_489] : memref<32000xf32, #tpu.memory_space<vmem>>[vector<16xi32>], vector<16xf32>,
        %parallel_loop3A_491 = arith.constant 16 : i32
        %parallel_loop3A_492 = vector.broadcast %parallel_loop3A_491 : i32 to vector<16xi32>
        %parallel_loop3A_493 = arith.addi %iota3A, %parallel_loop3A_492 : vector<16xi32>
        %parallel_loop3A_494 = arith.addi %parallel_loop3A_484, %parallel_loop3A_493 : vector<16xi32>
        %parallel_loop3A_495 = tpu.vector_load_idx %arg8[%parallel_loop3A_494] : memref<32000xf32, #tpu.memory_space<vmem>>[vector<16xi32>], vector<16xf32>,
        %parallel_loop3A_496 = arith.addi %parallel_loop3A_488, %iota3A : vector<16xi32>
        %parallel_loop3A_497 = tpu.vector_load_idx %arg9[%parallel_loop3A_496] : memref<32000xf32, #tpu.memory_space<vmem>>[vector<16xi32>], vector<16xf32>,
        %parallel_loop3A_498 = arith.constant 16 : i32
        %parallel_loop3A_499 = vector.broadcast %parallel_loop3A_498 : i32 to vector<16xi32>
        %parallel_loop3A_500 = arith.addi %iota3A, %parallel_loop3A_499 : vector<16xi32>
        %parallel_loop3A_501 = arith.addi %parallel_loop3A_488, %parallel_loop3A_500 : vector<16xi32>
        %parallel_loop3A_502 = tpu.vector_load_idx %arg9[%parallel_loop3A_501] : memref<32000xf32, #tpu.memory_space<vmem>>[vector<16xi32>], vector<16xf32>,
        %parallel_loop3A_503 = arith.constant 2 : i32
        %parallel_loop3A_504 = arith.muli %parallel_loop3A_503, %parallel_loop3A_144 : i32
        %parallel_loop3A_505 = arith.constant 0 : i32
        %parallel_loop3A_506 = arith.addi %parallel_loop3A_504, %parallel_loop3A_505 : i32
        %parallel_loop3A_507 = arith.constant 7 : i32
        %parallel_loop3A_508 = arith.index_cast %parallel_loop3A_506 : i32 to index
        %parallel_loop3A_509 = arith.index_cast %parallel_loop3A_507 : i32 to index
        %parallel_loop3A_510 = arith.constant 0 : index
        %parallel_loop3A_511 = tpu.vector_load %arg16[%parallel_loop3A_508, %parallel_loop3A_509, %parallel_loop3A_510] {strides = array<i32>} : memref<20x8x65xf32, #tpu.memory_space<vmem>>, vector<16xf32>,
        tpu.vector_store %arg16[%parallel_loop3A_508, %parallel_loop3A_509, %parallel_loop3A_510], %parallel_loop3A_490 {strides = array<i32>} : memref<20x8x65xf32, #tpu.memory_space<vmem>>, vector<16xf32>,
        %parallel_loop3A_512 = arith.constant 7 : i32
        %parallel_loop3A_513 = arith.index_cast %parallel_loop3A_506 : i32 to index
        %parallel_loop3A_514 = arith.index_cast %parallel_loop3A_512 : i32 to index
        %parallel_loop3A_515 = arith.constant 16 : index
        %parallel_loop3A_516 = tpu.vector_load %arg16[%parallel_loop3A_513, %parallel_loop3A_514, %parallel_loop3A_515] {strides = array<i32>} : memref<20x8x65xf32, #tpu.memory_space<vmem>>, vector<16xf32>,
        tpu.vector_store %arg16[%parallel_loop3A_513, %parallel_loop3A_514, %parallel_loop3A_515], %parallel_loop3A_495 {strides = array<i32>} : memref<20x8x65xf32, #tpu.memory_space<vmem>>, vector<16xf32>,
        %parallel_loop3A_517 = arith.constant 7 : i32
        %parallel_loop3A_518 = arith.index_cast %parallel_loop3A_506 : i32 to index
        %parallel_loop3A_519 = arith.index_cast %parallel_loop3A_517 : i32 to index
        %parallel_loop3A_520 = arith.constant 32 : index
        %parallel_loop3A_521 = tpu.vector_load %arg16[%parallel_loop3A_518, %parallel_loop3A_519, %parallel_loop3A_520] {strides = array<i32>} : memref<20x8x65xf32, #tpu.memory_space<vmem>>, vector<16xf32>,
        tpu.vector_store %arg16[%parallel_loop3A_518, %parallel_loop3A_519, %parallel_loop3A_520], %parallel_loop3A_497 {strides = array<i32>} : memref<20x8x65xf32, #tpu.memory_space<vmem>>, vector<16xf32>,
        %parallel_loop3A_522 = arith.constant 7 : i32
        %parallel_loop3A_523 = arith.index_cast %parallel_loop3A_506 : i32 to index
        %parallel_loop3A_524 = arith.index_cast %parallel_loop3A_522 : i32 to index
        %parallel_loop3A_525 = arith.constant 48 : index
        %parallel_loop3A_526 = tpu.vector_load %arg16[%parallel_loop3A_523, %parallel_loop3A_524, %parallel_loop3A_525] {strides = array<i32>} : memref<20x8x65xf32, #tpu.memory_space<vmem>>, vector<16xf32>,
        tpu.vector_store %arg16[%parallel_loop3A_523, %parallel_loop3A_524, %parallel_loop3A_525], %parallel_loop3A_502 {strides = array<i32>} : memref<20x8x65xf32, #tpu.memory_space<vmem>>, vector<16xf32>,
        %parallel_loop3A_527 = arith.constant 8 : i32
        %parallel_loop3A_528 = vector.broadcast %parallel_loop3A_527 : i32 to vector<16x1xi32>
        %parallel_loop3A_529 = vector.shape_cast %parallel_loop3A_528 : vector<16x1xi32> to vector<16xi32>
        %parallel_loop3A_530 = tpu.dynamic_gather %parallel_loop3A_155[%parallel_loop3A_529] in [0] : vector<16xi32>, vector<16xi32> -> vector<16xi32>
        %parallel_loop3A_531 = arith.constant 8 : i32
        %parallel_loop3A_532 = vector.broadcast %parallel_loop3A_531 : i32 to vector<16x1xi32>
        %parallel_loop3A_533 = vector.shape_cast %parallel_loop3A_532 : vector<16x1xi32> to vector<16xi32>
        %parallel_loop3A_534 = tpu.dynamic_gather %parallel_loop3A_158[%parallel_loop3A_533] in [0] : vector<16xi32>, vector<16xi32> -> vector<16xi32>
        %parallel_loop3A_535 = arith.addi %parallel_loop3A_530, %iota3A : vector<16xi32>
        %parallel_loop3A_536 = tpu.vector_load_idx %arg8[%parallel_loop3A_535] : memref<32000xf32, #tpu.memory_space<vmem>>[vector<16xi32>], vector<16xf32>,
        %parallel_loop3A_537 = arith.constant 16 : i32
        %parallel_loop3A_538 = vector.broadcast %parallel_loop3A_537 : i32 to vector<16xi32>
        %parallel_loop3A_539 = arith.addi %iota3A, %parallel_loop3A_538 : vector<16xi32>
        %parallel_loop3A_540 = arith.addi %parallel_loop3A_530, %parallel_loop3A_539 : vector<16xi32>
        %parallel_loop3A_541 = tpu.vector_load_idx %arg8[%parallel_loop3A_540] : memref<32000xf32, #tpu.memory_space<vmem>>[vector<16xi32>], vector<16xf32>,
        %parallel_loop3A_542 = arith.addi %parallel_loop3A_534, %iota3A : vector<16xi32>
        %parallel_loop3A_543 = tpu.vector_load_idx %arg9[%parallel_loop3A_542] : memref<32000xf32, #tpu.memory_space<vmem>>[vector<16xi32>], vector<16xf32>,
        %parallel_loop3A_544 = arith.constant 16 : i32
        %parallel_loop3A_545 = vector.broadcast %parallel_loop3A_544 : i32 to vector<16xi32>
        %parallel_loop3A_546 = arith.addi %iota3A, %parallel_loop3A_545 : vector<16xi32>
        %parallel_loop3A_547 = arith.addi %parallel_loop3A_534, %parallel_loop3A_546 : vector<16xi32>
        %parallel_loop3A_548 = tpu.vector_load_idx %arg9[%parallel_loop3A_547] : memref<32000xf32, #tpu.memory_space<vmem>>[vector<16xi32>], vector<16xf32>,
        %parallel_loop3A_549 = arith.constant 2 : i32
        %parallel_loop3A_550 = arith.muli %parallel_loop3A_549, %parallel_loop3A_144 : i32
        %parallel_loop3A_551 = arith.constant 1 : i32
        %parallel_loop3A_552 = arith.addi %parallel_loop3A_550, %parallel_loop3A_551 : i32
        %parallel_loop3A_553 = arith.constant 0 : i32
        %parallel_loop3A_554 = arith.index_cast %parallel_loop3A_552 : i32 to index
        %parallel_loop3A_555 = arith.index_cast %parallel_loop3A_553 : i32 to index
        %parallel_loop3A_556 = arith.constant 0 : index
        %parallel_loop3A_557 = tpu.vector_load %arg16[%parallel_loop3A_554, %parallel_loop3A_555, %parallel_loop3A_556] {strides = array<i32>} : memref<20x8x65xf32, #tpu.memory_space<vmem>>, vector<16xf32>,
        tpu.vector_store %arg16[%parallel_loop3A_554, %parallel_loop3A_555, %parallel_loop3A_556], %parallel_loop3A_536 {strides = array<i32>} : memref<20x8x65xf32, #tpu.memory_space<vmem>>, vector<16xf32>,
        %parallel_loop3A_558 = arith.constant 0 : i32
        %parallel_loop3A_559 = arith.index_cast %parallel_loop3A_552 : i32 to index
        %parallel_loop3A_560 = arith.index_cast %parallel_loop3A_558 : i32 to index
        %parallel_loop3A_561 = arith.constant 16 : index
        %parallel_loop3A_562 = tpu.vector_load %arg16[%parallel_loop3A_559, %parallel_loop3A_560, %parallel_loop3A_561] {strides = array<i32>} : memref<20x8x65xf32, #tpu.memory_space<vmem>>, vector<16xf32>,
        tpu.vector_store %arg16[%parallel_loop3A_559, %parallel_loop3A_560, %parallel_loop3A_561], %parallel_loop3A_541 {strides = array<i32>} : memref<20x8x65xf32, #tpu.memory_space<vmem>>, vector<16xf32>,
        %parallel_loop3A_563 = arith.constant 0 : i32
        %parallel_loop3A_564 = arith.index_cast %parallel_loop3A_552 : i32 to index
        %parallel_loop3A_565 = arith.index_cast %parallel_loop3A_563 : i32 to index
        %parallel_loop3A_566 = arith.constant 32 : index
        %parallel_loop3A_567 = tpu.vector_load %arg16[%parallel_loop3A_564, %parallel_loop3A_565, %parallel_loop3A_566] {strides = array<i32>} : memref<20x8x65xf32, #tpu.memory_space<vmem>>, vector<16xf32>,
        tpu.vector_store %arg16[%parallel_loop3A_564, %parallel_loop3A_565, %parallel_loop3A_566], %parallel_loop3A_543 {strides = array<i32>} : memref<20x8x65xf32, #tpu.memory_space<vmem>>, vector<16xf32>,
        %parallel_loop3A_568 = arith.constant 0 : i32
        %parallel_loop3A_569 = arith.index_cast %parallel_loop3A_552 : i32 to index
        %parallel_loop3A_570 = arith.index_cast %parallel_loop3A_568 : i32 to index
        %parallel_loop3A_571 = arith.constant 48 : index
        %parallel_loop3A_572 = tpu.vector_load %arg16[%parallel_loop3A_569, %parallel_loop3A_570, %parallel_loop3A_571] {strides = array<i32>} : memref<20x8x65xf32, #tpu.memory_space<vmem>>, vector<16xf32>,
        tpu.vector_store %arg16[%parallel_loop3A_569, %parallel_loop3A_570, %parallel_loop3A_571], %parallel_loop3A_548 {strides = array<i32>} : memref<20x8x65xf32, #tpu.memory_space<vmem>>, vector<16xf32>,
        %parallel_loop3A_573 = arith.constant 9 : i32
        %parallel_loop3A_574 = vector.broadcast %parallel_loop3A_573 : i32 to vector<16x1xi32>
        %parallel_loop3A_575 = vector.shape_cast %parallel_loop3A_574 : vector<16x1xi32> to vector<16xi32>
        %parallel_loop3A_576 = tpu.dynamic_gather %parallel_loop3A_155[%parallel_loop3A_575] in [0] : vector<16xi32>, vector<16xi32> -> vector<16xi32>
        %parallel_loop3A_577 = arith.constant 9 : i32
        %parallel_loop3A_578 = vector.broadcast %parallel_loop3A_577 : i32 to vector<16x1xi32>
        %parallel_loop3A_579 = vector.shape_cast %parallel_loop3A_578 : vector<16x1xi32> to vector<16xi32>
        %parallel_loop3A_580 = tpu.dynamic_gather %parallel_loop3A_158[%parallel_loop3A_579] in [0] : vector<16xi32>, vector<16xi32> -> vector<16xi32>
        %parallel_loop3A_581 = arith.addi %parallel_loop3A_576, %iota3A : vector<16xi32>
        %parallel_loop3A_582 = tpu.vector_load_idx %arg8[%parallel_loop3A_581] : memref<32000xf32, #tpu.memory_space<vmem>>[vector<16xi32>], vector<16xf32>,
        %parallel_loop3A_583 = arith.constant 16 : i32
        %parallel_loop3A_584 = vector.broadcast %parallel_loop3A_583 : i32 to vector<16xi32>
        %parallel_loop3A_585 = arith.addi %iota3A, %parallel_loop3A_584 : vector<16xi32>
        %parallel_loop3A_586 = arith.addi %parallel_loop3A_576, %parallel_loop3A_585 : vector<16xi32>
        %parallel_loop3A_587 = tpu.vector_load_idx %arg8[%parallel_loop3A_586] : memref<32000xf32, #tpu.memory_space<vmem>>[vector<16xi32>], vector<16xf32>,
        %parallel_loop3A_588 = arith.addi %parallel_loop3A_580, %iota3A : vector<16xi32>
        %parallel_loop3A_589 = tpu.vector_load_idx %arg9[%parallel_loop3A_588] : memref<32000xf32, #tpu.memory_space<vmem>>[vector<16xi32>], vector<16xf32>,
        %parallel_loop3A_590 = arith.constant 16 : i32
        %parallel_loop3A_591 = vector.broadcast %parallel_loop3A_590 : i32 to vector<16xi32>
        %parallel_loop3A_592 = arith.addi %iota3A, %parallel_loop3A_591 : vector<16xi32>
        %parallel_loop3A_593 = arith.addi %parallel_loop3A_580, %parallel_loop3A_592 : vector<16xi32>
        %parallel_loop3A_594 = tpu.vector_load_idx %arg9[%parallel_loop3A_593] : memref<32000xf32, #tpu.memory_space<vmem>>[vector<16xi32>], vector<16xf32>,
        %parallel_loop3A_595 = arith.constant 2 : i32
        %parallel_loop3A_596 = arith.muli %parallel_loop3A_595, %parallel_loop3A_144 : i32
        %parallel_loop3A_597 = arith.constant 1 : i32
        %parallel_loop3A_598 = arith.addi %parallel_loop3A_596, %parallel_loop3A_597 : i32
        %parallel_loop3A_599 = arith.constant 1 : i32
        %parallel_loop3A_600 = arith.index_cast %parallel_loop3A_598 : i32 to index
        %parallel_loop3A_601 = arith.index_cast %parallel_loop3A_599 : i32 to index
        %parallel_loop3A_602 = arith.constant 0 : index
        %parallel_loop3A_603 = tpu.vector_load %arg16[%parallel_loop3A_600, %parallel_loop3A_601, %parallel_loop3A_602] {strides = array<i32>} : memref<20x8x65xf32, #tpu.memory_space<vmem>>, vector<16xf32>,
        tpu.vector_store %arg16[%parallel_loop3A_600, %parallel_loop3A_601, %parallel_loop3A_602], %parallel_loop3A_582 {strides = array<i32>} : memref<20x8x65xf32, #tpu.memory_space<vmem>>, vector<16xf32>,
        %parallel_loop3A_604 = arith.constant 1 : i32
        %parallel_loop3A_605 = arith.index_cast %parallel_loop3A_598 : i32 to index
        %parallel_loop3A_606 = arith.index_cast %parallel_loop3A_604 : i32 to index
        %parallel_loop3A_607 = arith.constant 16 : index
        %parallel_loop3A_608 = tpu.vector_load %arg16[%parallel_loop3A_605, %parallel_loop3A_606, %parallel_loop3A_607] {strides = array<i32>} : memref<20x8x65xf32, #tpu.memory_space<vmem>>, vector<16xf32>,
        tpu.vector_store %arg16[%parallel_loop3A_605, %parallel_loop3A_606, %parallel_loop3A_607], %parallel_loop3A_587 {strides = array<i32>} : memref<20x8x65xf32, #tpu.memory_space<vmem>>, vector<16xf32>,
        %parallel_loop3A_609 = arith.constant 1 : i32
        %parallel_loop3A_610 = arith.index_cast %parallel_loop3A_598 : i32 to index
        %parallel_loop3A_611 = arith.index_cast %parallel_loop3A_609 : i32 to index
        %parallel_loop3A_612 = arith.constant 32 : index
        %parallel_loop3A_613 = tpu.vector_load %arg16[%parallel_loop3A_610, %parallel_loop3A_611, %parallel_loop3A_612] {strides = array<i32>} : memref<20x8x65xf32, #tpu.memory_space<vmem>>, vector<16xf32>,
        tpu.vector_store %arg16[%parallel_loop3A_610, %parallel_loop3A_611, %parallel_loop3A_612], %parallel_loop3A_589 {strides = array<i32>} : memref<20x8x65xf32, #tpu.memory_space<vmem>>, vector<16xf32>,
        %parallel_loop3A_614 = arith.constant 1 : i32
        %parallel_loop3A_615 = arith.index_cast %parallel_loop3A_598 : i32 to index
        %parallel_loop3A_616 = arith.index_cast %parallel_loop3A_614 : i32 to index
        %parallel_loop3A_617 = arith.constant 48 : index
        %parallel_loop3A_618 = tpu.vector_load %arg16[%parallel_loop3A_615, %parallel_loop3A_616, %parallel_loop3A_617] {strides = array<i32>} : memref<20x8x65xf32, #tpu.memory_space<vmem>>, vector<16xf32>,
        tpu.vector_store %arg16[%parallel_loop3A_615, %parallel_loop3A_616, %parallel_loop3A_617], %parallel_loop3A_594 {strides = array<i32>} : memref<20x8x65xf32, #tpu.memory_space<vmem>>, vector<16xf32>,
        %parallel_loop3A_619 = arith.constant 10 : i32
        %parallel_loop3A_620 = vector.broadcast %parallel_loop3A_619 : i32 to vector<16x1xi32>
        %parallel_loop3A_621 = vector.shape_cast %parallel_loop3A_620 : vector<16x1xi32> to vector<16xi32>
        %parallel_loop3A_622 = tpu.dynamic_gather %parallel_loop3A_155[%parallel_loop3A_621] in [0] : vector<16xi32>, vector<16xi32> -> vector<16xi32>
        %parallel_loop3A_623 = arith.constant 10 : i32
        %parallel_loop3A_624 = vector.broadcast %parallel_loop3A_623 : i32 to vector<16x1xi32>
        %parallel_loop3A_625 = vector.shape_cast %parallel_loop3A_624 : vector<16x1xi32> to vector<16xi32>
        %parallel_loop3A_626 = tpu.dynamic_gather %parallel_loop3A_158[%parallel_loop3A_625] in [0] : vector<16xi32>, vector<16xi32> -> vector<16xi32>
        %parallel_loop3A_627 = arith.addi %parallel_loop3A_622, %iota3A : vector<16xi32>
        %parallel_loop3A_628 = tpu.vector_load_idx %arg8[%parallel_loop3A_627] : memref<32000xf32, #tpu.memory_space<vmem>>[vector<16xi32>], vector<16xf32>,
        %parallel_loop3A_629 = arith.constant 16 : i32
        %parallel_loop3A_630 = vector.broadcast %parallel_loop3A_629 : i32 to vector<16xi32>
        %parallel_loop3A_631 = arith.addi %iota3A, %parallel_loop3A_630 : vector<16xi32>
        %parallel_loop3A_632 = arith.addi %parallel_loop3A_622, %parallel_loop3A_631 : vector<16xi32>
        %parallel_loop3A_633 = tpu.vector_load_idx %arg8[%parallel_loop3A_632] : memref<32000xf32, #tpu.memory_space<vmem>>[vector<16xi32>], vector<16xf32>,
        %parallel_loop3A_634 = arith.addi %parallel_loop3A_626, %iota3A : vector<16xi32>
        %parallel_loop3A_635 = tpu.vector_load_idx %arg9[%parallel_loop3A_634] : memref<32000xf32, #tpu.memory_space<vmem>>[vector<16xi32>], vector<16xf32>,
        %parallel_loop3A_636 = arith.constant 16 : i32
        %parallel_loop3A_637 = vector.broadcast %parallel_loop3A_636 : i32 to vector<16xi32>
        %parallel_loop3A_638 = arith.addi %iota3A, %parallel_loop3A_637 : vector<16xi32>
        %parallel_loop3A_639 = arith.addi %parallel_loop3A_626, %parallel_loop3A_638 : vector<16xi32>
        %parallel_loop3A_640 = tpu.vector_load_idx %arg9[%parallel_loop3A_639] : memref<32000xf32, #tpu.memory_space<vmem>>[vector<16xi32>], vector<16xf32>,
        %parallel_loop3A_641 = arith.constant 2 : i32
        %parallel_loop3A_642 = arith.muli %parallel_loop3A_641, %parallel_loop3A_144 : i32
        %parallel_loop3A_643 = arith.constant 1 : i32
        %parallel_loop3A_644 = arith.addi %parallel_loop3A_642, %parallel_loop3A_643 : i32
        %parallel_loop3A_645 = arith.constant 2 : i32
        %parallel_loop3A_646 = arith.index_cast %parallel_loop3A_644 : i32 to index
        %parallel_loop3A_647 = arith.index_cast %parallel_loop3A_645 : i32 to index
        %parallel_loop3A_648 = arith.constant 0 : index
        %parallel_loop3A_649 = tpu.vector_load %arg16[%parallel_loop3A_646, %parallel_loop3A_647, %parallel_loop3A_648] {strides = array<i32>} : memref<20x8x65xf32, #tpu.memory_space<vmem>>, vector<16xf32>,
        tpu.vector_store %arg16[%parallel_loop3A_646, %parallel_loop3A_647, %parallel_loop3A_648], %parallel_loop3A_628 {strides = array<i32>} : memref<20x8x65xf32, #tpu.memory_space<vmem>>, vector<16xf32>,
        %parallel_loop3A_650 = arith.constant 2 : i32
        %parallel_loop3A_651 = arith.index_cast %parallel_loop3A_644 : i32 to index
        %parallel_loop3A_652 = arith.index_cast %parallel_loop3A_650 : i32 to index
        %parallel_loop3A_653 = arith.constant 16 : index
        %parallel_loop3A_654 = tpu.vector_load %arg16[%parallel_loop3A_651, %parallel_loop3A_652, %parallel_loop3A_653] {strides = array<i32>} : memref<20x8x65xf32, #tpu.memory_space<vmem>>, vector<16xf32>,
        tpu.vector_store %arg16[%parallel_loop3A_651, %parallel_loop3A_652, %parallel_loop3A_653], %parallel_loop3A_633 {strides = array<i32>} : memref<20x8x65xf32, #tpu.memory_space<vmem>>, vector<16xf32>,
        %parallel_loop3A_655 = arith.constant 2 : i32
        %parallel_loop3A_656 = arith.index_cast %parallel_loop3A_644 : i32 to index
        %parallel_loop3A_657 = arith.index_cast %parallel_loop3A_655 : i32 to index
        %parallel_loop3A_658 = arith.constant 32 : index
        %parallel_loop3A_659 = tpu.vector_load %arg16[%parallel_loop3A_656, %parallel_loop3A_657, %parallel_loop3A_658] {strides = array<i32>} : memref<20x8x65xf32, #tpu.memory_space<vmem>>, vector<16xf32>,
        tpu.vector_store %arg16[%parallel_loop3A_656, %parallel_loop3A_657, %parallel_loop3A_658], %parallel_loop3A_635 {strides = array<i32>} : memref<20x8x65xf32, #tpu.memory_space<vmem>>, vector<16xf32>,
        %parallel_loop3A_660 = arith.constant 2 : i32
        %parallel_loop3A_661 = arith.index_cast %parallel_loop3A_644 : i32 to index
        %parallel_loop3A_662 = arith.index_cast %parallel_loop3A_660 : i32 to index
        %parallel_loop3A_663 = arith.constant 48 : index
        %parallel_loop3A_664 = tpu.vector_load %arg16[%parallel_loop3A_661, %parallel_loop3A_662, %parallel_loop3A_663] {strides = array<i32>} : memref<20x8x65xf32, #tpu.memory_space<vmem>>, vector<16xf32>,
        tpu.vector_store %arg16[%parallel_loop3A_661, %parallel_loop3A_662, %parallel_loop3A_663], %parallel_loop3A_640 {strides = array<i32>} : memref<20x8x65xf32, #tpu.memory_space<vmem>>, vector<16xf32>,
        %parallel_loop3A_665 = arith.constant 11 : i32
        %parallel_loop3A_666 = vector.broadcast %parallel_loop3A_665 : i32 to vector<16x1xi32>
        %parallel_loop3A_667 = vector.shape_cast %parallel_loop3A_666 : vector<16x1xi32> to vector<16xi32>
        %parallel_loop3A_668 = tpu.dynamic_gather %parallel_loop3A_155[%parallel_loop3A_667] in [0] : vector<16xi32>, vector<16xi32> -> vector<16xi32>
        %parallel_loop3A_669 = arith.constant 11 : i32
        %parallel_loop3A_670 = vector.broadcast %parallel_loop3A_669 : i32 to vector<16x1xi32>
        %parallel_loop3A_671 = vector.shape_cast %parallel_loop3A_670 : vector<16x1xi32> to vector<16xi32>
        %parallel_loop3A_672 = tpu.dynamic_gather %parallel_loop3A_158[%parallel_loop3A_671] in [0] : vector<16xi32>, vector<16xi32> -> vector<16xi32>
        %parallel_loop3A_673 = arith.addi %parallel_loop3A_668, %iota3A : vector<16xi32>
        %parallel_loop3A_674 = tpu.vector_load_idx %arg8[%parallel_loop3A_673] : memref<32000xf32, #tpu.memory_space<vmem>>[vector<16xi32>], vector<16xf32>,
        %parallel_loop3A_675 = arith.constant 16 : i32
        %parallel_loop3A_676 = vector.broadcast %parallel_loop3A_675 : i32 to vector<16xi32>
        %parallel_loop3A_677 = arith.addi %iota3A, %parallel_loop3A_676 : vector<16xi32>
        %parallel_loop3A_678 = arith.addi %parallel_loop3A_668, %parallel_loop3A_677 : vector<16xi32>
        %parallel_loop3A_679 = tpu.vector_load_idx %arg8[%parallel_loop3A_678] : memref<32000xf32, #tpu.memory_space<vmem>>[vector<16xi32>], vector<16xf32>,
        %parallel_loop3A_680 = arith.addi %parallel_loop3A_672, %iota3A : vector<16xi32>
        %parallel_loop3A_681 = tpu.vector_load_idx %arg9[%parallel_loop3A_680] : memref<32000xf32, #tpu.memory_space<vmem>>[vector<16xi32>], vector<16xf32>,
        %parallel_loop3A_682 = arith.constant 16 : i32
        %parallel_loop3A_683 = vector.broadcast %parallel_loop3A_682 : i32 to vector<16xi32>
        %parallel_loop3A_684 = arith.addi %iota3A, %parallel_loop3A_683 : vector<16xi32>
        %parallel_loop3A_685 = arith.addi %parallel_loop3A_672, %parallel_loop3A_684 : vector<16xi32>
        %parallel_loop3A_686 = tpu.vector_load_idx %arg9[%parallel_loop3A_685] : memref<32000xf32, #tpu.memory_space<vmem>>[vector<16xi32>], vector<16xf32>,
        %parallel_loop3A_687 = arith.constant 2 : i32
        %parallel_loop3A_688 = arith.muli %parallel_loop3A_687, %parallel_loop3A_144 : i32
        %parallel_loop3A_689 = arith.constant 1 : i32
        %parallel_loop3A_690 = arith.addi %parallel_loop3A_688, %parallel_loop3A_689 : i32
        %parallel_loop3A_691 = arith.constant 3 : i32
        %parallel_loop3A_692 = arith.index_cast %parallel_loop3A_690 : i32 to index
        %parallel_loop3A_693 = arith.index_cast %parallel_loop3A_691 : i32 to index
        %parallel_loop3A_694 = arith.constant 0 : index
        %parallel_loop3A_695 = tpu.vector_load %arg16[%parallel_loop3A_692, %parallel_loop3A_693, %parallel_loop3A_694] {strides = array<i32>} : memref<20x8x65xf32, #tpu.memory_space<vmem>>, vector<16xf32>,
        tpu.vector_store %arg16[%parallel_loop3A_692, %parallel_loop3A_693, %parallel_loop3A_694], %parallel_loop3A_674 {strides = array<i32>} : memref<20x8x65xf32, #tpu.memory_space<vmem>>, vector<16xf32>,
        %parallel_loop3A_696 = arith.constant 3 : i32
        %parallel_loop3A_697 = arith.index_cast %parallel_loop3A_690 : i32 to index
        %parallel_loop3A_698 = arith.index_cast %parallel_loop3A_696 : i32 to index
        %parallel_loop3A_699 = arith.constant 16 : index
        %parallel_loop3A_700 = tpu.vector_load %arg16[%parallel_loop3A_697, %parallel_loop3A_698, %parallel_loop3A_699] {strides = array<i32>} : memref<20x8x65xf32, #tpu.memory_space<vmem>>, vector<16xf32>,
        tpu.vector_store %arg16[%parallel_loop3A_697, %parallel_loop3A_698, %parallel_loop3A_699], %parallel_loop3A_679 {strides = array<i32>} : memref<20x8x65xf32, #tpu.memory_space<vmem>>, vector<16xf32>,
        %parallel_loop3A_701 = arith.constant 3 : i32
        %parallel_loop3A_702 = arith.index_cast %parallel_loop3A_690 : i32 to index
        %parallel_loop3A_703 = arith.index_cast %parallel_loop3A_701 : i32 to index
        %parallel_loop3A_704 = arith.constant 32 : index
        %parallel_loop3A_705 = tpu.vector_load %arg16[%parallel_loop3A_702, %parallel_loop3A_703, %parallel_loop3A_704] {strides = array<i32>} : memref<20x8x65xf32, #tpu.memory_space<vmem>>, vector<16xf32>,
        tpu.vector_store %arg16[%parallel_loop3A_702, %parallel_loop3A_703, %parallel_loop3A_704], %parallel_loop3A_681 {strides = array<i32>} : memref<20x8x65xf32, #tpu.memory_space<vmem>>, vector<16xf32>,
        %parallel_loop3A_706 = arith.constant 3 : i32
        %parallel_loop3A_707 = arith.index_cast %parallel_loop3A_690 : i32 to index
        %parallel_loop3A_708 = arith.index_cast %parallel_loop3A_706 : i32 to index
        %parallel_loop3A_709 = arith.constant 48 : index
        %parallel_loop3A_710 = tpu.vector_load %arg16[%parallel_loop3A_707, %parallel_loop3A_708, %parallel_loop3A_709] {strides = array<i32>} : memref<20x8x65xf32, #tpu.memory_space<vmem>>, vector<16xf32>,
        tpu.vector_store %arg16[%parallel_loop3A_707, %parallel_loop3A_708, %parallel_loop3A_709], %parallel_loop3A_686 {strides = array<i32>} : memref<20x8x65xf32, #tpu.memory_space<vmem>>, vector<16xf32>,
        %parallel_loop3A_711 = arith.constant 12 : i32
        %parallel_loop3A_712 = vector.broadcast %parallel_loop3A_711 : i32 to vector<16x1xi32>
        %parallel_loop3A_713 = vector.shape_cast %parallel_loop3A_712 : vector<16x1xi32> to vector<16xi32>
        %parallel_loop3A_714 = tpu.dynamic_gather %parallel_loop3A_155[%parallel_loop3A_713] in [0] : vector<16xi32>, vector<16xi32> -> vector<16xi32>
        %parallel_loop3A_715 = arith.constant 12 : i32
        %parallel_loop3A_716 = vector.broadcast %parallel_loop3A_715 : i32 to vector<16x1xi32>
        %parallel_loop3A_717 = vector.shape_cast %parallel_loop3A_716 : vector<16x1xi32> to vector<16xi32>
        %parallel_loop3A_718 = tpu.dynamic_gather %parallel_loop3A_158[%parallel_loop3A_717] in [0] : vector<16xi32>, vector<16xi32> -> vector<16xi32>
        %parallel_loop3A_719 = arith.addi %parallel_loop3A_714, %iota3A : vector<16xi32>
        %parallel_loop3A_720 = tpu.vector_load_idx %arg8[%parallel_loop3A_719] : memref<32000xf32, #tpu.memory_space<vmem>>[vector<16xi32>], vector<16xf32>,
        %parallel_loop3A_721 = arith.constant 16 : i32
        %parallel_loop3A_722 = vector.broadcast %parallel_loop3A_721 : i32 to vector<16xi32>
        %parallel_loop3A_723 = arith.addi %iota3A, %parallel_loop3A_722 : vector<16xi32>
        %parallel_loop3A_724 = arith.addi %parallel_loop3A_714, %parallel_loop3A_723 : vector<16xi32>
        %parallel_loop3A_725 = tpu.vector_load_idx %arg8[%parallel_loop3A_724] : memref<32000xf32, #tpu.memory_space<vmem>>[vector<16xi32>], vector<16xf32>,
        %parallel_loop3A_726 = arith.addi %parallel_loop3A_718, %iota3A : vector<16xi32>
        %parallel_loop3A_727 = tpu.vector_load_idx %arg9[%parallel_loop3A_726] : memref<32000xf32, #tpu.memory_space<vmem>>[vector<16xi32>], vector<16xf32>,
        %parallel_loop3A_728 = arith.constant 16 : i32
        %parallel_loop3A_729 = vector.broadcast %parallel_loop3A_728 : i32 to vector<16xi32>
        %parallel_loop3A_730 = arith.addi %iota3A, %parallel_loop3A_729 : vector<16xi32>
        %parallel_loop3A_731 = arith.addi %parallel_loop3A_718, %parallel_loop3A_730 : vector<16xi32>
        %parallel_loop3A_732 = tpu.vector_load_idx %arg9[%parallel_loop3A_731] : memref<32000xf32, #tpu.memory_space<vmem>>[vector<16xi32>], vector<16xf32>,
        %parallel_loop3A_733 = arith.constant 2 : i32
        %parallel_loop3A_734 = arith.muli %parallel_loop3A_733, %parallel_loop3A_144 : i32
        %parallel_loop3A_735 = arith.constant 1 : i32
        %parallel_loop3A_736 = arith.addi %parallel_loop3A_734, %parallel_loop3A_735 : i32
        %parallel_loop3A_737 = arith.constant 4 : i32
        %parallel_loop3A_738 = arith.index_cast %parallel_loop3A_736 : i32 to index
        %parallel_loop3A_739 = arith.index_cast %parallel_loop3A_737 : i32 to index
        %parallel_loop3A_740 = arith.constant 0 : index
        %parallel_loop3A_741 = tpu.vector_load %arg16[%parallel_loop3A_738, %parallel_loop3A_739, %parallel_loop3A_740] {strides = array<i32>} : memref<20x8x65xf32, #tpu.memory_space<vmem>>, vector<16xf32>,
        tpu.vector_store %arg16[%parallel_loop3A_738, %parallel_loop3A_739, %parallel_loop3A_740], %parallel_loop3A_720 {strides = array<i32>} : memref<20x8x65xf32, #tpu.memory_space<vmem>>, vector<16xf32>,
        %parallel_loop3A_742 = arith.constant 4 : i32
        %parallel_loop3A_743 = arith.index_cast %parallel_loop3A_736 : i32 to index
        %parallel_loop3A_744 = arith.index_cast %parallel_loop3A_742 : i32 to index
        %parallel_loop3A_745 = arith.constant 16 : index
        %parallel_loop3A_746 = tpu.vector_load %arg16[%parallel_loop3A_743, %parallel_loop3A_744, %parallel_loop3A_745] {strides = array<i32>} : memref<20x8x65xf32, #tpu.memory_space<vmem>>, vector<16xf32>,
        tpu.vector_store %arg16[%parallel_loop3A_743, %parallel_loop3A_744, %parallel_loop3A_745], %parallel_loop3A_725 {strides = array<i32>} : memref<20x8x65xf32, #tpu.memory_space<vmem>>, vector<16xf32>,
        %parallel_loop3A_747 = arith.constant 4 : i32
        %parallel_loop3A_748 = arith.index_cast %parallel_loop3A_736 : i32 to index
        %parallel_loop3A_749 = arith.index_cast %parallel_loop3A_747 : i32 to index
        %parallel_loop3A_750 = arith.constant 32 : index
        %parallel_loop3A_751 = tpu.vector_load %arg16[%parallel_loop3A_748, %parallel_loop3A_749, %parallel_loop3A_750] {strides = array<i32>} : memref<20x8x65xf32, #tpu.memory_space<vmem>>, vector<16xf32>,
        tpu.vector_store %arg16[%parallel_loop3A_748, %parallel_loop3A_749, %parallel_loop3A_750], %parallel_loop3A_727 {strides = array<i32>} : memref<20x8x65xf32, #tpu.memory_space<vmem>>, vector<16xf32>,
        %parallel_loop3A_752 = arith.constant 4 : i32
        %parallel_loop3A_753 = arith.index_cast %parallel_loop3A_736 : i32 to index
        %parallel_loop3A_754 = arith.index_cast %parallel_loop3A_752 : i32 to index
        %parallel_loop3A_755 = arith.constant 48 : index
        %parallel_loop3A_756 = tpu.vector_load %arg16[%parallel_loop3A_753, %parallel_loop3A_754, %parallel_loop3A_755] {strides = array<i32>} : memref<20x8x65xf32, #tpu.memory_space<vmem>>, vector<16xf32>,
        tpu.vector_store %arg16[%parallel_loop3A_753, %parallel_loop3A_754, %parallel_loop3A_755], %parallel_loop3A_732 {strides = array<i32>} : memref<20x8x65xf32, #tpu.memory_space<vmem>>, vector<16xf32>,
        %parallel_loop3A_757 = arith.constant 13 : i32
        %parallel_loop3A_758 = vector.broadcast %parallel_loop3A_757 : i32 to vector<16x1xi32>
        %parallel_loop3A_759 = vector.shape_cast %parallel_loop3A_758 : vector<16x1xi32> to vector<16xi32>
        %parallel_loop3A_760 = tpu.dynamic_gather %parallel_loop3A_155[%parallel_loop3A_759] in [0] : vector<16xi32>, vector<16xi32> -> vector<16xi32>
        %parallel_loop3A_761 = arith.constant 13 : i32
        %parallel_loop3A_762 = vector.broadcast %parallel_loop3A_761 : i32 to vector<16x1xi32>
        %parallel_loop3A_763 = vector.shape_cast %parallel_loop3A_762 : vector<16x1xi32> to vector<16xi32>
        %parallel_loop3A_764 = tpu.dynamic_gather %parallel_loop3A_158[%parallel_loop3A_763] in [0] : vector<16xi32>, vector<16xi32> -> vector<16xi32>
        %parallel_loop3A_765 = arith.addi %parallel_loop3A_760, %iota3A : vector<16xi32>
        %parallel_loop3A_766 = tpu.vector_load_idx %arg8[%parallel_loop3A_765] : memref<32000xf32, #tpu.memory_space<vmem>>[vector<16xi32>], vector<16xf32>,
        %parallel_loop3A_767 = arith.constant 16 : i32
        %parallel_loop3A_768 = vector.broadcast %parallel_loop3A_767 : i32 to vector<16xi32>
        %parallel_loop3A_769 = arith.addi %iota3A, %parallel_loop3A_768 : vector<16xi32>
        %parallel_loop3A_770 = arith.addi %parallel_loop3A_760, %parallel_loop3A_769 : vector<16xi32>
        %parallel_loop3A_771 = tpu.vector_load_idx %arg8[%parallel_loop3A_770] : memref<32000xf32, #tpu.memory_space<vmem>>[vector<16xi32>], vector<16xf32>,
        %parallel_loop3A_772 = arith.addi %parallel_loop3A_764, %iota3A : vector<16xi32>
        %parallel_loop3A_773 = tpu.vector_load_idx %arg9[%parallel_loop3A_772] : memref<32000xf32, #tpu.memory_space<vmem>>[vector<16xi32>], vector<16xf32>,
        %parallel_loop3A_774 = arith.constant 16 : i32
        %parallel_loop3A_775 = vector.broadcast %parallel_loop3A_774 : i32 to vector<16xi32>
        %parallel_loop3A_776 = arith.addi %iota3A, %parallel_loop3A_775 : vector<16xi32>
        %parallel_loop3A_777 = arith.addi %parallel_loop3A_764, %parallel_loop3A_776 : vector<16xi32>
        %parallel_loop3A_778 = tpu.vector_load_idx %arg9[%parallel_loop3A_777] : memref<32000xf32, #tpu.memory_space<vmem>>[vector<16xi32>], vector<16xf32>,
        %parallel_loop3A_779 = arith.constant 2 : i32
        %parallel_loop3A_780 = arith.muli %parallel_loop3A_779, %parallel_loop3A_144 : i32
        %parallel_loop3A_781 = arith.constant 1 : i32
        %parallel_loop3A_782 = arith.addi %parallel_loop3A_780, %parallel_loop3A_781 : i32
        %parallel_loop3A_783 = arith.constant 5 : i32
        %parallel_loop3A_784 = arith.index_cast %parallel_loop3A_782 : i32 to index
        %parallel_loop3A_785 = arith.index_cast %parallel_loop3A_783 : i32 to index
        %parallel_loop3A_786 = arith.constant 0 : index
        %parallel_loop3A_787 = tpu.vector_load %arg16[%parallel_loop3A_784, %parallel_loop3A_785, %parallel_loop3A_786] {strides = array<i32>} : memref<20x8x65xf32, #tpu.memory_space<vmem>>, vector<16xf32>,
        tpu.vector_store %arg16[%parallel_loop3A_784, %parallel_loop3A_785, %parallel_loop3A_786], %parallel_loop3A_766 {strides = array<i32>} : memref<20x8x65xf32, #tpu.memory_space<vmem>>, vector<16xf32>,
        %parallel_loop3A_788 = arith.constant 5 : i32
        %parallel_loop3A_789 = arith.index_cast %parallel_loop3A_782 : i32 to index
        %parallel_loop3A_790 = arith.index_cast %parallel_loop3A_788 : i32 to index
        %parallel_loop3A_791 = arith.constant 16 : index
        %parallel_loop3A_792 = tpu.vector_load %arg16[%parallel_loop3A_789, %parallel_loop3A_790, %parallel_loop3A_791] {strides = array<i32>} : memref<20x8x65xf32, #tpu.memory_space<vmem>>, vector<16xf32>,
        tpu.vector_store %arg16[%parallel_loop3A_789, %parallel_loop3A_790, %parallel_loop3A_791], %parallel_loop3A_771 {strides = array<i32>} : memref<20x8x65xf32, #tpu.memory_space<vmem>>, vector<16xf32>,
        %parallel_loop3A_793 = arith.constant 5 : i32
        %parallel_loop3A_794 = arith.index_cast %parallel_loop3A_782 : i32 to index
        %parallel_loop3A_795 = arith.index_cast %parallel_loop3A_793 : i32 to index
        %parallel_loop3A_796 = arith.constant 32 : index
        %parallel_loop3A_797 = tpu.vector_load %arg16[%parallel_loop3A_794, %parallel_loop3A_795, %parallel_loop3A_796] {strides = array<i32>} : memref<20x8x65xf32, #tpu.memory_space<vmem>>, vector<16xf32>,
        tpu.vector_store %arg16[%parallel_loop3A_794, %parallel_loop3A_795, %parallel_loop3A_796], %parallel_loop3A_773 {strides = array<i32>} : memref<20x8x65xf32, #tpu.memory_space<vmem>>, vector<16xf32>,
        %parallel_loop3A_798 = arith.constant 5 : i32
        %parallel_loop3A_799 = arith.index_cast %parallel_loop3A_782 : i32 to index
        %parallel_loop3A_800 = arith.index_cast %parallel_loop3A_798 : i32 to index
        %parallel_loop3A_801 = arith.constant 48 : index
        %parallel_loop3A_802 = tpu.vector_load %arg16[%parallel_loop3A_799, %parallel_loop3A_800, %parallel_loop3A_801] {strides = array<i32>} : memref<20x8x65xf32, #tpu.memory_space<vmem>>, vector<16xf32>,
        tpu.vector_store %arg16[%parallel_loop3A_799, %parallel_loop3A_800, %parallel_loop3A_801], %parallel_loop3A_778 {strides = array<i32>} : memref<20x8x65xf32, #tpu.memory_space<vmem>>, vector<16xf32>,
        %parallel_loop3A_803 = arith.constant 14 : i32
        %parallel_loop3A_804 = vector.broadcast %parallel_loop3A_803 : i32 to vector<16x1xi32>
        %parallel_loop3A_805 = vector.shape_cast %parallel_loop3A_804 : vector<16x1xi32> to vector<16xi32>
        %parallel_loop3A_806 = tpu.dynamic_gather %parallel_loop3A_155[%parallel_loop3A_805] in [0] : vector<16xi32>, vector<16xi32> -> vector<16xi32>
        %parallel_loop3A_807 = arith.constant 14 : i32
        %parallel_loop3A_808 = vector.broadcast %parallel_loop3A_807 : i32 to vector<16x1xi32>
        %parallel_loop3A_809 = vector.shape_cast %parallel_loop3A_808 : vector<16x1xi32> to vector<16xi32>
        %parallel_loop3A_810 = tpu.dynamic_gather %parallel_loop3A_158[%parallel_loop3A_809] in [0] : vector<16xi32>, vector<16xi32> -> vector<16xi32>
        %parallel_loop3A_811 = arith.addi %parallel_loop3A_806, %iota3A : vector<16xi32>
        %parallel_loop3A_812 = tpu.vector_load_idx %arg8[%parallel_loop3A_811] : memref<32000xf32, #tpu.memory_space<vmem>>[vector<16xi32>], vector<16xf32>,
        %parallel_loop3A_813 = arith.constant 16 : i32
        %parallel_loop3A_814 = vector.broadcast %parallel_loop3A_813 : i32 to vector<16xi32>
        %parallel_loop3A_815 = arith.addi %iota3A, %parallel_loop3A_814 : vector<16xi32>
        %parallel_loop3A_816 = arith.addi %parallel_loop3A_806, %parallel_loop3A_815 : vector<16xi32>
        %parallel_loop3A_817 = tpu.vector_load_idx %arg8[%parallel_loop3A_816] : memref<32000xf32, #tpu.memory_space<vmem>>[vector<16xi32>], vector<16xf32>,
        %parallel_loop3A_818 = arith.addi %parallel_loop3A_810, %iota3A : vector<16xi32>
        %parallel_loop3A_819 = tpu.vector_load_idx %arg9[%parallel_loop3A_818] : memref<32000xf32, #tpu.memory_space<vmem>>[vector<16xi32>], vector<16xf32>,
        %parallel_loop3A_820 = arith.constant 16 : i32
        %parallel_loop3A_821 = vector.broadcast %parallel_loop3A_820 : i32 to vector<16xi32>
        %parallel_loop3A_822 = arith.addi %iota3A, %parallel_loop3A_821 : vector<16xi32>
        %parallel_loop3A_823 = arith.addi %parallel_loop3A_810, %parallel_loop3A_822 : vector<16xi32>
        %parallel_loop3A_824 = tpu.vector_load_idx %arg9[%parallel_loop3A_823] : memref<32000xf32, #tpu.memory_space<vmem>>[vector<16xi32>], vector<16xf32>,
        %parallel_loop3A_825 = arith.constant 2 : i32
        %parallel_loop3A_826 = arith.muli %parallel_loop3A_825, %parallel_loop3A_144 : i32
        %parallel_loop3A_827 = arith.constant 1 : i32
        %parallel_loop3A_828 = arith.addi %parallel_loop3A_826, %parallel_loop3A_827 : i32
        %parallel_loop3A_829 = arith.constant 6 : i32
        %parallel_loop3A_830 = arith.index_cast %parallel_loop3A_828 : i32 to index
        %parallel_loop3A_831 = arith.index_cast %parallel_loop3A_829 : i32 to index
        %parallel_loop3A_832 = arith.constant 0 : index
        %parallel_loop3A_833 = tpu.vector_load %arg16[%parallel_loop3A_830, %parallel_loop3A_831, %parallel_loop3A_832] {strides = array<i32>} : memref<20x8x65xf32, #tpu.memory_space<vmem>>, vector<16xf32>,
        tpu.vector_store %arg16[%parallel_loop3A_830, %parallel_loop3A_831, %parallel_loop3A_832], %parallel_loop3A_812 {strides = array<i32>} : memref<20x8x65xf32, #tpu.memory_space<vmem>>, vector<16xf32>,
        %parallel_loop3A_834 = arith.constant 6 : i32
        %parallel_loop3A_835 = arith.index_cast %parallel_loop3A_828 : i32 to index
        %parallel_loop3A_836 = arith.index_cast %parallel_loop3A_834 : i32 to index
        %parallel_loop3A_837 = arith.constant 16 : index
        %parallel_loop3A_838 = tpu.vector_load %arg16[%parallel_loop3A_835, %parallel_loop3A_836, %parallel_loop3A_837] {strides = array<i32>} : memref<20x8x65xf32, #tpu.memory_space<vmem>>, vector<16xf32>,
        tpu.vector_store %arg16[%parallel_loop3A_835, %parallel_loop3A_836, %parallel_loop3A_837], %parallel_loop3A_817 {strides = array<i32>} : memref<20x8x65xf32, #tpu.memory_space<vmem>>, vector<16xf32>,
        %parallel_loop3A_839 = arith.constant 6 : i32
        %parallel_loop3A_840 = arith.index_cast %parallel_loop3A_828 : i32 to index
        %parallel_loop3A_841 = arith.index_cast %parallel_loop3A_839 : i32 to index
        %parallel_loop3A_842 = arith.constant 32 : index
        %parallel_loop3A_843 = tpu.vector_load %arg16[%parallel_loop3A_840, %parallel_loop3A_841, %parallel_loop3A_842] {strides = array<i32>} : memref<20x8x65xf32, #tpu.memory_space<vmem>>, vector<16xf32>,
        tpu.vector_store %arg16[%parallel_loop3A_840, %parallel_loop3A_841, %parallel_loop3A_842], %parallel_loop3A_819 {strides = array<i32>} : memref<20x8x65xf32, #tpu.memory_space<vmem>>, vector<16xf32>,
        %parallel_loop3A_844 = arith.constant 6 : i32
        %parallel_loop3A_845 = arith.index_cast %parallel_loop3A_828 : i32 to index
        %parallel_loop3A_846 = arith.index_cast %parallel_loop3A_844 : i32 to index
        %parallel_loop3A_847 = arith.constant 48 : index
        %parallel_loop3A_848 = tpu.vector_load %arg16[%parallel_loop3A_845, %parallel_loop3A_846, %parallel_loop3A_847] {strides = array<i32>} : memref<20x8x65xf32, #tpu.memory_space<vmem>>, vector<16xf32>,
        tpu.vector_store %arg16[%parallel_loop3A_845, %parallel_loop3A_846, %parallel_loop3A_847], %parallel_loop3A_824 {strides = array<i32>} : memref<20x8x65xf32, #tpu.memory_space<vmem>>, vector<16xf32>,
        %parallel_loop3A_849 = arith.constant 15 : i32
        %parallel_loop3A_850 = vector.broadcast %parallel_loop3A_849 : i32 to vector<16x1xi32>
        %parallel_loop3A_851 = vector.shape_cast %parallel_loop3A_850 : vector<16x1xi32> to vector<16xi32>
        %parallel_loop3A_852 = tpu.dynamic_gather %parallel_loop3A_155[%parallel_loop3A_851] in [0] : vector<16xi32>, vector<16xi32> -> vector<16xi32>
        %parallel_loop3A_853 = arith.constant 15 : i32
        %parallel_loop3A_854 = vector.broadcast %parallel_loop3A_853 : i32 to vector<16x1xi32>
        %parallel_loop3A_855 = vector.shape_cast %parallel_loop3A_854 : vector<16x1xi32> to vector<16xi32>
        %parallel_loop3A_856 = tpu.dynamic_gather %parallel_loop3A_158[%parallel_loop3A_855] in [0] : vector<16xi32>, vector<16xi32> -> vector<16xi32>
        %parallel_loop3A_857 = arith.addi %parallel_loop3A_852, %iota3A : vector<16xi32>
        %parallel_loop3A_858 = tpu.vector_load_idx %arg8[%parallel_loop3A_857] : memref<32000xf32, #tpu.memory_space<vmem>>[vector<16xi32>], vector<16xf32>,
        %parallel_loop3A_859 = arith.constant 16 : i32
        %parallel_loop3A_860 = vector.broadcast %parallel_loop3A_859 : i32 to vector<16xi32>
        %parallel_loop3A_861 = arith.addi %iota3A, %parallel_loop3A_860 : vector<16xi32>
        %parallel_loop3A_862 = arith.addi %parallel_loop3A_852, %parallel_loop3A_861 : vector<16xi32>
        %parallel_loop3A_863 = tpu.vector_load_idx %arg8[%parallel_loop3A_862] : memref<32000xf32, #tpu.memory_space<vmem>>[vector<16xi32>], vector<16xf32>,
        %parallel_loop3A_864 = arith.addi %parallel_loop3A_856, %iota3A : vector<16xi32>
        %parallel_loop3A_865 = tpu.vector_load_idx %arg9[%parallel_loop3A_864] : memref<32000xf32, #tpu.memory_space<vmem>>[vector<16xi32>], vector<16xf32>,
        %parallel_loop3A_866 = arith.constant 16 : i32
        %parallel_loop3A_867 = vector.broadcast %parallel_loop3A_866 : i32 to vector<16xi32>
        %parallel_loop3A_868 = arith.addi %iota3A, %parallel_loop3A_867 : vector<16xi32>
        %parallel_loop3A_869 = arith.addi %parallel_loop3A_856, %parallel_loop3A_868 : vector<16xi32>
        %parallel_loop3A_870 = tpu.vector_load_idx %arg9[%parallel_loop3A_869] : memref<32000xf32, #tpu.memory_space<vmem>>[vector<16xi32>], vector<16xf32>,
        %parallel_loop3A_871 = arith.constant 2 : i32
        %parallel_loop3A_872 = arith.muli %parallel_loop3A_871, %parallel_loop3A_144 : i32
        %parallel_loop3A_873 = arith.constant 1 : i32
        %parallel_loop3A_874 = arith.addi %parallel_loop3A_872, %parallel_loop3A_873 : i32
        %parallel_loop3A_875 = arith.constant 7 : i32
        %parallel_loop3A_876 = arith.index_cast %parallel_loop3A_874 : i32 to index
        %parallel_loop3A_877 = arith.index_cast %parallel_loop3A_875 : i32 to index
        %parallel_loop3A_878 = arith.constant 0 : index
        %parallel_loop3A_879 = tpu.vector_load %arg16[%parallel_loop3A_876, %parallel_loop3A_877, %parallel_loop3A_878] {strides = array<i32>} : memref<20x8x65xf32, #tpu.memory_space<vmem>>, vector<16xf32>,
        tpu.vector_store %arg16[%parallel_loop3A_876, %parallel_loop3A_877, %parallel_loop3A_878], %parallel_loop3A_858 {strides = array<i32>} : memref<20x8x65xf32, #tpu.memory_space<vmem>>, vector<16xf32>,
        %parallel_loop3A_880 = arith.constant 7 : i32
        %parallel_loop3A_881 = arith.index_cast %parallel_loop3A_874 : i32 to index
        %parallel_loop3A_882 = arith.index_cast %parallel_loop3A_880 : i32 to index
        %parallel_loop3A_883 = arith.constant 16 : index
        %parallel_loop3A_884 = tpu.vector_load %arg16[%parallel_loop3A_881, %parallel_loop3A_882, %parallel_loop3A_883] {strides = array<i32>} : memref<20x8x65xf32, #tpu.memory_space<vmem>>, vector<16xf32>,
        tpu.vector_store %arg16[%parallel_loop3A_881, %parallel_loop3A_882, %parallel_loop3A_883], %parallel_loop3A_863 {strides = array<i32>} : memref<20x8x65xf32, #tpu.memory_space<vmem>>, vector<16xf32>,
        %parallel_loop3A_885 = arith.constant 7 : i32
        %parallel_loop3A_886 = arith.index_cast %parallel_loop3A_874 : i32 to index
        %parallel_loop3A_887 = arith.index_cast %parallel_loop3A_885 : i32 to index
        %parallel_loop3A_888 = arith.constant 32 : index
        %parallel_loop3A_889 = tpu.vector_load %arg16[%parallel_loop3A_886, %parallel_loop3A_887, %parallel_loop3A_888] {strides = array<i32>} : memref<20x8x65xf32, #tpu.memory_space<vmem>>, vector<16xf32>,
        tpu.vector_store %arg16[%parallel_loop3A_886, %parallel_loop3A_887, %parallel_loop3A_888], %parallel_loop3A_865 {strides = array<i32>} : memref<20x8x65xf32, #tpu.memory_space<vmem>>, vector<16xf32>,
        %parallel_loop3A_890 = arith.constant 7 : i32
        %parallel_loop3A_891 = arith.index_cast %parallel_loop3A_874 : i32 to index
        %parallel_loop3A_892 = arith.index_cast %parallel_loop3A_890 : i32 to index
        %parallel_loop3A_893 = arith.constant 48 : index
        %parallel_loop3A_894 = tpu.vector_load %arg16[%parallel_loop3A_891, %parallel_loop3A_892, %parallel_loop3A_893] {strides = array<i32>} : memref<20x8x65xf32, #tpu.memory_space<vmem>>, vector<16xf32>,
        tpu.vector_store %arg16[%parallel_loop3A_891, %parallel_loop3A_892, %parallel_loop3A_893], %parallel_loop3A_870 {strides = array<i32>} : memref<20x8x65xf32, #tpu.memory_space<vmem>>, vector<16xf32>,
        %parallel_loop3A_895 = arith.constant 16 : i32
        %parallel_loop3A_896 = arith.muli %parallel_loop3A_144, %parallel_loop3A_895 : i32
        %parallel_loop3A_897 = arith.index_cast %parallel_loop3A_896 : i32 to index
        %parallel_loop3A_898 = tpu.vector_load %arg14[%parallel_loop3A_897] {strides = array<i32>} : memref<160xf32, #tpu.memory_space<vmem>>, vector<16xf32>,
        %parallel_loop3A_899 = arith.constant 2 : i32
        %parallel_loop3A_900 = arith.muli %parallel_loop3A_899, %parallel_loop3A_144 : i32
        %parallel_loop3A_901 = arith.constant 8 : i32
        %parallel_loop3A_902 = vector.broadcast %parallel_loop3A_901 : i32 to vector<16xi32>
        %parallel_loop3A_903 = arith.divsi %iota3A, %parallel_loop3A_902 : vector<16xi32>
        %parallel_loop3A_904 = arith.constant 0 : i32
        %parallel_loop3A_905 = vector.broadcast %parallel_loop3A_904 : i32 to vector<16xi32>
        %parallel_loop3A_906 = arith.cmpi sgt, %iota3A, %parallel_loop3A_905 : vector<16xi32>
        %parallel_loop3A_907 = arith.extui %parallel_loop3A_906 : vector<16xi1> to vector<16xi32>
        %parallel_loop3A_908 = arith.constant 0 : i32
        %parallel_loop3A_909 = vector.broadcast %parallel_loop3A_908 : i32 to vector<16xi32>
        %parallel_loop3A_910 = arith.cmpi slt, %iota3A, %parallel_loop3A_909 : vector<16xi32>
        %parallel_loop3A_911 = arith.extui %parallel_loop3A_910 : vector<16xi1> to vector<16xi32>
        %parallel_loop3A_912 = arith.subi %parallel_loop3A_907, %parallel_loop3A_911 : vector<16xi32>
        %parallel_loop3A_913 = arith.constant 0 : i32
        %parallel_loop3A_914 = arith.cmpi sgt, %parallel_loop3A_901, %parallel_loop3A_913 : i32
        %parallel_loop3A_915 = arith.extui %parallel_loop3A_914 : i1 to i32
        %parallel_loop3A_916 = arith.constant 0 : i32
        %parallel_loop3A_917 = arith.cmpi slt, %parallel_loop3A_901, %parallel_loop3A_916 : i32
        %parallel_loop3A_918 = arith.extui %parallel_loop3A_917 : i1 to i32
        %parallel_loop3A_919 = arith.subi %parallel_loop3A_915, %parallel_loop3A_918 : i32
        %parallel_loop3A_920 = vector.broadcast %parallel_loop3A_919 : i32 to vector<16xi32>
        %parallel_loop3A_921 = arith.cmpi ne, %parallel_loop3A_912, %parallel_loop3A_920 : vector<16xi32>
        %parallel_loop3A_922 = vector.broadcast %parallel_loop3A_901 : i32 to vector<16xi32>
        %parallel_loop3A_923 = arith.remsi %iota3A, %parallel_loop3A_922 : vector<16xi32>
        %parallel_loop3A_924 = arith.constant 0 : i32
        %parallel_loop3A_925 = vector.broadcast %parallel_loop3A_924 : i32 to vector<16xi32>
        %parallel_loop3A_926 = arith.cmpi ne, %parallel_loop3A_923, %parallel_loop3A_925 : vector<16xi32>
        %parallel_loop3A_927 = arith.andi %parallel_loop3A_921, %parallel_loop3A_926 : vector<16xi1>
        %parallel_loop3A_928 = arith.constant 1 : i32
        %parallel_loop3A_929 = vector.broadcast %parallel_loop3A_928 : i32 to vector<16xi32>
        %parallel_loop3A_930 = arith.subi %parallel_loop3A_903, %parallel_loop3A_929 : vector<16xi32>
        %parallel_loop3A_931 = arith.select %parallel_loop3A_927, %parallel_loop3A_930, %parallel_loop3A_903 : vector<16xi1>, vector<16xi32>
        %parallel_loop3A_932 = vector.broadcast %parallel_loop3A_900 : i32 to vector<16xi32>
        %parallel_loop3A_933 = arith.addi %parallel_loop3A_932, %parallel_loop3A_931 : vector<16xi32>
        %parallel_loop3A_934 = arith.constant 8 : i32
        %parallel_loop3A_935 = arith.constant 0 : i32
        %parallel_loop3A_936 = arith.cmpi eq, %parallel_loop3A_934, %parallel_loop3A_935 : i32
        %parallel_loop3A_937 = arith.constant 1 : i32
        %parallel_loop3A_938 = arith.select %parallel_loop3A_936, %parallel_loop3A_937, %parallel_loop3A_934 : i32
        %parallel_loop3A_939 = vector.broadcast %parallel_loop3A_938 : i32 to vector<16xi32>
        %parallel_loop3A_940 = arith.remsi %iota3A, %parallel_loop3A_939 : vector<16xi32>
        %parallel_loop3A_941 = arith.constant 0 : i32
        %parallel_loop3A_942 = vector.broadcast %parallel_loop3A_941 : i32 to vector<16xi32>
        %parallel_loop3A_943 = arith.cmpi ne, %parallel_loop3A_940, %parallel_loop3A_942 : vector<16xi32>
        %parallel_loop3A_944 = arith.constant 0 : i32
        %parallel_loop3A_945 = vector.broadcast %parallel_loop3A_944 : i32 to vector<16xi32>
        %parallel_loop3A_946 = arith.cmpi slt, %parallel_loop3A_940, %parallel_loop3A_945 : vector<16xi32>
        %parallel_loop3A_947 = arith.constant 0 : i32
        %parallel_loop3A_948 = arith.cmpi slt, %parallel_loop3A_938, %parallel_loop3A_947 : i32
        %parallel_loop3A_949 = vector.broadcast %parallel_loop3A_948 : i1 to vector<16xi1>
        %parallel_loop3A_950 = vector.broadcast %parallel_loop3A_949 : vector<16xi1> to vector<16xi1>
        %parallel_loop3A_951 = arith.xori %parallel_loop3A_946, %parallel_loop3A_950 : vector<16xi1>
        %parallel_loop3A_952 = arith.andi %parallel_loop3A_951, %parallel_loop3A_943 : vector<16xi1>
        %parallel_loop3A_953 = vector.broadcast %parallel_loop3A_938 : i32 to vector<16xi32>
        %parallel_loop3A_954 = arith.addi %parallel_loop3A_940, %parallel_loop3A_953 : vector<16xi32>
        %parallel_loop3A_955 = arith.select %parallel_loop3A_952, %parallel_loop3A_954, %parallel_loop3A_940 : vector<16xi1>, vector<16xi32>
        %parallel_loop3A_956 = arith.constant 64 : i32
        %parallel_loop3A_957 = vector.broadcast %parallel_loop3A_956 : i32 to vector<16xi32>
        tpu.vector_store_idx %arg16[%parallel_loop3A_933, %parallel_loop3A_955, %parallel_loop3A_957], %parallel_loop3A_898 : memref<20x8x65xf32, #tpu.memory_space<vmem>>[vector<16xi32>, vector<16xi32>, vector<16xi32>], vector<16xf32>,
      } {sc.loop_unroll_factor = 2 : i64, sc.parallel_access}
      %mul3A_60 = arith.constant 160 : i32
      %mul3A_61 = arith.muli %mul3A_32, %mul3A_60 : i32
      %add3A_62 = arith.addi %mul3A_2, %mul3A_61 : i32
      %jit3A = arith.constant 8 : i32
      %div3A = arith.divsi %add3A_62, %jit3A : i32
      %sign3A = arith.constant 0 : i32
      %sign3A_63 = arith.cmpi sgt, %add3A_62, %sign3A : i32
      %sign3A_64 = arith.extui %sign3A_63 : i1 to i32
      %sign3A_65 = arith.constant 0 : i32
      %sign3A_66 = arith.cmpi slt, %add3A_62, %sign3A_65 : i32
      %sign3A_67 = arith.extui %sign3A_66 : i1 to i32
      %sign3A_68 = arith.subi %sign3A_64, %sign3A_67 : i32
      %sign3A_69 = arith.constant 0 : i32
      %sign3A_70 = arith.cmpi sgt, %jit3A, %sign3A_69 : i32
      %sign3A_71 = arith.extui %sign3A_70 : i1 to i32
      %sign3A_72 = arith.constant 0 : i32
      %sign3A_73 = arith.cmpi slt, %jit3A, %sign3A_72 : i32
      %sign3A_74 = arith.extui %sign3A_73 : i1 to i32
      %sign3A_75 = arith.subi %sign3A_71, %sign3A_74 : i32
      %ne3A = arith.cmpi ne, %sign3A_68, %sign3A_75 : i32
      %rem3A = arith.remsi %add3A_62, %jit3A : i32
      %ne3A_76 = arith.constant 0 : i32
      %ne3A_77 = arith.cmpi ne, %rem3A, %ne3A_76 : i32
      %and3A = arith.andi %ne3A, %ne3A_77 : i1
      %sub3A = arith.constant 1 : i32
      %sub3A_78 = arith.subi %div3A, %sub3A : i32
      %select_n3A = arith.select %and3A, %sub3A_78, %div3A : i32
      %dma_start3A_79 = arith.constant 0 : i32
      %dma_start3A_80 = arith.constant 0 : i32
      %dma_start3A_81 = tpu.memref_slice %arg7[%select_n3A, %dma_start3A_79, %dma_start3A_80] : memref<409600x8x65xf32, #tpu.memory_space<hbm>> -> memref<20x8x65xf32, #tpu.memory_space<hbm>>
      %dma_start3A_82 = arith.constant 0 : i32
      %dma_start3A_83 = arith.constant 0 : i32
      %dma_start3A_84 = tpu.memref_slice %arg7[%select_n3A, %dma_start3A_82, %dma_start3A_83] : memref<409600x8x65xf32, #tpu.memory_space<hbm>> -> memref<20x8x65xf32, #tpu.memory_space<hbm>>
      tpu.enqueue_dma source(%arg16 : memref<20x8x65xf32, #tpu.memory_space<vmem>>) target(%dma_start3A_84 : memref<20x8x65xf32, #tpu.memory_space<hbm>>) target_semaphore(%arg20 : memref<!tpu.dma_semaphore, #tpu.memory_space<semaphore_mem>>)
      %lt3A = arith.constant 319 : i32
      %lt3A_85 = arith.cmpi slt, %scan3A_30, %lt3A : i32
      %convert_element_type3A_86 = arith.extui %lt3A_85 : i1 to i32
      %cond3A_87 = arith.constant 0 : i32
      %cond3A_88 = arith.cmpi ne, %convert_element_type3A_86, %cond3A_87 : i32
      scf.if %cond3A_88 {
        %add3A_144 = arith.constant 2 : i32
        %add3A_145 = arith.addi %mul3A_32, %add3A_144 : i32
        %mul3A_146 = arith.constant 160 : i32
        %mul3A_147 = arith.muli %add3A_145, %mul3A_146 : i32
        %add3A_148 = arith.addi %mul3A_2, %mul3A_147 : i32
        %dma_start3A_149 = tpu.memref_slice %arg2[%add3A_148] : memref<3276800xi32, #tpu.memory_space<hbm>> -> memref<160xi32, #tpu.memory_space<hbm>>
        %dma_start3A_150 = tpu.memref_slice %arg2[%add3A_148] : memref<3276800xi32, #tpu.memory_space<hbm>> -> memref<160xi32, #tpu.memory_space<hbm>>
        tpu.enqueue_dma source(%dma_start3A_150 : memref<160xi32, #tpu.memory_space<hbm>>) target(%arg10 : memref<160xi32, #tpu.memory_space<vmem>>) target_semaphore(%arg18 : memref<!tpu.dma_semaphore, #tpu.memory_space<semaphore_mem>>)
        %dma_start3A_151 = tpu.memref_slice %arg3[%add3A_148] : memref<3276800xi32, #tpu.memory_space<hbm>> -> memref<160xi32, #tpu.memory_space<hbm>>
        %dma_start3A_152 = tpu.memref_slice %arg3[%add3A_148] : memref<3276800xi32, #tpu.memory_space<hbm>> -> memref<160xi32, #tpu.memory_space<hbm>>
        tpu.enqueue_dma source(%dma_start3A_152 : memref<160xi32, #tpu.memory_space<hbm>>) target(%arg12 : memref<160xi32, #tpu.memory_space<vmem>>) target_semaphore(%arg18 : memref<!tpu.dma_semaphore, #tpu.memory_space<semaphore_mem>>)
        %dma_start3A_153 = tpu.memref_slice %arg4[%add3A_148] : memref<3276800xf32, #tpu.memory_space<hbm>> -> memref<160xf32, #tpu.memory_space<hbm>>
        %dma_start3A_154 = tpu.memref_slice %arg4[%add3A_148] : memref<3276800xf32, #tpu.memory_space<hbm>> -> memref<160xf32, #tpu.memory_space<hbm>>
        tpu.enqueue_dma source(%dma_start3A_154 : memref<160xf32, #tpu.memory_space<hbm>>) target(%arg14 : memref<160xf32, #tpu.memory_space<vmem>>) target_semaphore(%arg18 : memref<!tpu.dma_semaphore, #tpu.memory_space<semaphore_mem>>)
      } else {
      }
      %dma_wait3A_89 = arith.constant 0 : i32
      %dma_wait3A_90 = tpu.memref_slice %arg2[%dma_wait3A_89] : memref<3276800xi32, #tpu.memory_space<hbm>> -> memref<160xi32, #tpu.memory_space<hbm>>
      %dma_wait3A_91 = arith.constant 0 : i32
      %dma_wait3A_92 = tpu.memref_slice %arg2[%dma_wait3A_91] : memref<3276800xi32, #tpu.memory_space<hbm>> -> memref<160xi32, #tpu.memory_space<hbm>>
      tpu.wait_dma2 semaphore(%arg19 : memref<!tpu.dma_semaphore, #tpu.memory_space<semaphore_mem>>) src(%dma_wait3A_92 : memref<160xi32, #tpu.memory_space<hbm>>) dst(%arg11 : memref<160xi32, #tpu.memory_space<vmem>>)
      %dma_wait3A_93 = arith.constant 0 : i32
      %dma_wait3A_94 = tpu.memref_slice %arg3[%dma_wait3A_93] : memref<3276800xi32, #tpu.memory_space<hbm>> -> memref<160xi32, #tpu.memory_space<hbm>>
      %dma_wait3A_95 = arith.constant 0 : i32
      %dma_wait3A_96 = tpu.memref_slice %arg3[%dma_wait3A_95] : memref<3276800xi32, #tpu.memory_space<hbm>> -> memref<160xi32, #tpu.memory_space<hbm>>
      tpu.wait_dma2 semaphore(%arg19 : memref<!tpu.dma_semaphore, #tpu.memory_space<semaphore_mem>>) src(%dma_wait3A_96 : memref<160xi32, #tpu.memory_space<hbm>>) dst(%arg13 : memref<160xi32, #tpu.memory_space<vmem>>)
      %dma_wait3A_97 = arith.constant 0 : i32
      %dma_wait3A_98 = tpu.memref_slice %arg4[%dma_wait3A_97] : memref<3276800xf32, #tpu.memory_space<hbm>> -> memref<160xf32, #tpu.memory_space<hbm>>
      %dma_wait3A_99 = arith.constant 0 : i32
      %dma_wait3A_100 = tpu.memref_slice %arg4[%dma_wait3A_99] : memref<3276800xf32, #tpu.memory_space<hbm>> -> memref<160xf32, #tpu.memory_space<hbm>>
      tpu.wait_dma2 semaphore(%arg19 : memref<!tpu.dma_semaphore, #tpu.memory_space<semaphore_mem>>) src(%dma_wait3A_100 : memref<160xf32, #tpu.memory_space<hbm>>) dst(%arg15 : memref<160xf32, #tpu.memory_space<vmem>>)
      %gt3A_101 = arith.constant 0 : i32
      %gt3A_102 = arith.cmpi sgt, %scan3A_30, %gt3A_101 : i32
      %convert_element_type3A_103 = arith.extui %gt3A_102 : i1 to i32
      %cond3A_104 = arith.constant 0 : i32
      %cond3A_105 = arith.cmpi ne, %convert_element_type3A_103, %cond3A_104 : i32
      scf.if %cond3A_105 {
        %dma_wait3A_144 = arith.constant 0 : i32
        %dma_wait3A_145 = arith.constant 0 : i32
        %dma_wait3A_146 = arith.constant 0 : i32
        %dma_wait3A_147 = tpu.memref_slice %arg7[%dma_wait3A_144, %dma_wait3A_145, %dma_wait3A_146] : memref<409600x8x65xf32, #tpu.memory_space<hbm>> -> memref<20x8x65xf32, #tpu.memory_space<hbm>>
        %dma_wait3A_148 = arith.constant 0 : i32
        %dma_wait3A_149 = arith.constant 0 : i32
        %dma_wait3A_150 = arith.constant 0 : i32
        %dma_wait3A_151 = tpu.memref_slice %arg7[%dma_wait3A_148, %dma_wait3A_149, %dma_wait3A_150] : memref<409600x8x65xf32, #tpu.memory_space<hbm>> -> memref<20x8x65xf32, #tpu.memory_space<hbm>>
        tpu.wait_dma2 semaphore(%arg21 : memref<!tpu.dma_semaphore, #tpu.memory_space<semaphore_mem>>) src(%arg17 : memref<20x8x65xf32, #tpu.memory_space<vmem>>) dst(%dma_wait3A_151 : memref<20x8x65xf32, #tpu.memory_space<hbm>>)
      } else {
      }
      %parallel_loop3A_106 = arith.constant 0 : i32
      %parallel_loop3A_107 = arith.constant 10 : i32
      %parallel_loop3A_108 = arith.constant 1 : i32
      scf.for %parallel_loop3A_144 = %parallel_loop3A_106 to %parallel_loop3A_107 step %parallel_loop3A_108  : i32 {
        %parallel_loop3A_145 = arith.constant 16 : i32
        %parallel_loop3A_146 = arith.muli %parallel_loop3A_144, %parallel_loop3A_145 : i32
        %parallel_loop3A_147 = arith.index_cast %parallel_loop3A_146 : i32 to index
        %parallel_loop3A_148 = tpu.vector_load %arg11[%parallel_loop3A_147] {strides = array<i32>} : memref<160xi32, #tpu.memory_space<vmem>>, vector<16xi32>,
        %parallel_loop3A_149 = arith.constant 16 : i32
        %parallel_loop3A_150 = arith.muli %parallel_loop3A_144, %parallel_loop3A_149 : i32
        %parallel_loop3A_151 = arith.index_cast %parallel_loop3A_150 : i32 to index
        %parallel_loop3A_152 = tpu.vector_load %arg13[%parallel_loop3A_151] {strides = array<i32>} : memref<160xi32, #tpu.memory_space<vmem>>, vector<16xi32>,
        %parallel_loop3A_153 = arith.constant 32 : i32
        %parallel_loop3A_154 = vector.broadcast %parallel_loop3A_153 : i32 to vector<16xi32>
        %parallel_loop3A_155 = arith.muli %parallel_loop3A_148, %parallel_loop3A_154 : vector<16xi32>
        %parallel_loop3A_156 = arith.constant 32 : i32
        %parallel_loop3A_157 = vector.broadcast %parallel_loop3A_156 : i32 to vector<16xi32>
        %parallel_loop3A_158 = arith.muli %parallel_loop3A_152, %parallel_loop3A_157 : vector<16xi32>
        %parallel_loop3A_159 = arith.constant 0 : i32
        %parallel_loop3A_160 = vector.broadcast %parallel_loop3A_159 : i32 to vector<16x1xi32>
        %parallel_loop3A_161 = vector.shape_cast %parallel_loop3A_160 : vector<16x1xi32> to vector<16xi32>
        %parallel_loop3A_162 = tpu.dynamic_gather %parallel_loop3A_155[%parallel_loop3A_161] in [0] : vector<16xi32>, vector<16xi32> -> vector<16xi32>
        %parallel_loop3A_163 = arith.constant 0 : i32
        %parallel_loop3A_164 = vector.broadcast %parallel_loop3A_163 : i32 to vector<16x1xi32>
        %parallel_loop3A_165 = vector.shape_cast %parallel_loop3A_164 : vector<16x1xi32> to vector<16xi32>
        %parallel_loop3A_166 = tpu.dynamic_gather %parallel_loop3A_158[%parallel_loop3A_165] in [0] : vector<16xi32>, vector<16xi32> -> vector<16xi32>
        %parallel_loop3A_167 = arith.addi %parallel_loop3A_162, %iota3A : vector<16xi32>
        %parallel_loop3A_168 = tpu.vector_load_idx %arg8[%parallel_loop3A_167] : memref<32000xf32, #tpu.memory_space<vmem>>[vector<16xi32>], vector<16xf32>,
        %parallel_loop3A_169 = arith.constant 16 : i32
        %parallel_loop3A_170 = vector.broadcast %parallel_loop3A_169 : i32 to vector<16xi32>
        %parallel_loop3A_171 = arith.addi %iota3A, %parallel_loop3A_170 : vector<16xi32>
        %parallel_loop3A_172 = arith.addi %parallel_loop3A_162, %parallel_loop3A_171 : vector<16xi32>
        %parallel_loop3A_173 = tpu.vector_load_idx %arg8[%parallel_loop3A_172] : memref<32000xf32, #tpu.memory_space<vmem>>[vector<16xi32>], vector<16xf32>,
        %parallel_loop3A_174 = arith.addi %parallel_loop3A_166, %iota3A : vector<16xi32>
        %parallel_loop3A_175 = tpu.vector_load_idx %arg9[%parallel_loop3A_174] : memref<32000xf32, #tpu.memory_space<vmem>>[vector<16xi32>], vector<16xf32>,
        %parallel_loop3A_176 = arith.constant 16 : i32
        %parallel_loop3A_177 = vector.broadcast %parallel_loop3A_176 : i32 to vector<16xi32>
        %parallel_loop3A_178 = arith.addi %iota3A, %parallel_loop3A_177 : vector<16xi32>
        %parallel_loop3A_179 = arith.addi %parallel_loop3A_166, %parallel_loop3A_178 : vector<16xi32>
        %parallel_loop3A_180 = tpu.vector_load_idx %arg9[%parallel_loop3A_179] : memref<32000xf32, #tpu.memory_space<vmem>>[vector<16xi32>], vector<16xf32>,
        %parallel_loop3A_181 = arith.constant 2 : i32
        %parallel_loop3A_182 = arith.muli %parallel_loop3A_181, %parallel_loop3A_144 : i32
        %parallel_loop3A_183 = arith.constant 0 : i32
        %parallel_loop3A_184 = arith.addi %parallel_loop3A_182, %parallel_loop3A_183 : i32
        %parallel_loop3A_185 = arith.constant 0 : i32
        %parallel_loop3A_186 = arith.index_cast %parallel_loop3A_184 : i32 to index
        %parallel_loop3A_187 = arith.index_cast %parallel_loop3A_185 : i32 to index
        %parallel_loop3A_188 = arith.constant 0 : index
        %parallel_loop3A_189 = tpu.vector_load %arg17[%parallel_loop3A_186, %parallel_loop3A_187, %parallel_loop3A_188] {strides = array<i32>} : memref<20x8x65xf32, #tpu.memory_space<vmem>>, vector<16xf32>,
        tpu.vector_store %arg17[%parallel_loop3A_186, %parallel_loop3A_187, %parallel_loop3A_188], %parallel_loop3A_168 {strides = array<i32>} : memref<20x8x65xf32, #tpu.memory_space<vmem>>, vector<16xf32>,
        %parallel_loop3A_190 = arith.constant 0 : i32
        %parallel_loop3A_191 = arith.index_cast %parallel_loop3A_184 : i32 to index
        %parallel_loop3A_192 = arith.index_cast %parallel_loop3A_190 : i32 to index
        %parallel_loop3A_193 = arith.constant 16 : index
        %parallel_loop3A_194 = tpu.vector_load %arg17[%parallel_loop3A_191, %parallel_loop3A_192, %parallel_loop3A_193] {strides = array<i32>} : memref<20x8x65xf32, #tpu.memory_space<vmem>>, vector<16xf32>,
        tpu.vector_store %arg17[%parallel_loop3A_191, %parallel_loop3A_192, %parallel_loop3A_193], %parallel_loop3A_173 {strides = array<i32>} : memref<20x8x65xf32, #tpu.memory_space<vmem>>, vector<16xf32>,
        %parallel_loop3A_195 = arith.constant 0 : i32
        %parallel_loop3A_196 = arith.index_cast %parallel_loop3A_184 : i32 to index
        %parallel_loop3A_197 = arith.index_cast %parallel_loop3A_195 : i32 to index
        %parallel_loop3A_198 = arith.constant 32 : index
        %parallel_loop3A_199 = tpu.vector_load %arg17[%parallel_loop3A_196, %parallel_loop3A_197, %parallel_loop3A_198] {strides = array<i32>} : memref<20x8x65xf32, #tpu.memory_space<vmem>>, vector<16xf32>,
        tpu.vector_store %arg17[%parallel_loop3A_196, %parallel_loop3A_197, %parallel_loop3A_198], %parallel_loop3A_175 {strides = array<i32>} : memref<20x8x65xf32, #tpu.memory_space<vmem>>, vector<16xf32>,
        %parallel_loop3A_200 = arith.constant 0 : i32
        %parallel_loop3A_201 = arith.index_cast %parallel_loop3A_184 : i32 to index
        %parallel_loop3A_202 = arith.index_cast %parallel_loop3A_200 : i32 to index
        %parallel_loop3A_203 = arith.constant 48 : index
        %parallel_loop3A_204 = tpu.vector_load %arg17[%parallel_loop3A_201, %parallel_loop3A_202, %parallel_loop3A_203] {strides = array<i32>} : memref<20x8x65xf32, #tpu.memory_space<vmem>>, vector<16xf32>,
        tpu.vector_store %arg17[%parallel_loop3A_201, %parallel_loop3A_202, %parallel_loop3A_203], %parallel_loop3A_180 {strides = array<i32>} : memref<20x8x65xf32, #tpu.memory_space<vmem>>, vector<16xf32>,
        %parallel_loop3A_205 = arith.constant 1 : i32
        %parallel_loop3A_206 = vector.broadcast %parallel_loop3A_205 : i32 to vector<16x1xi32>
        %parallel_loop3A_207 = vector.shape_cast %parallel_loop3A_206 : vector<16x1xi32> to vector<16xi32>
        %parallel_loop3A_208 = tpu.dynamic_gather %parallel_loop3A_155[%parallel_loop3A_207] in [0] : vector<16xi32>, vector<16xi32> -> vector<16xi32>
        %parallel_loop3A_209 = arith.constant 1 : i32
        %parallel_loop3A_210 = vector.broadcast %parallel_loop3A_209 : i32 to vector<16x1xi32>
        %parallel_loop3A_211 = vector.shape_cast %parallel_loop3A_210 : vector<16x1xi32> to vector<16xi32>
        %parallel_loop3A_212 = tpu.dynamic_gather %parallel_loop3A_158[%parallel_loop3A_211] in [0] : vector<16xi32>, vector<16xi32> -> vector<16xi32>
        %parallel_loop3A_213 = arith.addi %parallel_loop3A_208, %iota3A : vector<16xi32>
        %parallel_loop3A_214 = tpu.vector_load_idx %arg8[%parallel_loop3A_213] : memref<32000xf32, #tpu.memory_space<vmem>>[vector<16xi32>], vector<16xf32>,
        %parallel_loop3A_215 = arith.constant 16 : i32
        %parallel_loop3A_216 = vector.broadcast %parallel_loop3A_215 : i32 to vector<16xi32>
        %parallel_loop3A_217 = arith.addi %iota3A, %parallel_loop3A_216 : vector<16xi32>
        %parallel_loop3A_218 = arith.addi %parallel_loop3A_208, %parallel_loop3A_217 : vector<16xi32>
        %parallel_loop3A_219 = tpu.vector_load_idx %arg8[%parallel_loop3A_218] : memref<32000xf32, #tpu.memory_space<vmem>>[vector<16xi32>], vector<16xf32>,
        %parallel_loop3A_220 = arith.addi %parallel_loop3A_212, %iota3A : vector<16xi32>
        %parallel_loop3A_221 = tpu.vector_load_idx %arg9[%parallel_loop3A_220] : memref<32000xf32, #tpu.memory_space<vmem>>[vector<16xi32>], vector<16xf32>,
        %parallel_loop3A_222 = arith.constant 16 : i32
        %parallel_loop3A_223 = vector.broadcast %parallel_loop3A_222 : i32 to vector<16xi32>
        %parallel_loop3A_224 = arith.addi %iota3A, %parallel_loop3A_223 : vector<16xi32>
        %parallel_loop3A_225 = arith.addi %parallel_loop3A_212, %parallel_loop3A_224 : vector<16xi32>
        %parallel_loop3A_226 = tpu.vector_load_idx %arg9[%parallel_loop3A_225] : memref<32000xf32, #tpu.memory_space<vmem>>[vector<16xi32>], vector<16xf32>,
        %parallel_loop3A_227 = arith.constant 2 : i32
        %parallel_loop3A_228 = arith.muli %parallel_loop3A_227, %parallel_loop3A_144 : i32
        %parallel_loop3A_229 = arith.constant 0 : i32
        %parallel_loop3A_230 = arith.addi %parallel_loop3A_228, %parallel_loop3A_229 : i32
        %parallel_loop3A_231 = arith.constant 1 : i32
        %parallel_loop3A_232 = arith.index_cast %parallel_loop3A_230 : i32 to index
        %parallel_loop3A_233 = arith.index_cast %parallel_loop3A_231 : i32 to index
        %parallel_loop3A_234 = arith.constant 0 : index
        %parallel_loop3A_235 = tpu.vector_load %arg17[%parallel_loop3A_232, %parallel_loop3A_233, %parallel_loop3A_234] {strides = array<i32>} : memref<20x8x65xf32, #tpu.memory_space<vmem>>, vector<16xf32>,
        tpu.vector_store %arg17[%parallel_loop3A_232, %parallel_loop3A_233, %parallel_loop3A_234], %parallel_loop3A_214 {strides = array<i32>} : memref<20x8x65xf32, #tpu.memory_space<vmem>>, vector<16xf32>,
        %parallel_loop3A_236 = arith.constant 1 : i32
        %parallel_loop3A_237 = arith.index_cast %parallel_loop3A_230 : i32 to index
        %parallel_loop3A_238 = arith.index_cast %parallel_loop3A_236 : i32 to index
        %parallel_loop3A_239 = arith.constant 16 : index
        %parallel_loop3A_240 = tpu.vector_load %arg17[%parallel_loop3A_237, %parallel_loop3A_238, %parallel_loop3A_239] {strides = array<i32>} : memref<20x8x65xf32, #tpu.memory_space<vmem>>, vector<16xf32>,
        tpu.vector_store %arg17[%parallel_loop3A_237, %parallel_loop3A_238, %parallel_loop3A_239], %parallel_loop3A_219 {strides = array<i32>} : memref<20x8x65xf32, #tpu.memory_space<vmem>>, vector<16xf32>,
        %parallel_loop3A_241 = arith.constant 1 : i32
        %parallel_loop3A_242 = arith.index_cast %parallel_loop3A_230 : i32 to index
        %parallel_loop3A_243 = arith.index_cast %parallel_loop3A_241 : i32 to index
        %parallel_loop3A_244 = arith.constant 32 : index
        %parallel_loop3A_245 = tpu.vector_load %arg17[%parallel_loop3A_242, %parallel_loop3A_243, %parallel_loop3A_244] {strides = array<i32>} : memref<20x8x65xf32, #tpu.memory_space<vmem>>, vector<16xf32>,
        tpu.vector_store %arg17[%parallel_loop3A_242, %parallel_loop3A_243, %parallel_loop3A_244], %parallel_loop3A_221 {strides = array<i32>} : memref<20x8x65xf32, #tpu.memory_space<vmem>>, vector<16xf32>,
        %parallel_loop3A_246 = arith.constant 1 : i32
        %parallel_loop3A_247 = arith.index_cast %parallel_loop3A_230 : i32 to index
        %parallel_loop3A_248 = arith.index_cast %parallel_loop3A_246 : i32 to index
        %parallel_loop3A_249 = arith.constant 48 : index
        %parallel_loop3A_250 = tpu.vector_load %arg17[%parallel_loop3A_247, %parallel_loop3A_248, %parallel_loop3A_249] {strides = array<i32>} : memref<20x8x65xf32, #tpu.memory_space<vmem>>, vector<16xf32>,
        tpu.vector_store %arg17[%parallel_loop3A_247, %parallel_loop3A_248, %parallel_loop3A_249], %parallel_loop3A_226 {strides = array<i32>} : memref<20x8x65xf32, #tpu.memory_space<vmem>>, vector<16xf32>,
        %parallel_loop3A_251 = arith.constant 2 : i32
        %parallel_loop3A_252 = vector.broadcast %parallel_loop3A_251 : i32 to vector<16x1xi32>
        %parallel_loop3A_253 = vector.shape_cast %parallel_loop3A_252 : vector<16x1xi32> to vector<16xi32>
        %parallel_loop3A_254 = tpu.dynamic_gather %parallel_loop3A_155[%parallel_loop3A_253] in [0] : vector<16xi32>, vector<16xi32> -> vector<16xi32>
        %parallel_loop3A_255 = arith.constant 2 : i32
        %parallel_loop3A_256 = vector.broadcast %parallel_loop3A_255 : i32 to vector<16x1xi32>
        %parallel_loop3A_257 = vector.shape_cast %parallel_loop3A_256 : vector<16x1xi32> to vector<16xi32>
        %parallel_loop3A_258 = tpu.dynamic_gather %parallel_loop3A_158[%parallel_loop3A_257] in [0] : vector<16xi32>, vector<16xi32> -> vector<16xi32>
        %parallel_loop3A_259 = arith.addi %parallel_loop3A_254, %iota3A : vector<16xi32>
        %parallel_loop3A_260 = tpu.vector_load_idx %arg8[%parallel_loop3A_259] : memref<32000xf32, #tpu.memory_space<vmem>>[vector<16xi32>], vector<16xf32>,
        %parallel_loop3A_261 = arith.constant 16 : i32
        %parallel_loop3A_262 = vector.broadcast %parallel_loop3A_261 : i32 to vector<16xi32>
        %parallel_loop3A_263 = arith.addi %iota3A, %parallel_loop3A_262 : vector<16xi32>
        %parallel_loop3A_264 = arith.addi %parallel_loop3A_254, %parallel_loop3A_263 : vector<16xi32>
        %parallel_loop3A_265 = tpu.vector_load_idx %arg8[%parallel_loop3A_264] : memref<32000xf32, #tpu.memory_space<vmem>>[vector<16xi32>], vector<16xf32>,
        %parallel_loop3A_266 = arith.addi %parallel_loop3A_258, %iota3A : vector<16xi32>
        %parallel_loop3A_267 = tpu.vector_load_idx %arg9[%parallel_loop3A_266] : memref<32000xf32, #tpu.memory_space<vmem>>[vector<16xi32>], vector<16xf32>,
        %parallel_loop3A_268 = arith.constant 16 : i32
        %parallel_loop3A_269 = vector.broadcast %parallel_loop3A_268 : i32 to vector<16xi32>
        %parallel_loop3A_270 = arith.addi %iota3A, %parallel_loop3A_269 : vector<16xi32>
        %parallel_loop3A_271 = arith.addi %parallel_loop3A_258, %parallel_loop3A_270 : vector<16xi32>
        %parallel_loop3A_272 = tpu.vector_load_idx %arg9[%parallel_loop3A_271] : memref<32000xf32, #tpu.memory_space<vmem>>[vector<16xi32>], vector<16xf32>,
        %parallel_loop3A_273 = arith.constant 2 : i32
        %parallel_loop3A_274 = arith.muli %parallel_loop3A_273, %parallel_loop3A_144 : i32
        %parallel_loop3A_275 = arith.constant 0 : i32
        %parallel_loop3A_276 = arith.addi %parallel_loop3A_274, %parallel_loop3A_275 : i32
        %parallel_loop3A_277 = arith.constant 2 : i32
        %parallel_loop3A_278 = arith.index_cast %parallel_loop3A_276 : i32 to index
        %parallel_loop3A_279 = arith.index_cast %parallel_loop3A_277 : i32 to index
        %parallel_loop3A_280 = arith.constant 0 : index
        %parallel_loop3A_281 = tpu.vector_load %arg17[%parallel_loop3A_278, %parallel_loop3A_279, %parallel_loop3A_280] {strides = array<i32>} : memref<20x8x65xf32, #tpu.memory_space<vmem>>, vector<16xf32>,
        tpu.vector_store %arg17[%parallel_loop3A_278, %parallel_loop3A_279, %parallel_loop3A_280], %parallel_loop3A_260 {strides = array<i32>} : memref<20x8x65xf32, #tpu.memory_space<vmem>>, vector<16xf32>,
        %parallel_loop3A_282 = arith.constant 2 : i32
        %parallel_loop3A_283 = arith.index_cast %parallel_loop3A_276 : i32 to index
        %parallel_loop3A_284 = arith.index_cast %parallel_loop3A_282 : i32 to index
        %parallel_loop3A_285 = arith.constant 16 : index
        %parallel_loop3A_286 = tpu.vector_load %arg17[%parallel_loop3A_283, %parallel_loop3A_284, %parallel_loop3A_285] {strides = array<i32>} : memref<20x8x65xf32, #tpu.memory_space<vmem>>, vector<16xf32>,
        tpu.vector_store %arg17[%parallel_loop3A_283, %parallel_loop3A_284, %parallel_loop3A_285], %parallel_loop3A_265 {strides = array<i32>} : memref<20x8x65xf32, #tpu.memory_space<vmem>>, vector<16xf32>,
        %parallel_loop3A_287 = arith.constant 2 : i32
        %parallel_loop3A_288 = arith.index_cast %parallel_loop3A_276 : i32 to index
        %parallel_loop3A_289 = arith.index_cast %parallel_loop3A_287 : i32 to index
        %parallel_loop3A_290 = arith.constant 32 : index
        %parallel_loop3A_291 = tpu.vector_load %arg17[%parallel_loop3A_288, %parallel_loop3A_289, %parallel_loop3A_290] {strides = array<i32>} : memref<20x8x65xf32, #tpu.memory_space<vmem>>, vector<16xf32>,
        tpu.vector_store %arg17[%parallel_loop3A_288, %parallel_loop3A_289, %parallel_loop3A_290], %parallel_loop3A_267 {strides = array<i32>} : memref<20x8x65xf32, #tpu.memory_space<vmem>>, vector<16xf32>,
        %parallel_loop3A_292 = arith.constant 2 : i32
        %parallel_loop3A_293 = arith.index_cast %parallel_loop3A_276 : i32 to index
        %parallel_loop3A_294 = arith.index_cast %parallel_loop3A_292 : i32 to index
        %parallel_loop3A_295 = arith.constant 48 : index
        %parallel_loop3A_296 = tpu.vector_load %arg17[%parallel_loop3A_293, %parallel_loop3A_294, %parallel_loop3A_295] {strides = array<i32>} : memref<20x8x65xf32, #tpu.memory_space<vmem>>, vector<16xf32>,
        tpu.vector_store %arg17[%parallel_loop3A_293, %parallel_loop3A_294, %parallel_loop3A_295], %parallel_loop3A_272 {strides = array<i32>} : memref<20x8x65xf32, #tpu.memory_space<vmem>>, vector<16xf32>,
        %parallel_loop3A_297 = arith.constant 3 : i32
        %parallel_loop3A_298 = vector.broadcast %parallel_loop3A_297 : i32 to vector<16x1xi32>
        %parallel_loop3A_299 = vector.shape_cast %parallel_loop3A_298 : vector<16x1xi32> to vector<16xi32>
        %parallel_loop3A_300 = tpu.dynamic_gather %parallel_loop3A_155[%parallel_loop3A_299] in [0] : vector<16xi32>, vector<16xi32> -> vector<16xi32>
        %parallel_loop3A_301 = arith.constant 3 : i32
        %parallel_loop3A_302 = vector.broadcast %parallel_loop3A_301 : i32 to vector<16x1xi32>
        %parallel_loop3A_303 = vector.shape_cast %parallel_loop3A_302 : vector<16x1xi32> to vector<16xi32>
        %parallel_loop3A_304 = tpu.dynamic_gather %parallel_loop3A_158[%parallel_loop3A_303] in [0] : vector<16xi32>, vector<16xi32> -> vector<16xi32>
        %parallel_loop3A_305 = arith.addi %parallel_loop3A_300, %iota3A : vector<16xi32>
        %parallel_loop3A_306 = tpu.vector_load_idx %arg8[%parallel_loop3A_305] : memref<32000xf32, #tpu.memory_space<vmem>>[vector<16xi32>], vector<16xf32>,
        %parallel_loop3A_307 = arith.constant 16 : i32
        %parallel_loop3A_308 = vector.broadcast %parallel_loop3A_307 : i32 to vector<16xi32>
        %parallel_loop3A_309 = arith.addi %iota3A, %parallel_loop3A_308 : vector<16xi32>
        %parallel_loop3A_310 = arith.addi %parallel_loop3A_300, %parallel_loop3A_309 : vector<16xi32>
        %parallel_loop3A_311 = tpu.vector_load_idx %arg8[%parallel_loop3A_310] : memref<32000xf32, #tpu.memory_space<vmem>>[vector<16xi32>], vector<16xf32>,
        %parallel_loop3A_312 = arith.addi %parallel_loop3A_304, %iota3A : vector<16xi32>
        %parallel_loop3A_313 = tpu.vector_load_idx %arg9[%parallel_loop3A_312] : memref<32000xf32, #tpu.memory_space<vmem>>[vector<16xi32>], vector<16xf32>,
        %parallel_loop3A_314 = arith.constant 16 : i32
        %parallel_loop3A_315 = vector.broadcast %parallel_loop3A_314 : i32 to vector<16xi32>
        %parallel_loop3A_316 = arith.addi %iota3A, %parallel_loop3A_315 : vector<16xi32>
        %parallel_loop3A_317 = arith.addi %parallel_loop3A_304, %parallel_loop3A_316 : vector<16xi32>
        %parallel_loop3A_318 = tpu.vector_load_idx %arg9[%parallel_loop3A_317] : memref<32000xf32, #tpu.memory_space<vmem>>[vector<16xi32>], vector<16xf32>,
        %parallel_loop3A_319 = arith.constant 2 : i32
        %parallel_loop3A_320 = arith.muli %parallel_loop3A_319, %parallel_loop3A_144 : i32
        %parallel_loop3A_321 = arith.constant 0 : i32
        %parallel_loop3A_322 = arith.addi %parallel_loop3A_320, %parallel_loop3A_321 : i32
        %parallel_loop3A_323 = arith.constant 3 : i32
        %parallel_loop3A_324 = arith.index_cast %parallel_loop3A_322 : i32 to index
        %parallel_loop3A_325 = arith.index_cast %parallel_loop3A_323 : i32 to index
        %parallel_loop3A_326 = arith.constant 0 : index
        %parallel_loop3A_327 = tpu.vector_load %arg17[%parallel_loop3A_324, %parallel_loop3A_325, %parallel_loop3A_326] {strides = array<i32>} : memref<20x8x65xf32, #tpu.memory_space<vmem>>, vector<16xf32>,
        tpu.vector_store %arg17[%parallel_loop3A_324, %parallel_loop3A_325, %parallel_loop3A_326], %parallel_loop3A_306 {strides = array<i32>} : memref<20x8x65xf32, #tpu.memory_space<vmem>>, vector<16xf32>,
        %parallel_loop3A_328 = arith.constant 3 : i32
        %parallel_loop3A_329 = arith.index_cast %parallel_loop3A_322 : i32 to index
        %parallel_loop3A_330 = arith.index_cast %parallel_loop3A_328 : i32 to index
        %parallel_loop3A_331 = arith.constant 16 : index
        %parallel_loop3A_332 = tpu.vector_load %arg17[%parallel_loop3A_329, %parallel_loop3A_330, %parallel_loop3A_331] {strides = array<i32>} : memref<20x8x65xf32, #tpu.memory_space<vmem>>, vector<16xf32>,
        tpu.vector_store %arg17[%parallel_loop3A_329, %parallel_loop3A_330, %parallel_loop3A_331], %parallel_loop3A_311 {strides = array<i32>} : memref<20x8x65xf32, #tpu.memory_space<vmem>>, vector<16xf32>,
        %parallel_loop3A_333 = arith.constant 3 : i32
        %parallel_loop3A_334 = arith.index_cast %parallel_loop3A_322 : i32 to index
        %parallel_loop3A_335 = arith.index_cast %parallel_loop3A_333 : i32 to index
        %parallel_loop3A_336 = arith.constant 32 : index
        %parallel_loop3A_337 = tpu.vector_load %arg17[%parallel_loop3A_334, %parallel_loop3A_335, %parallel_loop3A_336] {strides = array<i32>} : memref<20x8x65xf32, #tpu.memory_space<vmem>>, vector<16xf32>,
        tpu.vector_store %arg17[%parallel_loop3A_334, %parallel_loop3A_335, %parallel_loop3A_336], %parallel_loop3A_313 {strides = array<i32>} : memref<20x8x65xf32, #tpu.memory_space<vmem>>, vector<16xf32>,
        %parallel_loop3A_338 = arith.constant 3 : i32
        %parallel_loop3A_339 = arith.index_cast %parallel_loop3A_322 : i32 to index
        %parallel_loop3A_340 = arith.index_cast %parallel_loop3A_338 : i32 to index
        %parallel_loop3A_341 = arith.constant 48 : index
        %parallel_loop3A_342 = tpu.vector_load %arg17[%parallel_loop3A_339, %parallel_loop3A_340, %parallel_loop3A_341] {strides = array<i32>} : memref<20x8x65xf32, #tpu.memory_space<vmem>>, vector<16xf32>,
        tpu.vector_store %arg17[%parallel_loop3A_339, %parallel_loop3A_340, %parallel_loop3A_341], %parallel_loop3A_318 {strides = array<i32>} : memref<20x8x65xf32, #tpu.memory_space<vmem>>, vector<16xf32>,
        %parallel_loop3A_343 = arith.constant 4 : i32
        %parallel_loop3A_344 = vector.broadcast %parallel_loop3A_343 : i32 to vector<16x1xi32>
        %parallel_loop3A_345 = vector.shape_cast %parallel_loop3A_344 : vector<16x1xi32> to vector<16xi32>
        %parallel_loop3A_346 = tpu.dynamic_gather %parallel_loop3A_155[%parallel_loop3A_345] in [0] : vector<16xi32>, vector<16xi32> -> vector<16xi32>
        %parallel_loop3A_347 = arith.constant 4 : i32
        %parallel_loop3A_348 = vector.broadcast %parallel_loop3A_347 : i32 to vector<16x1xi32>
        %parallel_loop3A_349 = vector.shape_cast %parallel_loop3A_348 : vector<16x1xi32> to vector<16xi32>
        %parallel_loop3A_350 = tpu.dynamic_gather %parallel_loop3A_158[%parallel_loop3A_349] in [0] : vector<16xi32>, vector<16xi32> -> vector<16xi32>
        %parallel_loop3A_351 = arith.addi %parallel_loop3A_346, %iota3A : vector<16xi32>
        %parallel_loop3A_352 = tpu.vector_load_idx %arg8[%parallel_loop3A_351] : memref<32000xf32, #tpu.memory_space<vmem>>[vector<16xi32>], vector<16xf32>,
        %parallel_loop3A_353 = arith.constant 16 : i32
        %parallel_loop3A_354 = vector.broadcast %parallel_loop3A_353 : i32 to vector<16xi32>
        %parallel_loop3A_355 = arith.addi %iota3A, %parallel_loop3A_354 : vector<16xi32>
        %parallel_loop3A_356 = arith.addi %parallel_loop3A_346, %parallel_loop3A_355 : vector<16xi32>
        %parallel_loop3A_357 = tpu.vector_load_idx %arg8[%parallel_loop3A_356] : memref<32000xf32, #tpu.memory_space<vmem>>[vector<16xi32>], vector<16xf32>,
        %parallel_loop3A_358 = arith.addi %parallel_loop3A_350, %iota3A : vector<16xi32>
        %parallel_loop3A_359 = tpu.vector_load_idx %arg9[%parallel_loop3A_358] : memref<32000xf32, #tpu.memory_space<vmem>>[vector<16xi32>], vector<16xf32>,
        %parallel_loop3A_360 = arith.constant 16 : i32
        %parallel_loop3A_361 = vector.broadcast %parallel_loop3A_360 : i32 to vector<16xi32>
        %parallel_loop3A_362 = arith.addi %iota3A, %parallel_loop3A_361 : vector<16xi32>
        %parallel_loop3A_363 = arith.addi %parallel_loop3A_350, %parallel_loop3A_362 : vector<16xi32>
        %parallel_loop3A_364 = tpu.vector_load_idx %arg9[%parallel_loop3A_363] : memref<32000xf32, #tpu.memory_space<vmem>>[vector<16xi32>], vector<16xf32>,
        %parallel_loop3A_365 = arith.constant 2 : i32
        %parallel_loop3A_366 = arith.muli %parallel_loop3A_365, %parallel_loop3A_144 : i32
        %parallel_loop3A_367 = arith.constant 0 : i32
        %parallel_loop3A_368 = arith.addi %parallel_loop3A_366, %parallel_loop3A_367 : i32
        %parallel_loop3A_369 = arith.constant 4 : i32
        %parallel_loop3A_370 = arith.index_cast %parallel_loop3A_368 : i32 to index
        %parallel_loop3A_371 = arith.index_cast %parallel_loop3A_369 : i32 to index
        %parallel_loop3A_372 = arith.constant 0 : index
        %parallel_loop3A_373 = tpu.vector_load %arg17[%parallel_loop3A_370, %parallel_loop3A_371, %parallel_loop3A_372] {strides = array<i32>} : memref<20x8x65xf32, #tpu.memory_space<vmem>>, vector<16xf32>,
        tpu.vector_store %arg17[%parallel_loop3A_370, %parallel_loop3A_371, %parallel_loop3A_372], %parallel_loop3A_352 {strides = array<i32>} : memref<20x8x65xf32, #tpu.memory_space<vmem>>, vector<16xf32>,
        %parallel_loop3A_374 = arith.constant 4 : i32
        %parallel_loop3A_375 = arith.index_cast %parallel_loop3A_368 : i32 to index
        %parallel_loop3A_376 = arith.index_cast %parallel_loop3A_374 : i32 to index
        %parallel_loop3A_377 = arith.constant 16 : index
        %parallel_loop3A_378 = tpu.vector_load %arg17[%parallel_loop3A_375, %parallel_loop3A_376, %parallel_loop3A_377] {strides = array<i32>} : memref<20x8x65xf32, #tpu.memory_space<vmem>>, vector<16xf32>,
        tpu.vector_store %arg17[%parallel_loop3A_375, %parallel_loop3A_376, %parallel_loop3A_377], %parallel_loop3A_357 {strides = array<i32>} : memref<20x8x65xf32, #tpu.memory_space<vmem>>, vector<16xf32>,
        %parallel_loop3A_379 = arith.constant 4 : i32
        %parallel_loop3A_380 = arith.index_cast %parallel_loop3A_368 : i32 to index
        %parallel_loop3A_381 = arith.index_cast %parallel_loop3A_379 : i32 to index
        %parallel_loop3A_382 = arith.constant 32 : index
        %parallel_loop3A_383 = tpu.vector_load %arg17[%parallel_loop3A_380, %parallel_loop3A_381, %parallel_loop3A_382] {strides = array<i32>} : memref<20x8x65xf32, #tpu.memory_space<vmem>>, vector<16xf32>,
        tpu.vector_store %arg17[%parallel_loop3A_380, %parallel_loop3A_381, %parallel_loop3A_382], %parallel_loop3A_359 {strides = array<i32>} : memref<20x8x65xf32, #tpu.memory_space<vmem>>, vector<16xf32>,
        %parallel_loop3A_384 = arith.constant 4 : i32
        %parallel_loop3A_385 = arith.index_cast %parallel_loop3A_368 : i32 to index
        %parallel_loop3A_386 = arith.index_cast %parallel_loop3A_384 : i32 to index
        %parallel_loop3A_387 = arith.constant 48 : index
        %parallel_loop3A_388 = tpu.vector_load %arg17[%parallel_loop3A_385, %parallel_loop3A_386, %parallel_loop3A_387] {strides = array<i32>} : memref<20x8x65xf32, #tpu.memory_space<vmem>>, vector<16xf32>,
        tpu.vector_store %arg17[%parallel_loop3A_385, %parallel_loop3A_386, %parallel_loop3A_387], %parallel_loop3A_364 {strides = array<i32>} : memref<20x8x65xf32, #tpu.memory_space<vmem>>, vector<16xf32>,
        %parallel_loop3A_389 = arith.constant 5 : i32
        %parallel_loop3A_390 = vector.broadcast %parallel_loop3A_389 : i32 to vector<16x1xi32>
        %parallel_loop3A_391 = vector.shape_cast %parallel_loop3A_390 : vector<16x1xi32> to vector<16xi32>
        %parallel_loop3A_392 = tpu.dynamic_gather %parallel_loop3A_155[%parallel_loop3A_391] in [0] : vector<16xi32>, vector<16xi32> -> vector<16xi32>
        %parallel_loop3A_393 = arith.constant 5 : i32
        %parallel_loop3A_394 = vector.broadcast %parallel_loop3A_393 : i32 to vector<16x1xi32>
        %parallel_loop3A_395 = vector.shape_cast %parallel_loop3A_394 : vector<16x1xi32> to vector<16xi32>
        %parallel_loop3A_396 = tpu.dynamic_gather %parallel_loop3A_158[%parallel_loop3A_395] in [0] : vector<16xi32>, vector<16xi32> -> vector<16xi32>
        %parallel_loop3A_397 = arith.addi %parallel_loop3A_392, %iota3A : vector<16xi32>
        %parallel_loop3A_398 = tpu.vector_load_idx %arg8[%parallel_loop3A_397] : memref<32000xf32, #tpu.memory_space<vmem>>[vector<16xi32>], vector<16xf32>,
        %parallel_loop3A_399 = arith.constant 16 : i32
        %parallel_loop3A_400 = vector.broadcast %parallel_loop3A_399 : i32 to vector<16xi32>
        %parallel_loop3A_401 = arith.addi %iota3A, %parallel_loop3A_400 : vector<16xi32>
        %parallel_loop3A_402 = arith.addi %parallel_loop3A_392, %parallel_loop3A_401 : vector<16xi32>
        %parallel_loop3A_403 = tpu.vector_load_idx %arg8[%parallel_loop3A_402] : memref<32000xf32, #tpu.memory_space<vmem>>[vector<16xi32>], vector<16xf32>,
        %parallel_loop3A_404 = arith.addi %parallel_loop3A_396, %iota3A : vector<16xi32>
        %parallel_loop3A_405 = tpu.vector_load_idx %arg9[%parallel_loop3A_404] : memref<32000xf32, #tpu.memory_space<vmem>>[vector<16xi32>], vector<16xf32>,
        %parallel_loop3A_406 = arith.constant 16 : i32
        %parallel_loop3A_407 = vector.broadcast %parallel_loop3A_406 : i32 to vector<16xi32>
        %parallel_loop3A_408 = arith.addi %iota3A, %parallel_loop3A_407 : vector<16xi32>
        %parallel_loop3A_409 = arith.addi %parallel_loop3A_396, %parallel_loop3A_408 : vector<16xi32>
        %parallel_loop3A_410 = tpu.vector_load_idx %arg9[%parallel_loop3A_409] : memref<32000xf32, #tpu.memory_space<vmem>>[vector<16xi32>], vector<16xf32>,
        %parallel_loop3A_411 = arith.constant 2 : i32
        %parallel_loop3A_412 = arith.muli %parallel_loop3A_411, %parallel_loop3A_144 : i32
        %parallel_loop3A_413 = arith.constant 0 : i32
        %parallel_loop3A_414 = arith.addi %parallel_loop3A_412, %parallel_loop3A_413 : i32
        %parallel_loop3A_415 = arith.constant 5 : i32
        %parallel_loop3A_416 = arith.index_cast %parallel_loop3A_414 : i32 to index
        %parallel_loop3A_417 = arith.index_cast %parallel_loop3A_415 : i32 to index
        %parallel_loop3A_418 = arith.constant 0 : index
        %parallel_loop3A_419 = tpu.vector_load %arg17[%parallel_loop3A_416, %parallel_loop3A_417, %parallel_loop3A_418] {strides = array<i32>} : memref<20x8x65xf32, #tpu.memory_space<vmem>>, vector<16xf32>,
        tpu.vector_store %arg17[%parallel_loop3A_416, %parallel_loop3A_417, %parallel_loop3A_418], %parallel_loop3A_398 {strides = array<i32>} : memref<20x8x65xf32, #tpu.memory_space<vmem>>, vector<16xf32>,
        %parallel_loop3A_420 = arith.constant 5 : i32
        %parallel_loop3A_421 = arith.index_cast %parallel_loop3A_414 : i32 to index
        %parallel_loop3A_422 = arith.index_cast %parallel_loop3A_420 : i32 to index
        %parallel_loop3A_423 = arith.constant 16 : index
        %parallel_loop3A_424 = tpu.vector_load %arg17[%parallel_loop3A_421, %parallel_loop3A_422, %parallel_loop3A_423] {strides = array<i32>} : memref<20x8x65xf32, #tpu.memory_space<vmem>>, vector<16xf32>,
        tpu.vector_store %arg17[%parallel_loop3A_421, %parallel_loop3A_422, %parallel_loop3A_423], %parallel_loop3A_403 {strides = array<i32>} : memref<20x8x65xf32, #tpu.memory_space<vmem>>, vector<16xf32>,
        %parallel_loop3A_425 = arith.constant 5 : i32
        %parallel_loop3A_426 = arith.index_cast %parallel_loop3A_414 : i32 to index
        %parallel_loop3A_427 = arith.index_cast %parallel_loop3A_425 : i32 to index
        %parallel_loop3A_428 = arith.constant 32 : index
        %parallel_loop3A_429 = tpu.vector_load %arg17[%parallel_loop3A_426, %parallel_loop3A_427, %parallel_loop3A_428] {strides = array<i32>} : memref<20x8x65xf32, #tpu.memory_space<vmem>>, vector<16xf32>,
        tpu.vector_store %arg17[%parallel_loop3A_426, %parallel_loop3A_427, %parallel_loop3A_428], %parallel_loop3A_405 {strides = array<i32>} : memref<20x8x65xf32, #tpu.memory_space<vmem>>, vector<16xf32>,
        %parallel_loop3A_430 = arith.constant 5 : i32
        %parallel_loop3A_431 = arith.index_cast %parallel_loop3A_414 : i32 to index
        %parallel_loop3A_432 = arith.index_cast %parallel_loop3A_430 : i32 to index
        %parallel_loop3A_433 = arith.constant 48 : index
        %parallel_loop3A_434 = tpu.vector_load %arg17[%parallel_loop3A_431, %parallel_loop3A_432, %parallel_loop3A_433] {strides = array<i32>} : memref<20x8x65xf32, #tpu.memory_space<vmem>>, vector<16xf32>,
        tpu.vector_store %arg17[%parallel_loop3A_431, %parallel_loop3A_432, %parallel_loop3A_433], %parallel_loop3A_410 {strides = array<i32>} : memref<20x8x65xf32, #tpu.memory_space<vmem>>, vector<16xf32>,
        %parallel_loop3A_435 = arith.constant 6 : i32
        %parallel_loop3A_436 = vector.broadcast %parallel_loop3A_435 : i32 to vector<16x1xi32>
        %parallel_loop3A_437 = vector.shape_cast %parallel_loop3A_436 : vector<16x1xi32> to vector<16xi32>
        %parallel_loop3A_438 = tpu.dynamic_gather %parallel_loop3A_155[%parallel_loop3A_437] in [0] : vector<16xi32>, vector<16xi32> -> vector<16xi32>
        %parallel_loop3A_439 = arith.constant 6 : i32
        %parallel_loop3A_440 = vector.broadcast %parallel_loop3A_439 : i32 to vector<16x1xi32>
        %parallel_loop3A_441 = vector.shape_cast %parallel_loop3A_440 : vector<16x1xi32> to vector<16xi32>
        %parallel_loop3A_442 = tpu.dynamic_gather %parallel_loop3A_158[%parallel_loop3A_441] in [0] : vector<16xi32>, vector<16xi32> -> vector<16xi32>
        %parallel_loop3A_443 = arith.addi %parallel_loop3A_438, %iota3A : vector<16xi32>
        %parallel_loop3A_444 = tpu.vector_load_idx %arg8[%parallel_loop3A_443] : memref<32000xf32, #tpu.memory_space<vmem>>[vector<16xi32>], vector<16xf32>,
        %parallel_loop3A_445 = arith.constant 16 : i32
        %parallel_loop3A_446 = vector.broadcast %parallel_loop3A_445 : i32 to vector<16xi32>
        %parallel_loop3A_447 = arith.addi %iota3A, %parallel_loop3A_446 : vector<16xi32>
        %parallel_loop3A_448 = arith.addi %parallel_loop3A_438, %parallel_loop3A_447 : vector<16xi32>
        %parallel_loop3A_449 = tpu.vector_load_idx %arg8[%parallel_loop3A_448] : memref<32000xf32, #tpu.memory_space<vmem>>[vector<16xi32>], vector<16xf32>,
        %parallel_loop3A_450 = arith.addi %parallel_loop3A_442, %iota3A : vector<16xi32>
        %parallel_loop3A_451 = tpu.vector_load_idx %arg9[%parallel_loop3A_450] : memref<32000xf32, #tpu.memory_space<vmem>>[vector<16xi32>], vector<16xf32>,
        %parallel_loop3A_452 = arith.constant 16 : i32
        %parallel_loop3A_453 = vector.broadcast %parallel_loop3A_452 : i32 to vector<16xi32>
        %parallel_loop3A_454 = arith.addi %iota3A, %parallel_loop3A_453 : vector<16xi32>
        %parallel_loop3A_455 = arith.addi %parallel_loop3A_442, %parallel_loop3A_454 : vector<16xi32>
        %parallel_loop3A_456 = tpu.vector_load_idx %arg9[%parallel_loop3A_455] : memref<32000xf32, #tpu.memory_space<vmem>>[vector<16xi32>], vector<16xf32>,
        %parallel_loop3A_457 = arith.constant 2 : i32
        %parallel_loop3A_458 = arith.muli %parallel_loop3A_457, %parallel_loop3A_144 : i32
        %parallel_loop3A_459 = arith.constant 0 : i32
        %parallel_loop3A_460 = arith.addi %parallel_loop3A_458, %parallel_loop3A_459 : i32
        %parallel_loop3A_461 = arith.constant 6 : i32
        %parallel_loop3A_462 = arith.index_cast %parallel_loop3A_460 : i32 to index
        %parallel_loop3A_463 = arith.index_cast %parallel_loop3A_461 : i32 to index
        %parallel_loop3A_464 = arith.constant 0 : index
        %parallel_loop3A_465 = tpu.vector_load %arg17[%parallel_loop3A_462, %parallel_loop3A_463, %parallel_loop3A_464] {strides = array<i32>} : memref<20x8x65xf32, #tpu.memory_space<vmem>>, vector<16xf32>,
        tpu.vector_store %arg17[%parallel_loop3A_462, %parallel_loop3A_463, %parallel_loop3A_464], %parallel_loop3A_444 {strides = array<i32>} : memref<20x8x65xf32, #tpu.memory_space<vmem>>, vector<16xf32>,
        %parallel_loop3A_466 = arith.constant 6 : i32
        %parallel_loop3A_467 = arith.index_cast %parallel_loop3A_460 : i32 to index
        %parallel_loop3A_468 = arith.index_cast %parallel_loop3A_466 : i32 to index
        %parallel_loop3A_469 = arith.constant 16 : index
        %parallel_loop3A_470 = tpu.vector_load %arg17[%parallel_loop3A_467, %parallel_loop3A_468, %parallel_loop3A_469] {strides = array<i32>} : memref<20x8x65xf32, #tpu.memory_space<vmem>>, vector<16xf32>,
        tpu.vector_store %arg17[%parallel_loop3A_467, %parallel_loop3A_468, %parallel_loop3A_469], %parallel_loop3A_449 {strides = array<i32>} : memref<20x8x65xf32, #tpu.memory_space<vmem>>, vector<16xf32>,
        %parallel_loop3A_471 = arith.constant 6 : i32
        %parallel_loop3A_472 = arith.index_cast %parallel_loop3A_460 : i32 to index
        %parallel_loop3A_473 = arith.index_cast %parallel_loop3A_471 : i32 to index
        %parallel_loop3A_474 = arith.constant 32 : index
        %parallel_loop3A_475 = tpu.vector_load %arg17[%parallel_loop3A_472, %parallel_loop3A_473, %parallel_loop3A_474] {strides = array<i32>} : memref<20x8x65xf32, #tpu.memory_space<vmem>>, vector<16xf32>,
        tpu.vector_store %arg17[%parallel_loop3A_472, %parallel_loop3A_473, %parallel_loop3A_474], %parallel_loop3A_451 {strides = array<i32>} : memref<20x8x65xf32, #tpu.memory_space<vmem>>, vector<16xf32>,
        %parallel_loop3A_476 = arith.constant 6 : i32
        %parallel_loop3A_477 = arith.index_cast %parallel_loop3A_460 : i32 to index
        %parallel_loop3A_478 = arith.index_cast %parallel_loop3A_476 : i32 to index
        %parallel_loop3A_479 = arith.constant 48 : index
        %parallel_loop3A_480 = tpu.vector_load %arg17[%parallel_loop3A_477, %parallel_loop3A_478, %parallel_loop3A_479] {strides = array<i32>} : memref<20x8x65xf32, #tpu.memory_space<vmem>>, vector<16xf32>,
        tpu.vector_store %arg17[%parallel_loop3A_477, %parallel_loop3A_478, %parallel_loop3A_479], %parallel_loop3A_456 {strides = array<i32>} : memref<20x8x65xf32, #tpu.memory_space<vmem>>, vector<16xf32>,
        %parallel_loop3A_481 = arith.constant 7 : i32
        %parallel_loop3A_482 = vector.broadcast %parallel_loop3A_481 : i32 to vector<16x1xi32>
        %parallel_loop3A_483 = vector.shape_cast %parallel_loop3A_482 : vector<16x1xi32> to vector<16xi32>
        %parallel_loop3A_484 = tpu.dynamic_gather %parallel_loop3A_155[%parallel_loop3A_483] in [0] : vector<16xi32>, vector<16xi32> -> vector<16xi32>
        %parallel_loop3A_485 = arith.constant 7 : i32
        %parallel_loop3A_486 = vector.broadcast %parallel_loop3A_485 : i32 to vector<16x1xi32>
        %parallel_loop3A_487 = vector.shape_cast %parallel_loop3A_486 : vector<16x1xi32> to vector<16xi32>
        %parallel_loop3A_488 = tpu.dynamic_gather %parallel_loop3A_158[%parallel_loop3A_487] in [0] : vector<16xi32>, vector<16xi32> -> vector<16xi32>
        %parallel_loop3A_489 = arith.addi %parallel_loop3A_484, %iota3A : vector<16xi32>
        %parallel_loop3A_490 = tpu.vector_load_idx %arg8[%parallel_loop3A_489] : memref<32000xf32, #tpu.memory_space<vmem>>[vector<16xi32>], vector<16xf32>,
        %parallel_loop3A_491 = arith.constant 16 : i32
        %parallel_loop3A_492 = vector.broadcast %parallel_loop3A_491 : i32 to vector<16xi32>
        %parallel_loop3A_493 = arith.addi %iota3A, %parallel_loop3A_492 : vector<16xi32>
        %parallel_loop3A_494 = arith.addi %parallel_loop3A_484, %parallel_loop3A_493 : vector<16xi32>
        %parallel_loop3A_495 = tpu.vector_load_idx %arg8[%parallel_loop3A_494] : memref<32000xf32, #tpu.memory_space<vmem>>[vector<16xi32>], vector<16xf32>,
        %parallel_loop3A_496 = arith.addi %parallel_loop3A_488, %iota3A : vector<16xi32>
        %parallel_loop3A_497 = tpu.vector_load_idx %arg9[%parallel_loop3A_496] : memref<32000xf32, #tpu.memory_space<vmem>>[vector<16xi32>], vector<16xf32>,
        %parallel_loop3A_498 = arith.constant 16 : i32
        %parallel_loop3A_499 = vector.broadcast %parallel_loop3A_498 : i32 to vector<16xi32>
        %parallel_loop3A_500 = arith.addi %iota3A, %parallel_loop3A_499 : vector<16xi32>
        %parallel_loop3A_501 = arith.addi %parallel_loop3A_488, %parallel_loop3A_500 : vector<16xi32>
        %parallel_loop3A_502 = tpu.vector_load_idx %arg9[%parallel_loop3A_501] : memref<32000xf32, #tpu.memory_space<vmem>>[vector<16xi32>], vector<16xf32>,
        %parallel_loop3A_503 = arith.constant 2 : i32
        %parallel_loop3A_504 = arith.muli %parallel_loop3A_503, %parallel_loop3A_144 : i32
        %parallel_loop3A_505 = arith.constant 0 : i32
        %parallel_loop3A_506 = arith.addi %parallel_loop3A_504, %parallel_loop3A_505 : i32
        %parallel_loop3A_507 = arith.constant 7 : i32
        %parallel_loop3A_508 = arith.index_cast %parallel_loop3A_506 : i32 to index
        %parallel_loop3A_509 = arith.index_cast %parallel_loop3A_507 : i32 to index
        %parallel_loop3A_510 = arith.constant 0 : index
        %parallel_loop3A_511 = tpu.vector_load %arg17[%parallel_loop3A_508, %parallel_loop3A_509, %parallel_loop3A_510] {strides = array<i32>} : memref<20x8x65xf32, #tpu.memory_space<vmem>>, vector<16xf32>,
        tpu.vector_store %arg17[%parallel_loop3A_508, %parallel_loop3A_509, %parallel_loop3A_510], %parallel_loop3A_490 {strides = array<i32>} : memref<20x8x65xf32, #tpu.memory_space<vmem>>, vector<16xf32>,
        %parallel_loop3A_512 = arith.constant 7 : i32
        %parallel_loop3A_513 = arith.index_cast %parallel_loop3A_506 : i32 to index
        %parallel_loop3A_514 = arith.index_cast %parallel_loop3A_512 : i32 to index
        %parallel_loop3A_515 = arith.constant 16 : index
        %parallel_loop3A_516 = tpu.vector_load %arg17[%parallel_loop3A_513, %parallel_loop3A_514, %parallel_loop3A_515] {strides = array<i32>} : memref<20x8x65xf32, #tpu.memory_space<vmem>>, vector<16xf32>,
        tpu.vector_store %arg17[%parallel_loop3A_513, %parallel_loop3A_514, %parallel_loop3A_515], %parallel_loop3A_495 {strides = array<i32>} : memref<20x8x65xf32, #tpu.memory_space<vmem>>, vector<16xf32>,
        %parallel_loop3A_517 = arith.constant 7 : i32
        %parallel_loop3A_518 = arith.index_cast %parallel_loop3A_506 : i32 to index
        %parallel_loop3A_519 = arith.index_cast %parallel_loop3A_517 : i32 to index
        %parallel_loop3A_520 = arith.constant 32 : index
        %parallel_loop3A_521 = tpu.vector_load %arg17[%parallel_loop3A_518, %parallel_loop3A_519, %parallel_loop3A_520] {strides = array<i32>} : memref<20x8x65xf32, #tpu.memory_space<vmem>>, vector<16xf32>,
        tpu.vector_store %arg17[%parallel_loop3A_518, %parallel_loop3A_519, %parallel_loop3A_520], %parallel_loop3A_497 {strides = array<i32>} : memref<20x8x65xf32, #tpu.memory_space<vmem>>, vector<16xf32>,
        %parallel_loop3A_522 = arith.constant 7 : i32
        %parallel_loop3A_523 = arith.index_cast %parallel_loop3A_506 : i32 to index
        %parallel_loop3A_524 = arith.index_cast %parallel_loop3A_522 : i32 to index
        %parallel_loop3A_525 = arith.constant 48 : index
        %parallel_loop3A_526 = tpu.vector_load %arg17[%parallel_loop3A_523, %parallel_loop3A_524, %parallel_loop3A_525] {strides = array<i32>} : memref<20x8x65xf32, #tpu.memory_space<vmem>>, vector<16xf32>,
        tpu.vector_store %arg17[%parallel_loop3A_523, %parallel_loop3A_524, %parallel_loop3A_525], %parallel_loop3A_502 {strides = array<i32>} : memref<20x8x65xf32, #tpu.memory_space<vmem>>, vector<16xf32>,
        %parallel_loop3A_527 = arith.constant 8 : i32
        %parallel_loop3A_528 = vector.broadcast %parallel_loop3A_527 : i32 to vector<16x1xi32>
        %parallel_loop3A_529 = vector.shape_cast %parallel_loop3A_528 : vector<16x1xi32> to vector<16xi32>
        %parallel_loop3A_530 = tpu.dynamic_gather %parallel_loop3A_155[%parallel_loop3A_529] in [0] : vector<16xi32>, vector<16xi32> -> vector<16xi32>
        %parallel_loop3A_531 = arith.constant 8 : i32
        %parallel_loop3A_532 = vector.broadcast %parallel_loop3A_531 : i32 to vector<16x1xi32>
        %parallel_loop3A_533 = vector.shape_cast %parallel_loop3A_532 : vector<16x1xi32> to vector<16xi32>
        %parallel_loop3A_534 = tpu.dynamic_gather %parallel_loop3A_158[%parallel_loop3A_533] in [0] : vector<16xi32>, vector<16xi32> -> vector<16xi32>
        %parallel_loop3A_535 = arith.addi %parallel_loop3A_530, %iota3A : vector<16xi32>
        %parallel_loop3A_536 = tpu.vector_load_idx %arg8[%parallel_loop3A_535] : memref<32000xf32, #tpu.memory_space<vmem>>[vector<16xi32>], vector<16xf32>,
        %parallel_loop3A_537 = arith.constant 16 : i32
        %parallel_loop3A_538 = vector.broadcast %parallel_loop3A_537 : i32 to vector<16xi32>
        %parallel_loop3A_539 = arith.addi %iota3A, %parallel_loop3A_538 : vector<16xi32>
        %parallel_loop3A_540 = arith.addi %parallel_loop3A_530, %parallel_loop3A_539 : vector<16xi32>
        %parallel_loop3A_541 = tpu.vector_load_idx %arg8[%parallel_loop3A_540] : memref<32000xf32, #tpu.memory_space<vmem>>[vector<16xi32>], vector<16xf32>,
        %parallel_loop3A_542 = arith.addi %parallel_loop3A_534, %iota3A : vector<16xi32>
        %parallel_loop3A_543 = tpu.vector_load_idx %arg9[%parallel_loop3A_542] : memref<32000xf32, #tpu.memory_space<vmem>>[vector<16xi32>], vector<16xf32>,
        %parallel_loop3A_544 = arith.constant 16 : i32
        %parallel_loop3A_545 = vector.broadcast %parallel_loop3A_544 : i32 to vector<16xi32>
        %parallel_loop3A_546 = arith.addi %iota3A, %parallel_loop3A_545 : vector<16xi32>
        %parallel_loop3A_547 = arith.addi %parallel_loop3A_534, %parallel_loop3A_546 : vector<16xi32>
        %parallel_loop3A_548 = tpu.vector_load_idx %arg9[%parallel_loop3A_547] : memref<32000xf32, #tpu.memory_space<vmem>>[vector<16xi32>], vector<16xf32>,
        %parallel_loop3A_549 = arith.constant 2 : i32
        %parallel_loop3A_550 = arith.muli %parallel_loop3A_549, %parallel_loop3A_144 : i32
        %parallel_loop3A_551 = arith.constant 1 : i32
        %parallel_loop3A_552 = arith.addi %parallel_loop3A_550, %parallel_loop3A_551 : i32
        %parallel_loop3A_553 = arith.constant 0 : i32
        %parallel_loop3A_554 = arith.index_cast %parallel_loop3A_552 : i32 to index
        %parallel_loop3A_555 = arith.index_cast %parallel_loop3A_553 : i32 to index
        %parallel_loop3A_556 = arith.constant 0 : index
        %parallel_loop3A_557 = tpu.vector_load %arg17[%parallel_loop3A_554, %parallel_loop3A_555, %parallel_loop3A_556] {strides = array<i32>} : memref<20x8x65xf32, #tpu.memory_space<vmem>>, vector<16xf32>,
        tpu.vector_store %arg17[%parallel_loop3A_554, %parallel_loop3A_555, %parallel_loop3A_556], %parallel_loop3A_536 {strides = array<i32>} : memref<20x8x65xf32, #tpu.memory_space<vmem>>, vector<16xf32>,
        %parallel_loop3A_558 = arith.constant 0 : i32
        %parallel_loop3A_559 = arith.index_cast %parallel_loop3A_552 : i32 to index
        %parallel_loop3A_560 = arith.index_cast %parallel_loop3A_558 : i32 to index
        %parallel_loop3A_561 = arith.constant 16 : index
        %parallel_loop3A_562 = tpu.vector_load %arg17[%parallel_loop3A_559, %parallel_loop3A_560, %parallel_loop3A_561] {strides = array<i32>} : memref<20x8x65xf32, #tpu.memory_space<vmem>>, vector<16xf32>,
        tpu.vector_store %arg17[%parallel_loop3A_559, %parallel_loop3A_560, %parallel_loop3A_561], %parallel_loop3A_541 {strides = array<i32>} : memref<20x8x65xf32, #tpu.memory_space<vmem>>, vector<16xf32>,
        %parallel_loop3A_563 = arith.constant 0 : i32
        %parallel_loop3A_564 = arith.index_cast %parallel_loop3A_552 : i32 to index
        %parallel_loop3A_565 = arith.index_cast %parallel_loop3A_563 : i32 to index
        %parallel_loop3A_566 = arith.constant 32 : index
        %parallel_loop3A_567 = tpu.vector_load %arg17[%parallel_loop3A_564, %parallel_loop3A_565, %parallel_loop3A_566] {strides = array<i32>} : memref<20x8x65xf32, #tpu.memory_space<vmem>>, vector<16xf32>,
        tpu.vector_store %arg17[%parallel_loop3A_564, %parallel_loop3A_565, %parallel_loop3A_566], %parallel_loop3A_543 {strides = array<i32>} : memref<20x8x65xf32, #tpu.memory_space<vmem>>, vector<16xf32>,
        %parallel_loop3A_568 = arith.constant 0 : i32
        %parallel_loop3A_569 = arith.index_cast %parallel_loop3A_552 : i32 to index
        %parallel_loop3A_570 = arith.index_cast %parallel_loop3A_568 : i32 to index
        %parallel_loop3A_571 = arith.constant 48 : index
        %parallel_loop3A_572 = tpu.vector_load %arg17[%parallel_loop3A_569, %parallel_loop3A_570, %parallel_loop3A_571] {strides = array<i32>} : memref<20x8x65xf32, #tpu.memory_space<vmem>>, vector<16xf32>,
        tpu.vector_store %arg17[%parallel_loop3A_569, %parallel_loop3A_570, %parallel_loop3A_571], %parallel_loop3A_548 {strides = array<i32>} : memref<20x8x65xf32, #tpu.memory_space<vmem>>, vector<16xf32>,
        %parallel_loop3A_573 = arith.constant 9 : i32
        %parallel_loop3A_574 = vector.broadcast %parallel_loop3A_573 : i32 to vector<16x1xi32>
        %parallel_loop3A_575 = vector.shape_cast %parallel_loop3A_574 : vector<16x1xi32> to vector<16xi32>
        %parallel_loop3A_576 = tpu.dynamic_gather %parallel_loop3A_155[%parallel_loop3A_575] in [0] : vector<16xi32>, vector<16xi32> -> vector<16xi32>
        %parallel_loop3A_577 = arith.constant 9 : i32
        %parallel_loop3A_578 = vector.broadcast %parallel_loop3A_577 : i32 to vector<16x1xi32>
        %parallel_loop3A_579 = vector.shape_cast %parallel_loop3A_578 : vector<16x1xi32> to vector<16xi32>
        %parallel_loop3A_580 = tpu.dynamic_gather %parallel_loop3A_158[%parallel_loop3A_579] in [0] : vector<16xi32>, vector<16xi32> -> vector<16xi32>
        %parallel_loop3A_581 = arith.addi %parallel_loop3A_576, %iota3A : vector<16xi32>
        %parallel_loop3A_582 = tpu.vector_load_idx %arg8[%parallel_loop3A_581] : memref<32000xf32, #tpu.memory_space<vmem>>[vector<16xi32>], vector<16xf32>,
        %parallel_loop3A_583 = arith.constant 16 : i32
        %parallel_loop3A_584 = vector.broadcast %parallel_loop3A_583 : i32 to vector<16xi32>
        %parallel_loop3A_585 = arith.addi %iota3A, %parallel_loop3A_584 : vector<16xi32>
        %parallel_loop3A_586 = arith.addi %parallel_loop3A_576, %parallel_loop3A_585 : vector<16xi32>
        %parallel_loop3A_587 = tpu.vector_load_idx %arg8[%parallel_loop3A_586] : memref<32000xf32, #tpu.memory_space<vmem>>[vector<16xi32>], vector<16xf32>,
        %parallel_loop3A_588 = arith.addi %parallel_loop3A_580, %iota3A : vector<16xi32>
        %parallel_loop3A_589 = tpu.vector_load_idx %arg9[%parallel_loop3A_588] : memref<32000xf32, #tpu.memory_space<vmem>>[vector<16xi32>], vector<16xf32>,
        %parallel_loop3A_590 = arith.constant 16 : i32
        %parallel_loop3A_591 = vector.broadcast %parallel_loop3A_590 : i32 to vector<16xi32>
        %parallel_loop3A_592 = arith.addi %iota3A, %parallel_loop3A_591 : vector<16xi32>
        %parallel_loop3A_593 = arith.addi %parallel_loop3A_580, %parallel_loop3A_592 : vector<16xi32>
        %parallel_loop3A_594 = tpu.vector_load_idx %arg9[%parallel_loop3A_593] : memref<32000xf32, #tpu.memory_space<vmem>>[vector<16xi32>], vector<16xf32>,
        %parallel_loop3A_595 = arith.constant 2 : i32
        %parallel_loop3A_596 = arith.muli %parallel_loop3A_595, %parallel_loop3A_144 : i32
        %parallel_loop3A_597 = arith.constant 1 : i32
        %parallel_loop3A_598 = arith.addi %parallel_loop3A_596, %parallel_loop3A_597 : i32
        %parallel_loop3A_599 = arith.constant 1 : i32
        %parallel_loop3A_600 = arith.index_cast %parallel_loop3A_598 : i32 to index
        %parallel_loop3A_601 = arith.index_cast %parallel_loop3A_599 : i32 to index
        %parallel_loop3A_602 = arith.constant 0 : index
        %parallel_loop3A_603 = tpu.vector_load %arg17[%parallel_loop3A_600, %parallel_loop3A_601, %parallel_loop3A_602] {strides = array<i32>} : memref<20x8x65xf32, #tpu.memory_space<vmem>>, vector<16xf32>,
        tpu.vector_store %arg17[%parallel_loop3A_600, %parallel_loop3A_601, %parallel_loop3A_602], %parallel_loop3A_582 {strides = array<i32>} : memref<20x8x65xf32, #tpu.memory_space<vmem>>, vector<16xf32>,
        %parallel_loop3A_604 = arith.constant 1 : i32
        %parallel_loop3A_605 = arith.index_cast %parallel_loop3A_598 : i32 to index
        %parallel_loop3A_606 = arith.index_cast %parallel_loop3A_604 : i32 to index
        %parallel_loop3A_607 = arith.constant 16 : index
        %parallel_loop3A_608 = tpu.vector_load %arg17[%parallel_loop3A_605, %parallel_loop3A_606, %parallel_loop3A_607] {strides = array<i32>} : memref<20x8x65xf32, #tpu.memory_space<vmem>>, vector<16xf32>,
        tpu.vector_store %arg17[%parallel_loop3A_605, %parallel_loop3A_606, %parallel_loop3A_607], %parallel_loop3A_587 {strides = array<i32>} : memref<20x8x65xf32, #tpu.memory_space<vmem>>, vector<16xf32>,
        %parallel_loop3A_609 = arith.constant 1 : i32
        %parallel_loop3A_610 = arith.index_cast %parallel_loop3A_598 : i32 to index
        %parallel_loop3A_611 = arith.index_cast %parallel_loop3A_609 : i32 to index
        %parallel_loop3A_612 = arith.constant 32 : index
        %parallel_loop3A_613 = tpu.vector_load %arg17[%parallel_loop3A_610, %parallel_loop3A_611, %parallel_loop3A_612] {strides = array<i32>} : memref<20x8x65xf32, #tpu.memory_space<vmem>>, vector<16xf32>,
        tpu.vector_store %arg17[%parallel_loop3A_610, %parallel_loop3A_611, %parallel_loop3A_612], %parallel_loop3A_589 {strides = array<i32>} : memref<20x8x65xf32, #tpu.memory_space<vmem>>, vector<16xf32>,
        %parallel_loop3A_614 = arith.constant 1 : i32
        %parallel_loop3A_615 = arith.index_cast %parallel_loop3A_598 : i32 to index
        %parallel_loop3A_616 = arith.index_cast %parallel_loop3A_614 : i32 to index
        %parallel_loop3A_617 = arith.constant 48 : index
        %parallel_loop3A_618 = tpu.vector_load %arg17[%parallel_loop3A_615, %parallel_loop3A_616, %parallel_loop3A_617] {strides = array<i32>} : memref<20x8x65xf32, #tpu.memory_space<vmem>>, vector<16xf32>,
        tpu.vector_store %arg17[%parallel_loop3A_615, %parallel_loop3A_616, %parallel_loop3A_617], %parallel_loop3A_594 {strides = array<i32>} : memref<20x8x65xf32, #tpu.memory_space<vmem>>, vector<16xf32>,
        %parallel_loop3A_619 = arith.constant 10 : i32
        %parallel_loop3A_620 = vector.broadcast %parallel_loop3A_619 : i32 to vector<16x1xi32>
        %parallel_loop3A_621 = vector.shape_cast %parallel_loop3A_620 : vector<16x1xi32> to vector<16xi32>
        %parallel_loop3A_622 = tpu.dynamic_gather %parallel_loop3A_155[%parallel_loop3A_621] in [0] : vector<16xi32>, vector<16xi32> -> vector<16xi32>
        %parallel_loop3A_623 = arith.constant 10 : i32
        %parallel_loop3A_624 = vector.broadcast %parallel_loop3A_623 : i32 to vector<16x1xi32>
        %parallel_loop3A_625 = vector.shape_cast %parallel_loop3A_624 : vector<16x1xi32> to vector<16xi32>
        %parallel_loop3A_626 = tpu.dynamic_gather %parallel_loop3A_158[%parallel_loop3A_625] in [0] : vector<16xi32>, vector<16xi32> -> vector<16xi32>
        %parallel_loop3A_627 = arith.addi %parallel_loop3A_622, %iota3A : vector<16xi32>
        %parallel_loop3A_628 = tpu.vector_load_idx %arg8[%parallel_loop3A_627] : memref<32000xf32, #tpu.memory_space<vmem>>[vector<16xi32>], vector<16xf32>,
        %parallel_loop3A_629 = arith.constant 16 : i32
        %parallel_loop3A_630 = vector.broadcast %parallel_loop3A_629 : i32 to vector<16xi32>
        %parallel_loop3A_631 = arith.addi %iota3A, %parallel_loop3A_630 : vector<16xi32>
        %parallel_loop3A_632 = arith.addi %parallel_loop3A_622, %parallel_loop3A_631 : vector<16xi32>
        %parallel_loop3A_633 = tpu.vector_load_idx %arg8[%parallel_loop3A_632] : memref<32000xf32, #tpu.memory_space<vmem>>[vector<16xi32>], vector<16xf32>,
        %parallel_loop3A_634 = arith.addi %parallel_loop3A_626, %iota3A : vector<16xi32>
        %parallel_loop3A_635 = tpu.vector_load_idx %arg9[%parallel_loop3A_634] : memref<32000xf32, #tpu.memory_space<vmem>>[vector<16xi32>], vector<16xf32>,
        %parallel_loop3A_636 = arith.constant 16 : i32
        %parallel_loop3A_637 = vector.broadcast %parallel_loop3A_636 : i32 to vector<16xi32>
        %parallel_loop3A_638 = arith.addi %iota3A, %parallel_loop3A_637 : vector<16xi32>
        %parallel_loop3A_639 = arith.addi %parallel_loop3A_626, %parallel_loop3A_638 : vector<16xi32>
        %parallel_loop3A_640 = tpu.vector_load_idx %arg9[%parallel_loop3A_639] : memref<32000xf32, #tpu.memory_space<vmem>>[vector<16xi32>], vector<16xf32>,
        %parallel_loop3A_641 = arith.constant 2 : i32
        %parallel_loop3A_642 = arith.muli %parallel_loop3A_641, %parallel_loop3A_144 : i32
        %parallel_loop3A_643 = arith.constant 1 : i32
        %parallel_loop3A_644 = arith.addi %parallel_loop3A_642, %parallel_loop3A_643 : i32
        %parallel_loop3A_645 = arith.constant 2 : i32
        %parallel_loop3A_646 = arith.index_cast %parallel_loop3A_644 : i32 to index
        %parallel_loop3A_647 = arith.index_cast %parallel_loop3A_645 : i32 to index
        %parallel_loop3A_648 = arith.constant 0 : index
        %parallel_loop3A_649 = tpu.vector_load %arg17[%parallel_loop3A_646, %parallel_loop3A_647, %parallel_loop3A_648] {strides = array<i32>} : memref<20x8x65xf32, #tpu.memory_space<vmem>>, vector<16xf32>,
        tpu.vector_store %arg17[%parallel_loop3A_646, %parallel_loop3A_647, %parallel_loop3A_648], %parallel_loop3A_628 {strides = array<i32>} : memref<20x8x65xf32, #tpu.memory_space<vmem>>, vector<16xf32>,
        %parallel_loop3A_650 = arith.constant 2 : i32
        %parallel_loop3A_651 = arith.index_cast %parallel_loop3A_644 : i32 to index
        %parallel_loop3A_652 = arith.index_cast %parallel_loop3A_650 : i32 to index
        %parallel_loop3A_653 = arith.constant 16 : index
        %parallel_loop3A_654 = tpu.vector_load %arg17[%parallel_loop3A_651, %parallel_loop3A_652, %parallel_loop3A_653] {strides = array<i32>} : memref<20x8x65xf32, #tpu.memory_space<vmem>>, vector<16xf32>,
        tpu.vector_store %arg17[%parallel_loop3A_651, %parallel_loop3A_652, %parallel_loop3A_653], %parallel_loop3A_633 {strides = array<i32>} : memref<20x8x65xf32, #tpu.memory_space<vmem>>, vector<16xf32>,
        %parallel_loop3A_655 = arith.constant 2 : i32
        %parallel_loop3A_656 = arith.index_cast %parallel_loop3A_644 : i32 to index
        %parallel_loop3A_657 = arith.index_cast %parallel_loop3A_655 : i32 to index
        %parallel_loop3A_658 = arith.constant 32 : index
        %parallel_loop3A_659 = tpu.vector_load %arg17[%parallel_loop3A_656, %parallel_loop3A_657, %parallel_loop3A_658] {strides = array<i32>} : memref<20x8x65xf32, #tpu.memory_space<vmem>>, vector<16xf32>,
        tpu.vector_store %arg17[%parallel_loop3A_656, %parallel_loop3A_657, %parallel_loop3A_658], %parallel_loop3A_635 {strides = array<i32>} : memref<20x8x65xf32, #tpu.memory_space<vmem>>, vector<16xf32>,
        %parallel_loop3A_660 = arith.constant 2 : i32
        %parallel_loop3A_661 = arith.index_cast %parallel_loop3A_644 : i32 to index
        %parallel_loop3A_662 = arith.index_cast %parallel_loop3A_660 : i32 to index
        %parallel_loop3A_663 = arith.constant 48 : index
        %parallel_loop3A_664 = tpu.vector_load %arg17[%parallel_loop3A_661, %parallel_loop3A_662, %parallel_loop3A_663] {strides = array<i32>} : memref<20x8x65xf32, #tpu.memory_space<vmem>>, vector<16xf32>,
        tpu.vector_store %arg17[%parallel_loop3A_661, %parallel_loop3A_662, %parallel_loop3A_663], %parallel_loop3A_640 {strides = array<i32>} : memref<20x8x65xf32, #tpu.memory_space<vmem>>, vector<16xf32>,
        %parallel_loop3A_665 = arith.constant 11 : i32
        %parallel_loop3A_666 = vector.broadcast %parallel_loop3A_665 : i32 to vector<16x1xi32>
        %parallel_loop3A_667 = vector.shape_cast %parallel_loop3A_666 : vector<16x1xi32> to vector<16xi32>
        %parallel_loop3A_668 = tpu.dynamic_gather %parallel_loop3A_155[%parallel_loop3A_667] in [0] : vector<16xi32>, vector<16xi32> -> vector<16xi32>
        %parallel_loop3A_669 = arith.constant 11 : i32
        %parallel_loop3A_670 = vector.broadcast %parallel_loop3A_669 : i32 to vector<16x1xi32>
        %parallel_loop3A_671 = vector.shape_cast %parallel_loop3A_670 : vector<16x1xi32> to vector<16xi32>
        %parallel_loop3A_672 = tpu.dynamic_gather %parallel_loop3A_158[%parallel_loop3A_671] in [0] : vector<16xi32>, vector<16xi32> -> vector<16xi32>
        %parallel_loop3A_673 = arith.addi %parallel_loop3A_668, %iota3A : vector<16xi32>
        %parallel_loop3A_674 = tpu.vector_load_idx %arg8[%parallel_loop3A_673] : memref<32000xf32, #tpu.memory_space<vmem>>[vector<16xi32>], vector<16xf32>,
        %parallel_loop3A_675 = arith.constant 16 : i32
        %parallel_loop3A_676 = vector.broadcast %parallel_loop3A_675 : i32 to vector<16xi32>
        %parallel_loop3A_677 = arith.addi %iota3A, %parallel_loop3A_676 : vector<16xi32>
        %parallel_loop3A_678 = arith.addi %parallel_loop3A_668, %parallel_loop3A_677 : vector<16xi32>
        %parallel_loop3A_679 = tpu.vector_load_idx %arg8[%parallel_loop3A_678] : memref<32000xf32, #tpu.memory_space<vmem>>[vector<16xi32>], vector<16xf32>,
        %parallel_loop3A_680 = arith.addi %parallel_loop3A_672, %iota3A : vector<16xi32>
        %parallel_loop3A_681 = tpu.vector_load_idx %arg9[%parallel_loop3A_680] : memref<32000xf32, #tpu.memory_space<vmem>>[vector<16xi32>], vector<16xf32>,
        %parallel_loop3A_682 = arith.constant 16 : i32
        %parallel_loop3A_683 = vector.broadcast %parallel_loop3A_682 : i32 to vector<16xi32>
        %parallel_loop3A_684 = arith.addi %iota3A, %parallel_loop3A_683 : vector<16xi32>
        %parallel_loop3A_685 = arith.addi %parallel_loop3A_672, %parallel_loop3A_684 : vector<16xi32>
        %parallel_loop3A_686 = tpu.vector_load_idx %arg9[%parallel_loop3A_685] : memref<32000xf32, #tpu.memory_space<vmem>>[vector<16xi32>], vector<16xf32>,
        %parallel_loop3A_687 = arith.constant 2 : i32
        %parallel_loop3A_688 = arith.muli %parallel_loop3A_687, %parallel_loop3A_144 : i32
        %parallel_loop3A_689 = arith.constant 1 : i32
        %parallel_loop3A_690 = arith.addi %parallel_loop3A_688, %parallel_loop3A_689 : i32
        %parallel_loop3A_691 = arith.constant 3 : i32
        %parallel_loop3A_692 = arith.index_cast %parallel_loop3A_690 : i32 to index
        %parallel_loop3A_693 = arith.index_cast %parallel_loop3A_691 : i32 to index
        %parallel_loop3A_694 = arith.constant 0 : index
        %parallel_loop3A_695 = tpu.vector_load %arg17[%parallel_loop3A_692, %parallel_loop3A_693, %parallel_loop3A_694] {strides = array<i32>} : memref<20x8x65xf32, #tpu.memory_space<vmem>>, vector<16xf32>,
        tpu.vector_store %arg17[%parallel_loop3A_692, %parallel_loop3A_693, %parallel_loop3A_694], %parallel_loop3A_674 {strides = array<i32>} : memref<20x8x65xf32, #tpu.memory_space<vmem>>, vector<16xf32>,
        %parallel_loop3A_696 = arith.constant 3 : i32
        %parallel_loop3A_697 = arith.index_cast %parallel_loop3A_690 : i32 to index
        %parallel_loop3A_698 = arith.index_cast %parallel_loop3A_696 : i32 to index
        %parallel_loop3A_699 = arith.constant 16 : index
        %parallel_loop3A_700 = tpu.vector_load %arg17[%parallel_loop3A_697, %parallel_loop3A_698, %parallel_loop3A_699] {strides = array<i32>} : memref<20x8x65xf32, #tpu.memory_space<vmem>>, vector<16xf32>,
        tpu.vector_store %arg17[%parallel_loop3A_697, %parallel_loop3A_698, %parallel_loop3A_699], %parallel_loop3A_679 {strides = array<i32>} : memref<20x8x65xf32, #tpu.memory_space<vmem>>, vector<16xf32>,
        %parallel_loop3A_701 = arith.constant 3 : i32
        %parallel_loop3A_702 = arith.index_cast %parallel_loop3A_690 : i32 to index
        %parallel_loop3A_703 = arith.index_cast %parallel_loop3A_701 : i32 to index
        %parallel_loop3A_704 = arith.constant 32 : index
        %parallel_loop3A_705 = tpu.vector_load %arg17[%parallel_loop3A_702, %parallel_loop3A_703, %parallel_loop3A_704] {strides = array<i32>} : memref<20x8x65xf32, #tpu.memory_space<vmem>>, vector<16xf32>,
        tpu.vector_store %arg17[%parallel_loop3A_702, %parallel_loop3A_703, %parallel_loop3A_704], %parallel_loop3A_681 {strides = array<i32>} : memref<20x8x65xf32, #tpu.memory_space<vmem>>, vector<16xf32>,
        %parallel_loop3A_706 = arith.constant 3 : i32
        %parallel_loop3A_707 = arith.index_cast %parallel_loop3A_690 : i32 to index
        %parallel_loop3A_708 = arith.index_cast %parallel_loop3A_706 : i32 to index
        %parallel_loop3A_709 = arith.constant 48 : index
        %parallel_loop3A_710 = tpu.vector_load %arg17[%parallel_loop3A_707, %parallel_loop3A_708, %parallel_loop3A_709] {strides = array<i32>} : memref<20x8x65xf32, #tpu.memory_space<vmem>>, vector<16xf32>,
        tpu.vector_store %arg17[%parallel_loop3A_707, %parallel_loop3A_708, %parallel_loop3A_709], %parallel_loop3A_686 {strides = array<i32>} : memref<20x8x65xf32, #tpu.memory_space<vmem>>, vector<16xf32>,
        %parallel_loop3A_711 = arith.constant 12 : i32
        %parallel_loop3A_712 = vector.broadcast %parallel_loop3A_711 : i32 to vector<16x1xi32>
        %parallel_loop3A_713 = vector.shape_cast %parallel_loop3A_712 : vector<16x1xi32> to vector<16xi32>
        %parallel_loop3A_714 = tpu.dynamic_gather %parallel_loop3A_155[%parallel_loop3A_713] in [0] : vector<16xi32>, vector<16xi32> -> vector<16xi32>
        %parallel_loop3A_715 = arith.constant 12 : i32
        %parallel_loop3A_716 = vector.broadcast %parallel_loop3A_715 : i32 to vector<16x1xi32>
        %parallel_loop3A_717 = vector.shape_cast %parallel_loop3A_716 : vector<16x1xi32> to vector<16xi32>
        %parallel_loop3A_718 = tpu.dynamic_gather %parallel_loop3A_158[%parallel_loop3A_717] in [0] : vector<16xi32>, vector<16xi32> -> vector<16xi32>
        %parallel_loop3A_719 = arith.addi %parallel_loop3A_714, %iota3A : vector<16xi32>
        %parallel_loop3A_720 = tpu.vector_load_idx %arg8[%parallel_loop3A_719] : memref<32000xf32, #tpu.memory_space<vmem>>[vector<16xi32>], vector<16xf32>,
        %parallel_loop3A_721 = arith.constant 16 : i32
        %parallel_loop3A_722 = vector.broadcast %parallel_loop3A_721 : i32 to vector<16xi32>
        %parallel_loop3A_723 = arith.addi %iota3A, %parallel_loop3A_722 : vector<16xi32>
        %parallel_loop3A_724 = arith.addi %parallel_loop3A_714, %parallel_loop3A_723 : vector<16xi32>
        %parallel_loop3A_725 = tpu.vector_load_idx %arg8[%parallel_loop3A_724] : memref<32000xf32, #tpu.memory_space<vmem>>[vector<16xi32>], vector<16xf32>,
        %parallel_loop3A_726 = arith.addi %parallel_loop3A_718, %iota3A : vector<16xi32>
        %parallel_loop3A_727 = tpu.vector_load_idx %arg9[%parallel_loop3A_726] : memref<32000xf32, #tpu.memory_space<vmem>>[vector<16xi32>], vector<16xf32>,
        %parallel_loop3A_728 = arith.constant 16 : i32
        %parallel_loop3A_729 = vector.broadcast %parallel_loop3A_728 : i32 to vector<16xi32>
        %parallel_loop3A_730 = arith.addi %iota3A, %parallel_loop3A_729 : vector<16xi32>
        %parallel_loop3A_731 = arith.addi %parallel_loop3A_718, %parallel_loop3A_730 : vector<16xi32>
        %parallel_loop3A_732 = tpu.vector_load_idx %arg9[%parallel_loop3A_731] : memref<32000xf32, #tpu.memory_space<vmem>>[vector<16xi32>], vector<16xf32>,
        %parallel_loop3A_733 = arith.constant 2 : i32
        %parallel_loop3A_734 = arith.muli %parallel_loop3A_733, %parallel_loop3A_144 : i32
        %parallel_loop3A_735 = arith.constant 1 : i32
        %parallel_loop3A_736 = arith.addi %parallel_loop3A_734, %parallel_loop3A_735 : i32
        %parallel_loop3A_737 = arith.constant 4 : i32
        %parallel_loop3A_738 = arith.index_cast %parallel_loop3A_736 : i32 to index
        %parallel_loop3A_739 = arith.index_cast %parallel_loop3A_737 : i32 to index
        %parallel_loop3A_740 = arith.constant 0 : index
        %parallel_loop3A_741 = tpu.vector_load %arg17[%parallel_loop3A_738, %parallel_loop3A_739, %parallel_loop3A_740] {strides = array<i32>} : memref<20x8x65xf32, #tpu.memory_space<vmem>>, vector<16xf32>,
        tpu.vector_store %arg17[%parallel_loop3A_738, %parallel_loop3A_739, %parallel_loop3A_740], %parallel_loop3A_720 {strides = array<i32>} : memref<20x8x65xf32, #tpu.memory_space<vmem>>, vector<16xf32>,
        %parallel_loop3A_742 = arith.constant 4 : i32
        %parallel_loop3A_743 = arith.index_cast %parallel_loop3A_736 : i32 to index
        %parallel_loop3A_744 = arith.index_cast %parallel_loop3A_742 : i32 to index
        %parallel_loop3A_745 = arith.constant 16 : index
        %parallel_loop3A_746 = tpu.vector_load %arg17[%parallel_loop3A_743, %parallel_loop3A_744, %parallel_loop3A_745] {strides = array<i32>} : memref<20x8x65xf32, #tpu.memory_space<vmem>>, vector<16xf32>,
        tpu.vector_store %arg17[%parallel_loop3A_743, %parallel_loop3A_744, %parallel_loop3A_745], %parallel_loop3A_725 {strides = array<i32>} : memref<20x8x65xf32, #tpu.memory_space<vmem>>, vector<16xf32>,
        %parallel_loop3A_747 = arith.constant 4 : i32
        %parallel_loop3A_748 = arith.index_cast %parallel_loop3A_736 : i32 to index
        %parallel_loop3A_749 = arith.index_cast %parallel_loop3A_747 : i32 to index
        %parallel_loop3A_750 = arith.constant 32 : index
        %parallel_loop3A_751 = tpu.vector_load %arg17[%parallel_loop3A_748, %parallel_loop3A_749, %parallel_loop3A_750] {strides = array<i32>} : memref<20x8x65xf32, #tpu.memory_space<vmem>>, vector<16xf32>,
        tpu.vector_store %arg17[%parallel_loop3A_748, %parallel_loop3A_749, %parallel_loop3A_750], %parallel_loop3A_727 {strides = array<i32>} : memref<20x8x65xf32, #tpu.memory_space<vmem>>, vector<16xf32>,
        %parallel_loop3A_752 = arith.constant 4 : i32
        %parallel_loop3A_753 = arith.index_cast %parallel_loop3A_736 : i32 to index
        %parallel_loop3A_754 = arith.index_cast %parallel_loop3A_752 : i32 to index
        %parallel_loop3A_755 = arith.constant 48 : index
        %parallel_loop3A_756 = tpu.vector_load %arg17[%parallel_loop3A_753, %parallel_loop3A_754, %parallel_loop3A_755] {strides = array<i32>} : memref<20x8x65xf32, #tpu.memory_space<vmem>>, vector<16xf32>,
        tpu.vector_store %arg17[%parallel_loop3A_753, %parallel_loop3A_754, %parallel_loop3A_755], %parallel_loop3A_732 {strides = array<i32>} : memref<20x8x65xf32, #tpu.memory_space<vmem>>, vector<16xf32>,
        %parallel_loop3A_757 = arith.constant 13 : i32
        %parallel_loop3A_758 = vector.broadcast %parallel_loop3A_757 : i32 to vector<16x1xi32>
        %parallel_loop3A_759 = vector.shape_cast %parallel_loop3A_758 : vector<16x1xi32> to vector<16xi32>
        %parallel_loop3A_760 = tpu.dynamic_gather %parallel_loop3A_155[%parallel_loop3A_759] in [0] : vector<16xi32>, vector<16xi32> -> vector<16xi32>
        %parallel_loop3A_761 = arith.constant 13 : i32
        %parallel_loop3A_762 = vector.broadcast %parallel_loop3A_761 : i32 to vector<16x1xi32>
        %parallel_loop3A_763 = vector.shape_cast %parallel_loop3A_762 : vector<16x1xi32> to vector<16xi32>
        %parallel_loop3A_764 = tpu.dynamic_gather %parallel_loop3A_158[%parallel_loop3A_763] in [0] : vector<16xi32>, vector<16xi32> -> vector<16xi32>
        %parallel_loop3A_765 = arith.addi %parallel_loop3A_760, %iota3A : vector<16xi32>
        %parallel_loop3A_766 = tpu.vector_load_idx %arg8[%parallel_loop3A_765] : memref<32000xf32, #tpu.memory_space<vmem>>[vector<16xi32>], vector<16xf32>,
        %parallel_loop3A_767 = arith.constant 16 : i32
        %parallel_loop3A_768 = vector.broadcast %parallel_loop3A_767 : i32 to vector<16xi32>
        %parallel_loop3A_769 = arith.addi %iota3A, %parallel_loop3A_768 : vector<16xi32>
        %parallel_loop3A_770 = arith.addi %parallel_loop3A_760, %parallel_loop3A_769 : vector<16xi32>
        %parallel_loop3A_771 = tpu.vector_load_idx %arg8[%parallel_loop3A_770] : memref<32000xf32, #tpu.memory_space<vmem>>[vector<16xi32>], vector<16xf32>,
        %parallel_loop3A_772 = arith.addi %parallel_loop3A_764, %iota3A : vector<16xi32>
        %parallel_loop3A_773 = tpu.vector_load_idx %arg9[%parallel_loop3A_772] : memref<32000xf32, #tpu.memory_space<vmem>>[vector<16xi32>], vector<16xf32>,
        %parallel_loop3A_774 = arith.constant 16 : i32
        %parallel_loop3A_775 = vector.broadcast %parallel_loop3A_774 : i32 to vector<16xi32>
        %parallel_loop3A_776 = arith.addi %iota3A, %parallel_loop3A_775 : vector<16xi32>
        %parallel_loop3A_777 = arith.addi %parallel_loop3A_764, %parallel_loop3A_776 : vector<16xi32>
        %parallel_loop3A_778 = tpu.vector_load_idx %arg9[%parallel_loop3A_777] : memref<32000xf32, #tpu.memory_space<vmem>>[vector<16xi32>], vector<16xf32>,
        %parallel_loop3A_779 = arith.constant 2 : i32
        %parallel_loop3A_780 = arith.muli %parallel_loop3A_779, %parallel_loop3A_144 : i32
        %parallel_loop3A_781 = arith.constant 1 : i32
        %parallel_loop3A_782 = arith.addi %parallel_loop3A_780, %parallel_loop3A_781 : i32
        %parallel_loop3A_783 = arith.constant 5 : i32
        %parallel_loop3A_784 = arith.index_cast %parallel_loop3A_782 : i32 to index
        %parallel_loop3A_785 = arith.index_cast %parallel_loop3A_783 : i32 to index
        %parallel_loop3A_786 = arith.constant 0 : index
        %parallel_loop3A_787 = tpu.vector_load %arg17[%parallel_loop3A_784, %parallel_loop3A_785, %parallel_loop3A_786] {strides = array<i32>} : memref<20x8x65xf32, #tpu.memory_space<vmem>>, vector<16xf32>,
        tpu.vector_store %arg17[%parallel_loop3A_784, %parallel_loop3A_785, %parallel_loop3A_786], %parallel_loop3A_766 {strides = array<i32>} : memref<20x8x65xf32, #tpu.memory_space<vmem>>, vector<16xf32>,
        %parallel_loop3A_788 = arith.constant 5 : i32
        %parallel_loop3A_789 = arith.index_cast %parallel_loop3A_782 : i32 to index
        %parallel_loop3A_790 = arith.index_cast %parallel_loop3A_788 : i32 to index
        %parallel_loop3A_791 = arith.constant 16 : index
        %parallel_loop3A_792 = tpu.vector_load %arg17[%parallel_loop3A_789, %parallel_loop3A_790, %parallel_loop3A_791] {strides = array<i32>} : memref<20x8x65xf32, #tpu.memory_space<vmem>>, vector<16xf32>,
        tpu.vector_store %arg17[%parallel_loop3A_789, %parallel_loop3A_790, %parallel_loop3A_791], %parallel_loop3A_771 {strides = array<i32>} : memref<20x8x65xf32, #tpu.memory_space<vmem>>, vector<16xf32>,
        %parallel_loop3A_793 = arith.constant 5 : i32
        %parallel_loop3A_794 = arith.index_cast %parallel_loop3A_782 : i32 to index
        %parallel_loop3A_795 = arith.index_cast %parallel_loop3A_793 : i32 to index
        %parallel_loop3A_796 = arith.constant 32 : index
        %parallel_loop3A_797 = tpu.vector_load %arg17[%parallel_loop3A_794, %parallel_loop3A_795, %parallel_loop3A_796] {strides = array<i32>} : memref<20x8x65xf32, #tpu.memory_space<vmem>>, vector<16xf32>,
        tpu.vector_store %arg17[%parallel_loop3A_794, %parallel_loop3A_795, %parallel_loop3A_796], %parallel_loop3A_773 {strides = array<i32>} : memref<20x8x65xf32, #tpu.memory_space<vmem>>, vector<16xf32>,
        %parallel_loop3A_798 = arith.constant 5 : i32
        %parallel_loop3A_799 = arith.index_cast %parallel_loop3A_782 : i32 to index
        %parallel_loop3A_800 = arith.index_cast %parallel_loop3A_798 : i32 to index
        %parallel_loop3A_801 = arith.constant 48 : index
        %parallel_loop3A_802 = tpu.vector_load %arg17[%parallel_loop3A_799, %parallel_loop3A_800, %parallel_loop3A_801] {strides = array<i32>} : memref<20x8x65xf32, #tpu.memory_space<vmem>>, vector<16xf32>,
        tpu.vector_store %arg17[%parallel_loop3A_799, %parallel_loop3A_800, %parallel_loop3A_801], %parallel_loop3A_778 {strides = array<i32>} : memref<20x8x65xf32, #tpu.memory_space<vmem>>, vector<16xf32>,
        %parallel_loop3A_803 = arith.constant 14 : i32
        %parallel_loop3A_804 = vector.broadcast %parallel_loop3A_803 : i32 to vector<16x1xi32>
        %parallel_loop3A_805 = vector.shape_cast %parallel_loop3A_804 : vector<16x1xi32> to vector<16xi32>
        %parallel_loop3A_806 = tpu.dynamic_gather %parallel_loop3A_155[%parallel_loop3A_805] in [0] : vector<16xi32>, vector<16xi32> -> vector<16xi32>
        %parallel_loop3A_807 = arith.constant 14 : i32
        %parallel_loop3A_808 = vector.broadcast %parallel_loop3A_807 : i32 to vector<16x1xi32>
        %parallel_loop3A_809 = vector.shape_cast %parallel_loop3A_808 : vector<16x1xi32> to vector<16xi32>
        %parallel_loop3A_810 = tpu.dynamic_gather %parallel_loop3A_158[%parallel_loop3A_809] in [0] : vector<16xi32>, vector<16xi32> -> vector<16xi32>
        %parallel_loop3A_811 = arith.addi %parallel_loop3A_806, %iota3A : vector<16xi32>
        %parallel_loop3A_812 = tpu.vector_load_idx %arg8[%parallel_loop3A_811] : memref<32000xf32, #tpu.memory_space<vmem>>[vector<16xi32>], vector<16xf32>,
        %parallel_loop3A_813 = arith.constant 16 : i32
        %parallel_loop3A_814 = vector.broadcast %parallel_loop3A_813 : i32 to vector<16xi32>
        %parallel_loop3A_815 = arith.addi %iota3A, %parallel_loop3A_814 : vector<16xi32>
        %parallel_loop3A_816 = arith.addi %parallel_loop3A_806, %parallel_loop3A_815 : vector<16xi32>
        %parallel_loop3A_817 = tpu.vector_load_idx %arg8[%parallel_loop3A_816] : memref<32000xf32, #tpu.memory_space<vmem>>[vector<16xi32>], vector<16xf32>,
        %parallel_loop3A_818 = arith.addi %parallel_loop3A_810, %iota3A : vector<16xi32>
        %parallel_loop3A_819 = tpu.vector_load_idx %arg9[%parallel_loop3A_818] : memref<32000xf32, #tpu.memory_space<vmem>>[vector<16xi32>], vector<16xf32>,
        %parallel_loop3A_820 = arith.constant 16 : i32
        %parallel_loop3A_821 = vector.broadcast %parallel_loop3A_820 : i32 to vector<16xi32>
        %parallel_loop3A_822 = arith.addi %iota3A, %parallel_loop3A_821 : vector<16xi32>
        %parallel_loop3A_823 = arith.addi %parallel_loop3A_810, %parallel_loop3A_822 : vector<16xi32>
        %parallel_loop3A_824 = tpu.vector_load_idx %arg9[%parallel_loop3A_823] : memref<32000xf32, #tpu.memory_space<vmem>>[vector<16xi32>], vector<16xf32>,
        %parallel_loop3A_825 = arith.constant 2 : i32
        %parallel_loop3A_826 = arith.muli %parallel_loop3A_825, %parallel_loop3A_144 : i32
        %parallel_loop3A_827 = arith.constant 1 : i32
        %parallel_loop3A_828 = arith.addi %parallel_loop3A_826, %parallel_loop3A_827 : i32
        %parallel_loop3A_829 = arith.constant 6 : i32
        %parallel_loop3A_830 = arith.index_cast %parallel_loop3A_828 : i32 to index
        %parallel_loop3A_831 = arith.index_cast %parallel_loop3A_829 : i32 to index
        %parallel_loop3A_832 = arith.constant 0 : index
        %parallel_loop3A_833 = tpu.vector_load %arg17[%parallel_loop3A_830, %parallel_loop3A_831, %parallel_loop3A_832] {strides = array<i32>} : memref<20x8x65xf32, #tpu.memory_space<vmem>>, vector<16xf32>,
        tpu.vector_store %arg17[%parallel_loop3A_830, %parallel_loop3A_831, %parallel_loop3A_832], %parallel_loop3A_812 {strides = array<i32>} : memref<20x8x65xf32, #tpu.memory_space<vmem>>, vector<16xf32>,
        %parallel_loop3A_834 = arith.constant 6 : i32
        %parallel_loop3A_835 = arith.index_cast %parallel_loop3A_828 : i32 to index
        %parallel_loop3A_836 = arith.index_cast %parallel_loop3A_834 : i32 to index
        %parallel_loop3A_837 = arith.constant 16 : index
        %parallel_loop3A_838 = tpu.vector_load %arg17[%parallel_loop3A_835, %parallel_loop3A_836, %parallel_loop3A_837] {strides = array<i32>} : memref<20x8x65xf32, #tpu.memory_space<vmem>>, vector<16xf32>,
        tpu.vector_store %arg17[%parallel_loop3A_835, %parallel_loop3A_836, %parallel_loop3A_837], %parallel_loop3A_817 {strides = array<i32>} : memref<20x8x65xf32, #tpu.memory_space<vmem>>, vector<16xf32>,
        %parallel_loop3A_839 = arith.constant 6 : i32
        %parallel_loop3A_840 = arith.index_cast %parallel_loop3A_828 : i32 to index
        %parallel_loop3A_841 = arith.index_cast %parallel_loop3A_839 : i32 to index
        %parallel_loop3A_842 = arith.constant 32 : index
        %parallel_loop3A_843 = tpu.vector_load %arg17[%parallel_loop3A_840, %parallel_loop3A_841, %parallel_loop3A_842] {strides = array<i32>} : memref<20x8x65xf32, #tpu.memory_space<vmem>>, vector<16xf32>,
        tpu.vector_store %arg17[%parallel_loop3A_840, %parallel_loop3A_841, %parallel_loop3A_842], %parallel_loop3A_819 {strides = array<i32>} : memref<20x8x65xf32, #tpu.memory_space<vmem>>, vector<16xf32>,
        %parallel_loop3A_844 = arith.constant 6 : i32
        %parallel_loop3A_845 = arith.index_cast %parallel_loop3A_828 : i32 to index
        %parallel_loop3A_846 = arith.index_cast %parallel_loop3A_844 : i32 to index
        %parallel_loop3A_847 = arith.constant 48 : index
        %parallel_loop3A_848 = tpu.vector_load %arg17[%parallel_loop3A_845, %parallel_loop3A_846, %parallel_loop3A_847] {strides = array<i32>} : memref<20x8x65xf32, #tpu.memory_space<vmem>>, vector<16xf32>,
        tpu.vector_store %arg17[%parallel_loop3A_845, %parallel_loop3A_846, %parallel_loop3A_847], %parallel_loop3A_824 {strides = array<i32>} : memref<20x8x65xf32, #tpu.memory_space<vmem>>, vector<16xf32>,
        %parallel_loop3A_849 = arith.constant 15 : i32
        %parallel_loop3A_850 = vector.broadcast %parallel_loop3A_849 : i32 to vector<16x1xi32>
        %parallel_loop3A_851 = vector.shape_cast %parallel_loop3A_850 : vector<16x1xi32> to vector<16xi32>
        %parallel_loop3A_852 = tpu.dynamic_gather %parallel_loop3A_155[%parallel_loop3A_851] in [0] : vector<16xi32>, vector<16xi32> -> vector<16xi32>
        %parallel_loop3A_853 = arith.constant 15 : i32
        %parallel_loop3A_854 = vector.broadcast %parallel_loop3A_853 : i32 to vector<16x1xi32>
        %parallel_loop3A_855 = vector.shape_cast %parallel_loop3A_854 : vector<16x1xi32> to vector<16xi32>
        %parallel_loop3A_856 = tpu.dynamic_gather %parallel_loop3A_158[%parallel_loop3A_855] in [0] : vector<16xi32>, vector<16xi32> -> vector<16xi32>
        %parallel_loop3A_857 = arith.addi %parallel_loop3A_852, %iota3A : vector<16xi32>
        %parallel_loop3A_858 = tpu.vector_load_idx %arg8[%parallel_loop3A_857] : memref<32000xf32, #tpu.memory_space<vmem>>[vector<16xi32>], vector<16xf32>,
        %parallel_loop3A_859 = arith.constant 16 : i32
        %parallel_loop3A_860 = vector.broadcast %parallel_loop3A_859 : i32 to vector<16xi32>
        %parallel_loop3A_861 = arith.addi %iota3A, %parallel_loop3A_860 : vector<16xi32>
        %parallel_loop3A_862 = arith.addi %parallel_loop3A_852, %parallel_loop3A_861 : vector<16xi32>
        %parallel_loop3A_863 = tpu.vector_load_idx %arg8[%parallel_loop3A_862] : memref<32000xf32, #tpu.memory_space<vmem>>[vector<16xi32>], vector<16xf32>,
        %parallel_loop3A_864 = arith.addi %parallel_loop3A_856, %iota3A : vector<16xi32>
        %parallel_loop3A_865 = tpu.vector_load_idx %arg9[%parallel_loop3A_864] : memref<32000xf32, #tpu.memory_space<vmem>>[vector<16xi32>], vector<16xf32>,
        %parallel_loop3A_866 = arith.constant 16 : i32
        %parallel_loop3A_867 = vector.broadcast %parallel_loop3A_866 : i32 to vector<16xi32>
        %parallel_loop3A_868 = arith.addi %iota3A, %parallel_loop3A_867 : vector<16xi32>
        %parallel_loop3A_869 = arith.addi %parallel_loop3A_856, %parallel_loop3A_868 : vector<16xi32>
        %parallel_loop3A_870 = tpu.vector_load_idx %arg9[%parallel_loop3A_869] : memref<32000xf32, #tpu.memory_space<vmem>>[vector<16xi32>], vector<16xf32>,
        %parallel_loop3A_871 = arith.constant 2 : i32
        %parallel_loop3A_872 = arith.muli %parallel_loop3A_871, %parallel_loop3A_144 : i32
        %parallel_loop3A_873 = arith.constant 1 : i32
        %parallel_loop3A_874 = arith.addi %parallel_loop3A_872, %parallel_loop3A_873 : i32
        %parallel_loop3A_875 = arith.constant 7 : i32
        %parallel_loop3A_876 = arith.index_cast %parallel_loop3A_874 : i32 to index
        %parallel_loop3A_877 = arith.index_cast %parallel_loop3A_875 : i32 to index
        %parallel_loop3A_878 = arith.constant 0 : index
        %parallel_loop3A_879 = tpu.vector_load %arg17[%parallel_loop3A_876, %parallel_loop3A_877, %parallel_loop3A_878] {strides = array<i32>} : memref<20x8x65xf32, #tpu.memory_space<vmem>>, vector<16xf32>,
        tpu.vector_store %arg17[%parallel_loop3A_876, %parallel_loop3A_877, %parallel_loop3A_878], %parallel_loop3A_858 {strides = array<i32>} : memref<20x8x65xf32, #tpu.memory_space<vmem>>, vector<16xf32>,
        %parallel_loop3A_880 = arith.constant 7 : i32
        %parallel_loop3A_881 = arith.index_cast %parallel_loop3A_874 : i32 to index
        %parallel_loop3A_882 = arith.index_cast %parallel_loop3A_880 : i32 to index
        %parallel_loop3A_883 = arith.constant 16 : index
        %parallel_loop3A_884 = tpu.vector_load %arg17[%parallel_loop3A_881, %parallel_loop3A_882, %parallel_loop3A_883] {strides = array<i32>} : memref<20x8x65xf32, #tpu.memory_space<vmem>>, vector<16xf32>,
        tpu.vector_store %arg17[%parallel_loop3A_881, %parallel_loop3A_882, %parallel_loop3A_883], %parallel_loop3A_863 {strides = array<i32>} : memref<20x8x65xf32, #tpu.memory_space<vmem>>, vector<16xf32>,
        %parallel_loop3A_885 = arith.constant 7 : i32
        %parallel_loop3A_886 = arith.index_cast %parallel_loop3A_874 : i32 to index
        %parallel_loop3A_887 = arith.index_cast %parallel_loop3A_885 : i32 to index
        %parallel_loop3A_888 = arith.constant 32 : index
        %parallel_loop3A_889 = tpu.vector_load %arg17[%parallel_loop3A_886, %parallel_loop3A_887, %parallel_loop3A_888] {strides = array<i32>} : memref<20x8x65xf32, #tpu.memory_space<vmem>>, vector<16xf32>,
        tpu.vector_store %arg17[%parallel_loop3A_886, %parallel_loop3A_887, %parallel_loop3A_888], %parallel_loop3A_865 {strides = array<i32>} : memref<20x8x65xf32, #tpu.memory_space<vmem>>, vector<16xf32>,
        %parallel_loop3A_890 = arith.constant 7 : i32
        %parallel_loop3A_891 = arith.index_cast %parallel_loop3A_874 : i32 to index
        %parallel_loop3A_892 = arith.index_cast %parallel_loop3A_890 : i32 to index
        %parallel_loop3A_893 = arith.constant 48 : index
        %parallel_loop3A_894 = tpu.vector_load %arg17[%parallel_loop3A_891, %parallel_loop3A_892, %parallel_loop3A_893] {strides = array<i32>} : memref<20x8x65xf32, #tpu.memory_space<vmem>>, vector<16xf32>,
        tpu.vector_store %arg17[%parallel_loop3A_891, %parallel_loop3A_892, %parallel_loop3A_893], %parallel_loop3A_870 {strides = array<i32>} : memref<20x8x65xf32, #tpu.memory_space<vmem>>, vector<16xf32>,
        %parallel_loop3A_895 = arith.constant 16 : i32
        %parallel_loop3A_896 = arith.muli %parallel_loop3A_144, %parallel_loop3A_895 : i32
        %parallel_loop3A_897 = arith.index_cast %parallel_loop3A_896 : i32 to index
        %parallel_loop3A_898 = tpu.vector_load %arg15[%parallel_loop3A_897] {strides = array<i32>} : memref<160xf32, #tpu.memory_space<vmem>>, vector<16xf32>,
        %parallel_loop3A_899 = arith.constant 2 : i32
        %parallel_loop3A_900 = arith.muli %parallel_loop3A_899, %parallel_loop3A_144 : i32
        %parallel_loop3A_901 = arith.constant 8 : i32
        %parallel_loop3A_902 = vector.broadcast %parallel_loop3A_901 : i32 to vector<16xi32>
        %parallel_loop3A_903 = arith.divsi %iota3A, %parallel_loop3A_902 : vector<16xi32>
        %parallel_loop3A_904 = arith.constant 0 : i32
        %parallel_loop3A_905 = vector.broadcast %parallel_loop3A_904 : i32 to vector<16xi32>
        %parallel_loop3A_906 = arith.cmpi sgt, %iota3A, %parallel_loop3A_905 : vector<16xi32>
        %parallel_loop3A_907 = arith.extui %parallel_loop3A_906 : vector<16xi1> to vector<16xi32>
        %parallel_loop3A_908 = arith.constant 0 : i32
        %parallel_loop3A_909 = vector.broadcast %parallel_loop3A_908 : i32 to vector<16xi32>
        %parallel_loop3A_910 = arith.cmpi slt, %iota3A, %parallel_loop3A_909 : vector<16xi32>
        %parallel_loop3A_911 = arith.extui %parallel_loop3A_910 : vector<16xi1> to vector<16xi32>
        %parallel_loop3A_912 = arith.subi %parallel_loop3A_907, %parallel_loop3A_911 : vector<16xi32>
        %parallel_loop3A_913 = arith.constant 0 : i32
        %parallel_loop3A_914 = arith.cmpi sgt, %parallel_loop3A_901, %parallel_loop3A_913 : i32
        %parallel_loop3A_915 = arith.extui %parallel_loop3A_914 : i1 to i32
        %parallel_loop3A_916 = arith.constant 0 : i32
        %parallel_loop3A_917 = arith.cmpi slt, %parallel_loop3A_901, %parallel_loop3A_916 : i32
        %parallel_loop3A_918 = arith.extui %parallel_loop3A_917 : i1 to i32
        %parallel_loop3A_919 = arith.subi %parallel_loop3A_915, %parallel_loop3A_918 : i32
        %parallel_loop3A_920 = vector.broadcast %parallel_loop3A_919 : i32 to vector<16xi32>
        %parallel_loop3A_921 = arith.cmpi ne, %parallel_loop3A_912, %parallel_loop3A_920 : vector<16xi32>
        %parallel_loop3A_922 = vector.broadcast %parallel_loop3A_901 : i32 to vector<16xi32>
        %parallel_loop3A_923 = arith.remsi %iota3A, %parallel_loop3A_922 : vector<16xi32>
        %parallel_loop3A_924 = arith.constant 0 : i32
        %parallel_loop3A_925 = vector.broadcast %parallel_loop3A_924 : i32 to vector<16xi32>
        %parallel_loop3A_926 = arith.cmpi ne, %parallel_loop3A_923, %parallel_loop3A_925 : vector<16xi32>
        %parallel_loop3A_927 = arith.andi %parallel_loop3A_921, %parallel_loop3A_926 : vector<16xi1>
        %parallel_loop3A_928 = arith.constant 1 : i32
        %parallel_loop3A_929 = vector.broadcast %parallel_loop3A_928 : i32 to vector<16xi32>
        %parallel_loop3A_930 = arith.subi %parallel_loop3A_903, %parallel_loop3A_929 : vector<16xi32>
        %parallel_loop3A_931 = arith.select %parallel_loop3A_927, %parallel_loop3A_930, %parallel_loop3A_903 : vector<16xi1>, vector<16xi32>
        %parallel_loop3A_932 = vector.broadcast %parallel_loop3A_900 : i32 to vector<16xi32>
        %parallel_loop3A_933 = arith.addi %parallel_loop3A_932, %parallel_loop3A_931 : vector<16xi32>
        %parallel_loop3A_934 = arith.constant 8 : i32
        %parallel_loop3A_935 = arith.constant 0 : i32
        %parallel_loop3A_936 = arith.cmpi eq, %parallel_loop3A_934, %parallel_loop3A_935 : i32
        %parallel_loop3A_937 = arith.constant 1 : i32
        %parallel_loop3A_938 = arith.select %parallel_loop3A_936, %parallel_loop3A_937, %parallel_loop3A_934 : i32
        %parallel_loop3A_939 = vector.broadcast %parallel_loop3A_938 : i32 to vector<16xi32>
        %parallel_loop3A_940 = arith.remsi %iota3A, %parallel_loop3A_939 : vector<16xi32>
        %parallel_loop3A_941 = arith.constant 0 : i32
        %parallel_loop3A_942 = vector.broadcast %parallel_loop3A_941 : i32 to vector<16xi32>
        %parallel_loop3A_943 = arith.cmpi ne, %parallel_loop3A_940, %parallel_loop3A_942 : vector<16xi32>
        %parallel_loop3A_944 = arith.constant 0 : i32
        %parallel_loop3A_945 = vector.broadcast %parallel_loop3A_944 : i32 to vector<16xi32>
        %parallel_loop3A_946 = arith.cmpi slt, %parallel_loop3A_940, %parallel_loop3A_945 : vector<16xi32>
        %parallel_loop3A_947 = arith.constant 0 : i32
        %parallel_loop3A_948 = arith.cmpi slt, %parallel_loop3A_938, %parallel_loop3A_947 : i32
        %parallel_loop3A_949 = vector.broadcast %parallel_loop3A_948 : i1 to vector<16xi1>
        %parallel_loop3A_950 = vector.broadcast %parallel_loop3A_949 : vector<16xi1> to vector<16xi1>
        %parallel_loop3A_951 = arith.xori %parallel_loop3A_946, %parallel_loop3A_950 : vector<16xi1>
        %parallel_loop3A_952 = arith.andi %parallel_loop3A_951, %parallel_loop3A_943 : vector<16xi1>
        %parallel_loop3A_953 = vector.broadcast %parallel_loop3A_938 : i32 to vector<16xi32>
        %parallel_loop3A_954 = arith.addi %parallel_loop3A_940, %parallel_loop3A_953 : vector<16xi32>
        %parallel_loop3A_955 = arith.select %parallel_loop3A_952, %parallel_loop3A_954, %parallel_loop3A_940 : vector<16xi1>, vector<16xi32>
        %parallel_loop3A_956 = arith.constant 64 : i32
        %parallel_loop3A_957 = vector.broadcast %parallel_loop3A_956 : i32 to vector<16xi32>
        tpu.vector_store_idx %arg17[%parallel_loop3A_933, %parallel_loop3A_955, %parallel_loop3A_957], %parallel_loop3A_898 : memref<20x8x65xf32, #tpu.memory_space<vmem>>[vector<16xi32>, vector<16xi32>, vector<16xi32>], vector<16xf32>,
      } {sc.loop_unroll_factor = 2 : i64, sc.parallel_access}
      %add3A_109 = arith.constant 1 : i32
      %add3A_110 = arith.addi %mul3A_32, %add3A_109 : i32
      %mul3A_111 = arith.constant 160 : i32
      %mul3A_112 = arith.muli %add3A_110, %mul3A_111 : i32
      %add3A_113 = arith.addi %mul3A_2, %mul3A_112 : i32
      %jit3A_114 = arith.constant 8 : i32
      %div3A_115 = arith.divsi %add3A_113, %jit3A_114 : i32
      %sign3A_116 = arith.constant 0 : i32
      %sign3A_117 = arith.cmpi sgt, %add3A_113, %sign3A_116 : i32
      %sign3A_118 = arith.extui %sign3A_117 : i1 to i32
      %sign3A_119 = arith.constant 0 : i32
      %sign3A_120 = arith.cmpi slt, %add3A_113, %sign3A_119 : i32
      %sign3A_121 = arith.extui %sign3A_120 : i1 to i32
      %sign3A_122 = arith.subi %sign3A_118, %sign3A_121 : i32
      %sign3A_123 = arith.constant 0 : i32
      %sign3A_124 = arith.cmpi sgt, %jit3A_114, %sign3A_123 : i32
      %sign3A_125 = arith.extui %sign3A_124 : i1 to i32
      %sign3A_126 = arith.constant 0 : i32
      %sign3A_127 = arith.cmpi slt, %jit3A_114, %sign3A_126 : i32
      %sign3A_128 = arith.extui %sign3A_127 : i1 to i32
      %sign3A_129 = arith.subi %sign3A_125, %sign3A_128 : i32
      %ne3A_130 = arith.cmpi ne, %sign3A_122, %sign3A_129 : i32
      %rem3A_131 = arith.remsi %add3A_113, %jit3A_114 : i32
      %ne3A_132 = arith.constant 0 : i32
      %ne3A_133 = arith.cmpi ne, %rem3A_131, %ne3A_132 : i32
      %and3A_134 = arith.andi %ne3A_130, %ne3A_133 : i1
      %sub3A_135 = arith.constant 1 : i32
      %sub3A_136 = arith.subi %div3A_115, %sub3A_135 : i32
      %select_n3A_137 = arith.select %and3A_134, %sub3A_136, %div3A_115 : i32
      %dma_start3A_138 = arith.constant 0 : i32
      %dma_start3A_139 = arith.constant 0 : i32
      %dma_start3A_140 = tpu.memref_slice %arg7[%select_n3A_137, %dma_start3A_138, %dma_start3A_139] : memref<409600x8x65xf32, #tpu.memory_space<hbm>> -> memref<20x8x65xf32, #tpu.memory_space<hbm>>
      %dma_start3A_141 = arith.constant 0 : i32
      %dma_start3A_142 = arith.constant 0 : i32
      %dma_start3A_143 = tpu.memref_slice %arg7[%select_n3A_137, %dma_start3A_141, %dma_start3A_142] : memref<409600x8x65xf32, #tpu.memory_space<hbm>> -> memref<20x8x65xf32, #tpu.memory_space<hbm>>
      tpu.enqueue_dma source(%arg17 : memref<20x8x65xf32, #tpu.memory_space<vmem>>) target(%dma_start3A_143 : memref<20x8x65xf32, #tpu.memory_space<hbm>>) target_semaphore(%arg21 : memref<!tpu.dma_semaphore, #tpu.memory_space<semaphore_mem>>)
    }
    %scan3A_14 = arith.constant 320 : i32
    %dma_wait3A = arith.constant 0 : i32
    %dma_wait3A_15 = arith.constant 0 : i32
    %dma_wait3A_16 = arith.constant 0 : i32
    %dma_wait3A_17 = tpu.memref_slice %arg7[%dma_wait3A, %dma_wait3A_15, %dma_wait3A_16] : memref<409600x8x65xf32, #tpu.memory_space<hbm>> -> memref<20x8x65xf32, #tpu.memory_space<hbm>>
    %dma_wait3A_18 = arith.constant 0 : i32
    %dma_wait3A_19 = arith.constant 0 : i32
    %dma_wait3A_20 = arith.constant 0 : i32
    %dma_wait3A_21 = tpu.memref_slice %arg7[%dma_wait3A_18, %dma_wait3A_19, %dma_wait3A_20] : memref<409600x8x65xf32, #tpu.memory_space<hbm>> -> memref<20x8x65xf32, #tpu.memory_space<hbm>>
    tpu.wait_dma2 semaphore(%arg20 : memref<!tpu.dma_semaphore, #tpu.memory_space<semaphore_mem>>) src(%arg16 : memref<20x8x65xf32, #tpu.memory_space<vmem>>) dst(%dma_wait3A_21 : memref<20x8x65xf32, #tpu.memory_space<hbm>>)
    %dma_wait3A_22 = arith.constant 0 : i32
    %dma_wait3A_23 = arith.constant 0 : i32
    %dma_wait3A_24 = arith.constant 0 : i32
    %dma_wait3A_25 = tpu.memref_slice %arg7[%dma_wait3A_22, %dma_wait3A_23, %dma_wait3A_24] : memref<409600x8x65xf32, #tpu.memory_space<hbm>> -> memref<20x8x65xf32, #tpu.memory_space<hbm>>
    %dma_wait3A_26 = arith.constant 0 : i32
    %dma_wait3A_27 = arith.constant 0 : i32
    %dma_wait3A_28 = arith.constant 0 : i32
    %dma_wait3A_29 = tpu.memref_slice %arg7[%dma_wait3A_26, %dma_wait3A_27, %dma_wait3A_28] : memref<409600x8x65xf32, #tpu.memory_space<hbm>> -> memref<20x8x65xf32, #tpu.memory_space<hbm>>
    tpu.wait_dma2 semaphore(%arg21 : memref<!tpu.dma_semaphore, #tpu.memory_space<semaphore_mem>>) src(%arg17 : memref<20x8x65xf32, #tpu.memory_space<vmem>>) dst(%dma_wait3A_29 : memref<20x8x65xf32, #tpu.memory_space<hbm>>)
    return
  }
}

</mosaic_0001>

<sc_bundles>
// kernel: _run.3.cloned.1.call-start
scs
__scs_entry_jumppad:
0x0: {  	(pc) =	sbr.rel $0x88, $3  }
0x1: {  	(tag) =	ssettag $0x0;
	lr =	simm.s32 $0x1  }
0x2: {  	[smem:$0x3F9C] =	sst lr;
	_ =	strace $0xD0000000  }
0x3: {  	_ = 	snop  }
0x4: {  	_ = 	snop  }
0x5: {  	_ = 	snop  }
0x6: {  	_ = 	snop  }
0x7: {  	_ = 	snop  }
__scs_overlays_trampoline_lowered:
0x8: {  	[smem:$0x3FAB] =	sst s0  }
0x9: {  	[smem:$0x3FAC] =	sst s1  }
0xa: {  	[smem:$0x3FAD] =	sst s2  }
0xb: {  	[smem:$0x3FAE] =	sst s3  }
0xc: {  	[smem:$0x3FAF] =	sst s4  }
0xd: {  	[smem:$0x3FB0] =	sst s5  }
0xe: {  	[smem:$0x3FB1] =	sst s6  }
0xf: {  	[smem:$0x3FB2] =	sst s7  }
0x10: {  	[smem:$0x3FB3] =	sst s8  }
0x11: {  	[smem:$0x3FB4] =	sst s9;
	s0 =	simm.s32 @!p0 $0x0  }
0x12: {  	s1 =	sld [smem:$0x3F9A];
	s0 =	simm.s32 @p0 $0x1  }
0x13: {  	[smem:$0x3FB5] =	sst s0;
	s0 =	simm.s32 @!p1 $0x0  }
0x14: {  	s2 =	sld [smem:$0x3F99];
	s0 =	simm.s32 @p1 $0x1  }
0x15: {  	[smem:$0x3FB6] =	sst s0;
	s0 =	simm.s32 @!p2 $0x0  }
0x16: {  	s3 =	sld [smem:$0x3FDB];
	s0 =	simm.s32 @p2 $0x1  }
0x17: {  	s4 =	simm.s32 $0x1BF5;
	[smem:$0x3FB8] =	sst s0  }
0x18: {  	s0 =	sld [smem:$0x3F9B];
	_ =	swait.ge [sflag:s4], $0x0  }
0x19: {  	s7 =	sld [smem:$0x3F9C]  }
0x1a: {  	s8 =	sadd.s32 $0xFFFFE003, lr  }
0x1b: {  	s9 =	sadd.s32 $0xFFFFFEF7, lr;
	s5 =	simm.s32 $0xFFFFFFFF;
	p2 =	slt.u32 s8, $0xFFFFF086  }
0x1c: {  	p1 =	slt.u32 s9, $0xF7A;
	s5 =	simm.s32 @!p2 $0x0  }
0x1d: {  	s5 =	simm.s32 @p1 $0x1;
	p0 =	seq.s32 s7, s2  }
0x1e: {  	s7 =	smul.u32 @!p0 $0xF7A, s2;
	p2 =	seq.s32 @!p0 s5, $0x0  }
0x1f: {  	s9 =	smul.u32 $0xF7A, s1;
	s8 =	simm.s32 @!p0 $0x1BF5;
	p2 =	por !p2, p0  }
0x20: {  	[sflag:s8] =	ssyncset.s32 @!p0 $0xFFFFF086;
	s6 =	sadd.s32 @!p0 s3, s7;
	s7 =	simm.s32 @!p0 $0x108  }
0x21: {  	s3 =	sadd.s32 s3, s9;
	s6 =	sadd.s32 @!p0 $0x88, s6;
	s7 =	simm.s32 @p2 $0x1082  }
0x22: {  	[simem:s7], [sflag:s8] =	dma.local @!p0 [hbm:s6], $0xF7A  }
0x23: {  	s9 =	sor.u32 $0xD0000000, s2;
	s6 =	simm.s32 $0x108;
	_ =	swait.ge @!p0 [sflag:s8], $0x0  }
0x24: {  	s3 =	sadd.s32 $0x88, s3;
	s6 =	simm.s32 @!p1 $0x1082;
	[sflag:s4] =	ssyncset.s32 $0xFFFFF086  }
0x25: {  	[simem:s6], [sflag:s4] =	dma.local [hbm:s3], $0xF7A  }
0x26: {  	[smem:$0x3F9C] =	sst s1;
	(tag) =	ssettag s2;
	_ =	strace s9  }
0x27: {  	s1 =	sld [smem:$0x3FAC]  }
0x28: {  	s2 =	sld [smem:$0x3FAD]  }
0x29: {  	s4 =	sld [smem:$0x3FAF]  }
0x2a: {  	p0 =	seq.s32 s5, $0x0;
	s5 =	sld [smem:$0x3FB0]  }
0x2b: {  	s6 =	sld [smem:$0x3FB1]  }
0x2c: {  	s7 =	sld [smem:$0x3FB2]  }
0x2d: {  	s3 =	simm.s32 $0x108;
	s8 =	sld [smem:$0x3FB3]  }
0x2e: {  	s3 =	simm.s32 @!p0 $0x1082;
	s9 =	sld [smem:$0x3FB4]  }
0x2f: {  	lr =	sadd.s32 s0, s3;
	s0 =	sld [smem:$0x3FAB]  }
0x30: {  	s3 =	sld [smem:$0x3FAE]  }
0x31: {  	[smem:$0x3FB7] =	sst s10  }
0x32: {  	s10 =	sld [smem:$0x3FB5];
	_ =	sdelay $0x3  }
0x33: {  	p0 =	seq.s32 s10, $0x1;
	s10 =	sld [smem:$0x3FB7];
	_ =	sdelay $0x3  }
0x34: {  	[smem:$0x3FB7] =	sst s10  }
0x35: {  	s10 =	sld [smem:$0x3FB6];
	_ =	sdelay $0x3  }
0x36: {  	p1 =	seq.s32 s10, $0x1;
	s10 =	sld [smem:$0x3FB7];
	_ =	sdelay $0x3  }
0x37: {  	[smem:$0x3FB7] =	sst s10  }
0x38: {  	s10 =	sld [smem:$0x3FB8]  }
0x39: {  	_ = 	snop;
	(pc) =	sbr.ind lr, $3  }
0x3a: {  	_ = 	snop  }
0x3b: {  	_ = 	snop  }
0x3c: {  	p2 =	seq.s32 s10, $0x1;
	s10 =	sld [smem:$0x3FB7]  }
0x3d: {  	_ =	shalt  }
0x3e: {  	_ =	shalt  }
0x3f: {  	_ =	shalt  }
0x40: {  	_ =	shalt  }
0x41: {  	_ =	shalt  }
0x42: {  	_ =	shalt  }
0x43: {  	_ =	shalt  }
0x44: {  	_ =	shalt  }
0x45: {  	_ =	shalt  }
0x46: {  	_ =	shalt  }
0x47: {  	_ =	shalt  }
0x48: {  	_ =	shalt  }
0x49: {  	_ =	shalt  }
0x4a: {  	_ =	shalt  }
0x4b: {  	_ =	shalt  }
0x4c: {  	_ =	shalt  }
0x4d: {  	_ =	shalt  }
0x4e: {  	_ =	shalt  }
0x4f: {  	_ =	shalt  }
0x50: {  	_ =	shalt  }
0x51: {  	_ =	shalt  }
0x52: {  	_ =	shalt  }
0x53: {  	_ =	shalt  }
0x54: {  	_ =	shalt  }
0x55: {  	_ =	shalt  }
0x56: {  	_ =	shalt  }
0x57: {  	_ =	shalt  }
0x58: {  	_ =	shalt  }
0x59: {  	_ =	shalt  }
0x5a: {  	_ =	shalt  }
0x5b: {  	_ =	shalt  }
0x5c: {  	_ =	shalt  }
0x5d: {  	_ =	shalt  }
0x5e: {  	_ =	shalt  }
0x5f: {  	_ =	shalt  }
0x60: {  	_ =	shalt  }
0x61: {  	_ =	shalt  }
0x62: {  	_ =	shalt  }
0x63: {  	_ =	shalt  }
0x64: {  	_ =	shalt  }
0x65: {  	_ =	shalt  }
0x66: {  	_ =	shalt  }
0x67: {  	_ =	shalt  }
0x68: {  	_ =	shalt  }
0x69: {  	_ =	shalt  }
0x6a: {  	_ =	shalt  }
0x6b: {  	_ =	shalt  }
0x6c: {  	_ =	shalt  }
0x6d: {  	_ =	shalt  }
0x6e: {  	_ =	shalt  }
0x6f: {  	_ =	shalt  }
0x70: {  	_ =	shalt  }
0x71: {  	_ =	shalt  }
0x72: {  	_ =	shalt  }
0x73: {  	_ =	shalt  }
0x74: {  	_ =	shalt  }
0x75: {  	_ =	shalt  }
0x76: {  	_ =	shalt  }
0x77: {  	_ =	shalt  }
0x78: {  	_ =	shalt  }
0x79: {  	_ =	shalt  }
0x7a: {  	_ =	shalt  }
0x7b: {  	_ =	shalt  }
0x7c: {  	_ =	shalt  }
0x7d: {  	_ =	shalt  }
0x7e: {  	_ =	shalt  }
0x7f: {  	_ =	shalt  }
0x80: {  	_ =	shalt  }
0x81: {  	_ =	shalt  }
0x82: {  	_ =	shalt  }
0x83: {  	_ =	shalt  }
0x84: {  	_ =	shalt  }
0x85: {  	_ =	shalt  }
0x86: {  	_ =	shalt  }
0x87: {  	_ =	shalt  }
.Lfunc_end0:
.L_simem_size_0:
called_computation_lowered:
.L_overlay_start_0:
0x88: {  	s2 =	sld [smem:$0x3FD9]  }
0x89: {  	s3 =	sld [smem:$0x3FFE];
	_ =	sdelay $0x1  }
0x8a: {  	s1 =	srdreg.scid  }
0x8b: {  	s0 =	sand.u32 $0x1, s1  }
0x8c: {  	s17 =	sshll.u32 s0, $0xA;
	s2 =	sadd.s32 s3, s2  }
0x8d: {  	s2 =	sadd.s32 s2, s17  }
0x8e: {  	[smem:$0x3FC3] =	sst s2  }
0x8f: {  	_ = 	snop  }
0x90: {  	s2 =	sld [smem:$0x3FC9]  }
0x91: {  	s18 =	sld [smem:$0x3FC8]  }
0x92: {  	s4 =	sld [smem:$0x3FC7]  }
0x93: {  	s5 =	sld [smem:$0x3FC6]  }
0x94: {  	s6 =	sld [smem:$0x3FC5];
	(tm) =	ssettm $0x1  }
0x95: {  	s7 =	sld [smem:$0x3FFB];
	_ =	sdelay $0x3  }
0x96: {  	_ =	strace s7  }
0x97: {  	s7 =	sld [smem:$0x3FFC];
	_ =	sdelay $0x3  }
0x98: {  	_ =	strace s7  }
0x99: {  	s7 =	sld [smem:$0x3FFD];
	_ =	sdelay $0x3  }
0x9a: {  	_ =	strace s7  }
0x9b: {  	_ =	strace $0x8FFFFFFF  }
0x9c: {  	s19 =	sld [smem:$0x3FDB];
	_ =	sdelay $0x1  }
0x9d: {  	s8 =	simm.s32 $_scs_section_size  }
0x9e: {  	s9 =	simm.s32 $_size__tile_overlayer_lowered;
	s10 =	simm.s32 $_tile_overlayer_lowered  }
0x9f: {  	s22 =	simm.s32 $0x1BFF;
	s21 =	sshll.u32 s10, $0x1;
	s7 =	sadd.s32 s8, s19  }
0xa0: {  	s11 =	simm.s32 $0x0;
	s20 =	sshll.u32 s9, $0x1;
	s9 =	sadd.s32 s21, s7  }
0xa1: {  	[timem:s11], [sflag:s22] =	dma.local [hbm:s9], s20  }
0xa2: {  	_ =	swait.ge [sflag:s22], s20  }
0xa3: {  	s8 =	ssub.s32 $0x0, s20;
	[sflag:s22] =	ssyncset.done $0x0  }
0xa4: {  	[sflag:s22] =	ssyncadd.s32 s8;
	_ =	sdelay $0x1  }
0xa5: {  	s23 =	simm.s32 $0x1B8B  }
0xa6: {  	_ =	swait.ge [sflag:s23], $0x1  }
0xa7: {  	[sflag:s23] =	ssyncset.done $0x0  }
0xa8: {  	s25 =	simm.s32 $0x1B8E;
	s24 =	sld [smem:$0x3FFE];
	[sflag:s23] =	ssyncadd.s32 $0xFFFFFFFF  }
0xa9: {  	s26 =	simm.s32 $execute0_lowered;
	[smem:$0x3FD2] =	sst s25  }
0xaa: {  	s9 =	sshll.u32 s26, $0x1;
	_ =	strace $0x80000046;
	[dreg:$0x1] =	wrdreg $0xFFFFFFFF  }
0xab: {  	s28 =	simm.s32 $_size_execute0_lowered;
	s7 =	sadd.s32 s7, s9;
	[dreg:$0x0] =	wrdreg $0x0  }
0xac: {  	s9 =	sshll.u32 s28, $0x1;
	[dreg:$0x2] =	wrdreg s7  }
0xad: {  	[dreg:$0x3] =	wrdreg s9  }
0xae: {  	[dreg:$0x4] =	wrdreg $0xC0  }
0xaf: {  	_ =	task [dreg:s11], $0x5FFFF  }
0xb0: {  	[dreg:$0x1] =	wrdreg $0xFFFFFFFF  }
0xb1: {  	[dreg:$0x0] =	wrdreg $0x60  }
0xb2: {  	[dreg:$0x2] =	wrdreg s2  }
0xb3: {  	[dreg:$0x3] =	wrdreg s18  }
0xb4: {  	[dreg:$0x4] =	wrdreg s4  }
0xb5: {  	[dreg:$0x5] =	wrdreg s5  }
0xb6: {  	[dreg:$0x6] =	wrdreg s6  }
0xb7: {  	[dreg:$0x7] =	wrdreg s24  }
0xb8: {  	[dreg:$0x8] =	wrdreg $0x9  }
0xb9: {  	_ =	task.clear_ibuf [dreg:s11], $0x9FFFF;
	_ =	strace $0x90000046  }
0xba: {  	s29 =	simm.s32 $0x9;
	_ =	strace $0x80000048  }
0xbb: {  	_ =	swait.ge [sflag:s29], $0x1  }
0xbc: {  	[sflag:s29] =	ssyncadd.s32 $0xFFFFFFFF  }
0xbd: {  	_ =	strace $0x90000048  }
0xbe: {  	_ =	sfence  }
0xbf: {  	s30 =	sld [smem:$0x0];
	_ =	sdelay $0x2  }
0xc0: {  	s31 =	sshll.u32 s1, $0xD;
	s1 =	sshrl.u32 s1, $0x2  }
0xc1: {  	s3 =	sand.u32 $0x4000, s31;
	s1 =	sadd.s32 s1, s30  }
0xc2: {  	s0 =	sor.u32 s3, s0;
	s1 =	sshll.u32 s1, $0x11  }
0xc3: {  	s0 =	sor.u32 s1, s0  }
0xc4: {  	s0 =	sadd.s32 $0x8F2B, s0  }
0xc5: {  	[sflag:s0] =	ssyncadd.remote.s32 $0x1  }
0xc6: {  	_ =	sfence.sel $0xFFFF  }
0xc7: {  	[dreg:$0x0] =	wrdreg $0xFFFFFFFF;
	(pc) =	sbr.abs _section_cstart, $3  }
0xc8: {  	[dreg:$0x1] =	wrdreg $0xFFFFFFFF  }
0xc9: {  	_ =	task.clear_ibuf [dreg:s11], $0x2FFFF;
	_ =	strace $0x9FFFFFFF  }
0xca: {  	(tm) =	ssettm $0x7FFFFFFF  }
0xcb: {  	_ =	shalt  }
tec
execute0_lowered:
.L_overlay_start_1:
0x0: {  	(tag) =	ssettag $0x1  }
0x1: {  	s0 =	rddreg [dreg:$0x0]  }
0x2: {  	s1 =	rddreg [dreg:$0x1]  }
0x3: {  	s3 =	rddreg [dreg:$0x2]  }
0x4: {  	s2 =	srdreg.scid;
	s5 =	stileid.u32  }
0x5: {  	s4 =	rddreg [dreg:$0x5];
	s7 =	simm.s32 $0x0;
	s16 =	simm.s32 $0x5  }
0x6: {  	s17 =	simm.s32 $0x7D00;
	s21 =	simm.s32 $0xFB00;
	s22 =	simm.s32 $0xFD00  }
0x7: {  	s23 =	simm.s32 $0xFF00;
	s2 =	sand.u32 $0x1, s2;
	s5 =	sshll.u32 s5, $0x1  }
0x8: {  	v1 =	vlaneseq.u32;
	s24 =	simm.s32 $0x1;
	s5 =	sor.u32 s2, s5;
	s2 =	ssub.s32 $0x2, s2  }
0x9: {  	v31 =	vimm.s32 $0x0;
	v36 =	vimm.s32 $0x1;
	v29 =	vimm.s32 $0x2;
	s28 =	simm.s32 $0x15000;
	s8 =	smul.u32 $0x19000, s5;
	s25 =	sshrl.u32 s2, $0x1  }
0xa: {  	v27 =	vimm.s32 $0x3;
	v35 =	vimm.s32 $0x4;
	v32 =	vimm.s32 $0x6;
	s31 =	simm.s32 $0x0;
	[smem:$0x7FF] =	sst s7;
	s2 =	ssub.s32 s2, s25  }
0xb: {  	v37 =	vimm.s32 $0x7;
	s9 =	sadd.s32 $0x400, s4;
	v0 =	vshrl.u32 v1, $0x3;
	v2 =	vand.u32 $0x7, v1;
	s26 =	sshrl.u32 s8, $0x3;
	s2 =	smax.u32 s2, $0x1  }
0xc: {  	v38 =	vimm.s32 $0x8;
	_ =	strace $0x80000047;
	v45 =	vmul.u32 $0x400, v0;
	v0 =	vmul.u32 $0x80, v2;
	s29 =	sadd.s32 s0, s26;
	[dreg:$0xa] =	wrdreg s2  }
0xd: {  	v24 =	vimm.s32 $0x9;
	v40 =	vimm.s32 $0xA;
	v46 =	vimm.s32 $0xB;
	s25 =	simm.s32 $0x10000;
	s30 =	sadd.s32 s1, s26;
	[dreg:$0x7] =	wrdreg s29  }
0xe: {  	v28 =	vimm.s32 $0xC;
	v15 =	vimm.s32 $0xD;
	v49 =	vor.u32 $0x40, v0;
	[tilespmem:$0x1FFF0] =	vst v45;
	s13 =	sor.u32 $0xA0, s8;
	s4 =	sadd.s32 s3, s26;
	[dreg:$0x8] =	wrdreg s30  }
0xf: {  	v47 =	vimm.s32 $0xE;
	v48 =	vimm.s32 $0xF;
	v3 =	vor.u32 $0x10, v1;
	s14 =	sor.u32 $0x140, s8;
	[tilespmem:$0x1FFE0] =	vst v49;
	s26 =	simm.s32 $0x2;
	[dreg:$0x9] =	wrdreg s4  }
.LBB2_1:
0x10: {  	s2 =	rddreg [dreg:$0x3]  }
0x11: {  	[tilespmem:s7], [sflag:$0x5] =	stream.linear.gather [hbm4b:s2+s7], $0x7D00, $0x38;
	[tilespmem:$0x1A000] =	vst v63  }
0x12: {  	_ =	swait.ge [sflag:s16], $0x7D00  }
0x13: {  	[sflag:s16] =	ssyncset.done $0x0  }
0x14: {  	[sflag:s16] =	ssyncadd.s32 $0xFFFF8300  }
0x15: {  	s15 =	rddreg [dreg:$0x4]  }
0x16: {  	[tilespmem:s17], [sflag:$0x5] =	stream.linear.gather [hbm4b:s15+s7], $0x7D00, $0x38;
	[tilespmem:$0x1A000] =	vst v63  }
0x17: {  	_ =	swait.ge [sflag:s16], $0x7D00  }
0x18: {  	[sflag:s16] =	ssyncset.done $0x0  }
0x19: {  	s4 =	simm.s32 $0xFA00;
	s18 =	rddreg [dreg:$0x7];
	[sflag:s16] =	ssyncadd.s32 $0xFFFF8300  }
0x1a: {  	[tilespmem:s4], [sflag:$0x1] =	stream.linear.gather [hbm4b:s18+s7], $0xA0, $0x38;
	[tilespmem:$0x1A000] =	vst v63  }
0x1b: {  	s20 =	simm.s32 $0xFC00;
	s19 =	rddreg [dreg:$0x8]  }
0x1c: {  	[tilespmem:s20], [sflag:$0x1] =	stream.linear.gather [hbm4b:s19+s7], $0xA0, $0x38;
	[tilespmem:$0x1A000] =	vst v63  }
0x1d: {  	s30 =	simm.s32 $0xFE00;
	s5 =	simm.s32 $0x0;
	s29 =	rddreg [dreg:$0x9]  }
0x1e: {  	[tilespmem:s30], [sflag:$0x1] =	stream.linear.gather [hbm4b:s29+s7], $0xA0, $0x38;
	[tilespmem:$0x1A000] =	vst v63  }
.LBB2_2:
0x1f: {  	s4 =	smul.u32 $0x140, s5;
	_ =	sdelay $0x1  }
0x20: {  	s2 =	sadd.s32 s4, s13  }
0x21: {  	s6 =	sshrl.u32 s2, $0x3  }
0x22: {  	s10 =	sadd.s32 s0, s6  }
0x23: {  	[tilespmem:s21], [sflag:$0x2] =	stream.linear.gather [hbm4b:s10+s7], $0xA0, $0x38;
	[tilespmem:$0x1A000] =	vst v63  }
0x24: {  	s30 =	sadd.s32 s1, s6  }
0x25: {  	[tilespmem:s22], [sflag:$0x2] =	stream.linear.gather [hbm4b:s30+s7], $0xA0, $0x38;
	[tilespmem:$0x1A000] =	vst v63  }
0x26: {  	s6 =	sadd.s32 s3, s6  }
0x27: {  	[tilespmem:s23], [sflag:$0x2] =	stream.linear.gather [hbm4b:s6+s7], $0xA0, $0x38;
	[tilespmem:$0x1A000] =	vst v63  }
0x28: {  	_ =	swait.ge [sflag:s24], $0xA0  }
0x29: {  	[sflag:s24] =	ssyncset.done $0x0  }
0x2a: {  	[sflag:s24] =	ssyncadd.s32 $0xFFFFFF60  }
0x2b: {  	_ =	swait.ge [sflag:s24], $0xA0  }
0x2c: {  	[sflag:s24] =	ssyncset.done $0x0  }
0x2d: {  	[sflag:s24] =	ssyncadd.s32 $0xFFFFFF60  }
0x2e: {  	_ =	swait.ge [sflag:s24], $0xA0  }
0x2f: {  	p0 =	seq.s32 s5, $0x0;
	[sflag:s24] =	ssyncset.done $0x0  }
0x30: {  	s6 =	simm.s32 @!p0 $0x3;
	[sflag:s24] =	ssyncadd.s32 $0xFFFFFF60  }
0x31: {  	_ =	swait.ge @!p0 [sflag:s6], $0x5000  }
0x32: {  	[sflag:s6] =	ssyncset.done @!p0 $0x0  }
0x33: {  	s11 =	simm.s32 $0xFA10;
	[sflag:s6] =	ssyncadd.s32 @!p0 $0xFFFFB000  }
0x34: {  	v0 =	vld [tilespmem:s11+$0x0]  }
0x35: {  	s12 =	simm.s32 $0xFC10  }
0x36: {  	v2 =	vld [tilespmem:s12+$0x0];
	_ =	sdelay $0x1  }
0x37: {  	v4 =	vld [tilespmem:s11+$0xFFFFFFF0]  }
0x38: {  	v21 =	vshll.u32 v0, $0x5  }
0x39: {  	v0 =	vld [tilespmem:s12+$0xFFFFFFF0];
	v5 =	vperm.xlane v21, v31  }
0x3a: {  	v20 =	vshll.u32 v2, $0x5  }
0x3b: {  	v2 =	vperm.xlane v20, v31;
	v6 =	vadd.s32 v1, v5  }
0x3c: {  	v23 =	vshll.u32 v4, $0x5;
	v4 =	vadd.s32 v3, v5  }
0x3d: {  	v5 =	vperm.xlane v23, v31;
	v7 =	vadd.s32 v1, v2  }
0x3e: {  	v22 =	vshll.u32 v0, $0x5;
	v0 =	vadd.s32 v3, v2  }
0x3f: {  	v8 =	vadd.s32 v1, v5;
	v2 =	vperm.xlane v22, v31  }
0x40: {  	v5 =	vadd.s32 v3, v5;
	v6 =	vld.idx.msk [tilespmem:v6+s7+$0x0], $0xffff  }
0x41: {  	v9 =	vadd.s32 v1, v2;
	v4 =	vld.idx.msk [tilespmem:v4+s7+$0x0], $0xffff  }
0x42: {  	v10 =	vperm.xlane v21, v36;
	v2 =	vadd.s32 v3, v2;
	v7 =	vld.idx.msk [tilespmem:v7+s17+$0x0], $0xffff  }
0x43: {  	v0 =	vld.idx.msk [tilespmem:v0+s17+$0x0], $0xffff  }
0x44: {  	s18 =	simm.s32 $0x10800;
	v12 =	vperm.xlane v20, v36;
	v11 =	vadd.s32 v1, v10;
	v8 =	vld.idx.msk [tilespmem:v8+s7+$0x0], $0xffff  }
0x45: {  	v5 =	vld.idx.msk [tilespmem:v5+s7+$0x0], $0xffff;
	[tilespmem:s18+$0x0] =	vst v6;
	v6 =	vadd.s32 v3, v10  }
0x46: {  	v10 =	vperm.xlane v23, v36;
	[tilespmem:s18+$0x10] =	vst v4;
	v4 =	vld.idx.msk [tilespmem:v9+s17+$0x0], $0xffff;
	v9 =	vadd.s32 v1, v12  }
0x47: {  	[tilespmem:s18+$0x20] =	vst v7;
	v2 =	vld.idx.msk [tilespmem:v2+s17+$0x0], $0xffff;
	v7 =	vadd.s32 v3, v12  }
0x48: {  	v12 =	vperm.xlane v22, v36;
	v13 =	vadd.s32 v1, v10;
	[tilespmem:s18+$0x30] =	vst v0  }
0x49: {  	v0 =	vadd.s32 v3, v10;
	[tilespmem:s18+$0xFFFFF800] =	vst v8;
	v10 =	vld.idx.msk [tilespmem:v11+s7+$0x0], $0xffff  }
0x4a: {  	v8 =	vadd.s32 v1, v12;
	[tilespmem:s18+$0xFFFFF810] =	vst v5;
	v6 =	vld.idx.msk [tilespmem:v6+s7+$0x0], $0xffff  }
0x4b: {  	v5 =	vadd.s32 v3, v12;
	[tilespmem:s18+$0xFFFFF820] =	vst v4;
	v4 =	vld.idx.msk [tilespmem:v9+s17+$0x0], $0xffff;
	v9 =	vperm.xlane v21, v29  }
0x4c: {  	[tilespmem:s18+$0xFFFFF830] =	vst v2;
	v2 =	vld.idx.msk [tilespmem:v7+s17+$0x0], $0xffff  }
0x4d: {  	v11 =	vperm.xlane v20, v29;
	v7 =	vld.idx.msk [tilespmem:v13+s7+$0x0], $0xffff;
	v12 =	vadd.s32 v1, v9  }
0x4e: {  	v0 =	vld.idx.msk [tilespmem:v0+s7+$0x0], $0xffff;
	v9 =	vadd.s32 v3, v9;
	[tilespmem:s18+$0x80] =	vst v10  }
0x4f: {  	v8 =	vld.idx.msk [tilespmem:v8+s17+$0x0], $0xffff;
	v10 =	vperm.xlane v23, v29;
	[tilespmem:s18+$0x90] =	vst v6;
	v6 =	vadd.s32 v1, v11  }
0x50: {  	v5 =	vld.idx.msk [tilespmem:v5+s17+$0x0], $0xffff;
	[tilespmem:s18+$0xA0] =	vst v4;
	v4 =	vadd.s32 v3, v11  }
0x51: {  	v11 =	vperm.xlane v22, v29;
	v13 =	vadd.s32 v1, v10;
	[tilespmem:s18+$0xB0] =	vst v2  }
0x52: {  	v2 =	vadd.s32 v3, v10;
	[tilespmem:s18+$0xFFFFF880] =	vst v7;
	v7 =	vld.idx.msk [tilespmem:v12+s7+$0x0], $0xffff  }
0x53: {  	v10 =	vadd.s32 v1, v11;
	[tilespmem:s18+$0xFFFFF890] =	vst v0;
	v0 =	vld.idx.msk [tilespmem:v9+s7+$0x0], $0xffff  }
0x54: {  	v9 =	vadd.s32 v3, v11;
	[tilespmem:s18+$0xFFFFF8A0] =	vst v8;
	v8 =	vperm.xlane v21, v27;
	v6 =	vld.idx.msk [tilespmem:v6+s17+$0x0], $0xffff  }
0x55: {  	[tilespmem:s18+$0xFFFFF8B0] =	vst v5;
	v4 =	vld.idx.msk [tilespmem:v4+s17+$0x0], $0xffff  }
0x56: {  	v11 =	vperm.xlane v20, v27;
	v12 =	vadd.s32 v1, v8;
	v5 =	vld.idx.msk [tilespmem:v13+s7+$0x0], $0xffff  }
0x57: {  	v2 =	vld.idx.msk [tilespmem:v2+s7+$0x0], $0xffff;
	[tilespmem:s18+$0x100] =	vst v7;
	v7 =	vadd.s32 v3, v8  }
0x58: {  	v8 =	vperm.xlane v23, v27;
	v10 =	vld.idx.msk [tilespmem:v10+s17+$0x0], $0xffff;
	[tilespmem:s18+$0x110] =	vst v0;
	v0 =	vadd.s32 v1, v11  }
0x59: {  	v9 =	vld.idx.msk [tilespmem:v9+s17+$0x0], $0xffff;
	[tilespmem:s18+$0x120] =	vst v6;
	v6 =	vadd.s32 v3, v11  }
0x5a: {  	v13 =	vadd.s32 v1, v8;
	v11 =	vperm.xlane v22, v27;
	[tilespmem:s18+$0x130] =	vst v4  }
0x5b: {  	v4 =	vadd.s32 v3, v8;
	[tilespmem:s18+$0xFFFFF900] =	vst v5;
	v8 =	vld.idx.msk [tilespmem:v12+s7+$0x0], $0xffff  }
0x5c: {  	[tilespmem:s18+$0xFFFFF910] =	vst v2;
	v5 =	vadd.s32 v1, v11;
	v7 =	vld.idx.msk [tilespmem:v7+s7+$0x0], $0xffff  }
0x5d: {  	v2 =	vadd.s32 v3, v11;
	v0 =	vld.idx.msk [tilespmem:v0+s17+$0x0], $0xffff;
	[tilespmem:s18+$0xFFFFF920] =	vst v10;
	v10 =	vperm.xlane v21, v35  }
0x5e: {  	[tilespmem:s18+$0xFFFFF930] =	vst v9;
	v6 =	vld.idx.msk [tilespmem:v6+s17+$0x0], $0xffff  }
0x5f: {  	v11 =	vperm.xlane v20, v35;
	v9 =	vld.idx.msk [tilespmem:v13+s7+$0x0], $0xffff;
	v12 =	vadd.s32 v1, v10  }
0x60: {  	v4 =	vld.idx.msk [tilespmem:v4+s7+$0x0], $0xffff;
	[tilespmem:s18+$0x180] =	vst v8;
	v8 =	vadd.s32 v3, v10  }
0x61: {  	v10 =	vperm.xlane v23, v35;
	v5 =	vld.idx.msk [tilespmem:v5+s17+$0x0], $0xffff;
	[tilespmem:s18+$0x190] =	vst v7;
	v7 =	vadd.s32 v1, v11  }
0x62: {  	v2 =	vld.idx.msk [tilespmem:v2+s17+$0x0], $0xffff;
	[tilespmem:s18+$0x1A0] =	vst v0;
	v0 =	vadd.s32 v3, v11;
	v11 =	vperm.xlane v22, v35  }
0x63: {  	v13 =	vadd.s32 v1, v10;
	[tilespmem:s18+$0x1B0] =	vst v6  }
0x64: {  	[tilespmem:s18+$0xFFFFF980] =	vst v9;
	v9 =	vadd.s32 v1, v11;
	v6 =	vadd.s32 v3, v10;
	v10 =	vld.idx.msk [tilespmem:v12+s7+$0x0], $0xffff  }
0x65: {  	v33 =	vimm.s32 $0x5;
	[tilespmem:s18+$0xFFFFF990] =	vst v4;
	v8 =	vld.idx.msk [tilespmem:v8+s7+$0x0], $0xffff  }
0x66: {  	v4 =	vadd.s32 v3, v11;
	v7 =	vld.idx.msk [tilespmem:v7+s17+$0x0], $0xffff;
	[tilespmem:s18+$0xFFFFF9A0] =	vst v5;
	v5 =	vperm.xlane v21, v33  }
0x67: {  	v0 =	vld.idx.msk [tilespmem:v0+s17+$0x0], $0xffff;
	[tilespmem:s18+$0xFFFFF9B0] =	vst v2  }
0x68: {  	v11 =	vperm.xlane v20, v33;
	v2 =	vld.idx.msk [tilespmem:v13+s7+$0x0], $0xffff;
	v12 =	vadd.s32 v1, v5  }
0x69: {  	v5 =	vadd.s32 v3, v5;
	v9 =	vld.idx.msk [tilespmem:v9+s17+$0x0], $0xffff;
	[tilespmem:s18+$0x200] =	vst v10  }
0x6a: {  	v6 =	vld.idx.msk [tilespmem:v6+s7+$0x0], $0xffff;
	v10 =	vperm.xlane v23, v33;
	[tilespmem:s18+$0x210] =	vst v8;
	v8 =	vadd.s32 v1, v11  }
0x6b: {  	v4 =	vld.idx.msk [tilespmem:v4+s17+$0x0], $0xffff;
	[tilespmem:s18+$0x220] =	vst v7;
	v7 =	vadd.s32 v3, v11  }
0x6c: {  	v11 =	vperm.xlane v22, v33;
	[tilespmem:s18+$0x230] =	vst v0;
	v13 =	vadd.s32 v1, v10  }
0x6d: {  	v0 =	vadd.s32 v3, v10;
	[tilespmem:s18+$0xFFFFFA00] =	vst v2;
	v10 =	vld.idx.msk [tilespmem:v12+s7+$0x0], $0xffff  }
0x6e: {  	v2 =	vadd.s32 v1, v11;
	v5 =	vld.idx.msk [tilespmem:v5+s7+$0x0], $0xffff;
	[tilespmem:s18+$0xFFFFFA20] =	vst v9  }
0x6f: {  	v9 =	vperm.xlane v21, v32;
	[tilespmem:s18+$0xFFFFFA10] =	vst v6;
	v6 =	vadd.s32 v3, v11;
	v8 =	vld.idx.msk [tilespmem:v8+s17+$0x0], $0xffff  }
0x70: {  	[tilespmem:s18+$0xFFFFFA30] =	vst v4;
	v7 =	vld.idx.msk [tilespmem:v7+s17+$0x0], $0xffff  }
0x71: {  	v11 =	vperm.xlane v20, v32;
	v12 =	vadd.s32 v1, v9;
	v4 =	vld.idx.msk [tilespmem:v13+s7+$0x0], $0xffff  }
0x72: {  	v9 =	vadd.s32 v3, v9;
	v0 =	vld.idx.msk [tilespmem:v0+s7+$0x0], $0xffff;
	[tilespmem:s18+$0x280] =	vst v10  }
0x73: {  	v10 =	vperm.xlane v23, v32;
	v2 =	vld.idx.msk [tilespmem:v2+s17+$0x0], $0xffff;
	[tilespmem:s18+$0x290] =	vst v5;
	v5 =	vadd.s32 v1, v11  }
0x74: {  	v6 =	vld.idx.msk [tilespmem:v6+s17+$0x0], $0xffff;
	[tilespmem:s18+$0x2A0] =	vst v8;
	v8 =	vadd.s32 v3, v11  }
0x75: {  	v11 =	vperm.xlane v22, v32;
	v13 =	vadd.s32 v1, v10;
	[tilespmem:s18+$0x2B0] =	vst v7  }
0x76: {  	v7 =	vadd.s32 v3, v10;
	v10 =	vld.idx.msk [tilespmem:v12+s7+$0x0], $0xffff;
	[tilespmem:s18+$0xFFFFFA80] =	vst v4  }
0x77: {  	v4 =	vadd.s32 v1, v11;
	v9 =	vld.idx.msk [tilespmem:v9+s7+$0x0], $0xffff;
	[tilespmem:s18+$0xFFFFFA90] =	vst v0  }
0x78: {  	v0 =	vadd.s32 v3, v11;
	v5 =	vld.idx.msk [tilespmem:v5+s17+$0x0], $0xffff;
	[tilespmem:s18+$0xFFFFFAA0] =	vst v2;
	v2 =	vperm.xlane v21, v37  }
0x79: {  	[tilespmem:s18+$0xFFFFFAB0] =	vst v6;
	v8 =	vld.idx.msk [tilespmem:v8+s17+$0x0], $0xffff  }
0x7a: {  	v11 =	vperm.xlane v20, v37;
	v6 =	vld.idx.msk [tilespmem:v13+s7+$0x0], $0xffff;
	v12 =	vadd.s32 v1, v2  }
0x7b: {  	v2 =	vadd.s32 v3, v2;
	v7 =	vld.idx.msk [tilespmem:v7+s7+$0x0], $0xffff;
	[tilespmem:s18+$0x300] =	vst v10  }
0x7c: {  	v10 =	vperm.xlane v23, v37;
	v4 =	vld.idx.msk [tilespmem:v4+s17+$0x0], $0xffff;
	[tilespmem:s18+$0x310] =	vst v9;
	v9 =	vadd.s32 v1, v11  }
0x7d: {  	v0 =	vld.idx.msk [tilespmem:v0+s17+$0x0], $0xffff;
	[tilespmem:s18+$0x320] =	vst v5;
	v5 =	vadd.s32 v3, v11  }
0x7e: {  	v11 =	vperm.xlane v22, v37;
	v13 =	vadd.s32 v1, v10;
	[tilespmem:s18+$0x330] =	vst v8  }
0x7f: {  	v8 =	vadd.s32 v3, v10;
	[tilespmem:s18+$0xFFFFFB00] =	vst v6;
	v10 =	vld.idx.msk [tilespmem:v12+s7+$0x0], $0xffff  }
0x80: {  	v6 =	vadd.s32 v1, v11;
	v2 =	vld.idx.msk [tilespmem:v2+s7+$0x0], $0xffff;
	[tilespmem:s18+$0xFFFFFB10] =	vst v7  }
0x81: {  	v7 =	vadd.s32 v3, v11;
	v9 =	vld.idx.msk [tilespmem:v9+s17+$0x0], $0xffff;
	[tilespmem:s18+$0xFFFFFB20] =	vst v4;
	v4 =	vperm.xlane v21, v38  }
0x82: {  	[tilespmem:s18+$0xFFFFFB30] =	vst v0;
	v5 =	vld.idx.msk [tilespmem:v5+s17+$0x0], $0xffff  }
0x83: {  	v11 =	vperm.xlane v20, v38;
	v0 =	vld.idx.msk [tilespmem:v13+s7+$0x0], $0xffff;
	v12 =	vadd.s32 v1, v4  }
0x84: {  	v4 =	vadd.s32 v3, v4;
	v8 =	vld.idx.msk [tilespmem:v8+s7+$0x0], $0xffff;
	[tilespmem:s18+$0x380] =	vst v10  }
0x85: {  	v6 =	vld.idx.msk [tilespmem:v6+s17+$0x0], $0xffff;
	v10 =	vperm.xlane v23, v38;
	[tilespmem:s18+$0x390] =	vst v2;
	v2 =	vadd.s32 v1, v11  }
0x86: {  	v7 =	vld.idx.msk [tilespmem:v7+s17+$0x0], $0xffff;
	[tilespmem:s18+$0x3A0] =	vst v9;
	v9 =	vadd.s32 v3, v11  }
0x87: {  	v11 =	vperm.xlane v22, v38;
	v13 =	vadd.s32 v1, v10;
	[tilespmem:s18+$0x3B0] =	vst v5  }
0x88: {  	v5 =	vadd.s32 v3, v10;
	v10 =	vld.idx.msk [tilespmem:v12+s7+$0x0], $0xffff;
	[tilespmem:s18+$0xFFFFFB80] =	vst v0  }
0x89: {  	v0 =	vadd.s32 v1, v11;
	v4 =	vld.idx.msk [tilespmem:v4+s7+$0x0], $0xffff;
	[tilespmem:s18+$0xFFFFFB90] =	vst v8  }
0x8a: {  	v8 =	vadd.s32 v3, v11;
	[tilespmem:s18+$0xFFFFFBA0] =	vst v6;
	v6 =	vperm.xlane v21, v24;
	v2 =	vld.idx.msk [tilespmem:v2+s17+$0x0], $0xffff  }
0x8b: {  	[tilespmem:s18+$0xFFFFFBB0] =	vst v7;
	v9 =	vld.idx.msk [tilespmem:v9+s17+$0x0], $0xffff  }
0x8c: {  	v11 =	vperm.xlane v20, v24;
	v12 =	vadd.s32 v1, v6;
	v7 =	vld.idx.msk [tilespmem:v13+s7+$0x0], $0xffff  }
0x8d: {  	v6 =	vadd.s32 v3, v6;
	v5 =	vld.idx.msk [tilespmem:v5+s7+$0x0], $0xffff;
	[tilespmem:s18+$0x400] =	vst v10  }
0x8e: {  	v10 =	vperm.xlane v23, v24;
	v0 =	vld.idx.msk [tilespmem:v0+s17+$0x0], $0xffff;
	[tilespmem:s18+$0x410] =	vst v4;
	v4 =	vadd.s32 v1, v11  }
0x8f: {  	v8 =	vld.idx.msk [tilespmem:v8+s17+$0x0], $0xffff;
	[tilespmem:s18+$0x420] =	vst v2;
	v2 =	vadd.s32 v3, v11  }
0x90: {  	v11 =	vperm.xlane v22, v24;
	v13 =	vadd.s32 v1, v10;
	[tilespmem:s18+$0x430] =	vst v9  }
0x91: {  	v9 =	vadd.s32 v3, v10;
	v10 =	vld.idx.msk [tilespmem:v12+s7+$0x0], $0xffff;
	[tilespmem:s18+$0xFFFFFC00] =	vst v7  }
0x92: {  	v7 =	vadd.s32 v1, v11;
	v6 =	vld.idx.msk [tilespmem:v6+s7+$0x0], $0xffff;
	[tilespmem:s18+$0xFFFFFC10] =	vst v5  }
0x93: {  	v5 =	vadd.s32 v3, v11;
	v4 =	vld.idx.msk [tilespmem:v4+s17+$0x0], $0xffff;
	[tilespmem:s18+$0xFFFFFC20] =	vst v0;
	v0 =	vperm.xlane v21, v40  }
0x94: {  	[tilespmem:s18+$0xFFFFFC30] =	vst v8;
	v2 =	vld.idx.msk [tilespmem:v2+s17+$0x0], $0xffff  }
0x95: {  	v11 =	vperm.xlane v20, v40;
	v8 =	vld.idx.msk [tilespmem:v13+s7+$0x0], $0xffff;
	v12 =	vadd.s32 v1, v0  }
0x96: {  	v0 =	vadd.s32 v3, v0;
	v9 =	vld.idx.msk [tilespmem:v9+s7+$0x0], $0xffff;
	[tilespmem:s18+$0x480] =	vst v10  }
0x97: {  	v10 =	vperm.xlane v23, v40;
	v7 =	vld.idx.msk [tilespmem:v7+s17+$0x0], $0xffff;
	[tilespmem:s18+$0x490] =	vst v6;
	v6 =	vadd.s32 v1, v11  }
0x98: {  	v5 =	vld.idx.msk [tilespmem:v5+s17+$0x0], $0xffff;
	[tilespmem:s18+$0x4A0] =	vst v4;
	v4 =	vadd.s32 v3, v11  }
0x99: {  	v11 =	vperm.xlane v22, v40;
	v13 =	vadd.s32 v1, v10;
	[tilespmem:s18+$0x4B0] =	vst v2  }
0x9a: {  	v2 =	vadd.s32 v3, v10;
	[tilespmem:s18+$0xFFFFFC80] =	vst v8;
	v10 =	vld.idx.msk [tilespmem:v12+s7+$0x0], $0xffff  }
0x9b: {  	v8 =	vadd.s32 v1, v11;
	v0 =	vld.idx.msk [tilespmem:v0+s7+$0x0], $0xffff;
	[tilespmem:s18+$0xFFFFFC90] =	vst v9  }
0x9c: {  	v9 =	vadd.s32 v3, v11;
	v6 =	vld.idx.msk [tilespmem:v6+s17+$0x0], $0xffff;
	[tilespmem:s18+$0xFFFFFCA0] =	vst v7;
	v7 =	vperm.xlane v21, v46  }
0x9d: {  	[tilespmem:s18+$0xFFFFFCB0] =	vst v5;
	v4 =	vld.idx.msk [tilespmem:v4+s17+$0x0], $0xffff  }
0x9e: {  	v11 =	vperm.xlane v20, v46;
	v5 =	vld.idx.msk [tilespmem:v13+s7+$0x0], $0xffff;
	v12 =	vadd.s32 v1, v7  }
0x9f: {  	v7 =	vadd.s32 v3, v7;
	v2 =	vld.idx.msk [tilespmem:v2+s7+$0x0], $0xffff;
	[tilespmem:s18+$0x500] =	vst v10  }
0xa0: {  	v8 =	vld.idx.msk [tilespmem:v8+s17+$0x0], $0xffff;
	v10 =	vperm.xlane v23, v46;
	[tilespmem:s18+$0x510] =	vst v0;
	v0 =	vadd.s32 v1, v11  }
0xa1: {  	v9 =	vld.idx.msk [tilespmem:v9+s17+$0x0], $0xffff;
	[tilespmem:s18+$0x520] =	vst v6;
	v6 =	vadd.s32 v3, v11  }
0xa2: {  	v11 =	vperm.xlane v22, v46;
	v13 =	vadd.s32 v1, v10;
	[tilespmem:s18+$0x530] =	vst v4  }
0xa3: {  	v4 =	vadd.s32 v3, v10;
	v10 =	vld.idx.msk [tilespmem:v12+s7+$0x0], $0xffff;
	[tilespmem:s18+$0xFFFFFD00] =	vst v5  }
0xa4: {  	v5 =	vadd.s32 v1, v11;
	v7 =	vld.idx.msk [tilespmem:v7+s7+$0x0], $0xffff;
	[tilespmem:s18+$0xFFFFFD10] =	vst v2  }
0xa5: {  	[tilespmem:s18+$0xFFFFFD20] =	vst v8;
	v8 =	vperm.xlane v21, v28;
	v0 =	vld.idx.msk [tilespmem:v0+s17+$0x0], $0xffff  }
0xa6: {  	v2 =	vadd.s32 v3, v11;
	[tilespmem:s18+$0xFFFFFD30] =	vst v9;
	v6 =	vld.idx.msk [tilespmem:v6+s17+$0x0], $0xffff  }
0xa7: {  	v11 =	vperm.xlane v20, v28;
	v12 =	vadd.s32 v1, v8;
	v9 =	vld.idx.msk [tilespmem:v13+s7+$0x0], $0xffff  }
0xa8: {  	v8 =	vadd.s32 v3, v8;
	v4 =	vld.idx.msk [tilespmem:v4+s7+$0x0], $0xffff;
	[tilespmem:s18+$0x580] =	vst v10  }
0xa9: {  	s15 =	simm.s32 $0xFA30;
	v5 =	vld.idx.msk [tilespmem:v5+s17+$0x0], $0xffff;
	[tilespmem:s18+$0x590] =	vst v7;
	v7 =	vadd.s32 v1, v11  }
0xaa: {  	v10 =	vld [tilespmem:s15+$0x0];
	[tilespmem:s18+$0x5A0] =	vst v0  }
0xab: {  	v2 =	vld.idx.msk [tilespmem:v2+s17+$0x0], $0xffff;
	v0 =	vadd.s32 v3, v11;
	[tilespmem:s18+$0x5B0] =	vst v6  }
0xac: {  	v6 =	vperm.xlane v23, v28;
	v11 =	vld.idx.msk [tilespmem:v12+s7+$0x0], $0xffff  }
0xad: {  	v8 =	vld.idx.msk [tilespmem:v8+s7+$0x0], $0xffff  }
0xae: {  	s19 =	simm.s32 $0xFC30;
	v13 =	vperm.xlane v22, v28;
	[tilespmem:s18+$0xFFFFFD90] =	vst v4;
	v12 =	vadd.s32 v1, v6;
	v7 =	vld.idx.msk [tilespmem:v7+s17+$0x0], $0xffff  }
0xaf: {  	v4 =	vperm.xlane v21, v15;
	v6 =	vadd.s32 v3, v6;
	[tilespmem:s18+$0xFFFFFDA0] =	vst v5;
	v5 =	vld [tilespmem:s19+$0x0]  }
0xb0: {  	v14 =	vadd.s32 v1, v13;
	[tilespmem:s18+$0xFFFFFD80] =	vst v9;
	v0 =	vld.idx.msk [tilespmem:v0+s17+$0x0], $0xffff  }
0xb1: {  	v16 =	vld [tilespmem:s19+$0xFFFFFFF0];
	[tilespmem:s18+$0xFFFFFDB0] =	vst v2;
	v2 =	vperm.xlane v20, v15;
	v15 =	vadd.s32 v1, v4  }
0xb2: {  	v9 =	vld [tilespmem:s15+$0xFFFFFFF0];
	v4 =	vadd.s32 v3, v4;
	[tilespmem:s18+$0x600] =	vst v11  }
0xb3: {  	v26 =	vshll.u32 v10, $0x5;
	[tilespmem:s18+$0x610] =	vst v8;
	v8 =	vadd.s32 v1, v2;
	v11 =	vld.idx.msk [tilespmem:v12+s7+$0x0], $0xffff  }
0xb4: {  	v2 =	vadd.s32 v3, v2;
	v6 =	vld.idx.msk [tilespmem:v6+s7+$0x0], $0xffff;
	[tilespmem:s18+$0x620] =	vst v7;
	v7 =	vperm.xlane v26, v31  }
0xb5: {  	v10 =	vadd.s32 v3, v13;
	v12 =	vld.idx.msk [tilespmem:v14+s17+$0x0], $0xffff;
	v27 =	vshll.u32 v5, $0x5;
	[tilespmem:s18+$0x630] =	vst v0  }
0xb6: {  	v0 =	vperm.xlane v27, v31;
	v13 =	vadd.s32 v1, v7;
	v5 =	vld.idx.msk [tilespmem:v15+s7+$0x0], $0xffff  }
0xb7: {  	v7 =	vadd.s32 v3, v7;
	v4 =	vld.idx.msk [tilespmem:v4+s7+$0x0], $0xffff  }
0xb8: {  	v15 =	vperm.xlane v21, v47;
	v8 =	vld.idx.msk [tilespmem:v8+s17+$0x0], $0xffff;
	v14 =	vadd.s32 v1, v0  }
0xb9: {  	v2 =	vld.idx.msk [tilespmem:v2+s17+$0x0], $0xffff;
	v17 =	vadd.s32 v3, v0  }
0xba: {  	v0 =	vld.idx.msk [tilespmem:v10+s17+$0x0], $0xffff;
	v10 =	vperm.xlane v20, v47;
	v18 =	vadd.s32 v1, v15  }
0xbb: {  	v24 =	vshll.u32 v9, $0x5;
	v9 =	vld.idx.msk [tilespmem:v13+s7+$0x0], $0xffff;
	[tilespmem:s18+$0x680] =	vst v5;
	v5 =	vadd.s32 v3, v15  }
0xbc: {  	v13 =	vperm.xlane v24, v31;
	v7 =	vld.idx.msk [tilespmem:v7+s7+$0x0], $0xffff;
	[tilespmem:s18+$0x690] =	vst v4;
	v4 =	vadd.s32 v1, v10  }
0xbd: {  	v25 =	vshll.u32 v16, $0x5;
	v14 =	vld.idx.msk [tilespmem:v14+s17+$0x0], $0xffff;
	[tilespmem:s18+$0x6A0] =	vst v8;
	v8 =	vadd.s32 v3, v10  }
0xbe: {  	v10 =	vperm.xlane v25, v31;
	v15 =	vadd.s32 v1, v13;
	v16 =	vld.idx.msk [tilespmem:v17+s17+$0x0], $0xffff;
	[tilespmem:s18+$0x6B0] =	vst v2  }
0xbf: {  	[tilespmem:s18+$0xFFFFFE00] =	vst v11;
	v2 =	vadd.s32 v3, v13;
	v11 =	vld.idx.msk [tilespmem:v18+s7+$0x0], $0xffff  }
0xc0: {  	s6 =	simm.s32 $0x11800;
	[tilespmem:s18+$0xFFFFFE10] =	vst v6;
	v6 =	vperm.xlane v26, v36;
	v13 =	vadd.s32 v1, v10;
	v5 =	vld.idx.msk [tilespmem:v5+s7+$0x0], $0xffff  }
0xc1: {  	v10 =	vadd.s32 v3, v10;
	[tilespmem:s6+$0x0] =	vst v9;
	v4 =	vld.idx.msk [tilespmem:v4+s17+$0x0], $0xffff  }
0xc2: {  	[tilespmem:s6+$0x10] =	vst v7;
	v7 =	vadd.s32 v1, v6;
	v9 =	vperm.xlane v27, v36;
	v8 =	vld.idx.msk [tilespmem:v8+s17+$0x0], $0xffff  }
0xc3: {  	v6 =	vadd.s32 v3, v6;
	v15 =	vld.idx.msk [tilespmem:v15+s7+$0x0], $0xffff;
	[tilespmem:s6+$0x20] =	vst v14  }
0xc4: {  	v2 =	vld.idx.msk [tilespmem:v2+s7+$0x0], $0xffff;
	[tilespmem:s6+$0x30] =	vst v16;
	v14 =	vadd.s32 v1, v9  }
0xc5: {  	v16 =	vperm.xlane v24, v36;
	v9 =	vadd.s32 v3, v9;
	[tilespmem:s18+$0x700] =	vst v11;
	v13 =	vld.idx.msk [tilespmem:v13+s17+$0x0], $0xffff  }
0xc6: {  	v10 =	vld.idx.msk [tilespmem:v10+s17+$0x0], $0xffff;
	[tilespmem:s18+$0x710] =	vst v5  }
0xc7: {  	v11 =	vadd.s32 v1, v16;
	v7 =	vld.idx.msk [tilespmem:v7+s7+$0x0], $0xffff;
	v5 =	vperm.xlane v25, v36;
	[tilespmem:s18+$0x720] =	vst v4  }
0xc8: {  	v6 =	vld.idx.msk [tilespmem:v6+s7+$0x0], $0xffff;
	v4 =	vadd.s32 v3, v16;
	[tilespmem:s6+$0xFFFFF800] =	vst v15  }
0xc9: {  	[tilespmem:s6+$0xFFFFF810] =	vst v2;
	v2 =	vld.idx.msk [tilespmem:v14+s17+$0x0], $0xffff;
	v14 =	vperm.xlane v26, v29;
	v15 =	vadd.s32 v1, v5  }
0xca: {  	v9 =	vld.idx.msk [tilespmem:v9+s17+$0x0], $0xffff;
	v5 =	vadd.s32 v3, v5;
	[tilespmem:s6+$0xFFFFF820] =	vst v13  }
0xcb: {  	[tilespmem:s6+$0xFFFFF830] =	vst v10;
	v10 =	vperm.xlane v27, v29;
	v13 =	vadd.s32 v1, v14  }
0xcc: {  	[tilespmem:s6+$0x80] =	vst v7;
	v7 =	vld.idx.msk [tilespmem:v11+s7+$0x0], $0xffff;
	v11 =	vadd.s32 v3, v14  }
0xcd: {  	[tilespmem:s6+$0x90] =	vst v6;
	v4 =	vld.idx.msk [tilespmem:v4+s7+$0x0], $0xffff;
	v6 =	vadd.s32 v1, v10  }
0xce: {  	v14 =	vperm.xlane v24, v29;
	[tilespmem:s6+$0xA0] =	vst v2;
	v2 =	vadd.s32 v3, v10;
	v15 =	vld.idx.msk [tilespmem:v15+s17+$0x0], $0xffff  }
0xcf: {  	[tilespmem:s6+$0xB0] =	vst v9;
	v5 =	vld.idx.msk [tilespmem:v5+s17+$0x0], $0xffff  }
0xd0: {  	[tilespmem:s18+$0x730] =	vst v8;
	v9 =	vperm.xlane v25, v29;
	v10 =	vadd.s32 v1, v14;
	v8 =	vld.idx.msk [tilespmem:v13+s7+$0x0], $0xffff  }
0xd1: {  	v19 =	vimm.s32 $0x3;
	v13 =	vadd.s32 v3, v14;
	[tilespmem:s6+$0xFFFFF880] =	vst v7;
	v7 =	vld.idx.msk [tilespmem:v11+s7+$0x0], $0xffff  }
0xd2: {  	v11 =	vadd.s32 v1, v9;
	[tilespmem:s6+$0xFFFFF890] =	vst v4;
	v4 =	vld.idx.msk [tilespmem:v6+s17+$0x0], $0xffff;
	v6 =	vperm.xlane v26, v19  }
0xd3: {  	s19 =	simm.s32 $0xFC50;
	v9 =	vadd.s32 v3, v9;
	v2 =	vld.idx.msk [tilespmem:v2+s17+$0x0], $0xffff;
	[tilespmem:s6+$0xFFFFF8A0] =	vst v15  }
0xd4: {  	v30 =	vld [tilespmem:s19+$0xFFFFFFF0];
	[tilespmem:s6+$0xFFFFF8B0] =	vst v5;
	v5 =	vperm.xlane v27, v19;
	v14 =	vadd.s32 v1, v6  }
0xd5: {  	v6 =	vadd.s32 v3, v6;
	v10 =	vld.idx.msk [tilespmem:v10+s7+$0x0], $0xffff;
	[tilespmem:s6+$0x100] =	vst v8  }
0xd6: {  	v8 =	vperm.xlane v21, v48;
	v13 =	vld.idx.msk [tilespmem:v13+s7+$0x0], $0xffff;
	[tilespmem:s6+$0x110] =	vst v7;
	v7 =	vadd.s32 v1, v5  }
0xd7: {  	v15 =	vperm.xlane v24, v19;
	v11 =	vld.idx.msk [tilespmem:v11+s17+$0x0], $0xffff;
	[tilespmem:s6+$0x120] =	vst v4;
	v4 =	vadd.s32 v3, v5  }
0xd8: {  	v9 =	vld.idx.msk [tilespmem:v9+s17+$0x0], $0xffff;
	v5 =	vadd.s32 v1, v8;
	[tilespmem:s6+$0x130] =	vst v2  }
0xd9: {  	[tilespmem:s18+$0xFFFFFE20] =	vst v12;
	v16 =	vadd.s32 v1, v15;
	v2 =	vperm.xlane v25, v19;
	v14 =	vld.idx.msk [tilespmem:v14+s7+$0x0], $0xffff  }
0xda: {  	v12 =	vadd.s32 v3, v15;
	v6 =	vld.idx.msk [tilespmem:v6+s7+$0x0], $0xffff;
	[tilespmem:s6+$0xFFFFF900] =	vst v10  }
0xdb: {  	v10 =	vadd.s32 v1, v2;
	[tilespmem:s6+$0xFFFFF910] =	vst v13;
	v13 =	vperm.xlane v26, v35;
	v7 =	vld.idx.msk [tilespmem:v7+s17+$0x0], $0xffff  }
0xdc: {  	v2 =	vadd.s32 v3, v2;
	[tilespmem:s6+$0xFFFFF920] =	vst v11;
	v4 =	vld.idx.msk [tilespmem:v4+s17+$0x0], $0xffff  }
0xdd: {  	[tilespmem:s6+$0xFFFFF930] =	vst v9;
	v21 =	vld.idx.msk [tilespmem:v5+s7+$0x0], $0xffff;
	v5 =	vperm.xlane v27, v35;
	v9 =	vadd.s32 v1, v13  }
0xde: {  	v50 =	vimm.s32 $0xD;
	v11 =	vld.idx.msk [tilespmem:v16+s7+$0x0], $0xffff;
	v13 =	vadd.s32 v3, v13;
	[tilespmem:s6+$0x180] =	vst v14  }
0xdf: {  	v12 =	vld.idx.msk [tilespmem:v12+s7+$0x0], $0xffff;
	v14 =	vperm.xlane v23, v50;
	[tilespmem:s6+$0x190] =	vst v6;
	v6 =	vadd.s32 v1, v5  }
0xe0: {  	v15 =	vperm.xlane v24, v35;
	v5 =	vadd.s32 v3, v5;
	v10 =	vld.idx.msk [tilespmem:v10+s17+$0x0], $0xffff;
	[tilespmem:s6+$0x1A0] =	vst v7  }
0xe1: {  	v2 =	vld.idx.msk [tilespmem:v2+s17+$0x0], $0xffff;
	v7 =	vadd.s32 v1, v14;
	[tilespmem:s6+$0x1B0] =	vst v4  }
0xe2: {  	[tilespmem:s18+$0xFFFFFE30] =	vst v0;
	v16 =	vadd.s32 v1, v15;
	v4 =	vperm.xlane v25, v35;
	v9 =	vld.idx.msk [tilespmem:v9+s7+$0x0], $0xffff  }
0xe3: {  	v0 =	vadd.s32 v3, v15;
	[tilespmem:s6+$0xFFFFF980] =	vst v11;
	v11 =	vld.idx.msk [tilespmem:v13+s7+$0x0], $0xffff  }
0xe4: {  	[tilespmem:s6+$0xFFFFF990] =	vst v12;
	v13 =	vadd.s32 v1, v4;
	v6 =	vld.idx.msk [tilespmem:v6+s17+$0x0], $0xffff  }
0xe5: {  	v4 =	vadd.s32 v3, v4;
	v5 =	vld.idx.msk [tilespmem:v5+s17+$0x0], $0xffff;
	[tilespmem:s6+$0xFFFFF9A0] =	vst v10;
	v10 =	vperm.xlane v26, v33  }
0xe6: {  	v12 =	vadd.s32 v3, v14;
	[tilespmem:s6+$0xFFFFF9B0] =	vst v2;
	v2 =	vld.idx.msk [tilespmem:v7+s7+$0x0], $0xffff  }
0xe7: {  	v14 =	vperm.xlane v27, v33;
	v7 =	vld.idx.msk [tilespmem:v16+s7+$0x0], $0xffff;
	v15 =	vadd.s32 v1, v10  }
0xe8: {  	v0 =	vld.idx.msk [tilespmem:v0+s7+$0x0], $0xffff;
	[tilespmem:s6+$0x200] =	vst v9;
	v9 =	vadd.s32 v3, v10  }
0xe9: {  	v10 =	vperm.xlane v22, v50;
	[tilespmem:s6+$0x210] =	vst v11;
	v11 =	vadd.s32 v1, v14;
	v13 =	vld.idx.msk [tilespmem:v13+s17+$0x0], $0xffff  }
0xea: {  	v16 =	vperm.xlane v24, v33;
	v4 =	vld.idx.msk [tilespmem:v4+s17+$0x0], $0xffff;
	[tilespmem:s6+$0x220] =	vst v6;
	v6 =	vadd.s32 v3, v14  }
0xeb: {  	[tilespmem:s6+$0x230] =	vst v5;
	v5 =	vld.idx.msk [tilespmem:v12+s7+$0x0], $0xffff;
	v14 =	vadd.s32 v1, v10  }
0xec: {  	v17 =	vadd.s32 v1, v16;
	v12 =	vperm.xlane v25, v33;
	v15 =	vld.idx.msk [tilespmem:v15+s7+$0x0], $0xffff  }
0xed: {  	v16 =	vadd.s32 v3, v16;
	[tilespmem:s6+$0xFFFFFA00] =	vst v7;
	v7 =	vld.idx.msk [tilespmem:v9+s7+$0x0], $0xffff  }
0xee: {  	[tilespmem:s6+$0xFFFFFA10] =	vst v0;
	v9 =	vadd.s32 v1, v12;
	v0 =	vld.idx.msk [tilespmem:v11+s17+$0x0], $0xffff  }
0xef: {  	v11 =	vadd.s32 v3, v12;
	v12 =	vperm.xlane v26, v32;
	[tilespmem:s6+$0xFFFFFA20] =	vst v13;
	v6 =	vld.idx.msk [tilespmem:v6+s17+$0x0], $0xffff  }
0xf0: {  	v10 =	vadd.s32 v3, v10;
	[tilespmem:s6+$0xFFFFFA30] =	vst v4;
	v4 =	vadd.s32 v3, v8;
	v13 =	vld.idx.msk [tilespmem:v14+s17+$0x0], $0xffff  }
0xf1: {  	v8 =	vld.idx.msk [tilespmem:v17+s7+$0x0], $0xffff;
	v14 =	vperm.xlane v27, v32;
	v17 =	vadd.s32 v1, v12;
	[tilespmem:s6+$0x280] =	vst v15  }
0xf2: {  	v16 =	vld.idx.msk [tilespmem:v16+s7+$0x0], $0xffff;
	v12 =	vadd.s32 v3, v12;
	[tilespmem:s6+$0x290] =	vst v7  }
0xf3: {  	v15 =	vadd.s32 v1, v14;
	v9 =	vld.idx.msk [tilespmem:v9+s17+$0x0], $0xffff;
	v7 =	vperm.xlane v20, v48;
	[tilespmem:s6+$0x2A0] =	vst v0  }
0xf4: {  	v14 =	vadd.s32 v3, v14;
	v11 =	vld.idx.msk [tilespmem:v11+s17+$0x0], $0xffff;
	v0 =	vperm.xlane v24, v32;
	[tilespmem:s6+$0x2B0] =	vst v6  }
0xf5: {  	v6 =	vld.idx.msk [tilespmem:v10+s17+$0x0], $0xffff;
	[tilespmem:s18+$0xFFFFFE80] =	vst v2;
	v10 =	vadd.s32 v1, v7  }
0xf6: {  	v2 =	vperm.xlane v25, v32;
	[tilespmem:s18+$0xFFFFFE90] =	vst v5;
	v18 =	vadd.s32 v1, v0;
	v17 =	vld.idx.msk [tilespmem:v17+s7+$0x0], $0xffff  }
0xf7: {  	[tilespmem:s6+$0xFFFFFA80] =	vst v8;
	v8 =	vadd.s32 v3, v0;
	v12 =	vld.idx.msk [tilespmem:v12+s7+$0x0], $0xffff  }
0xf8: {  	[tilespmem:s6+$0xFFFFFA90] =	vst v16;
	v16 =	vadd.s32 v1, v2;
	v15 =	vld.idx.msk [tilespmem:v15+s17+$0x0], $0xffff  }
0xf9: {  	v2 =	vadd.s32 v3, v2;
	[tilespmem:s6+$0xFFFFFAA0] =	vst v9;
	v9 =	vld.idx.msk [tilespmem:v14+s17+$0x0], $0xffff;
	v14 =	vperm.xlane v26, v37  }
0xfa: {  	v7 =	vadd.s32 v3, v7;
	[tilespmem:s6+$0xFFFFFAB0] =	vst v11;
	v0 =	vld.idx.msk [tilespmem:v10+s17+$0x0], $0xffff  }
0xfb: {  	[tilespmem:s18+$0xFFFFFEA0] =	vst v13;
	v5 =	vld.idx.msk [tilespmem:v18+s7+$0x0], $0xffff;
	v10 =	vperm.xlane v27, v37;
	v11 =	vadd.s32 v1, v14  }
0xfc: {  	[tilespmem:s6+$0x300] =	vst v17;
	v8 =	vld.idx.msk [tilespmem:v8+s7+$0x0], $0xffff;
	v14 =	vadd.s32 v3, v14  }
0xfd: {  	[tilespmem:s6+$0x310] =	vst v12;
	v12 =	vperm.xlane v24, v37;
	v16 =	vld.idx.msk [tilespmem:v16+s17+$0x0], $0xffff;
	v17 =	vadd.s32 v1, v10  }
0xfe: {  	[tilespmem:s6+$0x320] =	vst v15;
	v15 =	vld.idx.msk [tilespmem:v2+s17+$0x0], $0xffff;
	v10 =	vadd.s32 v3, v10  }
0xff: {  	v2 =	vld.idx.msk [tilespmem:v7+s17+$0x0], $0xffff;
	v7 =	vperm.xlane v25, v37;
	[tilespmem:s6+$0x330] =	vst v9;
	v9 =	vadd.s32 v1, v12  }
0x100: {  	v12 =	vadd.s32 v3, v12;
	v11 =	vld.idx.msk [tilespmem:v11+s7+$0x0], $0xffff;
	[tilespmem:s6+$0xFFFFFB00] =	vst v5  }
0x101: {  	v13 =	vperm.xlane v23, v47;
	v5 =	vadd.s32 v1, v7;
	v14 =	vld.idx.msk [tilespmem:v14+s7+$0x0], $0xffff;
	[tilespmem:s6+$0xFFFFFB10] =	vst v8  }
0x102: {  	v7 =	vadd.s32 v3, v7;
	[tilespmem:s6+$0xFFFFFB20] =	vst v16;
	v16 =	vperm.xlane v26, v38;
	v8 =	vld.idx.msk [tilespmem:v17+s17+$0x0], $0xffff  }
0x103: {  	v17 =	vadd.s32 v1, v13;
	v10 =	vld.idx.msk [tilespmem:v10+s17+$0x0], $0xffff;
	[tilespmem:s6+$0xFFFFFB30] =	vst v15  }
0x104: {  	[tilespmem:s18+$0xFFFFFEB0] =	vst v6;
	v15 =	vperm.xlane v27, v38;
	v9 =	vld.idx.msk [tilespmem:v9+s7+$0x0], $0xffff;
	v18 =	vadd.s32 v1, v16  }
0x105: {  	v6 =	vld.idx.msk [tilespmem:v12+s7+$0x0], $0xffff;
	[tilespmem:s6+$0x380] =	vst v11;
	v11 =	vadd.s32 v3, v16  }
0x106: {  	v12 =	vperm.xlane v24, v38;
	v16 =	vld.idx.msk [tilespmem:v5+s17+$0x0], $0xffff;
	[tilespmem:s6+$0x390] =	vst v14;
	v14 =	vadd.s32 v1, v15  }
0x107: {  	v7 =	vld.idx.msk [tilespmem:v7+s17+$0x0], $0xffff;
	[tilespmem:s6+$0x3A0] =	vst v8;
	v8 =	vadd.s32 v3, v15  }
0x108: {  	v19 =	vadd.s32 v1, v12;
	v15 =	vperm.xlane v25, v38;
	[tilespmem:s6+$0x3B0] =	vst v10;
	v5 =	vld.idx.msk [tilespmem:v17+s7+$0x0], $0xffff  }
0x109: {  	v10 =	vadd.s32 v3, v12;
	v12 =	vld.idx.msk [tilespmem:v18+s7+$0x0], $0xffff;
	[tilespmem:s6+$0xFFFFFB80] =	vst v9  }
0x10a: {  	v39 =	vimm.s32 $0x9;
	[tilespmem:s6+$0xFFFFFB90] =	vst v6;
	v9 =	vadd.s32 v1, v15;
	v11 =	vld.idx.msk [tilespmem:v11+s7+$0x0], $0xffff  }
0x10b: {  	v6 =	vadd.s32 v3, v15;
	v15 =	vperm.xlane v26, v39;
	v14 =	vld.idx.msk [tilespmem:v14+s17+$0x0], $0xffff;
	[tilespmem:s6+$0xFFFFFBA0] =	vst v16  }
0x10c: {  	v13 =	vadd.s32 v3, v13;
	[tilespmem:s6+$0xFFFFFBB0] =	vst v7;
	v8 =	vld.idx.msk [tilespmem:v8+s17+$0x0], $0xffff  }
0x10d: {  	v7 =	vperm.xlane v27, v39;
	v16 =	vld.idx.msk [tilespmem:v19+s7+$0x0], $0xffff;
	v17 =	vadd.s32 v1, v15  }
0x10e: {  	v10 =	vld.idx.msk [tilespmem:v10+s7+$0x0], $0xffff;
	[tilespmem:s6+$0x400] =	vst v12;
	v12 =	vadd.s32 v3, v15  }
0x10f: {  	v15 =	vperm.xlane v24, v39;
	v9 =	vld.idx.msk [tilespmem:v9+s17+$0x0], $0xffff;
	[tilespmem:s6+$0x410] =	vst v11;
	v11 =	vadd.s32 v1, v7  }
0x110: {  	v18 =	vperm.xlane v25, v39;
	v6 =	vld.idx.msk [tilespmem:v6+s17+$0x0], $0xffff;
	[tilespmem:s6+$0x420] =	vst v14;
	v14 =	vadd.s32 v3, v7  }
0x111: {  	v19 =	vadd.s32 v1, v15;
	v7 =	vld.idx.msk [tilespmem:v13+s7+$0x0], $0xffff;
	[tilespmem:s6+$0x430] =	vst v8  }
0x112: {  	[tilespmem:s6+$0xFFFFFC00] =	vst v16;
	v16 =	vadd.s32 v1, v18;
	v13 =	vld.idx.msk [tilespmem:v17+s7+$0x0], $0xffff  }
0x113: {  	v8 =	vadd.s32 v3, v15;
	[tilespmem:s6+$0xFFFFFC10] =	vst v10;
	v12 =	vld.idx.msk [tilespmem:v12+s7+$0x0], $0xffff  }
0x114: {  	v10 =	vadd.s32 v3, v18;
	[tilespmem:s6+$0xFFFFFC20] =	vst v9;
	v9 =	vperm.xlane v26, v40;
	v11 =	vld.idx.msk [tilespmem:v11+s17+$0x0], $0xffff  }
0x115: {  	[tilespmem:s6+$0xFFFFFC30] =	vst v6;
	v14 =	vld.idx.msk [tilespmem:v14+s17+$0x0], $0xffff  }
0x116: {  	v18 =	vperm.xlane v27, v40;
	v6 =	vld.idx.msk [tilespmem:v19+s7+$0x0], $0xffff;
	v19 =	vadd.s32 v1, v9  }
0x117: {  	v9 =	vadd.s32 v3, v9;
	v16 =	vld.idx.msk [tilespmem:v16+s17+$0x0], $0xffff;
	[tilespmem:s6+$0x480] =	vst v13  }
0x118: {  	v8 =	vld.idx.msk [tilespmem:v8+s7+$0x0], $0xffff;
	v13 =	vperm.xlane v24, v40;
	[tilespmem:s6+$0x490] =	vst v12;
	v12 =	vadd.s32 v1, v18  }
0x119: {  	v10 =	vld.idx.msk [tilespmem:v10+s17+$0x0], $0xffff;
	[tilespmem:s6+$0x4A0] =	vst v11;
	v11 =	vadd.s32 v3, v18  }
0x11a: {  	v4 =	vld.idx.msk [tilespmem:v4+s7+$0x0], $0xffff;
	v18 =	vperm.xlane v25, v40;
	v20 =	vadd.s32 v1, v13;
	[tilespmem:s6+$0x4B0] =	vst v14  }
0x11b: {  	v13 =	vadd.s32 v3, v13;
	[tilespmem:s6+$0xFFFFFC80] =	vst v6;
	v14 =	vld.idx.msk [tilespmem:v19+s7+$0x0], $0xffff  }
0x11c: {  	v15 =	vperm.xlane v22, v47;
	v9 =	vld.idx.msk [tilespmem:v9+s7+$0x0], $0xffff;
	[tilespmem:s6+$0xFFFFFCA0] =	vst v16;
	v6 =	vadd.s32 v1, v18  }
0x11d: {  	v16 =	vperm.xlane v26, v46;
	[tilespmem:s6+$0xFFFFFC90] =	vst v8;
	v8 =	vadd.s32 v3, v18;
	v12 =	vld.idx.msk [tilespmem:v12+s17+$0x0], $0xffff  }
0x11e: {  	v17 =	vadd.s32 v1, v15;
	[tilespmem:s6+$0xFFFFFCB0] =	vst v10;
	v11 =	vld.idx.msk [tilespmem:v11+s17+$0x0], $0xffff  }
0x11f: {  	v18 =	vperm.xlane v27, v46;
	v19 =	vadd.s32 v1, v16;
	v10 =	vld.idx.msk [tilespmem:v20+s7+$0x0], $0xffff  }
0x120: {  	v13 =	vld.idx.msk [tilespmem:v13+s7+$0x0], $0xffff;
	[tilespmem:s6+$0x500] =	vst v14;
	v14 =	vadd.s32 v3, v16  }
0x121: {  	v16 =	vperm.xlane v24, v46;
	[tilespmem:s6+$0x510] =	vst v9;
	v9 =	vadd.s32 v1, v18;
	v6 =	vld.idx.msk [tilespmem:v6+s17+$0x0], $0xffff  }
0x122: {  	v8 =	vld.idx.msk [tilespmem:v8+s17+$0x0], $0xffff;
	[tilespmem:s6+$0x520] =	vst v12;
	v12 =	vadd.s32 v3, v18  }
0x123: {  	v17 =	vld.idx.msk [tilespmem:v17+s17+$0x0], $0xffff;
	v18 =	vperm.xlane v25, v46;
	v20 =	vadd.s32 v1, v16;
	[tilespmem:s6+$0x530] =	vst v11  }
0x124: {  	v11 =	vadd.s32 v3, v16;
	[tilespmem:s6+$0xFFFFFD00] =	vst v10;
	v16 =	vld.idx.msk [tilespmem:v19+s7+$0x0], $0xffff  }
0x125: {  	v10 =	vadd.s32 v1, v18;
	[tilespmem:s6+$0xFFFFFD10] =	vst v13;
	v14 =	vld.idx.msk [tilespmem:v14+s7+$0x0], $0xffff  }
0x126: {  	v13 =	vadd.s32 v3, v18;
	v9 =	vld.idx.msk [tilespmem:v9+s17+$0x0], $0xffff;
	[tilespmem:s6+$0xFFFFFD20] =	vst v6;
	v6 =	vperm.xlane v26, v28  }
0x127: {  	[tilespmem:s6+$0xFFFFFD30] =	vst v8;
	v12 =	vld.idx.msk [tilespmem:v12+s17+$0x0], $0xffff  }
0x128: {  	v8 =	vld.idx.msk [tilespmem:v20+s7+$0x0], $0xffff;
	v19 =	vadd.s32 v1, v6  }
0x129: {  	v18 =	vperm.xlane v27, v28;
	v6 =	vadd.s32 v3, v6;
	v11 =	vld.idx.msk [tilespmem:v11+s7+$0x0], $0xffff;
	[tilespmem:s6+$0x580] =	vst v16  }
0x12a: {  	v10 =	vld.idx.msk [tilespmem:v10+s17+$0x0], $0xffff;
	[tilespmem:s6+$0x590] =	vst v14  }
0x12b: {  	s20 =	simm.s32 $0xFA50;
	v13 =	vld.idx.msk [tilespmem:v13+s17+$0x0], $0xffff;
	v14 =	vadd.s32 v1, v18;
	[tilespmem:s6+$0x5A0] =	vst v9  }
0x12c: {  	v9 =	vadd.s32 v3, v18;
	v16 =	vld [tilespmem:s20+$0x0];
	[tilespmem:s6+$0x5B0] =	vst v12  }
0x12d: {  	[tilespmem:s18+$0x790] =	vst v4;
	v15 =	vadd.s32 v3, v15;
	v12 =	vperm.xlane v24, v28;
	v18 =	vld.idx.msk [tilespmem:v19+s7+$0x0], $0xffff  }
0x12e: {  	[tilespmem:s6+$0xFFFFFD80] =	vst v8;
	v4 =	vld.idx.msk [tilespmem:v6+s7+$0x0], $0xffff  }
0x12f: {  	v6 =	vperm.xlane v25, v28;
	v19 =	vadd.s32 v1, v12;
	[tilespmem:s6+$0xFFFFFDA0] =	vst v10;
	v10 =	vld [tilespmem:s19+$0x0]  }
0x130: {  	v12 =	vadd.s32 v3, v12;
	[tilespmem:s6+$0xFFFFFD90] =	vst v11;
	v11 =	vperm.xlane v26, v50;
	v8 =	vld.idx.msk [tilespmem:v14+s17+$0x0], $0xffff  }
0x131: {  	[tilespmem:s18+$0x780] =	vst v21;
	v9 =	vld.idx.msk [tilespmem:v9+s17+$0x0], $0xffff;
	v14 =	vadd.s32 v1, v6  }
0x132: {  	v15 =	vld.idx.msk [tilespmem:v15+s17+$0x0], $0xffff;
	[tilespmem:s6+$0xFFFFFDB0] =	vst v13;
	v13 =	vperm.xlane v27, v50;
	v34 =	vadd.s32 v1, v11  }
0x133: {  	v28 =	vld [tilespmem:s20+$0xFFFFFFF0];
	v11 =	vadd.s32 v3, v11;
	[tilespmem:s6+$0x600] =	vst v18  }
0x134: {  	v20 =	vshll.u32 v16, $0x5;
	[tilespmem:s6+$0x610] =	vst v4;
	v4 =	vadd.s32 v1, v13;
	v18 =	vld.idx.msk [tilespmem:v19+s7+$0x0], $0xffff  }
0x135: {  	v12 =	vld.idx.msk [tilespmem:v12+s7+$0x0], $0xffff;
	[tilespmem:s6+$0x620] =	vst v8;
	v8 =	vadd.s32 v3, v13;
	v13 =	vperm.xlane v20, v31  }
0x136: {  	v16 =	vadd.s32 v3, v6;
	v21 =	vshll.u32 v10, $0x5;
	v6 =	vld.idx.msk [tilespmem:v14+s17+$0x0], $0xffff;
	[tilespmem:s6+$0x630] =	vst v9  }
0x137: {  	[tilespmem:s18+$0x7A0] =	vst v0;
	v9 =	vperm.xlane v21, v31;
	v0 =	vld.idx.msk [tilespmem:v34+s7+$0x0], $0xffff;
	v10 =	vadd.s32 v1, v13  }
0x138: {  	[tilespmem:s18+$0x7B0] =	vst v2;
	v11 =	vld.idx.msk [tilespmem:v11+s7+$0x0], $0xffff;
	v13 =	vadd.s32 v3, v13  }
0x139: {  	[tilespmem:s18+$0xFFFFFF00] =	vst v5;
	v14 =	vperm.xlane v26, v47;
	v5 =	vadd.s32 v1, v9;
	v4 =	vld.idx.msk [tilespmem:v4+s17+$0x0], $0xffff  }
0x13a: {  	[tilespmem:s18+$0xFFFFFF10] =	vst v7;
	v7 =	vld.idx.msk [tilespmem:v8+s17+$0x0], $0xffff;
	v8 =	vadd.s32 v3, v9  }
0x13b: {  	[tilespmem:s18+$0xFFFFFF20] =	vst v17;
	v2 =	vld.idx.msk [tilespmem:v16+s17+$0x0], $0xffff;
	v16 =	vadd.s32 v1, v14;
	v9 =	vperm.xlane v27, v47  }
0x13c: {  	v28 =	vshll.u32 v28, $0x5;
	[tilespmem:s6+$0x680] =	vst v0;
	v0 =	vadd.s32 v3, v14;
	v10 =	vld.idx.msk [tilespmem:v10+s7+$0x0], $0xffff  }
0x13d: {  	v14 =	vperm.xlane v28, v31;
	[tilespmem:s6+$0x690] =	vst v11;
	v13 =	vld.idx.msk [tilespmem:v13+s7+$0x0], $0xffff;
	v11 =	vadd.s32 v1, v9  }
0x13e: {  	v59 =	vshll.u32 v30, $0x5;
	v5 =	vld.idx.msk [tilespmem:v5+s17+$0x0], $0xffff;
	[tilespmem:s6+$0x6A0] =	vst v4;
	v4 =	vadd.s32 v3, v9  }
0x13f: {  	v9 =	vperm.xlane v59, v31;
	v17 =	vadd.s32 v1, v14;
	v8 =	vld.idx.msk [tilespmem:v8+s17+$0x0], $0xffff;
	[tilespmem:s6+$0x6B0] =	vst v7  }
0x140: {  	[tilespmem:s18+$0xFFFFFF30] =	vst v15;
	v7 =	vadd.s32 v3, v14;
	v14 =	vld.idx.msk [tilespmem:v16+s7+$0x0], $0xffff  }
0x141: {  	s10 =	simm.s32 $0x12800;
	[tilespmem:s6+$0xFFFFFE00] =	vst v18;
	v15 =	vadd.s32 v1, v9;
	v16 =	vperm.xlane v20, v36;
	v0 =	vld.idx.msk [tilespmem:v0+s7+$0x0], $0xffff  }
0x142: {  	v9 =	vadd.s32 v3, v9;
	[tilespmem:s10+$0x0] =	vst v10;
	v10 =	vld.idx.msk [tilespmem:v11+s17+$0x0], $0xffff  }
0x143: {  	[tilespmem:s10+$0x10] =	vst v13;
	v13 =	vperm.xlane v26, v48;
	v11 =	vadd.s32 v1, v16;
	v4 =	vld.idx.msk [tilespmem:v4+s17+$0x0], $0xffff  }
0x144: {  	[tilespmem:s10+$0x20] =	vst v5;
	v17 =	vld.idx.msk [tilespmem:v17+s7+$0x0], $0xffff;
	v5 =	vadd.s32 v3, v16  }
0x145: {  	v16 =	vadd.s32 v1, v13;
	v7 =	vld.idx.msk [tilespmem:v7+s7+$0x0], $0xffff;
	[tilespmem:s10+$0x30] =	vst v8;
	v8 =	vperm.xlane v27, v48  }
0x146: {  	v13 =	vadd.s32 v3, v13;
	v15 =	vld.idx.msk [tilespmem:v15+s17+$0x0], $0xffff;
	[tilespmem:s6+$0x700] =	vst v14  }
0x147: {  	v9 =	vld.idx.msk [tilespmem:v9+s17+$0x0], $0xffff;
	v14 =	vperm.xlane v21, v36;
	[tilespmem:s6+$0x710] =	vst v0;
	v0 =	vadd.s32 v1, v8  }
0x148: {  	[tilespmem:s6+$0x720] =	vst v10;
	v8 =	vadd.s32 v3, v8;
	v11 =	vld.idx.msk [tilespmem:v11+s7+$0x0], $0xffff  }
0x149: {  	v10 =	vadd.s32 v1, v14;
	v5 =	vld.idx.msk [tilespmem:v5+s7+$0x0], $0xffff;
	[tilespmem:s6+$0x730] =	vst v4  }
0x14a: {  	[tilespmem:s6+$0xFFFFFE10] =	vst v12;
	v4 =	vadd.s32 v3, v14;
	v12 =	vld.idx.msk [tilespmem:v16+s7+$0x0], $0xffff  }
0x14b: {  	v14 =	vperm.xlane v28, v36;
	[tilespmem:s10+$0xFFFFF800] =	vst v17;
	v13 =	vld.idx.msk [tilespmem:v13+s7+$0x0], $0xffff  }
0x14c: {  	[tilespmem:s10+$0xFFFFF810] =	vst v7;
	v0 =	vld.idx.msk [tilespmem:v0+s17+$0x0], $0xffff  }
0x14d: {  	v7 =	vperm.xlane v59, v36;
	v16 =	vadd.s32 v1, v14;
	[tilespmem:s10+$0xFFFFF820] =	vst v15;
	v8 =	vld.idx.msk [tilespmem:v8+s17+$0x0], $0xffff  }
0x14e: {  	v14 =	vadd.s32 v3, v14;
	[tilespmem:s10+$0xFFFFF830] =	vst v9;
	v10 =	vld.idx.msk [tilespmem:v10+s17+$0x0], $0xffff  }
0x14f: {  	v15 =	vadd.s32 v1, v7;
	v9 =	vld.idx.msk [tilespmem:v4+s17+$0x0], $0xffff;
	[tilespmem:s10+$0x80] =	vst v11  }
0x150: {  	v7 =	vadd.s32 v3, v7;
	v4 =	vperm.xlane v20, v29;
	[tilespmem:s10+$0x90] =	vst v5  }
0x151: {  	[tilespmem:s6+$0x780] =	vst v12;
	v12 =	vperm.xlane v21, v29  }
0x152: {  	[tilespmem:s6+$0x790] =	vst v13;
	v13 =	vadd.s32 v1, v4;
	v16 =	vld.idx.msk [tilespmem:v16+s7+$0x0], $0xffff  }
0x153: {  	v14 =	vld.idx.msk [tilespmem:v14+s7+$0x0], $0xffff;
	v5 =	vadd.s32 v1, v12;
	[tilespmem:s6+$0x7A0] =	vst v0  }
0x154: {  	v17 =	vperm.xlane v28, v29;
	v0 =	vadd.s32 v3, v4;
	v15 =	vld.idx.msk [tilespmem:v15+s17+$0x0], $0xffff;
	[tilespmem:s6+$0x7B0] =	vst v8  }
0x155: {  	v4 =	vperm.xlane v23, v48;
	v7 =	vld.idx.msk [tilespmem:v7+s17+$0x0], $0xffff;
	[tilespmem:s10+$0xA0] =	vst v10;
	v10 =	vadd.s32 v3, v12  }
0x156: {  	v18 =	vadd.s32 v1, v17;
	[tilespmem:s10+$0xB0] =	vst v9  }
0x157: {  	v9 =	vperm.xlane v59, v29;
	v12 =	vadd.s32 v1, v4;
	v8 =	vld.idx.msk [tilespmem:v13+s7+$0x0], $0xffff;
	[tilespmem:s10+$0xFFFFF880] =	vst v16  }
0x158: {  	v13 =	vadd.s32 v3, v17;
	[tilespmem:s10+$0xFFFFF890] =	vst v14;
	v5 =	vld.idx.msk [tilespmem:v5+s17+$0x0], $0xffff  }
0x159: {  	v17 =	vadd.s32 v1, v9;
	v16 =	vld.idx.msk [tilespmem:v0+s7+$0x0], $0xffff;
	[tilespmem:s10+$0xFFFFF8A0] =	vst v15  }
0x15a: {  	v27 =	vimm.s32 $0x3;
	v9 =	vadd.s32 v3, v9;
	[tilespmem:s10+$0xFFFFF8B0] =	vst v7;
	v10 =	vld.idx.msk [tilespmem:v10+s17+$0x0], $0xffff  }
0x15b: {  	v14 =	vperm.xlane v20, v27;
	v15 =	vld.idx.msk [tilespmem:v18+s7+$0x0], $0xffff  }
0x15c: {  	v7 =	vperm.xlane v21, v27;
	v0 =	vld.idx.msk [tilespmem:v12+s7+$0x0], $0xffff  }
0x15d: {  	v12 =	vadd.s32 v1, v14;
	[tilespmem:s10+$0x100] =	vst v8;
	v13 =	vld.idx.msk [tilespmem:v13+s7+$0x0], $0xffff  }
0x15e: {  	v8 =	vadd.s32 v3, v14;
	v14 =	vadd.s32 v1, v7;
	v17 =	vld.idx.msk [tilespmem:v17+s17+$0x0], $0xffff;
	[tilespmem:s10+$0x120] =	vst v5  }
0x15f: {  	v5 =	vadd.s32 v3, v7;
	v7 =	vld.idx.msk [tilespmem:v9+s17+$0x0], $0xffff;
	v9 =	vperm.xlane v59, v27;
	[tilespmem:s10+$0x110] =	vst v16  }
0x160: {  	s20 =	simm.s32 $0xFE10;
	v16 =	vperm.xlane v28, v27;
	[tilespmem:s10+$0x130] =	vst v10  }
0x161: {  	v11 =	vld [tilespmem:s20+$0x0];
	[tilespmem:s10+$0xFFFFF900] =	vst v15;
	v15 =	vadd.s32 v1, v9  }
0x162: {  	[tilespmem:s6+$0xFFFFFE20] =	vst v6;
	v10 =	vadd.s32 v1, v16;
	v12 =	vld.idx.msk [tilespmem:v12+s7+$0x0], $0xffff  }
0x163: {  	v6 =	vadd.s32 v3, v16;
	v8 =	vld.idx.msk [tilespmem:v8+s7+$0x0], $0xffff;
	[tilespmem:s10+$0xFFFFF910] =	vst v13  }
0x164: {  	v9 =	vadd.s32 v3, v9;
	v13 =	vld.idx.msk [tilespmem:v14+s17+$0x0], $0xffff;
	v14 =	vperm.xlane v20, v35;
	[tilespmem:s10+$0xFFFFF920] =	vst v17  }
0x165: {  	v5 =	vld.idx.msk [tilespmem:v5+s17+$0x0], $0xffff;
	[tilespmem:s10+$0xFFFFF930] =	vst v7  }
0x166: {  	s11 =	simm.s32 $0x2;
	[tilespmem:s6+$0xFFFFFE30] =	vst v2;
	v7 =	vperm.xlane v21, v35;
	v18 =	vadd.s32 v1, v14;
	v15 =	vld.idx.msk [tilespmem:v15+s17+$0x0], $0xffff  }
0x167: {  	v16 =	vmov s11;
	v10 =	vld.idx.msk [tilespmem:v10+s7+$0x0], $0xffff;
	[tilespmem:s10+$0x180] =	vst v12;
	v12 =	vadd.s32 v3, v14  }
0x168: {  	v19 =	vperm.xlane v28, v35;
	v16 =	vshll.u32 v16, $0xA;
	v6 =	vld.idx.msk [tilespmem:v6+s7+$0x0], $0xffff;
	[tilespmem:s10+$0x190] =	vst v8;
	v8 =	vadd.s32 v1, v7  }
0x169: {  	s11 =	simm.s32 $0xFE30;
	v16 =	vor.u32 v45, v16;
	v9 =	vld.idx.msk [tilespmem:v9+s17+$0x0], $0xffff;
	[tilespmem:s10+$0x1A0] =	vst v13;
	v7 =	vadd.s32 v3, v7  }
0x16a: {  	v23 =	vadd.s32 v1, v19;
	v17 =	vld [tilespmem:s11+$0x0];
	v14 =	vperm.xlane v24, v50;
	v13 =	vor.u32 v49, v16;
	[tilespmem:s10+$0x1B0] =	vst v5  }
0x16b: {  	v2 =	vadd.s32 v3, v19;
	v5 =	vperm.xlane v59, v35;
	v18 =	vld.idx.msk [tilespmem:v18+s7+$0x0], $0xffff;
	[tilespmem:s10+$0xFFFFF9A0] =	vst v15  }
0x16c: {  	v16 =	vadd.s32 v1, v14;
	[tilespmem:s10+$0xFFFFF980] =	vst v10;
	v10 =	vld.idx.msk [tilespmem:v12+s7+$0x0], $0xffff  }
0x16d: {  	v12 =	vadd.s32 v1, v5;
	[tilespmem:s10+$0xFFFFF990] =	vst v6;
	v6 =	vld.idx.msk [tilespmem:v8+s17+$0x0], $0xffff  }
0x16e: {  	[tilespmem:s10+$0xFFFFF9B0] =	vst v9;
	v5 =	vadd.s32 v3, v5;
	v7 =	vld.idx.msk [tilespmem:v7+s17+$0x0], $0xffff;
	v8 =	vperm.xlane v20, v33  }
0x16f: {  	v14 =	vadd.s32 v3, v14;
	[tilespmem:v13+s25+$0x0] =	vst.idx.msk $0xffff, v11;
	v11 =	vld.idx.msk [tilespmem:v23+s7+$0x0], $0xffff  }
0x170: {  	s12 =	simm.s32 $0x6;
	v13 =	vperm.xlane v21, v33;
	v2 =	vld.idx.msk [tilespmem:v2+s7+$0x0], $0xffff;
	v15 =	vadd.s32 v1, v8  }
0x171: {  	v19 =	vperm.xlane v28, v33;
	v9 =	vld.idx.msk [tilespmem:v16+s7+$0x0], $0xffff;
	[tilespmem:s10+$0x200] =	vst v18;
	v8 =	vadd.s32 v3, v8;
	v18 =	vmov s12  }
0x172: {  	v16 =	vperm.xlane v25, v50;
	v18 =	vshll.u32 v18, $0xA;
	v12 =	vld.idx.msk [tilespmem:v12+s17+$0x0], $0xffff;
	[tilespmem:s10+$0x210] =	vst v10;
	v10 =	vadd.s32 v1, v13  }
0x173: {  	v5 =	vld.idx.msk [tilespmem:v5+s17+$0x0], $0xffff;
	v18 =	vor.u32 v45, v18;
	[tilespmem:s10+$0x220] =	vst v6;
	v6 =	vadd.s32 v3, v13  }
0x174: {  	v13 =	vadd.s32 v1, v16;
	[tilespmem:s10+$0x230] =	vst v7;
	v7 =	vld.idx.msk [tilespmem:v14+s7+$0x0], $0xffff;
	v18 =	vor.u32 v49, v18  }
0x175: {  	v23 =	vadd.s32 v1, v19;
	v14 =	vperm.xlane v59, v33;
	[tilespmem:s10+$0xFFFFFA00] =	vst v11;
	v15 =	vld.idx.msk [tilespmem:v15+s7+$0x0], $0xffff  }
0x176: {  	v19 =	vadd.s32 v3, v19;
	[tilespmem:s10+$0xFFFFFA10] =	vst v2;
	v8 =	vld.idx.msk [tilespmem:v8+s7+$0x0], $0xffff  }
0x177: {  	v11 =	vadd.s32 v1, v14;
	v2 =	vld.idx.msk [tilespmem:v10+s17+$0x0], $0xffff;
	[tilespmem:s10+$0xFFFFFA20] =	vst v12  }
0x178: {  	v10 =	vadd.s32 v3, v14;
	[tilespmem:s10+$0xFFFFFA30] =	vst v5;
	v6 =	vld.idx.msk [tilespmem:v6+s17+$0x0], $0xffff  }
0x179: {  	v12 =	vperm.xlane v20, v32;
	v14 =	vadd.s32 v3, v16;
	v5 =	vld.idx.msk [tilespmem:v13+s17+$0x0], $0xffff;
	[tilespmem:v18+s25+$0x0] =	vst.idx.msk $0xffff, v17  }
0x17a: {  	v4 =	vadd.s32 v3, v4;
	v13 =	vld.idx.msk [tilespmem:v23+s7+$0x0], $0xffff;
	[tilespmem:s10+$0x280] =	vst v15  }
0x17b: {  	v16 =	vperm.xlane v21, v32;
	v18 =	vld.idx.msk [tilespmem:v19+s7+$0x0], $0xffff;
	v17 =	vadd.s32 v1, v12;
	[tilespmem:s10+$0x290] =	vst v8  }
0x17c: {  	v12 =	vadd.s32 v3, v12;
	v11 =	vld.idx.msk [tilespmem:v11+s17+$0x0], $0xffff;
	[tilespmem:s10+$0x2A0] =	vst v2  }
0x17d: {  	v8 =	vadd.s32 v1, v16;
	v15 =	vperm.xlane v28, v32;
	v10 =	vld.idx.msk [tilespmem:v10+s17+$0x0], $0xffff;
	[tilespmem:s10+$0x2B0] =	vst v6  }
0x17e: {  	v2 =	vadd.s32 v3, v16;
	v6 =	vld.idx.msk [tilespmem:v14+s17+$0x0], $0xffff;
	[tilespmem:s6+$0xFFFFFE80] =	vst v9  }
0x17f: {  	v4 =	vld.idx.msk [tilespmem:v4+s7+$0x0], $0xffff;
	v16 =	vadd.s32 v1, v15;
	v14 =	vperm.xlane v59, v32;
	[tilespmem:s10+$0xFFFFFA80] =	vst v13  }
0x180: {  	v9 =	vadd.s32 v3, v15;
	[tilespmem:s10+$0xFFFFFA90] =	vst v18;
	v17 =	vld.idx.msk [tilespmem:v17+s7+$0x0], $0xffff  }
0x181: {  	v13 =	vperm.xlane v22, v48;
	[tilespmem:s6+$0xFFFFFE90] =	vst v7;
	v12 =	vld.idx.msk [tilespmem:v12+s7+$0x0], $0xffff;
	v15 =	vadd.s32 v1, v14  }
0x182: {  	v8 =	vld.idx.msk [tilespmem:v8+s17+$0x0], $0xffff;
	v14 =	vadd.s32 v3, v14;
	[tilespmem:s10+$0xFFFFFAA0] =	vst v11;
	v11 =	vperm.xlane v20, v37  }
0x183: {  	v18 =	vadd.s32 v1, v13;
	v2 =	vld.idx.msk [tilespmem:v2+s17+$0x0], $0xffff;
	[tilespmem:s10+$0xFFFFFAB0] =	vst v10  }
0x184: {  	[tilespmem:s6+$0xFFFFFEA0] =	vst v5;
	v19 =	vadd.s32 v1, v11;
	v10 =	vld.idx.msk [tilespmem:v16+s7+$0x0], $0xffff;
	v16 =	vperm.xlane v21, v37  }
0x185: {  	v7 =	vld.idx.msk [tilespmem:v9+s7+$0x0], $0xffff;
	v9 =	vadd.s32 v3, v11;
	[tilespmem:s10+$0x300] =	vst v17  }
0x186: {  	[tilespmem:s10+$0x310] =	vst v12;
	v11 =	vld.idx.msk [tilespmem:v15+s17+$0x0], $0xffff;
	v12 =	vadd.s32 v1, v16  }
0x187: {  	v15 =	vperm.xlane v28, v37;
	v14 =	vld.idx.msk [tilespmem:v14+s17+$0x0], $0xffff;
	[tilespmem:s10+$0x320] =	vst v8;
	v8 =	vadd.s32 v3, v16  }
0x188: {  	v13 =	vadd.s32 v3, v13;
	v16 =	vld.idx.msk [tilespmem:v18+s17+$0x0], $0xffff;
	[tilespmem:s10+$0x330] =	vst v2  }
0x189: {  	[tilespmem:s6+$0xFFFFFEB0] =	vst v6;
	v2 =	vperm.xlane v59, v37;
	v17 =	vadd.s32 v1, v15;
	v18 =	vld.idx.msk [tilespmem:v19+s7+$0x0], $0xffff  }
0x18a: {  	v5 =	vadd.s32 v3, v15;
	[tilespmem:s10+$0xFFFFFB00] =	vst v10;
	v9 =	vld.idx.msk [tilespmem:v9+s7+$0x0], $0xffff  }
0x18b: {  	v10 =	vperm.xlane v24, v47;
	[tilespmem:s10+$0xFFFFFB10] =	vst v7;
	v15 =	vadd.s32 v1, v2;
	v7 =	vld.idx.msk [tilespmem:v12+s17+$0x0], $0xffff  }
0x18c: {  	v12 =	vadd.s32 v3, v2;
	[tilespmem:s10+$0xFFFFFB20] =	vst v11;
	v8 =	vld.idx.msk [tilespmem:v8+s17+$0x0], $0xffff  }
0x18d: {  	v11 =	vperm.xlane v20, v38;
	v19 =	vadd.s32 v1, v10;
	[tilespmem:s10+$0xFFFFFB30] =	vst v14;
	v2 =	vld.idx.msk [tilespmem:v13+s17+$0x0], $0xffff  }
0x18e: {  	v10 =	vadd.s32 v3, v10;
	[tilespmem:s18+$0xFFFFFF80] =	vst v0;
	v13 =	vld.idx.msk [tilespmem:v17+s7+$0x0], $0xffff  }
0x18f: {  	v14 =	vperm.xlane v21, v38;
	[tilespmem:s18+$0xFFFFFF90] =	vst v4;
	v17 =	vadd.s32 v1, v11;
	v5 =	vld.idx.msk [tilespmem:v5+s7+$0x0], $0xffff  }
0x190: {  	v6 =	vadd.s32 v3, v11;
	[tilespmem:s10+$0x390] =	vst v9;
	v11 =	vld.idx.msk [tilespmem:v15+s17+$0x0], $0xffff  }
0x191: {  	v9 =	vadd.s32 v1, v14;
	v15 =	vperm.xlane v28, v38;
	v12 =	vld.idx.msk [tilespmem:v12+s17+$0x0], $0xffff;
	[tilespmem:s10+$0x3A0] =	vst v7  }
0x192: {  	v7 =	vadd.s32 v3, v14;
	[tilespmem:s10+$0x3B0] =	vst v8;
	v8 =	vld.idx.msk [tilespmem:v19+s7+$0x0], $0xffff  }
0x193: {  	[tilespmem:s10+$0x380] =	vst v18;
	v14 =	vperm.xlane v59, v38;
	v10 =	vld.idx.msk [tilespmem:v10+s7+$0x0], $0xffff;
	v18 =	vadd.s32 v1, v15  }
0x194: {  	v0 =	vadd.s32 v3, v15;
	v17 =	vld.idx.msk [tilespmem:v17+s7+$0x0], $0xffff;
	[tilespmem:s10+$0xFFFFFB80] =	vst v13  }
0x195: {  	v6 =	vld.idx.msk [tilespmem:v6+s7+$0x0], $0xffff;
	v13 =	vperm.xlane v25, v47;
	v15 =	vadd.s32 v1, v14;
	[tilespmem:s10+$0xFFFFFB90] =	vst v5  }
0x196: {  	v5 =	vld.idx.msk [tilespmem:v9+s17+$0x0], $0xffff;
	v9 =	vadd.s32 v3, v14;
	[tilespmem:s10+$0xFFFFFBA0] =	vst v11;
	v11 =	vperm.xlane v20, v39  }
0x197: {  	v14 =	vadd.s32 v1, v13;
	v7 =	vld.idx.msk [tilespmem:v7+s17+$0x0], $0xffff;
	[tilespmem:s10+$0xFFFFFBB0] =	vst v12  }
0x198: {  	[tilespmem:s18+$0xFFFFFFA0] =	vst v16;
	v12 =	vld.idx.msk [tilespmem:v18+s7+$0x0], $0xffff;
	v18 =	vperm.xlane v21, v39;
	v19 =	vadd.s32 v1, v11  }
0x199: {  	s30 =	simm.s32 $0x0;
	v22 =	vperm.xlane v24, v48;
	v24 =	vimm.s32 $0x9;
	v0 =	vld.idx.msk [tilespmem:v0+s7+$0x0], $0xffff;
	v11 =	vadd.s32 v3, v11;
	[tilespmem:s10+$0x400] =	vst v17  }
0x19a: {  	v4 =	vmov s30;
	v17 =	vperm.xlane v25, v48;
	v15 =	vld.idx.msk [tilespmem:v15+s17+$0x0], $0xffff;
	[tilespmem:s10+$0x410] =	vst v6;
	v6 =	vadd.s32 v1, v18  }
0x19b: {  	v4 =	vshll.u32 v4, $0xA;
	v25 =	vperm.xlane v28, v24;
	v9 =	vld.idx.msk [tilespmem:v9+s17+$0x0], $0xffff;
	[tilespmem:s10+$0x420] =	vst v5;
	v5 =	vadd.s32 v3, v18  }
0x19c: {  	v4 =	vor.u32 v45, v4;
	v13 =	vadd.s32 v3, v13;
	[tilespmem:s10+$0x430] =	vst v7;
	v7 =	vld.idx.msk [tilespmem:v14+s17+$0x0], $0xffff  }
0x19d: {  	v33 =	vor.u32 v49, v4;
	v16 =	vadd.s32 v1, v25;
	v4 =	vld.idx.msk [tilespmem:v19+s7+$0x0], $0xffff;
	[tilespmem:s10+$0xFFFFFC00] =	vst v12  }
0x19e: {  	v61 =	vadd.s32 v1, v17;
	v14 =	vperm.xlane v59, v24;
	v11 =	vld.idx.msk [tilespmem:v11+s7+$0x0], $0xffff;
	[tilespmem:s10+$0xFFFFFC10] =	vst v0  }
0x19f: {  	v12 =	vadd.s32 v3, v25;
	v19 =	vperm.xlane v20, v40;
	[tilespmem:s10+$0xFFFFFC20] =	vst v15;
	v0 =	vld.idx.msk [tilespmem:v6+s17+$0x0], $0xffff  }
0x1a0: {  	v25 =	vadd.s32 v3, v17;
	v6 =	vadd.s32 v1, v14;
	v5 =	vld.idx.msk [tilespmem:v5+s17+$0x0], $0xffff;
	[tilespmem:s10+$0xFFFFFC30] =	vst v9  }
0x1a1: {  	v15 =	vperm.xlane v28, v40;
	v14 =	vadd.s32 v3, v14;
	v9 =	vld.idx.msk [tilespmem:v13+s17+$0x0], $0xffff;
	[tilespmem:s6+$0xFFFFFF00] =	vst v8  }
0x1a2: {  	v26 =	vadd.s32 v1, v19;
	[tilespmem:s6+$0xFFFFFF10] =	vst v10;
	v8 =	vld.idx.msk [tilespmem:v16+s7+$0x0], $0xffff;
	v16 =	vperm.xlane v21, v40  }
0x1a3: {  	v17 =	vperm.xlane v28, v46;
	v19 =	vadd.s32 v3, v19;
	[tilespmem:s10+$0x480] =	vst v4;
	v4 =	vadd.s32 v1, v15  }
0x1a4: {  	v12 =	vld.idx.msk [tilespmem:v12+s7+$0x0], $0xffff;
	[tilespmem:s10+$0x490] =	vst v11;
	v11 =	vadd.s32 v3, v15;
	v15 =	vadd.s32 v1, v16  }
0x1a5: {  	v6 =	vld.idx.msk [tilespmem:v6+s17+$0x0], $0xffff;
	[tilespmem:s10+$0x4A0] =	vst v0  }
0x1a6: {  	v41 =	vimm.s32 $0xC;
	v30 =	vadd.s32 v1, v17;
	v16 =	vadd.s32 v3, v16;
	v14 =	vld.idx.msk [tilespmem:v14+s17+$0x0], $0xffff;
	[tilespmem:s10+$0x4B0] =	vst v5  }
0x1a7: {  	v10 =	vadd.s32 v3, v17;
	v17 =	vperm.xlane v28, v41;
	[tilespmem:s6+$0xFFFFFF20] =	vst v7;
	v26 =	vld.idx.msk [tilespmem:v26+s7+$0x0], $0xffff  }
0x1a8: {  	v32 =	vadd.s32 v3, v22;
	v18 =	vadd.s32 v1, v22;
	[tilespmem:s10+$0xFFFFFC80] =	vst v8;
	v8 =	vld.idx.msk [tilespmem:v19+s7+$0x0], $0xffff  }
0x1a9: {  	v13 =	vperm.xlane v59, v40;
	v43 =	vadd.s32 v1, v17;
	[tilespmem:s10+$0xFFFFFC90] =	vst v12;
	v15 =	vld.idx.msk [tilespmem:v15+s17+$0x0], $0xffff  }
0x1aa: {  	v42 =	vadd.s32 v3, v17;
	v17 =	vperm.xlane v59, v50;
	v12 =	vperm.xlane v59, v41;
	[tilespmem:s10+$0xFFFFFCA0] =	vst v6  }
0x1ab: {  	v0 =	vadd.s32 v1, v13;
	v6 =	vld.idx.msk [tilespmem:v16+s17+$0x0], $0xffff;
	v16 =	vperm.xlane v20, v46;
	[tilespmem:s10+$0xFFFFFCB0] =	vst v14  }
0x1ac: {  	v41 =	vadd.s32 v1, v12;
	v40 =	vadd.s32 v3, v12;
	v12 =	vperm.xlane v28, v50;
	[tilespmem:s10+$0x500] =	vst v26  }
0x1ad: {  	v7 =	vperm.xlane v21, v46;
	v63 =	vadd.s32 v3, v17;
	v5 =	vadd.s32 v3, v13;
	[tilespmem:s10+$0x510] =	vst v8  }
0x1ae: {  	v4 =	vld.idx.msk [tilespmem:v4+s7+$0x0], $0xffff;
	v14 =	vadd.s32 v1, v16;
	[tilespmem:s10+$0x520] =	vst v15;
	v15 =	vadd.s32 v1, v12  }
0x1af: {  	v13 =	vperm.xlane v59, v46;
	v11 =	vld.idx.msk [tilespmem:v11+s7+$0x0], $0xffff;
	v16 =	vadd.s32 v3, v16;
	[tilespmem:$0x1FFC0] =	vst v15  }
0x1b0: {  	v19 =	vperm.xlane v59, v47;
	v26 =	vadd.s32 v1, v7;
	[tilespmem:s10+$0x530] =	vst v6;
	v6 =	vadd.s32 v3, v12  }
0x1b1: {  	v44 =	vadd.s32 v1, v13;
	v7 =	vadd.s32 v3, v7;
	v0 =	vld.idx.msk [tilespmem:v0+s17+$0x0], $0xffff;
	[tilespmem:$0x1FFD0] =	vst v6  }
0x1b2: {  	v13 =	vadd.s32 v3, v13;
	v8 =	vperm.xlane v28, v47;
	v5 =	vld.idx.msk [tilespmem:v5+s17+$0x0], $0xffff;
	[tilespmem:s6+$0xFFFFFF30] =	vst v9  }
0x1b3: {  	s12 =	simm.s32 $0x4;
	v39 =	vadd.s32 v1, v19;
	v50 =	vadd.s32 v1, v17;
	[tilespmem:s10+$0xFFFFFD00] =	vst v4;
	v9 =	vld.idx.msk [tilespmem:v14+s7+$0x0], $0xffff  }
0x1b4: {  	v22 =	vadd.s32 v1, v8;
	v23 =	vadd.s32 v3, v8;
	v6 =	vmov s12;
	v8 =	vld.idx.msk [tilespmem:v16+s7+$0x0], $0xffff;
	[tilespmem:s10+$0xFFFFFD10] =	vst v11  }
0x1b5: {  	v4 =	vshll.u32 v6, $0xA;
	v6 =	vperm.xlane v28, v48;
	v11 =	vperm.xlane v59, v48;
	v12 =	vld.idx.msk [tilespmem:v26+s17+$0x0], $0xffff;
	[tilespmem:s18+$0xFFFFFFB0] =	vst v2  }
0x1b6: {  	v16 =	vadd.s32 v3, v19;
	v14 =	vor.u32 v45, v4;
	v4 =	vld.idx.msk [tilespmem:v7+s17+$0x0], $0xffff;
	[tilespmem:s10+$0xFFFFFD20] =	vst v0  }
0x1b7: {  	v28 =	vimm.s32 $0xC;
	v38 =	vor.u32 v49, v14;
	v14 =	vld.idx.msk [tilespmem:v18+s7+$0x0], $0xffff;
	v49 =	vadd.s32 v1, v11;
	[tilespmem:s10+$0xFFFFFD30] =	vst v5  }
0x1b8: {  	v18 =	vadd.s32 v3, v11;
	v11 =	vperm.xlane v21, v28;
	[tilespmem:s10+$0x580] =	vst v9;
	v0 =	vld.idx.msk [tilespmem:v30+s7+$0x0], $0xffff  }
0x1b9: {  	v15 =	vadd.s32 v1, v6;
	v5 =	vperm.xlane v20, v28;
	[tilespmem:s10+$0x590] =	vst v8;
	v2 =	vld.idx.msk [tilespmem:v10+s7+$0x0], $0xffff  }
0x1ba: {  	v34 =	vadd.s32 v3, v6;
	[tilespmem:s10+$0x5A0] =	vst v12;
	v9 =	vadd.s32 v1, v11;
	v6 =	vld.idx.msk [tilespmem:v13+s17+$0x0], $0xffff  }
0x1bb: {  	s29 =	simm.s32 $0xFA70;
	s15 =	simm.s32 $0x4;
	s18 =	simm.s32 $0x12800;
	v10 =	vadd.s32 v3, v11;
	v7 =	vadd.s32 v1, v5;
	v8 =	vadd.s32 v3, v5;
	v5 =	vld.idx.msk [tilespmem:v44+s17+$0x0], $0xffff  }
.LBB2_3:
0x1bc: {  	[tilespmem:$0x1FF20] =	vst v22  }
0x1bd: {  	[tilespmem:$0x1FEF0] =	vst v34  }
0x1be: {  	[tilespmem:$0x1FE90] =	vst v50  }
0x1bf: {  	v11 =	vld [tilespmem:s29+$0x0];
	[tilespmem:s10+$0x5B0] =	vst v4  }
0x1c0: {  	[tilespmem:$0x1FEA0] =	vst v33;
	v4 =	vld.idx.msk [tilespmem:v7+s7+$0x0], $0xffff  }
0x1c1: {  	[tilespmem:s10+$0xFFFFFD80] =	vst v0;
	v0 =	vld.idx.msk [tilespmem:v8+s7+$0x0], $0xffff  }
0x1c2: {  	[tilespmem:s10+$0xFFFFFD90] =	vst v2;
	v2 =	vld.idx.msk [tilespmem:v9+s17+$0x0], $0xffff  }
0x1c3: {  	v33 =	vimm.s32 $0xD;
	[tilespmem:s10+$0xFFFFFDA0] =	vst v5;
	v5 =	vld.idx.msk [tilespmem:v10+s17+$0x0], $0xffff  }
0x1c4: {  	[tilespmem:$0x1FED0] =	vst v63;
	s19 =	sadd.s32 $0x20, s19;
	v7 =	vperm.xlane v20, v33;
	v8 =	vld [tilespmem:s29+$0xFFFFFFF0]  }
0x1c5: {  	[tilespmem:s10+$0xFFFFFDB0] =	vst v6;
	v6 =	vld [tilespmem:s19+$0x0]  }
0x1c6: {  	[tilespmem:$0x1FEE0] =	vst v32;
	v9 =	vperm.xlane v21, v33;
	v12 =	vld [tilespmem:s19+$0xFFFFFFF0];
	v10 =	vadd.s32 v1, v7  }
0x1c7: {  	v13 =	vld.idx.msk [tilespmem:v42+s7+$0x0], $0xffff;
	[tilespmem:s10+$0x600] =	vst v4;
	v4 =	vadd.s32 v3, v7  }
0x1c8: {  	v11 =	vshll.u32 v11, $0x5;
	v41 =	vld.idx.msk [tilespmem:v41+s17+$0x0], $0xffff;
	[tilespmem:s10+$0x610] =	vst v0;
	v0 =	vadd.s32 v1, v9  }
0x1c9: {  	v7 =	vld.idx.msk [tilespmem:v43+s7+$0x0], $0xffff;
	[tilespmem:s10+$0x620] =	vst v2;
	v2 =	vadd.s32 v3, v9;
	v48 =	vshll.u32 v8, $0x5;
	v8 =	vperm.xlane v11, v31  }
0x1ca: {  	v63 =	vld.idx.msk [tilespmem:v40+s17+$0x0], $0xffff;
	[tilespmem:s10+$0x630] =	vst v5  }
0x1cb: {  	[tilespmem:$0x1FF30] =	vst v14;
	v6 =	vshll.u32 v6, $0x5;
	v5 =	vperm.xlane v48, v31;
	v10 =	vld.idx.msk [tilespmem:v10+s7+$0x0], $0xffff;
	v14 =	vadd.s32 v1, v8  }
0x1cc: {  	[tilespmem:$0x1FF10] =	vst v18;
	v50 =	vshll.u32 v12, $0x5;
	v12 =	vperm.xlane v6, v31;
	v8 =	vadd.s32 v3, v8;
	v4 =	vld.idx.msk [tilespmem:v4+s7+$0x0], $0xffff  }
0x1cd: {  	[tilespmem:$0x1FF70] =	vst v16;
	v32 =	vimm.s32 $0xE;
	v16 =	vadd.s32 v1, v5;
	v5 =	vadd.s32 v3, v5;
	v0 =	vld.idx.msk [tilespmem:v0+s17+$0x0], $0xffff  }
0x1ce: {  	v18 =	vperm.xlane v20, v32;
	v17 =	vadd.s32 v1, v12;
	v2 =	vld.idx.msk [tilespmem:v2+s17+$0x0], $0xffff;
	[tilespmem:s10+$0xFFFFFE00] =	vst v7  }
0x1cf: {  	[tilespmem:$0x1FFB0] =	vst v15;
	v12 =	vadd.s32 v3, v12;
	v26 =	vld [tilespmem:s20+$0xFFFFFFF0]  }
0x1d0: {  	v60 =	vadd.s32 v1, v18;
	v7 =	vperm.xlane v21, v32;
	v14 =	vld.idx.msk [tilespmem:v14+s7+$0x0], $0xffff;
	[tilespmem:s10+$0x680] =	vst v10  }
0x1d1: {  	[tilespmem:s10+$0xFFFFFE10] =	vst v13;
	v10 =	vadd.s32 v3, v18;
	v8 =	vld.idx.msk [tilespmem:v8+s7+$0x0], $0xffff  }
0x1d2: {  	v5 =	vld.idx.msk [tilespmem:v5+s7+$0x0], $0xffff;
	[tilespmem:s10+$0x690] =	vst v4;
	v4 =	vadd.s32 v1, v7  }
0x1d3: {  	v17 =	vld.idx.msk [tilespmem:v17+s17+$0x0], $0xffff;
	[tilespmem:s10+$0x6A0] =	vst v0;
	v0 =	vadd.s32 v3, v7  }
0x1d4: {  	v15 =	vperm.xlane v50, v31;
	v12 =	vld.idx.msk [tilespmem:v12+s17+$0x0], $0xffff;
	[tilespmem:s10+$0x6B0] =	vst v2  }
0x1d5: {  	[tilespmem:$0x1FEC0] =	vst v38;
	v35 =	vperm.xlane v11, v36;
	v2 =	vperm.xlane v50, v29;
	s10 =	sadd.s32 $0x1000, s10;
	v13 =	vld.idx.msk [tilespmem:v60+s7+$0x0], $0xffff  }
0x1d6: {  	v19 =	vadd.s32 v1, v15;
	v15 =	vadd.s32 v3, v15;
	v10 =	vld.idx.msk [tilespmem:v10+s7+$0x0], $0xffff;
	[tilespmem:s10+$0x0] =	vst v14  }
0x1d7: {  	v38 =	vimm.s32 $0xF;
	v46 =	vadd.s32 v1, v2;
	v44 =	vadd.s32 v3, v2;
	v2 =	vld.idx.msk [tilespmem:v4+s17+$0x0], $0xffff;
	[tilespmem:s10+$0x10] =	vst v8  }
0x1d8: {  	v4 =	vadd.s32 v1, v35;
	v8 =	vperm.xlane v20, v38;
	v0 =	vld.idx.msk [tilespmem:v0+s17+$0x0], $0xffff;
	[tilespmem:s10+$0x20] =	vst v17  }
0x1d9: {  	v20 =	vmov v11;
	v11 =	vld.idx.msk [tilespmem:v16+s7+$0x0], $0xffff;
	v16 =	vadd.s32 v3, v35;
	[tilespmem:s10+$0x30] =	vst v12  }
0x1da: {  	v9 =	vperm.xlane v48, v36;
	v12 =	vperm.xlane v21, v38;
	v17 =	vadd.s32 v1, v8;
	[tilespmem:s18+$0x700] =	vst v13  }
0x1db: {  	v34 =	vperm.xlane v48, v27;
	v21 =	vmov v6;
	v6 =	vld.idx.msk [tilespmem:v19+s17+$0x0], $0xffff;
	v8 =	vadd.s32 v3, v8;
	[tilespmem:s18+$0x710] =	vst v10  }
0x1dc: {  	v51 =	vadd.s32 v1, v9;
	v13 =	vld.idx.msk [tilespmem:v15+s17+$0x0], $0xffff;
	[tilespmem:s10+$0xFFFFF810] =	vst v5;
	v10 =	vadd.s32 v1, v12  }
0x1dd: {  	v9 =	vadd.s32 v3, v9;
	v15 =	vperm.xlane v21, v36;
	v4 =	vld.idx.msk [tilespmem:v4+s7+$0x0], $0xffff;
	[tilespmem:s18+$0x720] =	vst v2  }
0x1de: {  	v40 =	vadd.s32 v1, v34;
	v2 =	vadd.s32 v3, v12;
	v52 =	vld.idx.msk [tilespmem:v16+s7+$0x0], $0xffff;
	[tilespmem:s18+$0x730] =	vst v0  }
0x1df: {  	v43 =	vadd.s32 v3, v34;
	v34 =	vimm.s32 $0x5;
	v12 =	vadd.s32 v1, v15;
	[tilespmem:s10+$0xFFFFF800] =	vst v11;
	v11 =	vld.idx.msk [tilespmem:v17+s7+$0x0], $0xffff  }
0x1e0: {  	v54 =	vperm.xlane v50, v34;
	v0 =	vadd.s32 v3, v15;
	v53 =	vld.idx.msk [tilespmem:v8+s7+$0x0], $0xffff;
	[tilespmem:s10+$0xFFFFF820] =	vst v6  }
0x1e1: {  	v30 =	vimm.s32 $0x4;
	v59 =	vperm.xlane v50, v36;
	[tilespmem:s10+$0xFFFFF830] =	vst v13;
	v55 =	vld.idx.msk [tilespmem:v10+s17+$0x0], $0xffff  }
0x1e2: {  	v5 =	vperm.xlane v48, v30;
	v8 =	vadd.s32 v1, v54;
	v10 =	vadd.s32 v3, v54;
	v54 =	vld.idx.msk [tilespmem:v9+s7+$0x0], $0xffff  }
0x1e3: {  	[tilespmem:$0x1FF60] =	vst v39;
	v18 =	vadd.s32 v1, v59;
	v2 =	vld.idx.msk [tilespmem:v2+s17+$0x0], $0xffff  }
0x1e4: {  	v16 =	vadd.s32 v3, v5;
	v6 =	vperm.xlane v48, v34;
	v17 =	vadd.s32 v1, v5;
	v5 =	vld.idx.msk [tilespmem:v12+s17+$0x0], $0xffff  }
0x1e5: {  	v7 =	vadd.s32 v3, v59;
	v0 =	vld.idx.msk [tilespmem:v0+s17+$0x0], $0xffff;
	[tilespmem:s10+$0x80] =	vst v4  }
0x1e6: {  	v13 =	vadd.s32 v1, v6;
	[tilespmem:s10+$0x90] =	vst v52  }
0x1e7: {  	s12 =	sadd.s32 $0x4, s12;
	v12 =	vadd.s32 v3, v6;
	v6 =	vperm.xlane v20, v29;
	v4 =	vld.idx.msk [tilespmem:v51+s7+$0x0], $0xffff;
	[tilespmem:s18+$0x780] =	vst v11  }
0x1e8: {  	v36 =	vmov s12;
	[tilespmem:s18+$0x790] =	vst v53;
	v53 =	vld.idx.msk [tilespmem:v18+s17+$0x0], $0xffff  }
0x1e9: {  	v57 =	vperm.xlane v21, v29;
	v58 =	vadd.s32 v1, v6;
	v18 =	vshll.u32 v36, $0xA;
	v36 =	vld [tilespmem:$0x1FFF0];
	[tilespmem:s18+$0x7A0] =	vst v55  }
0x1ea: {  	v62 =	vperm.xlane v48, v29;
	v59 =	vadd.s32 v3, v6;
	v55 =	vld.idx.msk [tilespmem:v7+s17+$0x0], $0xffff;
	[tilespmem:s10+$0xFFFFF890] =	vst v54  }
0x1eb: {  	s20 =	smov.u32 s11;
	s11 =	sadd.s32 $0x20, s11;
	v35 =	vld [tilespmem:$0x1FFE0];
	v51 =	vadd.s32 v1, v57;
	[tilespmem:s18+$0x7B0] =	vst v2  }
0x1ec: {  	s30 =	sadd.s32 $0x2, s12;
	v47 =	vadd.s32 v1, v62;
	v52 =	vld [tilespmem:s11+$0x0];
	[tilespmem:s10+$0xA0] =	vst v5  }
0x1ed: {  	v39 =	vimm.s32 $0x8;
	v45 =	vadd.s32 v3, v62;
	v9 =	vmov s30;
	[tilespmem:s10+$0xB0] =	vst v0  }
0x1ee: {  	v22 =	vperm.xlane v50, v39;
	v9 =	vshll.u32 v9, $0xA;
	[tilespmem:s10+$0xFFFFF880] =	vst v4;
	v58 =	vld.idx.msk [tilespmem:v58+s7+$0x0], $0xffff  }
0x1ef: {  	v2 =	vor.u32 v36, v9;
	v54 =	vld.idx.msk [tilespmem:v59+s7+$0x0], $0xffff;
	[tilespmem:s10+$0xFFFFF8A0] =	vst v53  }
0x1f0: {  	v0 =	vadd.s32 v1, v22;
	v51 =	vld.idx.msk [tilespmem:v51+s17+$0x0], $0xffff;
	v60 =	vor.u32 v35, v2;
	[tilespmem:s10+$0xFFFFF8B0] =	vst v55  }
0x1f1: {  	v57 =	vadd.s32 v3, v57;
	[tilespmem:$0x1FF40] =	vst v0;
	v0 =	vadd.s32 v3, v22;
	v22 =	vld.idx.msk [tilespmem:v47+s7+$0x0], $0xffff  }
0x1f2: {  	[tilespmem:$0x1FEB0] =	vst v26;
	v45 =	vld.idx.msk [tilespmem:v45+s7+$0x0], $0xffff  }
0x1f3: {  	[tilespmem:$0x1FF50] =	vst v0;
	v46 =	vld.idx.msk [tilespmem:v46+s17+$0x0], $0xffff  }
0x1f4: {  	v44 =	vld.idx.msk [tilespmem:v44+s17+$0x0], $0xffff;
	[tilespmem:s18+$0xFFFFFE20] =	vst v41  }
0x1f5: {  	v14 =	vperm.xlane v50, v27;
	[tilespmem:v60+s25+$0x0] =	vst.idx.msk $0xffff, v52  }
0x1f6: {  	v37 =	vperm.xlane v21, v27;
	v47 =	vperm.xlane v48, v24;
	v52 =	vld.idx.msk [tilespmem:v57+s17+$0x0], $0xffff;
	[tilespmem:s10+$0x100] =	vst v58  }
0x1f7: {  	v19 =	vadd.s32 v3, v14;
	v53 =	vperm.xlane v20, v27;
	v24 =	vimm.s32 $0x9;
	v0 =	vmovc v25;
	[tilespmem:s10+$0x110] =	vst v54  }
0x1f8: {  	v25 =	vadd.s32 v1, v37;
	v24 =	vperm.xlane v50, v24;
	v26 =	vadd.s32 v1, v47;
	[tilespmem:s10+$0x120] =	vst v51  }
0x1f9: {  	v57 =	vmov v23;
	v23 =	vadd.s32 v1, v53;
	v53 =	vadd.s32 v3, v53;
	[tilespmem:s10+$0xFFFFF900] =	vst v22  }
0x1fa: {  	v54 =	vadd.s32 v3, v47;
	v47 =	vadd.s32 v3, v37;
	v37 =	vimm.s32 $0xA;
	[tilespmem:s10+$0xFFFFF910] =	vst v45  }
0x1fb: {  	v55 =	vadd.s32 v3, v24;
	v58 =	vadd.s32 v1, v24;
	v24 =	vperm.xlane v48, v37;
	[tilespmem:s10+$0xFFFFF920] =	vst v46  }
0x1fc: {  	[tilespmem:s10+$0xFFFFF930] =	vst v44  }
0x1fd: {  	v19 =	vld.idx.msk [tilespmem:v19+s17+$0x0], $0xffff;
	v22 =	vadd.s32 v1, v24;
	[tilespmem:s10+$0x130] =	vst v52  }
0x1fe: {  	[tilespmem:$0x1FF90] =	vst v22;
	v22 =	vadd.s32 v3, v24;
	v23 =	vld.idx.msk [tilespmem:v23+s7+$0x0], $0xffff  }
0x1ff: {  	v42 =	vadd.s32 v1, v14;
	v52 =	vimm.s32 $0xB;
	[tilespmem:$0x1FFA0] =	vst v22;
	v22 =	vld.idx.msk [tilespmem:v53+s7+$0x0], $0xffff  }
0x200: {  	[tilespmem:$0x1FF80] =	vst v26;
	v26 =	vperm.xlane v48, v52;
	v24 =	vld.idx.msk [tilespmem:v25+s17+$0x0], $0xffff  }
0x201: {  	v14 =	vperm.xlane v50, v30;
	v25 =	vperm.xlane v50, v52;
	v27 =	vld.idx.msk [tilespmem:v47+s17+$0x0], $0xffff  }
0x202: {  	v47 =	vadd.s32 v1, v26;
	v44 =	vadd.s32 v3, v26;
	v26 =	vperm.xlane v48, v28;
	v28 =	vld.idx.msk [tilespmem:v40+s7+$0x0], $0xffff  }
0x203: {  	v41 =	vperm.xlane v20, v30;
	v40 =	vperm.xlane v21, v30;
	v30 =	vld.idx.msk [tilespmem:v43+s7+$0x0], $0xffff  }
0x204: {  	v45 =	vadd.s32 v1, v25;
	v46 =	vadd.s32 v3, v25;
	v25 =	vld.idx.msk [tilespmem:v42+s17+$0x0], $0xffff;
	[tilespmem:s18+$0xFFFFFE30] =	vst v63  }
0x205: {  	v29 =	vadd.s32 v1, v41;
	[tilespmem:s10+$0xFFFFF9B0] =	vst v19  }
0x206: {  	[tilespmem:s10+$0x1A0] =	vst v24;
	v24 =	vadd.s32 v3, v40  }
0x207: {  	[tilespmem:s10+$0x180] =	vst v23  }
0x208: {  	v31 =	vimm.s32 $0xC;
	[tilespmem:s10+$0x190] =	vst v22;
	v22 =	vadd.s32 v1, v40  }
0x209: {  	v31 =	vperm.xlane v50, v31;
	[tilespmem:s10+$0x1B0] =	vst v27  }
0x20a: {  	v43 =	vadd.s32 v1, v26;
	v42 =	vadd.s32 v3, v26;
	v23 =	vadd.s32 v3, v41;
	v29 =	vld.idx.msk [tilespmem:v29+s7+$0x0], $0xffff  }
0x20b: {  	v26 =	vperm.xlane v48, v33;
	v41 =	vadd.s32 v1, v31;
	[tilespmem:s10+$0xFFFFF980] =	vst v28;
	v24 =	vld.idx.msk [tilespmem:v24+s17+$0x0], $0xffff  }
0x20c: {  	v40 =	vadd.s32 v3, v31;
	v31 =	vperm.xlane v50, v32;
	v28 =	vperm.xlane v48, v32;
	[tilespmem:s10+$0xFFFFF990] =	vst v30;
	v32 =	vld [tilespmem:$0x1FFC0]  }
0x20d: {  	v15 =	vadd.s32 v1, v14;
	v30 =	vadd.s32 v1, v26;
	[tilespmem:s10+$0xFFFFF9A0] =	vst v25;
	v22 =	vld.idx.msk [tilespmem:v22+s17+$0x0], $0xffff  }
0x20e: {  	v14 =	vadd.s32 v3, v14;
	v27 =	vperm.xlane v50, v33;
	v33 =	vmov v30;
	v30 =	vld.idx.msk [tilespmem:v17+s7+$0x0], $0xffff  }
0x20f: {  	v23 =	vld.idx.msk [tilespmem:v23+s7+$0x0], $0xffff  }
0x210: {  	v19 =	vadd.s32 v1, v28;
	v17 =	vadd.s32 v3, v28;
	v28 =	vperm.xlane v21, v34;
	[tilespmem:s10+$0x230] =	vst v24;
	v24 =	vld [tilespmem:$0x1FFD0]  }
0x211: {  	[tilespmem:$0x1FF00] =	vst v49;
	v18 =	vor.u32 v36, v18  }
0x212: {  	v49 =	vimm.s32 $0x6;
	v18 =	vor.u32 v35, v18;
	v35 =	vld [tilespmem:$0x1FEA0];
	[tilespmem:s10+$0x220] =	vst v22;
	v22 =	vadd.s32 v3, v28  }
0x213: {  	v56 =	vperm.xlane v50, v49;
	v63 =	vperm.xlane v20, v34;
	v14 =	vld.idx.msk [tilespmem:v14+s17+$0x0], $0xffff  }
0x214: {  	v62 =	vperm.xlane v48, v39;
	v11 =	vperm.xlane v48, v49;
	[tilespmem:$0x1FFC0] =	vst v33;
	v34 =	vld.idx.msk [tilespmem:v16+s7+$0x0], $0xffff  }
0x215: {  	v33 =	vadd.s32 v1, v63;
	[tilespmem:s10+$0x200] =	vst v29;
	v29 =	vadd.s32 v3, v63;
	v63 =	vld.idx.msk [tilespmem:v15+s17+$0x0], $0xffff  }
0x216: {  	v6 =	vadd.s32 v1, v56;
	v7 =	vadd.s32 v3, v56;
	v32 =	vld.idx.msk [tilespmem:v32+s7+$0x0], $0xffff;
	[tilespmem:s10+$0x210] =	vst v23  }
0x217: {  	v5 =	vimm.s32 $0x7;
	v26 =	vadd.s32 v3, v26;
	v16 =	vadd.s32 v1, v31;
	v22 =	vld.idx.msk [tilespmem:v22+s17+$0x0], $0xffff  }
0x218: {  	v15 =	vadd.s32 v3, v31;
	v31 =	vperm.xlane v48, v38;
	v23 =	vadd.s32 v1, v28;
	v24 =	vld.idx.msk [tilespmem:v24+s7+$0x0], $0xffff  }
0x219: {  	v56 =	vperm.xlane v50, v5;
	v2 =	vperm.xlane v48, v5;
	v48 =	vmov v26;
	[tilespmem:s10+$0xFFFFFA30] =	vst v14;
	v14 =	vld [tilespmem:$0x1FE90]  }
0x21a: {  	v26 =	vadd.s32 v3, v31;
	[tilespmem:$0x1FFD0] =	vst v48;
	v48 =	vadd.s32 v1, v31;
	v31 =	vld.idx.msk [tilespmem:v33+s7+$0x0], $0xffff  }
0x21b: {  	v51 =	vperm.xlane v50, v37;
	v25 =	vadd.s32 v1, v27;
	v28 =	vperm.xlane v50, v38;
	v29 =	vld.idx.msk [tilespmem:v29+s7+$0x0], $0xffff  }
0x21c: {  	v50 =	vmov v25;
	v25 =	vperm.xlane v21, v49;
	[tilespmem:s10+$0xFFFFFA20] =	vst v63;
	v63 =	vperm.xlane v20, v49;
	v49 =	vld [tilespmem:$0x1FEB0]  }
0x21d: {  	v23 =	vld.idx.msk [tilespmem:v23+s17+$0x0], $0xffff;
	[tilespmem:s10+$0xFFFFFA00] =	vst v30  }
0x21e: {  	[tilespmem:s10+$0x2B0] =	vst v22;
	v22 =	vld [tilespmem:$0x1FED0]  }
0x21f: {  	[tilespmem:s10+$0xFFFFFA10] =	vst v34;
	v34 =	vadd.s32 v1, v63  }
0x220: {  	[tilespmem:s10+$0x280] =	vst v31;
	v13 =	vld.idx.msk [tilespmem:v13+s7+$0x0], $0xffff  }
0x221: {  	v14 =	vld.idx.msk [tilespmem:v14+s17+$0x0], $0xffff;
	[tilespmem:v35+s25+$0x0] =	vst.idx.msk $0xffff, v49  }
0x222: {  	[tilespmem:s10+$0x290] =	vst v29;
	v10 =	vld.idx.msk [tilespmem:v10+s17+$0x0], $0xffff  }
0x223: {  	[tilespmem:s10+$0x2A0] =	vst v23;
	v23 =	vadd.s32 v3, v25;
	v8 =	vld.idx.msk [tilespmem:v8+s17+$0x0], $0xffff  }
0x224: {  	v38 =	vmov v18;
	v18 =	vadd.s32 v1, v25;
	v25 =	vld.idx.msk [tilespmem:v34+s7+$0x0], $0xffff  }
0x225: {  	v12 =	vld.idx.msk [tilespmem:v12+s7+$0x0], $0xffff  }
0x226: {  	v31 =	vadd.s32 v3, v63;
	v22 =	vld.idx.msk [tilespmem:v22+s17+$0x0], $0xffff  }
0x227: {  	[tilespmem:s10+$0xFFFFFAB0] =	vst v10;
	v10 =	vld [tilespmem:$0x1FEE0]  }
0x228: {  	v9 =	vadd.s32 v1, v11;
	[tilespmem:s10+$0xFFFFFAA0] =	vst v8;
	v8 =	vld.idx.msk [tilespmem:v23+s17+$0x0], $0xffff  }
0x229: {  	v23 =	vld [tilespmem:$0x1FEF0]  }
0x22a: {  	[tilespmem:s18+$0xFFFFFE80] =	vst v32  }
0x22b: {  	v11 =	vadd.s32 v3, v11;
	[tilespmem:s10+$0xFFFFFA80] =	vst v13;
	v13 =	vld.idx.msk [tilespmem:v31+s7+$0x0], $0xffff  }
0x22c: {  	[tilespmem:s10+$0xFFFFFA90] =	vst v12;
	v12 =	vld.idx.msk [tilespmem:v18+s17+$0x0], $0xffff  }
0x22d: {  	v18 =	vperm.xlane v20, v5;
	v9 =	vld.idx.msk [tilespmem:v9+s7+$0x0], $0xffff  }
0x22e: {  	[tilespmem:s10+$0x300] =	vst v25;
	v32 =	vmov v23;
	v23 =	vperm.xlane v21, v5;
	v5 =	vld [tilespmem:$0x1FF00]  }
0x22f: {  	v34 =	vmov v26;
	v26 =	vadd.s32 v1, v18;
	v10 =	vld.idx.msk [tilespmem:v10+s7+$0x0], $0xffff;
	[tilespmem:s18+$0xFFFFFE90] =	vst v24  }
0x230: {  	[tilespmem:s10+$0x310] =	vst v13;
	v13 =	vadd.s32 v1, v23;
	v11 =	vld.idx.msk [tilespmem:v11+s7+$0x0], $0xffff  }
0x231: {  	v18 =	vadd.s32 v3, v18;
	[tilespmem:s10+$0x320] =	vst v12;
	v6 =	vld.idx.msk [tilespmem:v6+s17+$0x0], $0xffff  }
0x232: {  	[tilespmem:s10+$0x330] =	vst v8;
	v12 =	vadd.s32 v3, v23;
	v7 =	vld.idx.msk [tilespmem:v7+s17+$0x0], $0xffff  }
0x233: {  	v8 =	vld.idx.msk [tilespmem:v61+s17+$0x0], $0xffff;
	[tilespmem:s18+$0xFFFFFEA0] =	vst v14  }
0x234: {  	v23 =	vld.idx.msk [tilespmem:v26+s7+$0x0], $0xffff;
	[tilespmem:s10+$0xFFFFFB00] =	vst v9  }
0x235: {  	[tilespmem:s10+$0xFFFFFB10] =	vst v11;
	v11 =	vld.idx.msk [tilespmem:v13+s17+$0x0], $0xffff  }
0x236: {  	v4 =	vadd.s32 v1, v2;
	v9 =	vld.idx.msk [tilespmem:v18+s7+$0x0], $0xffff;
	[tilespmem:s10+$0xFFFFFB20] =	vst v6  }
0x237: {  	v2 =	vadd.s32 v3, v2;
	v12 =	vld.idx.msk [tilespmem:v12+s17+$0x0], $0xffff;
	v13 =	vperm.xlane v20, v39;
	[tilespmem:s10+$0xFFFFFB30] =	vst v7  }
0x238: {  	v59 =	vadd.s32 v1, v56;
	v6 =	vld.idx.msk [tilespmem:v0+s17+$0x0], $0xffff  }
0x239: {  	[tilespmem:s10+$0x380] =	vst v23;
	v0 =	vld [tilespmem:$0x1FF10];
	v14 =	vadd.s32 v1, v13  }
0x23a: {  	[tilespmem:s10+$0x3A0] =	vst v11;
	v11 =	vld [tilespmem:$0x1FF20]  }
0x23b: {  	v61 =	vmov v5;
	v5 =	vld.idx.msk [tilespmem:v4+s7+$0x0], $0xffff;
	[tilespmem:s18+$0xFFFFFEB0] =	vst v22  }
0x23c: {  	v56 =	vadd.s32 v3, v56;
	v7 =	vperm.xlane v21, v39;
	[tilespmem:s10+$0x390] =	vst v9;
	v4 =	vld.idx.msk [tilespmem:v2+s7+$0x0], $0xffff  }
0x23d: {  	v2 =	vld.idx.msk [tilespmem:v59+s17+$0x0], $0xffff;
	[tilespmem:s10+$0x3B0] =	vst v12  }
0x23e: {  	v9 =	vadd.s32 v1, v7;
	v7 =	vadd.s32 v3, v7;
	v12 =	vld.idx.msk [tilespmem:v14+s7+$0x0], $0xffff  }
0x23f: {  	v14 =	vld [tilespmem:$0x1FF30]  }
0x240: {  	v13 =	vadd.s32 v3, v13  }
0x241: {  	v25 =	vmov v0;
	v0 =	vld.idx.msk [tilespmem:v56+s17+$0x0], $0xffff  }
0x242: {  	v11 =	vld.idx.msk [tilespmem:v11+s7+$0x0], $0xffff  }
0x243: {  	[tilespmem:s10+$0xFFFFFBA0] =	vst v2;
	v2 =	vld.idx.msk [tilespmem:v7+s17+$0x0], $0xffff  }
0x244: {  	v23 =	vmov v17;
	v17 =	vld [tilespmem:$0x1FF50];
	[tilespmem:s6+$0xFFFFFF80] =	vst v14  }
0x245: {  	[tilespmem:s10+$0xFFFFFB80] =	vst v5;
	v5 =	vld.idx.msk [tilespmem:v13+s7+$0x0], $0xffff  }
0x246: {  	v60 =	vadd.s32 v1, v62;
	[tilespmem:s10+$0xFFFFFB90] =	vst v4;
	v4 =	vld.idx.msk [tilespmem:v9+s17+$0x0], $0xffff  }
0x247: {  	v62 =	vadd.s32 v3, v62;
	[tilespmem:s10+$0x400] =	vst v12;
	v12 =	vld [tilespmem:$0x1FF40]  }
0x248: {  	[tilespmem:s10+$0x430] =	vst v2;
	v2 =	vld [tilespmem:$0x1FF60]  }
0x249: {  	[tilespmem:s10+$0xFFFFFBB0] =	vst v0  }
0x24a: {  	v0 =	vld.idx.msk [tilespmem:v57+s7+$0x0], $0xffff  }
0x24b: {  	v9 =	vld.idx.msk [tilespmem:v60+s7+$0x0], $0xffff;
	[tilespmem:s6+$0xFFFFFF90] =	vst v10  }
0x24c: {  	v10 =	vld.idx.msk [tilespmem:v62+s7+$0x0], $0xffff  }
0x24d: {  	v24 =	vimm.s32 $0x9  }
0x24e: {  	v7 =	vperm.xlane v20, v24;
	v17 =	vld.idx.msk [tilespmem:v17+s17+$0x0], $0xffff  }
0x24f: {  	v12 =	vld.idx.msk [tilespmem:v12+s17+$0x0], $0xffff  }
0x250: {  	v13 =	vperm.xlane v21, v24;
	v14 =	vadd.s32 v1, v7;
	[tilespmem:s10+$0x410] =	vst v5;
	v2 =	vld.idx.msk [tilespmem:v2+s17+$0x0], $0xffff  }
0x251: {  	v7 =	vadd.s32 v3, v7;
	[tilespmem:s10+$0xFFFFFC10] =	vst v10;
	v10 =	vld [tilespmem:$0x1FF80]  }
0x252: {  	v5 =	vadd.s32 v1, v13;
	[tilespmem:s10+$0xFFFFFC00] =	vst v9;
	v9 =	vld [tilespmem:$0x1FF70]  }
0x253: {  	[tilespmem:s10+$0x420] =	vst v4;
	v4 =	vadd.s32 v3, v13;
	_ =	sdelay $0x1  }
0x254: {  	v13 =	vld.idx.msk [tilespmem:v14+s7+$0x0], $0xffff  }
0x255: {  	v7 =	vld.idx.msk [tilespmem:v7+s7+$0x0], $0xffff;
	[tilespmem:s6+$0xFFFFFFA0] =	vst v8  }
0x256: {  	v5 =	vld.idx.msk [tilespmem:v5+s17+$0x0], $0xffff;
	[tilespmem:s10+$0xFFFFFC20] =	vst v12  }
0x257: {  	v4 =	vld.idx.msk [tilespmem:v4+s17+$0x0], $0xffff;
	[tilespmem:s10+$0xFFFFFC30] =	vst v17  }
0x258: {  	v10 =	vld.idx.msk [tilespmem:v10+s7+$0x0], $0xffff  }
0x259: {  	v9 =	vld.idx.msk [tilespmem:v9+s17+$0x0], $0xffff;
	[tilespmem:s18+$0xFFFFFF00] =	vst v11  }
0x25a: {  	v11 =	vld.idx.msk [tilespmem:v54+s7+$0x0], $0xffff  }
0x25b: {  	[tilespmem:s10+$0x480] =	vst v13;
	v13 =	vld.idx.msk [tilespmem:v58+s17+$0x0], $0xffff  }
0x25c: {  	v39 =	vmov v16;
	v16 =	vmov v15;
	v15 =	vld.idx.msk [tilespmem:v55+s17+$0x0], $0xffff  }
0x25d: {  	v8 =	vperm.xlane v20, v37;
	[tilespmem:s10+$0xFFFFFC80] =	vst v10;
	v10 =	vld [tilespmem:$0x1FF90]  }
0x25e: {  	[tilespmem:s10+$0x490] =	vst v7  }
0x25f: {  	v14 =	vadd.s32 v1, v8;
	v8 =	vadd.s32 v3, v8;
	[tilespmem:s10+$0x4A0] =	vst v5  }
0x260: {  	[tilespmem:s10+$0x4B0] =	vst v4  }
0x261: {  	v12 =	vperm.xlane v21, v37;
	[tilespmem:s18+$0xFFFFFF10] =	vst v0  }
0x262: {  	[tilespmem:s10+$0xFFFFFC90] =	vst v11  }
0x263: {  	v7 =	vadd.s32 v1, v12;
	[tilespmem:s10+$0xFFFFFCA0] =	vst v13  }
0x264: {  	v5 =	vadd.s32 v3, v12;
	v0 =	vld.idx.msk [tilespmem:v8+s7+$0x0], $0xffff;
	[tilespmem:s10+$0xFFFFFCB0] =	vst v15  }
0x265: {  	v10 =	vld.idx.msk [tilespmem:v10+s7+$0x0], $0xffff  }
0x266: {  	[tilespmem:s18+$0xFFFFFF20] =	vst v2;
	v2 =	vld [tilespmem:$0x1FFA0]  }
0x267: {  	v53 =	vadd.s32 v1, v51;
	v4 =	vld.idx.msk [tilespmem:v14+s7+$0x0], $0xffff  }
0x268: {  	v51 =	vadd.s32 v3, v51;
	v7 =	vld.idx.msk [tilespmem:v7+s17+$0x0], $0xffff;
	v11 =	vperm.xlane v21, v52  }
0x269: {  	v5 =	vld.idx.msk [tilespmem:v5+s17+$0x0], $0xffff  }
0x26a: {  	v8 =	vperm.xlane v20, v52;
	[tilespmem:s10+$0x510] =	vst v0;
	v0 =	vadd.s32 v1, v11;
	_ =	sdelay $0x1  }
0x26b: {  	v12 =	vadd.s32 v1, v8;
	[tilespmem:s10+$0x500] =	vst v4;
	v4 =	vadd.s32 v3, v8;
	v8 =	vld.idx.msk [tilespmem:v53+s17+$0x0], $0xffff  }
0x26c: {  	[tilespmem:s10+$0x520] =	vst v7;
	v13 =	vld.idx.msk [tilespmem:v51+s17+$0x0], $0xffff  }
0x26d: {  	[tilespmem:s10+$0x530] =	vst v5;
	v2 =	vld.idx.msk [tilespmem:v2+s7+$0x0], $0xffff  }
0x26e: {  	[tilespmem:s10+$0xFFFFFD00] =	vst v10;
	v10 =	vld.idx.msk [tilespmem:v0+s17+$0x0], $0xffff  }
0x26f: {  	v0 =	vld [tilespmem:$0x1FFB0];
	_ =	sdelay $0x1  }
0x270: {  	v7 =	vadd.s32 v3, v11;
	_ =	sdelay $0x1  }
0x271: {  	v63 =	vld [tilespmem:$0x1FEC0];
	[tilespmem:s18+$0xFFFFFF30] =	vst v9  }
0x272: {  	v5 =	vld.idx.msk [tilespmem:v12+s7+$0x0], $0xffff;
	[tilespmem:s10+$0xFFFFFD20] =	vst v8  }
0x273: {  	s15 =	sadd.s32 $0x2, s15;
	v9 =	vld.idx.msk [tilespmem:v4+s7+$0x0], $0xffff;
	[tilespmem:s10+$0xFFFFFD30] =	vst v13  }
0x274: {  	p1 =	slt.u32 s15, $0x8;
	v30 =	vadd.s32 v1, v28;
	v28 =	vadd.s32 v3, v28;
	v4 =	vld.idx.msk [tilespmem:v7+s17+$0x0], $0xffff;
	[tilespmem:s10+$0xFFFFFD10] =	vst v2  }
.Ltmp0:
0x275: {  	v18 =	vmov v28;
	v28 =	vimm.s32 $0xC;
	v14 =	vld.idx.msk [tilespmem:v0+s7+$0x0], $0xffff;
	(pc) =	sbr.rel @p1 .LBB2_3-.Ltmp0, $4  }
0x276: {  	v36 =	vimm.s32 $0x1;
	v27 =	vadd.s32 v3, v27;
	v8 =	vperm.xlane v20, v28;
	v0 =	vld.idx.msk [tilespmem:v47+s7+$0x0], $0xffff;
	[tilespmem:s6+$0xFFFFFFB0] =	vst v6  }
0x277: {  	v29 =	vimm.s32 $0x2;
	v33 =	vmovc v63;
	v63 =	vmovc v27;
	v49 =	vmov v30;
	v11 =	vperm.xlane v21, v28;
	[tilespmem:s10+$0x580] =	vst v5;
	v2 =	vld.idx.msk [tilespmem:v44+s7+$0x0], $0xffff  }
0x278: {  	v27 =	vimm.s32 $0x3;
	v22 =	vmovc v19;
	v7 =	vadd.s32 v1, v8;
	v8 =	vadd.s32 v3, v8;
	[tilespmem:s10+$0x590] =	vst v9;
	v5 =	vld.idx.msk [tilespmem:v45+s17+$0x0], $0xffff  }
0x279: {  	s29 =	sadd.s32 $0x20, s29;
	v31 =	vimm.s32 $0x0;
	v15 =	vmovc v48;
	v9 =	vadd.s32 v1, v11;
	[tilespmem:s10+$0x5A0] =	vst v10;
	v10 =	vadd.s32 v3, v11;
	s6 =	smov.u32 s18;
	s18 =	smov.u32 s10;
	v6 =	vld.idx.msk [tilespmem:v46+s17+$0x0], $0xffff  }
0x27a: {  	_ =	sdelay $0x2  }
0x27b: {  	[tilespmem:s10+$0x5B0] =	vst v4  }
0x27c: {  	v4 =	vld.idx.msk [tilespmem:v7+s7+$0x0], $0xffff  }
0x27d: {  	v45 =	vimm.s32 $0xD;
	v7 =	vld.idx.msk [tilespmem:v8+s7+$0x0], $0xffff;
	[tilespmem:s10+$0xFFFFFD80] =	vst v0  }
0x27e: {  	v8 =	vld.idx.msk [tilespmem:v9+s17+$0x0], $0xffff;
	v9 =	vperm.xlane v20, v45;
	[tilespmem:s10+$0xFFFFFD90] =	vst v2  }
0x27f: {  	v10 =	vld.idx.msk [tilespmem:v10+s17+$0x0], $0xffff;
	[tilespmem:s10+$0xFFFFFDA0] =	vst v5  }
0x280: {  	v12 =	vadd.s32 v1, v9;
	[tilespmem:s10+$0xFFFFFDB0] =	vst v6  }
0x281: {  	v11 =	vperm.xlane v21, v45;
	[tilespmem:s10+$0x600] =	vst v4  }
0x282: {  	v4 =	vadd.s32 v3, v9;
	[tilespmem:s10+$0x610] =	vst v7  }
0x283: {  	v7 =	vadd.s32 v1, v11;
	[tilespmem:s10+$0x620] =	vst v8  }
0x284: {  	v8 =	vadd.s32 v3, v11;
	[tilespmem:s10+$0x630] =	vst v10;
	v10 =	vld.idx.msk [tilespmem:v42+s7+$0x0], $0xffff  }
0x285: {  	v0 =	vld.idx.msk [tilespmem:v12+s7+$0x0], $0xffff  }
0x286: {  	v11 =	vld.idx.msk [tilespmem:v40+s17+$0x0], $0xffff  }
0x287: {  	v48 =	vimm.s32 $0xE;
	v2 =	vld.idx.msk [tilespmem:v4+s7+$0x0], $0xffff  }
0x288: {  	v5 =	vperm.xlane v20, v48;
	v4 =	vld.idx.msk [tilespmem:v7+s17+$0x0], $0xffff  }
0x289: {  	v6 =	vld.idx.msk [tilespmem:v8+s17+$0x0], $0xffff  }
0x28a: {  	v9 =	vadd.s32 v1, v5;
	v7 =	vld.idx.msk [tilespmem:v43+s7+$0x0], $0xffff;
	[tilespmem:s10+$0x680] =	vst v0  }
0x28b: {  	v0 =	vadd.s32 v3, v5;
	v5 =	vld.idx.msk [tilespmem:v41+s17+$0x0], $0xffff;
	[tilespmem:s10+$0xFFFFFE10] =	vst v10  }
0x28c: {  	v8 =	vperm.xlane v21, v48;
	[tilespmem:s10+$0x690] =	vst v2  }
0x28d: {  	[tilespmem:s10+$0x6A0] =	vst v4  }
0x28e: {  	v2 =	vadd.s32 v1, v8;
	[tilespmem:s10+$0x6B0] =	vst v6  }
0x28f: {  	v4 =	vadd.s32 v3, v8;
	[tilespmem:s10+$0xFFFFFE00] =	vst v7;
	v6 =	vld.idx.msk [tilespmem:v9+s7+$0x0], $0xffff  }
0x290: {  	[tilespmem:s18+$0xFFFFFE30] =	vst v11  }
0x291: {  	v0 =	vld.idx.msk [tilespmem:v0+s7+$0x0], $0xffff;
	[tilespmem:s18+$0xFFFFFE20] =	vst v5  }
0x292: {  	v47 =	vimm.s32 $0xF;
	v9 =	vld [tilespmem:$0x1FFC0]  }
0x293: {  	v7 =	vperm.xlane v20, v47;
	v2 =	vld.idx.msk [tilespmem:v2+s17+$0x0], $0xffff  }
0x294: {  	v4 =	vld.idx.msk [tilespmem:v4+s17+$0x0], $0xffff;
	[tilespmem:s18+$0x700] =	vst v6  }
0x295: {  	v8 =	vadd.s32 v1, v7;
	v6 =	vadd.s32 v3, v7;
	v7 =	vld [tilespmem:$0x1FFD0];
	_ =	sdelay $0x3  }
0x296: {  	v5 =	vperm.xlane v21, v47  }
0x297: {  	v10 =	vld.idx.msk [tilespmem:v50+s17+$0x0], $0xffff;
	[tilespmem:s18+$0x710] =	vst v0  }
0x298: {  	v0 =	vadd.s32 v1, v5;
	[tilespmem:s18+$0x720] =	vst v2;
	v2 =	vadd.s32 v3, v5;
	v5 =	vld.idx.msk [tilespmem:v63+s17+$0x0], $0xffff  }
0x299: {  	v9 =	vld.idx.msk [tilespmem:v9+s7+$0x0], $0xffff  }
0x29a: {  	v7 =	vld.idx.msk [tilespmem:v7+s7+$0x0], $0xffff  }
0x29b: {  	[tilespmem:s18+$0x730] =	vst v4  }
0x29c: {  	v4 =	vld.idx.msk [tilespmem:v8+s7+$0x0], $0xffff;
	[tilespmem:s18+$0xFFFFFEA0] =	vst v10  }
0x29d: {  	v6 =	vld.idx.msk [tilespmem:v6+s7+$0x0], $0xffff;
	[tilespmem:s18+$0xFFFFFEB0] =	vst v5  }
0x29e: {  	v0 =	vld.idx.msk [tilespmem:v0+s17+$0x0], $0xffff;
	[tilespmem:s18+$0xFFFFFE80] =	vst v9  }
0x29f: {  	v2 =	vld.idx.msk [tilespmem:v2+s17+$0x0], $0xffff;
	[tilespmem:s18+$0xFFFFFE90] =	vst v7  }
0x2a0: {  	v5 =	vld.idx.msk [tilespmem:v22+s7+$0x0], $0xffff  }
0x2a1: {  	v7 =	vld.idx.msk [tilespmem:v23+s7+$0x0], $0xffff  }
0x2a2: {  	[tilespmem:s18+$0x780] =	vst v4;
	v4 =	vld.idx.msk [tilespmem:v39+s17+$0x0], $0xffff  }
0x2a3: {  	[tilespmem:s18+$0x790] =	vst v6;
	v6 =	vld.idx.msk [tilespmem:v16+s17+$0x0], $0xffff  }
0x2a4: {  	[tilespmem:s18+$0x7A0] =	vst v0  }
0x2a5: {  	[tilespmem:s18+$0xFFFFFF00] =	vst v5  }
0x2a6: {  	v0 =	vld.idx.msk [tilespmem:v32+s7+$0x0], $0xffff;
	[tilespmem:s18+$0xFFFFFF10] =	vst v7  }
0x2a7: {  	v5 =	vld.idx.msk [tilespmem:v61+s17+$0x0], $0xffff;
	[tilespmem:s18+$0xFFFFFF20] =	vst v4  }
0x2a8: {  	v4 =	vld.idx.msk [tilespmem:v25+s17+$0x0], $0xffff;
	[tilespmem:s18+$0xFFFFFF30] =	vst v6  }
0x2a9: {  	[tilespmem:s18+$0x7B0] =	vst v2;
	v2 =	vld.idx.msk [tilespmem:v15+s7+$0x0], $0xffff  }
0x2aa: {  	[tilespmem:s6+$0xFFFFFF80] =	vst v14  }
0x2ab: {  	[tilespmem:s6+$0xFFFFFF90] =	vst v0;
	v6 =	vld.idx.msk [tilespmem:v34+s7+$0x0], $0xffff  }
0x2ac: {  	v0 =	vld.idx.msk [tilespmem:v49+s17+$0x0], $0xffff;
	[tilespmem:s6+$0xFFFFFFA0] =	vst v5  }
0x2ad: {  	v5 =	vld.idx.msk [tilespmem:v18+s17+$0x0], $0xffff;
	[tilespmem:s6+$0xFFFFFFB0] =	vst v4  }
0x2ae: {  	v46 =	vld [tilespmem:$0x1FFF0];
	[tilespmem:s18+$0xFFFFFF80] =	vst v2  }
0x2af: {  	s29 =	sadd.s32 $0x4, s12;
	v39 =	vld [tilespmem:$0x1FFE0]  }
0x2b0: {  	s12 =	sadd.s32 $0x2, s29  }
0x2b1: {  	v7 =	vmov s12;
	v2 =	vmov s29  }
0x2b2: {  	v7 =	vshll.u32 v7, $0xA;
	[tilespmem:s18+$0xFFFFFF90] =	vst v6;
	v6 =	vld [tilespmem:s20+$0xFFFFFFF0];
	v2 =	vshll.u32 v2, $0xA  }
0x2b3: {  	s30 =	sadd.s32 $0x20, s11;
	[tilespmem:s18+$0xFFFFFFA0] =	vst v0;
	v4 =	vor.u32 v46, v7;
	v0 =	vor.u32 v46, v2;
	v2 =	vld [tilespmem:s11+$0xFFFFFFF0]  }
0x2b4: {  	[tilespmem:s18+$0xFFFFFFB0] =	vst v5;
	v7 =	vld [tilespmem:s30+$0x0];
	v4 =	vor.u32 v39, v4  }
0x2b5: {  	v5 =	vld [tilespmem:s30+$0xFFFFFFF0];
	v0 =	vor.u32 v39, v0;
	_ =	sdelay $0x1  }
0x2b6: {  	[tilespmem:v33+s25+$0x0] =	vst.idx.msk $0xffff, v6  }
0x2b7: {  	p1 =	seq.s32 s5, $0x13F;
	s10 =	sadd.s32 s8, s4;
	[tilespmem:v38+s25+$0x0] =	vst.idx.msk $0xffff, v2  }
0x2b8: {  	s4 =	sadd.s32 @!p1 s4, s14;
	s6 =	sshll.u32 s10, $0x4;
	[tilespmem:v4+s25+$0x0] =	vst.idx.msk $0xffff, v7  }
0x2b9: {  	s4 =	sshrl.u32 @!p1 s4, $0x3;
	s6 =	sadd.s32 s9, s6;
	[tilespmem:v0+s25+$0x0] =	vst.idx.msk $0xffff, v5  }
0x2ba: {  	[hbm4b:s6+s7] =	stream.linear.scatter [tilespmem:s25], [sflag:$0x3], $0x5000, $0x38;
	[tilespmem:$0x1A000] =	vst v63  }
0x2bb: {  	s10 =	simm.s32 @!p1 $0x0;
	s11 =	simm.s32 @!p1 $0xFA00;
	s6 =	sadd.s32 @!p1 s0, s4  }
0x2bc: {  	[tilespmem:s11], [sflag:$0x1] =	stream.linear.gather @!p1 [hbm4b:s6+s10], $0xA0, $0x38;
	[tilespmem:$0x1A000] =	vst v63  }
0x2bd: {  	s6 =	sadd.s32 @!p1 s1, s4;
	s11 =	simm.s32 @!p1 $0xFC00  }
0x2be: {  	[tilespmem:s11], [sflag:$0x1] =	stream.linear.gather @!p1 [hbm4b:s6+s10], $0xA0, $0x38;
	[tilespmem:$0x1A000] =	vst v63  }
0x2bf: {  	s4 =	sadd.s32 @!p1 s3, s4;
	s6 =	simm.s32 @!p1 $0xFE00  }
0x2c0: {  	[tilespmem:s6], [sflag:$0x1] =	stream.linear.gather @!p1 [hbm4b:s4+s10], $0xA0, $0x38;
	[tilespmem:$0x1A000] =	vst v63  }
0x2c1: {  	_ =	swait.ge [sflag:s26], $0xA0  }
0x2c2: {  	[sflag:s26] =	ssyncset.done $0x0  }
0x2c3: {  	[sflag:s26] =	ssyncadd.s32 $0xFFFFFF60  }
0x2c4: {  	_ =	swait.ge [sflag:s26], $0xA0  }
0x2c5: {  	[sflag:s26] =	ssyncset.done $0x0  }
0x2c6: {  	[sflag:s26] =	ssyncadd.s32 $0xFFFFFF60  }
0x2c7: {  	_ =	swait.ge [sflag:s26], $0xA0  }
0x2c8: {  	[sflag:s26] =	ssyncset.done $0x0  }
0x2c9: {  	s4 =	simm.s32 @!p0 $0x4;
	[sflag:s26] =	ssyncadd.s32 $0xFFFFFF60  }
0x2ca: {  	_ =	swait.ge @!p0 [sflag:s4], $0x5000  }
0x2cb: {  	[sflag:s4] =	ssyncset.done @!p0 $0x0  }
0x2cc: {  	s11 =	simm.s32 $0xFB10;
	[sflag:s4] =	ssyncadd.s32 @!p0 $0xFFFFB000  }
0x2cd: {  	v0 =	vld [tilespmem:s11+$0x0]  }
0x2ce: {  	s12 =	simm.s32 $0xFD10  }
0x2cf: {  	v2 =	vld [tilespmem:s12+$0x0];
	_ =	sdelay $0x1  }
0x2d0: {  	v4 =	vld [tilespmem:s11+$0xFFFFFFF0]  }
0x2d1: {  	v21 =	vshll.u32 v0, $0x5  }
0x2d2: {  	v0 =	vld [tilespmem:s12+$0xFFFFFFF0];
	v5 =	vperm.xlane v21, v31  }
0x2d3: {  	v20 =	vshll.u32 v2, $0x5  }
0x2d4: {  	v2 =	vperm.xlane v20, v31;
	v6 =	vadd.s32 v1, v5  }
0x2d5: {  	v23 =	vshll.u32 v4, $0x5;
	v4 =	vadd.s32 v3, v5  }
0x2d6: {  	v5 =	vperm.xlane v23, v31;
	v7 =	vadd.s32 v1, v2  }
0x2d7: {  	v22 =	vshll.u32 v0, $0x5;
	v0 =	vadd.s32 v3, v2  }
0x2d8: {  	v8 =	vadd.s32 v1, v5;
	v2 =	vperm.xlane v22, v31  }
0x2d9: {  	v5 =	vadd.s32 v3, v5;
	v6 =	vld.idx.msk [tilespmem:v6+s7+$0x0], $0xffff  }
0x2da: {  	v9 =	vadd.s32 v1, v2;
	v4 =	vld.idx.msk [tilespmem:v4+s7+$0x0], $0xffff  }
0x2db: {  	v10 =	vperm.xlane v21, v36;
	v2 =	vadd.s32 v3, v2;
	v7 =	vld.idx.msk [tilespmem:v7+s17+$0x0], $0xffff  }
0x2dc: {  	v0 =	vld.idx.msk [tilespmem:v0+s17+$0x0], $0xffff  }
0x2dd: {  	s6 =	simm.s32 $0x15800;
	v12 =	vperm.xlane v20, v36;
	v11 =	vadd.s32 v1, v10;
	v8 =	vld.idx.msk [tilespmem:v8+s7+$0x0], $0xffff  }
0x2de: {  	v5 =	vld.idx.msk [tilespmem:v5+s7+$0x0], $0xffff;
	[tilespmem:s6+$0x0] =	vst v6;
	v6 =	vadd.s32 v3, v10  }
0x2df: {  	v10 =	vperm.xlane v23, v36;
	[tilespmem:s6+$0x10] =	vst v4;
	v4 =	vld.idx.msk [tilespmem:v9+s17+$0x0], $0xffff;
	v9 =	vadd.s32 v1, v12  }
0x2e0: {  	[tilespmem:s6+$0x20] =	vst v7;
	v2 =	vld.idx.msk [tilespmem:v2+s17+$0x0], $0xffff;
	v7 =	vadd.s32 v3, v12  }
0x2e1: {  	v12 =	vperm.xlane v22, v36;
	v13 =	vadd.s32 v1, v10;
	[tilespmem:s6+$0x30] =	vst v0  }
0x2e2: {  	v0 =	vadd.s32 v3, v10;
	[tilespmem:s6+$0xFFFFF800] =	vst v8;
	v10 =	vld.idx.msk [tilespmem:v11+s7+$0x0], $0xffff  }
0x2e3: {  	v8 =	vadd.s32 v1, v12;
	[tilespmem:s6+$0xFFFFF810] =	vst v5;
	v6 =	vld.idx.msk [tilespmem:v6+s7+$0x0], $0xffff  }
0x2e4: {  	v5 =	vadd.s32 v3, v12;
	[tilespmem:s6+$0xFFFFF820] =	vst v4;
	v4 =	vld.idx.msk [tilespmem:v9+s17+$0x0], $0xffff;
	v9 =	vperm.xlane v21, v29  }
0x2e5: {  	[tilespmem:s6+$0xFFFFF830] =	vst v2;
	v2 =	vld.idx.msk [tilespmem:v7+s17+$0x0], $0xffff  }
0x2e6: {  	v11 =	vperm.xlane v20, v29;
	v7 =	vld.idx.msk [tilespmem:v13+s7+$0x0], $0xffff;
	v12 =	vadd.s32 v1, v9  }
0x2e7: {  	v0 =	vld.idx.msk [tilespmem:v0+s7+$0x0], $0xffff;
	v9 =	vadd.s32 v3, v9;
	[tilespmem:s6+$0x80] =	vst v10  }
0x2e8: {  	v8 =	vld.idx.msk [tilespmem:v8+s17+$0x0], $0xffff;
	v10 =	vperm.xlane v23, v29;
	[tilespmem:s6+$0x90] =	vst v6;
	v6 =	vadd.s32 v1, v11  }
0x2e9: {  	v5 =	vld.idx.msk [tilespmem:v5+s17+$0x0], $0xffff;
	[tilespmem:s6+$0xA0] =	vst v4;
	v4 =	vadd.s32 v3, v11  }
0x2ea: {  	v11 =	vperm.xlane v22, v29;
	v13 =	vadd.s32 v1, v10;
	[tilespmem:s6+$0xB0] =	vst v2  }
0x2eb: {  	v2 =	vadd.s32 v3, v10;
	[tilespmem:s6+$0xFFFFF880] =	vst v7;
	v7 =	vld.idx.msk [tilespmem:v12+s7+$0x0], $0xffff  }
0x2ec: {  	v10 =	vadd.s32 v1, v11;
	[tilespmem:s6+$0xFFFFF890] =	vst v0;
	v0 =	vld.idx.msk [tilespmem:v9+s7+$0x0], $0xffff  }
0x2ed: {  	v9 =	vadd.s32 v3, v11;
	[tilespmem:s6+$0xFFFFF8A0] =	vst v8;
	v8 =	vperm.xlane v21, v27;
	v6 =	vld.idx.msk [tilespmem:v6+s17+$0x0], $0xffff  }
0x2ee: {  	[tilespmem:s6+$0xFFFFF8B0] =	vst v5;
	v4 =	vld.idx.msk [tilespmem:v4+s17+$0x0], $0xffff  }
0x2ef: {  	v11 =	vperm.xlane v20, v27;
	v12 =	vadd.s32 v1, v8;
	v5 =	vld.idx.msk [tilespmem:v13+s7+$0x0], $0xffff  }
0x2f0: {  	v2 =	vld.idx.msk [tilespmem:v2+s7+$0x0], $0xffff;
	[tilespmem:s6+$0x100] =	vst v7;
	v7 =	vadd.s32 v3, v8  }
0x2f1: {  	v8 =	vperm.xlane v23, v27;
	v10 =	vld.idx.msk [tilespmem:v10+s17+$0x0], $0xffff;
	[tilespmem:s6+$0x110] =	vst v0;
	v0 =	vadd.s32 v1, v11  }
0x2f2: {  	v9 =	vld.idx.msk [tilespmem:v9+s17+$0x0], $0xffff;
	[tilespmem:s6+$0x120] =	vst v6;
	v6 =	vadd.s32 v3, v11  }
0x2f3: {  	v13 =	vadd.s32 v1, v8;
	v11 =	vperm.xlane v22, v27;
	[tilespmem:s6+$0x130] =	vst v4  }
0x2f4: {  	v4 =	vadd.s32 v3, v8;
	[tilespmem:s6+$0xFFFFF900] =	vst v5;
	v8 =	vld.idx.msk [tilespmem:v12+s7+$0x0], $0xffff  }
0x2f5: {  	v63 =	vimm.s32 $0x4;
	[tilespmem:s6+$0xFFFFF910] =	vst v2;
	v5 =	vadd.s32 v1, v11;
	v7 =	vld.idx.msk [tilespmem:v7+s7+$0x0], $0xffff  }
0x2f6: {  	v2 =	vadd.s32 v3, v11;
	v0 =	vld.idx.msk [tilespmem:v0+s17+$0x0], $0xffff;
	[tilespmem:s6+$0xFFFFF920] =	vst v10;
	v10 =	vperm.xlane v21, v63  }
0x2f7: {  	[tilespmem:s6+$0xFFFFF930] =	vst v9;
	v6 =	vld.idx.msk [tilespmem:v6+s17+$0x0], $0xffff  }
0x2f8: {  	v11 =	vperm.xlane v20, v63;
	v9 =	vld.idx.msk [tilespmem:v13+s7+$0x0], $0xffff;
	v12 =	vadd.s32 v1, v10  }
0x2f9: {  	v4 =	vld.idx.msk [tilespmem:v4+s7+$0x0], $0xffff;
	[tilespmem:s6+$0x180] =	vst v8;
	v8 =	vadd.s32 v3, v10  }
0x2fa: {  	v10 =	vperm.xlane v23, v63;
	v5 =	vld.idx.msk [tilespmem:v5+s17+$0x0], $0xffff;
	[tilespmem:s6+$0x190] =	vst v7;
	v7 =	vadd.s32 v1, v11  }
0x2fb: {  	v2 =	vld.idx.msk [tilespmem:v2+s17+$0x0], $0xffff;
	[tilespmem:s6+$0x1A0] =	vst v0;
	v0 =	vadd.s32 v3, v11;
	v11 =	vperm.xlane v22, v63  }
0x2fc: {  	v13 =	vadd.s32 v1, v10;
	[tilespmem:s6+$0x1B0] =	vst v6  }
0x2fd: {  	[tilespmem:s6+$0xFFFFF980] =	vst v9;
	v9 =	vadd.s32 v1, v11;
	v6 =	vadd.s32 v3, v10;
	v10 =	vld.idx.msk [tilespmem:v12+s7+$0x0], $0xffff  }
0x2fe: {  	v52 =	vimm.s32 $0x5;
	[tilespmem:s6+$0xFFFFF990] =	vst v4;
	v8 =	vld.idx.msk [tilespmem:v8+s7+$0x0], $0xffff  }
0x2ff: {  	v4 =	vadd.s32 v3, v11;
	v7 =	vld.idx.msk [tilespmem:v7+s17+$0x0], $0xffff;
	[tilespmem:s6+$0xFFFFF9A0] =	vst v5;
	v5 =	vperm.xlane v21, v52  }
0x300: {  	v0 =	vld.idx.msk [tilespmem:v0+s17+$0x0], $0xffff;
	[tilespmem:s6+$0xFFFFF9B0] =	vst v2  }
0x301: {  	v11 =	vperm.xlane v20, v52;
	v2 =	vld.idx.msk [tilespmem:v13+s7+$0x0], $0xffff;
	v12 =	vadd.s32 v1, v5  }
0x302: {  	v5 =	vadd.s32 v3, v5;
	v9 =	vld.idx.msk [tilespmem:v9+s17+$0x0], $0xffff;
	[tilespmem:s6+$0x200] =	vst v10  }
0x303: {  	v6 =	vld.idx.msk [tilespmem:v6+s7+$0x0], $0xffff;
	v10 =	vperm.xlane v23, v52;
	[tilespmem:s6+$0x210] =	vst v8;
	v8 =	vadd.s32 v1, v11  }
0x304: {  	v4 =	vld.idx.msk [tilespmem:v4+s17+$0x0], $0xffff;
	[tilespmem:s6+$0x220] =	vst v7;
	v7 =	vadd.s32 v3, v11  }
0x305: {  	v11 =	vperm.xlane v22, v52;
	[tilespmem:s6+$0x230] =	vst v0;
	v13 =	vadd.s32 v1, v10  }
0x306: {  	v0 =	vadd.s32 v3, v10;
	[tilespmem:s6+$0xFFFFFA00] =	vst v2;
	v10 =	vld.idx.msk [tilespmem:v12+s7+$0x0], $0xffff  }
0x307: {  	v53 =	vimm.s32 $0x6;
	v2 =	vadd.s32 v1, v11;
	v5 =	vld.idx.msk [tilespmem:v5+s7+$0x0], $0xffff;
	[tilespmem:s6+$0xFFFFFA20] =	vst v9  }
0x308: {  	v9 =	vperm.xlane v21, v53;
	[tilespmem:s6+$0xFFFFFA10] =	vst v6;
	v6 =	vadd.s32 v3, v11;
	v8 =	vld.idx.msk [tilespmem:v8+s17+$0x0], $0xffff  }
0x309: {  	[tilespmem:s6+$0xFFFFFA30] =	vst v4;
	v7 =	vld.idx.msk [tilespmem:v7+s17+$0x0], $0xffff  }
0x30a: {  	v11 =	vperm.xlane v20, v53;
	v12 =	vadd.s32 v1, v9;
	v4 =	vld.idx.msk [tilespmem:v13+s7+$0x0], $0xffff  }
0x30b: {  	v9 =	vadd.s32 v3, v9;
	v0 =	vld.idx.msk [tilespmem:v0+s7+$0x0], $0xffff;
	[tilespmem:s6+$0x280] =	vst v10  }
0x30c: {  	v10 =	vperm.xlane v23, v53;
	v2 =	vld.idx.msk [tilespmem:v2+s17+$0x0], $0xffff;
	[tilespmem:s6+$0x290] =	vst v5;
	v5 =	vadd.s32 v1, v11  }
0x30d: {  	v6 =	vld.idx.msk [tilespmem:v6+s17+$0x0], $0xffff;
	[tilespmem:s6+$0x2A0] =	vst v8;
	v8 =	vadd.s32 v3, v11  }
0x30e: {  	v11 =	vperm.xlane v22, v53;
	v13 =	vadd.s32 v1, v10;
	[tilespmem:s6+$0x2B0] =	vst v7  }
0x30f: {  	v7 =	vadd.s32 v3, v10;
	v10 =	vld.idx.msk [tilespmem:v12+s7+$0x0], $0xffff;
	[tilespmem:s6+$0xFFFFFA80] =	vst v4  }
0x310: {  	v54 =	vimm.s32 $0x7;
	v4 =	vadd.s32 v1, v11;
	v9 =	vld.idx.msk [tilespmem:v9+s7+$0x0], $0xffff;
	[tilespmem:s6+$0xFFFFFA90] =	vst v0  }
0x311: {  	v0 =	vadd.s32 v3, v11;
	v5 =	vld.idx.msk [tilespmem:v5+s17+$0x0], $0xffff;
	[tilespmem:s6+$0xFFFFFAA0] =	vst v2;
	v2 =	vperm.xlane v21, v54  }
0x312: {  	[tilespmem:s6+$0xFFFFFAB0] =	vst v6;
	v8 =	vld.idx.msk [tilespmem:v8+s17+$0x0], $0xffff  }
0x313: {  	v11 =	vperm.xlane v20, v54;
	v6 =	vld.idx.msk [tilespmem:v13+s7+$0x0], $0xffff;
	v12 =	vadd.s32 v1, v2  }
0x314: {  	v2 =	vadd.s32 v3, v2;
	v7 =	vld.idx.msk [tilespmem:v7+s7+$0x0], $0xffff;
	[tilespmem:s6+$0x300] =	vst v10  }
0x315: {  	v10 =	vperm.xlane v23, v54;
	v4 =	vld.idx.msk [tilespmem:v4+s17+$0x0], $0xffff;
	[tilespmem:s6+$0x310] =	vst v9;
	v9 =	vadd.s32 v1, v11  }
0x316: {  	v0 =	vld.idx.msk [tilespmem:v0+s17+$0x0], $0xffff;
	[tilespmem:s6+$0x320] =	vst v5;
	v5 =	vadd.s32 v3, v11  }
0x317: {  	v11 =	vperm.xlane v22, v54;
	v13 =	vadd.s32 v1, v10;
	[tilespmem:s6+$0x330] =	vst v8  }
0x318: {  	v8 =	vadd.s32 v3, v10;
	[tilespmem:s6+$0xFFFFFB00] =	vst v6;
	v10 =	vld.idx.msk [tilespmem:v12+s7+$0x0], $0xffff  }
0x319: {  	v55 =	vimm.s32 $0x8;
	v6 =	vadd.s32 v1, v11;
	v2 =	vld.idx.msk [tilespmem:v2+s7+$0x0], $0xffff;
	[tilespmem:s6+$0xFFFFFB10] =	vst v7  }
0x31a: {  	v7 =	vadd.s32 v3, v11;
	v9 =	vld.idx.msk [tilespmem:v9+s17+$0x0], $0xffff;
	[tilespmem:s6+$0xFFFFFB20] =	vst v4;
	v4 =	vperm.xlane v21, v55  }
0x31b: {  	[tilespmem:s6+$0xFFFFFB30] =	vst v0;
	v5 =	vld.idx.msk [tilespmem:v5+s17+$0x0], $0xffff  }
0x31c: {  	v11 =	vperm.xlane v20, v55;
	v0 =	vld.idx.msk [tilespmem:v13+s7+$0x0], $0xffff;
	v12 =	vadd.s32 v1, v4  }
0x31d: {  	v4 =	vadd.s32 v3, v4;
	v8 =	vld.idx.msk [tilespmem:v8+s7+$0x0], $0xffff;
	[tilespmem:s6+$0x380] =	vst v10  }
0x31e: {  	v6 =	vld.idx.msk [tilespmem:v6+s17+$0x0], $0xffff;
	v10 =	vperm.xlane v23, v55;
	[tilespmem:s6+$0x390] =	vst v2;
	v2 =	vadd.s32 v1, v11  }
0x31f: {  	v7 =	vld.idx.msk [tilespmem:v7+s17+$0x0], $0xffff;
	[tilespmem:s6+$0x3A0] =	vst v9;
	v9 =	vadd.s32 v3, v11  }
0x320: {  	v11 =	vperm.xlane v22, v55;
	v13 =	vadd.s32 v1, v10;
	[tilespmem:s6+$0x3B0] =	vst v5  }
0x321: {  	v5 =	vadd.s32 v3, v10;
	v10 =	vld.idx.msk [tilespmem:v12+s7+$0x0], $0xffff;
	[tilespmem:s6+$0xFFFFFB80] =	vst v0  }
0x322: {  	v0 =	vadd.s32 v1, v11;
	v4 =	vld.idx.msk [tilespmem:v4+s7+$0x0], $0xffff;
	[tilespmem:s6+$0xFFFFFB90] =	vst v8  }
0x323: {  	v8 =	vadd.s32 v3, v11;
	[tilespmem:s6+$0xFFFFFBA0] =	vst v6;
	v6 =	vperm.xlane v21, v24;
	v2 =	vld.idx.msk [tilespmem:v2+s17+$0x0], $0xffff  }
0x324: {  	[tilespmem:s6+$0xFFFFFBB0] =	vst v7;
	v9 =	vld.idx.msk [tilespmem:v9+s17+$0x0], $0xffff  }
0x325: {  	v11 =	vperm.xlane v20, v24;
	v12 =	vadd.s32 v1, v6;
	v7 =	vld.idx.msk [tilespmem:v13+s7+$0x0], $0xffff  }
0x326: {  	v6 =	vadd.s32 v3, v6;
	v5 =	vld.idx.msk [tilespmem:v5+s7+$0x0], $0xffff;
	[tilespmem:s6+$0x400] =	vst v10  }
0x327: {  	v10 =	vperm.xlane v23, v24;
	v0 =	vld.idx.msk [tilespmem:v0+s17+$0x0], $0xffff;
	[tilespmem:s6+$0x410] =	vst v4;
	v4 =	vadd.s32 v1, v11  }
0x328: {  	v8 =	vld.idx.msk [tilespmem:v8+s17+$0x0], $0xffff;
	[tilespmem:s6+$0x420] =	vst v2;
	v2 =	vadd.s32 v3, v11  }
0x329: {  	v11 =	vperm.xlane v22, v24;
	v13 =	vadd.s32 v1, v10;
	[tilespmem:s6+$0x430] =	vst v9  }
0x32a: {  	v9 =	vadd.s32 v3, v10;
	v10 =	vld.idx.msk [tilespmem:v12+s7+$0x0], $0xffff;
	[tilespmem:s6+$0xFFFFFC00] =	vst v7  }
0x32b: {  	v37 =	vimm.s32 $0xA;
	v7 =	vadd.s32 v1, v11;
	v6 =	vld.idx.msk [tilespmem:v6+s7+$0x0], $0xffff;
	[tilespmem:s6+$0xFFFFFC10] =	vst v5  }
0x32c: {  	v5 =	vadd.s32 v3, v11;
	v4 =	vld.idx.msk [tilespmem:v4+s17+$0x0], $0xffff;
	[tilespmem:s6+$0xFFFFFC20] =	vst v0;
	v0 =	vperm.xlane v21, v37  }
0x32d: {  	[tilespmem:s6+$0xFFFFFC30] =	vst v8;
	v2 =	vld.idx.msk [tilespmem:v2+s17+$0x0], $0xffff  }
0x32e: {  	v11 =	vperm.xlane v20, v37;
	v8 =	vld.idx.msk [tilespmem:v13+s7+$0x0], $0xffff;
	v12 =	vadd.s32 v1, v0  }
0x32f: {  	v0 =	vadd.s32 v3, v0;
	v9 =	vld.idx.msk [tilespmem:v9+s7+$0x0], $0xffff;
	[tilespmem:s6+$0x480] =	vst v10  }
0x330: {  	v10 =	vperm.xlane v23, v37;
	v7 =	vld.idx.msk [tilespmem:v7+s17+$0x0], $0xffff;
	[tilespmem:s6+$0x490] =	vst v6;
	v6 =	vadd.s32 v1, v11  }
0x331: {  	v5 =	vld.idx.msk [tilespmem:v5+s17+$0x0], $0xffff;
	[tilespmem:s6+$0x4A0] =	vst v4;
	v4 =	vadd.s32 v3, v11  }
0x332: {  	v11 =	vperm.xlane v22, v37;
	v13 =	vadd.s32 v1, v10;
	[tilespmem:s6+$0x4B0] =	vst v2  }
0x333: {  	v2 =	vadd.s32 v3, v10;
	[tilespmem:s6+$0xFFFFFC80] =	vst v8;
	v10 =	vld.idx.msk [tilespmem:v12+s7+$0x0], $0xffff  }
0x334: {  	v56 =	vimm.s32 $0xB;
	v8 =	vadd.s32 v1, v11;
	v0 =	vld.idx.msk [tilespmem:v0+s7+$0x0], $0xffff;
	[tilespmem:s6+$0xFFFFFC90] =	vst v9  }
0x335: {  	v9 =	vadd.s32 v3, v11;
	v6 =	vld.idx.msk [tilespmem:v6+s17+$0x0], $0xffff;
	[tilespmem:s6+$0xFFFFFCA0] =	vst v7;
	v7 =	vperm.xlane v21, v56  }
0x336: {  	[tilespmem:s6+$0xFFFFFCB0] =	vst v5;
	v4 =	vld.idx.msk [tilespmem:v4+s17+$0x0], $0xffff  }
0x337: {  	v11 =	vperm.xlane v20, v56;
	v5 =	vld.idx.msk [tilespmem:v13+s7+$0x0], $0xffff;
	v12 =	vadd.s32 v1, v7  }
0x338: {  	v7 =	vadd.s32 v3, v7;
	v2 =	vld.idx.msk [tilespmem:v2+s7+$0x0], $0xffff;
	[tilespmem:s6+$0x500] =	vst v10  }
0x339: {  	v8 =	vld.idx.msk [tilespmem:v8+s17+$0x0], $0xffff;
	v10 =	vperm.xlane v23, v56;
	[tilespmem:s6+$0x510] =	vst v0;
	v0 =	vadd.s32 v1, v11  }
0x33a: {  	v9 =	vld.idx.msk [tilespmem:v9+s17+$0x0], $0xffff;
	[tilespmem:s6+$0x520] =	vst v6;
	v6 =	vadd.s32 v3, v11  }
0x33b: {  	v11 =	vperm.xlane v22, v56;
	v13 =	vadd.s32 v1, v10;
	[tilespmem:s6+$0x530] =	vst v4  }
0x33c: {  	v4 =	vadd.s32 v3, v10;
	v10 =	vld.idx.msk [tilespmem:v12+s7+$0x0], $0xffff;
	[tilespmem:s6+$0xFFFFFD00] =	vst v5  }
0x33d: {  	v5 =	vadd.s32 v1, v11;
	v7 =	vld.idx.msk [tilespmem:v7+s7+$0x0], $0xffff;
	[tilespmem:s6+$0xFFFFFD10] =	vst v2  }
0x33e: {  	[tilespmem:s6+$0xFFFFFD20] =	vst v8;
	v8 =	vperm.xlane v21, v28;
	v0 =	vld.idx.msk [tilespmem:v0+s17+$0x0], $0xffff  }
0x33f: {  	v2 =	vadd.s32 v3, v11;
	[tilespmem:s6+$0xFFFFFD30] =	vst v9;
	v6 =	vld.idx.msk [tilespmem:v6+s17+$0x0], $0xffff  }
0x340: {  	v11 =	vperm.xlane v20, v28;
	v12 =	vadd.s32 v1, v8;
	v9 =	vld.idx.msk [tilespmem:v13+s7+$0x0], $0xffff  }
0x341: {  	v8 =	vadd.s32 v3, v8;
	v4 =	vld.idx.msk [tilespmem:v4+s7+$0x0], $0xffff;
	[tilespmem:s6+$0x580] =	vst v10  }
0x342: {  	s15 =	simm.s32 $0xFB30;
	v5 =	vld.idx.msk [tilespmem:v5+s17+$0x0], $0xffff;
	[tilespmem:s6+$0x590] =	vst v7;
	v7 =	vadd.s32 v1, v11  }
0x343: {  	v10 =	vld [tilespmem:s15+$0x0];
	[tilespmem:s6+$0x5A0] =	vst v0  }
0x344: {  	v2 =	vld.idx.msk [tilespmem:v2+s17+$0x0], $0xffff;
	v0 =	vadd.s32 v3, v11;
	[tilespmem:s6+$0x5B0] =	vst v6  }
0x345: {  	v6 =	vperm.xlane v23, v28;
	v11 =	vld.idx.msk [tilespmem:v12+s7+$0x0], $0xffff  }
0x346: {  	v8 =	vld.idx.msk [tilespmem:v8+s7+$0x0], $0xffff  }
0x347: {  	s18 =	simm.s32 $0xFD30;
	v13 =	vperm.xlane v22, v28;
	[tilespmem:s6+$0xFFFFFD90] =	vst v4;
	v12 =	vadd.s32 v1, v6;
	v7 =	vld.idx.msk [tilespmem:v7+s17+$0x0], $0xffff  }
0x348: {  	v4 =	vperm.xlane v21, v45;
	v6 =	vadd.s32 v3, v6;
	[tilespmem:s6+$0xFFFFFDA0] =	vst v5;
	v5 =	vld [tilespmem:s18+$0x0]  }
0x349: {  	v14 =	vadd.s32 v1, v13;
	[tilespmem:s6+$0xFFFFFD80] =	vst v9;
	v0 =	vld.idx.msk [tilespmem:v0+s17+$0x0], $0xffff  }
0x34a: {  	v16 =	vld [tilespmem:s18+$0xFFFFFFF0];
	[tilespmem:s6+$0xFFFFFDB0] =	vst v2;
	v2 =	vperm.xlane v20, v45;
	v15 =	vadd.s32 v1, v4  }
0x34b: {  	v9 =	vld [tilespmem:s15+$0xFFFFFFF0];
	v4 =	vadd.s32 v3, v4;
	[tilespmem:s6+$0x600] =	vst v11  }
0x34c: {  	v26 =	vshll.u32 v10, $0x5;
	[tilespmem:s6+$0x610] =	vst v8;
	v8 =	vadd.s32 v1, v2;
	v11 =	vld.idx.msk [tilespmem:v12+s7+$0x0], $0xffff  }
0x34d: {  	v2 =	vadd.s32 v3, v2;
	v6 =	vld.idx.msk [tilespmem:v6+s7+$0x0], $0xffff;
	[tilespmem:s6+$0x620] =	vst v7;
	v7 =	vperm.xlane v26, v31  }
0x34e: {  	v10 =	vadd.s32 v3, v13;
	v12 =	vld.idx.msk [tilespmem:v14+s17+$0x0], $0xffff;
	v27 =	vshll.u32 v5, $0x5;
	[tilespmem:s6+$0x630] =	vst v0  }
0x34f: {  	v0 =	vperm.xlane v27, v31;
	v13 =	vadd.s32 v1, v7;
	v5 =	vld.idx.msk [tilespmem:v15+s7+$0x0], $0xffff  }
0x350: {  	v7 =	vadd.s32 v3, v7;
	v4 =	vld.idx.msk [tilespmem:v4+s7+$0x0], $0xffff  }
0x351: {  	v15 =	vperm.xlane v21, v48;
	v8 =	vld.idx.msk [tilespmem:v8+s17+$0x0], $0xffff;
	v14 =	vadd.s32 v1, v0  }
0x352: {  	v2 =	vld.idx.msk [tilespmem:v2+s17+$0x0], $0xffff;
	v17 =	vadd.s32 v3, v0  }
0x353: {  	v0 =	vld.idx.msk [tilespmem:v10+s17+$0x0], $0xffff;
	v10 =	vperm.xlane v20, v48;
	v18 =	vadd.s32 v1, v15  }
0x354: {  	v24 =	vshll.u32 v9, $0x5;
	v9 =	vld.idx.msk [tilespmem:v13+s7+$0x0], $0xffff;
	[tilespmem:s6+$0x680] =	vst v5;
	v5 =	vadd.s32 v3, v15  }
0x355: {  	v13 =	vperm.xlane v24, v31;
	v7 =	vld.idx.msk [tilespmem:v7+s7+$0x0], $0xffff;
	[tilespmem:s6+$0x690] =	vst v4;
	v4 =	vadd.s32 v1, v10  }
0x356: {  	v25 =	vshll.u32 v16, $0x5;
	v14 =	vld.idx.msk [tilespmem:v14+s17+$0x0], $0xffff;
	[tilespmem:s6+$0x6A0] =	vst v8;
	v8 =	vadd.s32 v3, v10  }
0x357: {  	v10 =	vperm.xlane v25, v31;
	v15 =	vadd.s32 v1, v13;
	v16 =	vld.idx.msk [tilespmem:v17+s17+$0x0], $0xffff;
	[tilespmem:s6+$0x6B0] =	vst v2  }
0x358: {  	[tilespmem:s6+$0xFFFFFE00] =	vst v11;
	v2 =	vadd.s32 v3, v13;
	v11 =	vld.idx.msk [tilespmem:v18+s7+$0x0], $0xffff  }
0x359: {  	s4 =	simm.s32 $0x16800;
	[tilespmem:s6+$0xFFFFFE10] =	vst v6;
	v6 =	vperm.xlane v26, v36;
	v13 =	vadd.s32 v1, v10;
	v5 =	vld.idx.msk [tilespmem:v5+s7+$0x0], $0xffff  }
0x35a: {  	v10 =	vadd.s32 v3, v10;
	[tilespmem:s4+$0x0] =	vst v9;
	v4 =	vld.idx.msk [tilespmem:v4+s17+$0x0], $0xffff  }
0x35b: {  	[tilespmem:s4+$0x10] =	vst v7;
	v7 =	vadd.s32 v1, v6;
	v9 =	vperm.xlane v27, v36;
	v8 =	vld.idx.msk [tilespmem:v8+s17+$0x0], $0xffff  }
0x35c: {  	v6 =	vadd.s32 v3, v6;
	v15 =	vld.idx.msk [tilespmem:v15+s7+$0x0], $0xffff;
	[tilespmem:s4+$0x20] =	vst v14  }
0x35d: {  	v2 =	vld.idx.msk [tilespmem:v2+s7+$0x0], $0xffff;
	[tilespmem:s4+$0x30] =	vst v16;
	v14 =	vadd.s32 v1, v9  }
0x35e: {  	v16 =	vperm.xlane v24, v36;
	v9 =	vadd.s32 v3, v9;
	[tilespmem:s6+$0x700] =	vst v11;
	v13 =	vld.idx.msk [tilespmem:v13+s17+$0x0], $0xffff  }
0x35f: {  	v10 =	vld.idx.msk [tilespmem:v10+s17+$0x0], $0xffff;
	[tilespmem:s6+$0x710] =	vst v5  }
0x360: {  	v11 =	vadd.s32 v1, v16;
	v7 =	vld.idx.msk [tilespmem:v7+s7+$0x0], $0xffff;
	v5 =	vperm.xlane v25, v36;
	[tilespmem:s6+$0x720] =	vst v4  }
0x361: {  	v6 =	vld.idx.msk [tilespmem:v6+s7+$0x0], $0xffff;
	v4 =	vadd.s32 v3, v16;
	[tilespmem:s4+$0xFFFFF800] =	vst v15  }
0x362: {  	[tilespmem:s4+$0xFFFFF810] =	vst v2;
	v2 =	vld.idx.msk [tilespmem:v14+s17+$0x0], $0xffff;
	v14 =	vperm.xlane v26, v29;
	v15 =	vadd.s32 v1, v5  }
0x363: {  	v9 =	vld.idx.msk [tilespmem:v9+s17+$0x0], $0xffff;
	v5 =	vadd.s32 v3, v5;
	[tilespmem:s4+$0xFFFFF820] =	vst v13  }
0x364: {  	[tilespmem:s4+$0xFFFFF830] =	vst v10;
	v10 =	vperm.xlane v27, v29;
	v13 =	vadd.s32 v1, v14  }
0x365: {  	[tilespmem:s4+$0x80] =	vst v7;
	v7 =	vld.idx.msk [tilespmem:v11+s7+$0x0], $0xffff;
	v11 =	vadd.s32 v3, v14  }
0x366: {  	[tilespmem:s4+$0x90] =	vst v6;
	v4 =	vld.idx.msk [tilespmem:v4+s7+$0x0], $0xffff;
	v6 =	vadd.s32 v1, v10  }
0x367: {  	v14 =	vperm.xlane v24, v29;
	[tilespmem:s4+$0xA0] =	vst v2;
	v2 =	vadd.s32 v3, v10;
	v15 =	vld.idx.msk [tilespmem:v15+s17+$0x0], $0xffff  }
0x368: {  	[tilespmem:s4+$0xB0] =	vst v9;
	v5 =	vld.idx.msk [tilespmem:v5+s17+$0x0], $0xffff  }
0x369: {  	[tilespmem:s6+$0x730] =	vst v8;
	v9 =	vperm.xlane v25, v29;
	v10 =	vadd.s32 v1, v14;
	v8 =	vld.idx.msk [tilespmem:v13+s7+$0x0], $0xffff  }
0x36a: {  	v19 =	vimm.s32 $0x3;
	v13 =	vadd.s32 v3, v14;
	[tilespmem:s4+$0xFFFFF880] =	vst v7;
	v7 =	vld.idx.msk [tilespmem:v11+s7+$0x0], $0xffff  }
0x36b: {  	v11 =	vadd.s32 v1, v9;
	[tilespmem:s4+$0xFFFFF890] =	vst v4;
	v4 =	vld.idx.msk [tilespmem:v6+s17+$0x0], $0xffff;
	v6 =	vperm.xlane v26, v19  }
0x36c: {  	s18 =	simm.s32 $0xFD50;
	v9 =	vadd.s32 v3, v9;
	v2 =	vld.idx.msk [tilespmem:v2+s17+$0x0], $0xffff;
	[tilespmem:s4+$0xFFFFF8A0] =	vst v15  }
0x36d: {  	v30 =	vld [tilespmem:s18+$0xFFFFFFF0];
	[tilespmem:s4+$0xFFFFF8B0] =	vst v5;
	v5 =	vperm.xlane v27, v19;
	v14 =	vadd.s32 v1, v6  }
0x36e: {  	v6 =	vadd.s32 v3, v6;
	v10 =	vld.idx.msk [tilespmem:v10+s7+$0x0], $0xffff;
	[tilespmem:s4+$0x100] =	vst v8  }
0x36f: {  	v8 =	vperm.xlane v21, v47;
	v13 =	vld.idx.msk [tilespmem:v13+s7+$0x0], $0xffff;
	[tilespmem:s4+$0x110] =	vst v7;
	v7 =	vadd.s32 v1, v5  }
0x370: {  	v15 =	vperm.xlane v24, v19;
	v11 =	vld.idx.msk [tilespmem:v11+s17+$0x0], $0xffff;
	[tilespmem:s4+$0x120] =	vst v4;
	v4 =	vadd.s32 v3, v5  }
0x371: {  	v9 =	vld.idx.msk [tilespmem:v9+s17+$0x0], $0xffff;
	v5 =	vadd.s32 v1, v8;
	[tilespmem:s4+$0x130] =	vst v2  }
0x372: {  	[tilespmem:s6+$0xFFFFFE20] =	vst v12;
	v16 =	vadd.s32 v1, v15;
	v2 =	vperm.xlane v25, v19;
	v14 =	vld.idx.msk [tilespmem:v14+s7+$0x0], $0xffff  }
0x373: {  	v12 =	vadd.s32 v3, v15;
	v6 =	vld.idx.msk [tilespmem:v6+s7+$0x0], $0xffff;
	[tilespmem:s4+$0xFFFFF900] =	vst v10  }
0x374: {  	v10 =	vadd.s32 v1, v2;
	[tilespmem:s4+$0xFFFFF910] =	vst v13;
	v13 =	vperm.xlane v26, v63;
	v7 =	vld.idx.msk [tilespmem:v7+s17+$0x0], $0xffff  }
0x375: {  	v2 =	vadd.s32 v3, v2;
	[tilespmem:s4+$0xFFFFF920] =	vst v11;
	v4 =	vld.idx.msk [tilespmem:v4+s17+$0x0], $0xffff  }
0x376: {  	[tilespmem:s4+$0xFFFFF930] =	vst v9;
	v21 =	vld.idx.msk [tilespmem:v5+s7+$0x0], $0xffff;
	v5 =	vperm.xlane v27, v63;
	v9 =	vadd.s32 v1, v13  }
0x377: {  	v11 =	vld.idx.msk [tilespmem:v16+s7+$0x0], $0xffff;
	v13 =	vadd.s32 v3, v13;
	[tilespmem:s4+$0x180] =	vst v14  }
0x378: {  	v12 =	vld.idx.msk [tilespmem:v12+s7+$0x0], $0xffff;
	v14 =	vperm.xlane v23, v45;
	[tilespmem:s4+$0x190] =	vst v6;
	v6 =	vadd.s32 v1, v5  }
0x379: {  	v15 =	vperm.xlane v24, v63;
	v5 =	vadd.s32 v3, v5;
	v10 =	vld.idx.msk [tilespmem:v10+s17+$0x0], $0xffff;
	[tilespmem:s4+$0x1A0] =	vst v7  }
0x37a: {  	v2 =	vld.idx.msk [tilespmem:v2+s17+$0x0], $0xffff;
	v7 =	vadd.s32 v1, v14;
	[tilespmem:s4+$0x1B0] =	vst v4  }
0x37b: {  	[tilespmem:s6+$0xFFFFFE30] =	vst v0;
	v16 =	vadd.s32 v1, v15;
	v4 =	vperm.xlane v25, v63;
	v9 =	vld.idx.msk [tilespmem:v9+s7+$0x0], $0xffff  }
0x37c: {  	v0 =	vadd.s32 v3, v15;
	[tilespmem:s4+$0xFFFFF980] =	vst v11;
	v11 =	vld.idx.msk [tilespmem:v13+s7+$0x0], $0xffff  }
0x37d: {  	[tilespmem:s4+$0xFFFFF990] =	vst v12;
	v13 =	vadd.s32 v1, v4;
	v6 =	vld.idx.msk [tilespmem:v6+s17+$0x0], $0xffff  }
0x37e: {  	v4 =	vadd.s32 v3, v4;
	v5 =	vld.idx.msk [tilespmem:v5+s17+$0x0], $0xffff;
	[tilespmem:s4+$0xFFFFF9A0] =	vst v10;
	v10 =	vperm.xlane v26, v52  }
0x37f: {  	v12 =	vadd.s32 v3, v14;
	[tilespmem:s4+$0xFFFFF9B0] =	vst v2;
	v2 =	vld.idx.msk [tilespmem:v7+s7+$0x0], $0xffff  }
0x380: {  	v14 =	vperm.xlane v27, v52;
	v7 =	vld.idx.msk [tilespmem:v16+s7+$0x0], $0xffff;
	v15 =	vadd.s32 v1, v10  }
0x381: {  	v0 =	vld.idx.msk [tilespmem:v0+s7+$0x0], $0xffff;
	[tilespmem:s4+$0x200] =	vst v9;
	v9 =	vadd.s32 v3, v10  }
0x382: {  	v10 =	vperm.xlane v22, v45;
	[tilespmem:s4+$0x210] =	vst v11;
	v11 =	vadd.s32 v1, v14;
	v13 =	vld.idx.msk [tilespmem:v13+s17+$0x0], $0xffff  }
0x383: {  	v16 =	vperm.xlane v24, v52;
	v4 =	vld.idx.msk [tilespmem:v4+s17+$0x0], $0xffff;
	[tilespmem:s4+$0x220] =	vst v6;
	v6 =	vadd.s32 v3, v14  }
0x384: {  	[tilespmem:s4+$0x230] =	vst v5;
	v5 =	vld.idx.msk [tilespmem:v12+s7+$0x0], $0xffff;
	v14 =	vadd.s32 v1, v10  }
0x385: {  	v17 =	vadd.s32 v1, v16;
	v12 =	vperm.xlane v25, v52;
	v15 =	vld.idx.msk [tilespmem:v15+s7+$0x0], $0xffff  }
0x386: {  	v16 =	vadd.s32 v3, v16;
	[tilespmem:s4+$0xFFFFFA00] =	vst v7;
	v7 =	vld.idx.msk [tilespmem:v9+s7+$0x0], $0xffff  }
0x387: {  	[tilespmem:s4+$0xFFFFFA10] =	vst v0;
	v9 =	vadd.s32 v1, v12;
	v0 =	vld.idx.msk [tilespmem:v11+s17+$0x0], $0xffff  }
0x388: {  	v11 =	vadd.s32 v3, v12;
	v12 =	vperm.xlane v26, v53;
	[tilespmem:s4+$0xFFFFFA20] =	vst v13;
	v6 =	vld.idx.msk [tilespmem:v6+s17+$0x0], $0xffff  }
0x389: {  	v10 =	vadd.s32 v3, v10;
	[tilespmem:s4+$0xFFFFFA30] =	vst v4;
	v4 =	vadd.s32 v3, v8;
	v13 =	vld.idx.msk [tilespmem:v14+s17+$0x0], $0xffff  }
0x38a: {  	v8 =	vld.idx.msk [tilespmem:v17+s7+$0x0], $0xffff;
	v14 =	vperm.xlane v27, v53;
	v17 =	vadd.s32 v1, v12;
	[tilespmem:s4+$0x280] =	vst v15  }
0x38b: {  	v16 =	vld.idx.msk [tilespmem:v16+s7+$0x0], $0xffff;
	v12 =	vadd.s32 v3, v12;
	[tilespmem:s4+$0x290] =	vst v7  }
0x38c: {  	v15 =	vadd.s32 v1, v14;
	v9 =	vld.idx.msk [tilespmem:v9+s17+$0x0], $0xffff;
	v7 =	vperm.xlane v20, v47;
	[tilespmem:s4+$0x2A0] =	vst v0  }
0x38d: {  	v14 =	vadd.s32 v3, v14;
	v11 =	vld.idx.msk [tilespmem:v11+s17+$0x0], $0xffff;
	v0 =	vperm.xlane v24, v53;
	[tilespmem:s4+$0x2B0] =	vst v6  }
0x38e: {  	v6 =	vld.idx.msk [tilespmem:v10+s17+$0x0], $0xffff;
	[tilespmem:s6+$0xFFFFFE80] =	vst v2;
	v10 =	vadd.s32 v1, v7  }
0x38f: {  	v2 =	vperm.xlane v25, v53;
	[tilespmem:s6+$0xFFFFFE90] =	vst v5;
	v18 =	vadd.s32 v1, v0;
	v17 =	vld.idx.msk [tilespmem:v17+s7+$0x0], $0xffff  }
0x390: {  	[tilespmem:s4+$0xFFFFFA80] =	vst v8;
	v8 =	vadd.s32 v3, v0;
	v12 =	vld.idx.msk [tilespmem:v12+s7+$0x0], $0xffff  }
0x391: {  	[tilespmem:s4+$0xFFFFFA90] =	vst v16;
	v16 =	vadd.s32 v1, v2;
	v15 =	vld.idx.msk [tilespmem:v15+s17+$0x0], $0xffff  }
0x392: {  	v2 =	vadd.s32 v3, v2;
	[tilespmem:s4+$0xFFFFFAA0] =	vst v9;
	v9 =	vld.idx.msk [tilespmem:v14+s17+$0x0], $0xffff;
	v14 =	vperm.xlane v26, v54  }
0x393: {  	v7 =	vadd.s32 v3, v7;
	[tilespmem:s4+$0xFFFFFAB0] =	vst v11;
	v0 =	vld.idx.msk [tilespmem:v10+s17+$0x0], $0xffff  }
0x394: {  	[tilespmem:s6+$0xFFFFFEA0] =	vst v13;
	v5 =	vld.idx.msk [tilespmem:v18+s7+$0x0], $0xffff;
	v10 =	vperm.xlane v27, v54;
	v11 =	vadd.s32 v1, v14  }
0x395: {  	[tilespmem:s4+$0x300] =	vst v17;
	v8 =	vld.idx.msk [tilespmem:v8+s7+$0x0], $0xffff;
	v14 =	vadd.s32 v3, v14  }
0x396: {  	[tilespmem:s4+$0x310] =	vst v12;
	v12 =	vperm.xlane v24, v54;
	v16 =	vld.idx.msk [tilespmem:v16+s17+$0x0], $0xffff;
	v17 =	vadd.s32 v1, v10  }
0x397: {  	[tilespmem:s4+$0x320] =	vst v15;
	v15 =	vld.idx.msk [tilespmem:v2+s17+$0x0], $0xffff;
	v10 =	vadd.s32 v3, v10  }
0x398: {  	v2 =	vld.idx.msk [tilespmem:v7+s17+$0x0], $0xffff;
	v7 =	vperm.xlane v25, v54;
	[tilespmem:s4+$0x330] =	vst v9;
	v9 =	vadd.s32 v1, v12  }
0x399: {  	v12 =	vadd.s32 v3, v12;
	v11 =	vld.idx.msk [tilespmem:v11+s7+$0x0], $0xffff;
	[tilespmem:s4+$0xFFFFFB00] =	vst v5  }
0x39a: {  	v13 =	vperm.xlane v23, v48;
	v5 =	vadd.s32 v1, v7;
	v14 =	vld.idx.msk [tilespmem:v14+s7+$0x0], $0xffff;
	[tilespmem:s4+$0xFFFFFB10] =	vst v8  }
0x39b: {  	v7 =	vadd.s32 v3, v7;
	[tilespmem:s4+$0xFFFFFB20] =	vst v16;
	v16 =	vperm.xlane v26, v55;
	v8 =	vld.idx.msk [tilespmem:v17+s17+$0x0], $0xffff  }
0x39c: {  	v17 =	vadd.s32 v1, v13;
	v10 =	vld.idx.msk [tilespmem:v10+s17+$0x0], $0xffff;
	[tilespmem:s4+$0xFFFFFB30] =	vst v15  }
0x39d: {  	[tilespmem:s6+$0xFFFFFEB0] =	vst v6;
	v15 =	vperm.xlane v27, v55;
	v9 =	vld.idx.msk [tilespmem:v9+s7+$0x0], $0xffff;
	v18 =	vadd.s32 v1, v16  }
0x39e: {  	v6 =	vld.idx.msk [tilespmem:v12+s7+$0x0], $0xffff;
	[tilespmem:s4+$0x380] =	vst v11;
	v11 =	vadd.s32 v3, v16  }
0x39f: {  	v12 =	vperm.xlane v24, v55;
	v16 =	vld.idx.msk [tilespmem:v5+s17+$0x0], $0xffff;
	[tilespmem:s4+$0x390] =	vst v14;
	v14 =	vadd.s32 v1, v15  }
0x3a0: {  	v7 =	vld.idx.msk [tilespmem:v7+s17+$0x0], $0xffff;
	[tilespmem:s4+$0x3A0] =	vst v8;
	v8 =	vadd.s32 v3, v15  }
0x3a1: {  	v19 =	vadd.s32 v1, v12;
	v15 =	vperm.xlane v25, v55;
	[tilespmem:s4+$0x3B0] =	vst v10;
	v5 =	vld.idx.msk [tilespmem:v17+s7+$0x0], $0xffff  }
0x3a2: {  	v10 =	vadd.s32 v3, v12;
	v12 =	vld.idx.msk [tilespmem:v18+s7+$0x0], $0xffff;
	[tilespmem:s4+$0xFFFFFB80] =	vst v9  }
0x3a3: {  	v35 =	vimm.s32 $0x9;
	[tilespmem:s4+$0xFFFFFB90] =	vst v6;
	v9 =	vadd.s32 v1, v15;
	v11 =	vld.idx.msk [tilespmem:v11+s7+$0x0], $0xffff  }
0x3a4: {  	v6 =	vadd.s32 v3, v15;
	v15 =	vperm.xlane v26, v35;
	v14 =	vld.idx.msk [tilespmem:v14+s17+$0x0], $0xffff;
	[tilespmem:s4+$0xFFFFFBA0] =	vst v16  }
0x3a5: {  	v13 =	vadd.s32 v3, v13;
	[tilespmem:s4+$0xFFFFFBB0] =	vst v7;
	v8 =	vld.idx.msk [tilespmem:v8+s17+$0x0], $0xffff  }
0x3a6: {  	v7 =	vperm.xlane v27, v35;
	v16 =	vld.idx.msk [tilespmem:v19+s7+$0x0], $0xffff;
	v17 =	vadd.s32 v1, v15  }
0x3a7: {  	v10 =	vld.idx.msk [tilespmem:v10+s7+$0x0], $0xffff;
	[tilespmem:s4+$0x400] =	vst v12;
	v12 =	vadd.s32 v3, v15  }
0x3a8: {  	v15 =	vperm.xlane v24, v35;
	v9 =	vld.idx.msk [tilespmem:v9+s17+$0x0], $0xffff;
	[tilespmem:s4+$0x410] =	vst v11;
	v11 =	vadd.s32 v1, v7  }
0x3a9: {  	v18 =	vperm.xlane v25, v35;
	v6 =	vld.idx.msk [tilespmem:v6+s17+$0x0], $0xffff;
	[tilespmem:s4+$0x420] =	vst v14;
	v14 =	vadd.s32 v3, v7  }
0x3aa: {  	v19 =	vadd.s32 v1, v15;
	v7 =	vld.idx.msk [tilespmem:v13+s7+$0x0], $0xffff;
	[tilespmem:s4+$0x430] =	vst v8  }
0x3ab: {  	[tilespmem:s4+$0xFFFFFC00] =	vst v16;
	v16 =	vadd.s32 v1, v18;
	v13 =	vld.idx.msk [tilespmem:v17+s7+$0x0], $0xffff  }
0x3ac: {  	v8 =	vadd.s32 v3, v15;
	[tilespmem:s4+$0xFFFFFC10] =	vst v10;
	v12 =	vld.idx.msk [tilespmem:v12+s7+$0x0], $0xffff  }
0x3ad: {  	v10 =	vadd.s32 v3, v18;
	[tilespmem:s4+$0xFFFFFC20] =	vst v9;
	v9 =	vperm.xlane v26, v37;
	v11 =	vld.idx.msk [tilespmem:v11+s17+$0x0], $0xffff  }
0x3ae: {  	[tilespmem:s4+$0xFFFFFC30] =	vst v6;
	v14 =	vld.idx.msk [tilespmem:v14+s17+$0x0], $0xffff  }
0x3af: {  	v18 =	vperm.xlane v27, v37;
	v6 =	vld.idx.msk [tilespmem:v19+s7+$0x0], $0xffff;
	v19 =	vadd.s32 v1, v9  }
0x3b0: {  	v9 =	vadd.s32 v3, v9;
	v16 =	vld.idx.msk [tilespmem:v16+s17+$0x0], $0xffff;
	[tilespmem:s4+$0x480] =	vst v13  }
0x3b1: {  	v8 =	vld.idx.msk [tilespmem:v8+s7+$0x0], $0xffff;
	v13 =	vperm.xlane v24, v37;
	[tilespmem:s4+$0x490] =	vst v12;
	v12 =	vadd.s32 v1, v18  }
0x3b2: {  	v10 =	vld.idx.msk [tilespmem:v10+s17+$0x0], $0xffff;
	[tilespmem:s4+$0x4A0] =	vst v11;
	v11 =	vadd.s32 v3, v18  }
0x3b3: {  	v4 =	vld.idx.msk [tilespmem:v4+s7+$0x0], $0xffff;
	v18 =	vperm.xlane v25, v37;
	v20 =	vadd.s32 v1, v13;
	[tilespmem:s4+$0x4B0] =	vst v14  }
0x3b4: {  	v13 =	vadd.s32 v3, v13;
	[tilespmem:s4+$0xFFFFFC80] =	vst v6;
	v14 =	vld.idx.msk [tilespmem:v19+s7+$0x0], $0xffff  }
0x3b5: {  	v15 =	vperm.xlane v22, v48;
	v9 =	vld.idx.msk [tilespmem:v9+s7+$0x0], $0xffff;
	[tilespmem:s4+$0xFFFFFCA0] =	vst v16;
	v6 =	vadd.s32 v1, v18  }
0x3b6: {  	v16 =	vperm.xlane v26, v56;
	[tilespmem:s4+$0xFFFFFC90] =	vst v8;
	v8 =	vadd.s32 v3, v18;
	v12 =	vld.idx.msk [tilespmem:v12+s17+$0x0], $0xffff  }
0x3b7: {  	v17 =	vadd.s32 v1, v15;
	[tilespmem:s4+$0xFFFFFCB0] =	vst v10;
	v11 =	vld.idx.msk [tilespmem:v11+s17+$0x0], $0xffff  }
0x3b8: {  	v18 =	vperm.xlane v27, v56;
	v19 =	vadd.s32 v1, v16;
	v10 =	vld.idx.msk [tilespmem:v20+s7+$0x0], $0xffff  }
0x3b9: {  	v13 =	vld.idx.msk [tilespmem:v13+s7+$0x0], $0xffff;
	[tilespmem:s4+$0x500] =	vst v14;
	v14 =	vadd.s32 v3, v16  }
0x3ba: {  	v16 =	vperm.xlane v24, v56;
	[tilespmem:s4+$0x510] =	vst v9;
	v9 =	vadd.s32 v1, v18;
	v6 =	vld.idx.msk [tilespmem:v6+s17+$0x0], $0xffff  }
0x3bb: {  	v8 =	vld.idx.msk [tilespmem:v8+s17+$0x0], $0xffff;
	[tilespmem:s4+$0x520] =	vst v12;
	v12 =	vadd.s32 v3, v18  }
0x3bc: {  	v17 =	vld.idx.msk [tilespmem:v17+s17+$0x0], $0xffff;
	v18 =	vperm.xlane v25, v56;
	v20 =	vadd.s32 v1, v16;
	[tilespmem:s4+$0x530] =	vst v11  }
0x3bd: {  	v11 =	vadd.s32 v3, v16;
	[tilespmem:s4+$0xFFFFFD00] =	vst v10;
	v16 =	vld.idx.msk [tilespmem:v19+s7+$0x0], $0xffff  }
0x3be: {  	v10 =	vadd.s32 v1, v18;
	[tilespmem:s4+$0xFFFFFD10] =	vst v13;
	v14 =	vld.idx.msk [tilespmem:v14+s7+$0x0], $0xffff  }
0x3bf: {  	v13 =	vadd.s32 v3, v18;
	v9 =	vld.idx.msk [tilespmem:v9+s17+$0x0], $0xffff;
	[tilespmem:s4+$0xFFFFFD20] =	vst v6;
	v6 =	vperm.xlane v26, v28  }
0x3c0: {  	[tilespmem:s4+$0xFFFFFD30] =	vst v8;
	v12 =	vld.idx.msk [tilespmem:v12+s17+$0x0], $0xffff  }
0x3c1: {  	v8 =	vld.idx.msk [tilespmem:v20+s7+$0x0], $0xffff;
	v19 =	vadd.s32 v1, v6  }
0x3c2: {  	v18 =	vperm.xlane v27, v28;
	v6 =	vadd.s32 v3, v6;
	v11 =	vld.idx.msk [tilespmem:v11+s7+$0x0], $0xffff;
	[tilespmem:s4+$0x580] =	vst v16  }
0x3c3: {  	v10 =	vld.idx.msk [tilespmem:v10+s17+$0x0], $0xffff;
	[tilespmem:s4+$0x590] =	vst v14  }
0x3c4: {  	s19 =	simm.s32 $0xFB50;
	v13 =	vld.idx.msk [tilespmem:v13+s17+$0x0], $0xffff;
	v14 =	vadd.s32 v1, v18;
	[tilespmem:s4+$0x5A0] =	vst v9  }
0x3c5: {  	v9 =	vadd.s32 v3, v18;
	v16 =	vld [tilespmem:s19+$0x0];
	[tilespmem:s4+$0x5B0] =	vst v12  }
0x3c6: {  	[tilespmem:s6+$0x790] =	vst v4;
	v15 =	vadd.s32 v3, v15;
	v12 =	vperm.xlane v24, v28;
	v18 =	vld.idx.msk [tilespmem:v19+s7+$0x0], $0xffff  }
0x3c7: {  	[tilespmem:s4+$0xFFFFFD80] =	vst v8;
	v4 =	vld.idx.msk [tilespmem:v6+s7+$0x0], $0xffff  }
0x3c8: {  	v6 =	vperm.xlane v25, v28;
	v19 =	vadd.s32 v1, v12;
	[tilespmem:s4+$0xFFFFFDA0] =	vst v10;
	v10 =	vld [tilespmem:s18+$0x0]  }
0x3c9: {  	v12 =	vadd.s32 v3, v12;
	[tilespmem:s4+$0xFFFFFD90] =	vst v11;
	v11 =	vperm.xlane v26, v45;
	v8 =	vld.idx.msk [tilespmem:v14+s17+$0x0], $0xffff  }
0x3ca: {  	[tilespmem:s6+$0x780] =	vst v21;
	v9 =	vld.idx.msk [tilespmem:v9+s17+$0x0], $0xffff;
	v14 =	vadd.s32 v1, v6  }
0x3cb: {  	v15 =	vld.idx.msk [tilespmem:v15+s17+$0x0], $0xffff;
	[tilespmem:s4+$0xFFFFFDB0] =	vst v13;
	v13 =	vperm.xlane v27, v45;
	v58 =	vadd.s32 v1, v11  }
0x3cc: {  	v28 =	vld [tilespmem:s19+$0xFFFFFFF0];
	v11 =	vadd.s32 v3, v11;
	[tilespmem:s4+$0x600] =	vst v18  }
0x3cd: {  	v20 =	vshll.u32 v16, $0x5;
	[tilespmem:s4+$0x610] =	vst v4;
	v4 =	vadd.s32 v1, v13;
	v18 =	vld.idx.msk [tilespmem:v19+s7+$0x0], $0xffff  }
0x3ce: {  	v12 =	vld.idx.msk [tilespmem:v12+s7+$0x0], $0xffff;
	[tilespmem:s4+$0x620] =	vst v8;
	v8 =	vadd.s32 v3, v13;
	v13 =	vperm.xlane v20, v31  }
0x3cf: {  	v16 =	vadd.s32 v3, v6;
	v21 =	vshll.u32 v10, $0x5;
	v6 =	vld.idx.msk [tilespmem:v14+s17+$0x0], $0xffff;
	[tilespmem:s4+$0x630] =	vst v9  }
0x3d0: {  	[tilespmem:s6+$0x7A0] =	vst v0;
	v9 =	vperm.xlane v21, v31;
	v0 =	vld.idx.msk [tilespmem:v58+s7+$0x0], $0xffff;
	v10 =	vadd.s32 v1, v13  }
0x3d1: {  	[tilespmem:s6+$0x7B0] =	vst v2;
	v11 =	vld.idx.msk [tilespmem:v11+s7+$0x0], $0xffff;
	v13 =	vadd.s32 v3, v13  }
0x3d2: {  	[tilespmem:s6+$0xFFFFFF00] =	vst v5;
	v14 =	vperm.xlane v26, v48;
	v5 =	vadd.s32 v1, v9;
	v4 =	vld.idx.msk [tilespmem:v4+s17+$0x0], $0xffff  }
0x3d3: {  	[tilespmem:s6+$0xFFFFFF10] =	vst v7;
	v7 =	vld.idx.msk [tilespmem:v8+s17+$0x0], $0xffff;
	v8 =	vadd.s32 v3, v9  }
0x3d4: {  	[tilespmem:s6+$0xFFFFFF20] =	vst v17;
	v2 =	vld.idx.msk [tilespmem:v16+s17+$0x0], $0xffff;
	v16 =	vadd.s32 v1, v14;
	v9 =	vperm.xlane v27, v48  }
0x3d5: {  	v28 =	vshll.u32 v28, $0x5;
	[tilespmem:s4+$0x680] =	vst v0;
	v0 =	vadd.s32 v3, v14;
	v10 =	vld.idx.msk [tilespmem:v10+s7+$0x0], $0xffff  }
0x3d6: {  	v14 =	vperm.xlane v28, v31;
	[tilespmem:s4+$0x690] =	vst v11;
	v13 =	vld.idx.msk [tilespmem:v13+s7+$0x0], $0xffff;
	v11 =	vadd.s32 v1, v9  }
0x3d7: {  	v59 =	vshll.u32 v30, $0x5;
	v5 =	vld.idx.msk [tilespmem:v5+s17+$0x0], $0xffff;
	[tilespmem:s4+$0x6A0] =	vst v4;
	v4 =	vadd.s32 v3, v9  }
0x3d8: {  	v9 =	vperm.xlane v59, v31;
	v17 =	vadd.s32 v1, v14;
	v8 =	vld.idx.msk [tilespmem:v8+s17+$0x0], $0xffff;
	[tilespmem:s4+$0x6B0] =	vst v7  }
0x3d9: {  	[tilespmem:s6+$0xFFFFFF30] =	vst v15;
	v7 =	vadd.s32 v3, v14;
	v14 =	vld.idx.msk [tilespmem:v16+s7+$0x0], $0xffff  }
0x3da: {  	s10 =	simm.s32 $0x17800;
	[tilespmem:s4+$0xFFFFFE00] =	vst v18;
	v15 =	vadd.s32 v1, v9;
	v16 =	vperm.xlane v20, v36;
	v0 =	vld.idx.msk [tilespmem:v0+s7+$0x0], $0xffff  }
0x3db: {  	v9 =	vadd.s32 v3, v9;
	[tilespmem:s10+$0x0] =	vst v10;
	v10 =	vld.idx.msk [tilespmem:v11+s17+$0x0], $0xffff  }
0x3dc: {  	[tilespmem:s10+$0x10] =	vst v13;
	v13 =	vperm.xlane v26, v47;
	v11 =	vadd.s32 v1, v16;
	v4 =	vld.idx.msk [tilespmem:v4+s17+$0x0], $0xffff  }
0x3dd: {  	[tilespmem:s10+$0x20] =	vst v5;
	v17 =	vld.idx.msk [tilespmem:v17+s7+$0x0], $0xffff;
	v5 =	vadd.s32 v3, v16  }
0x3de: {  	v16 =	vadd.s32 v1, v13;
	v7 =	vld.idx.msk [tilespmem:v7+s7+$0x0], $0xffff;
	[tilespmem:s10+$0x30] =	vst v8;
	v8 =	vperm.xlane v27, v47  }
0x3df: {  	v13 =	vadd.s32 v3, v13;
	v15 =	vld.idx.msk [tilespmem:v15+s17+$0x0], $0xffff;
	[tilespmem:s4+$0x700] =	vst v14  }
0x3e0: {  	v9 =	vld.idx.msk [tilespmem:v9+s17+$0x0], $0xffff;
	v14 =	vperm.xlane v21, v36;
	[tilespmem:s4+$0x710] =	vst v0;
	v0 =	vadd.s32 v1, v8  }
0x3e1: {  	[tilespmem:s4+$0x720] =	vst v10;
	v8 =	vadd.s32 v3, v8;
	v11 =	vld.idx.msk [tilespmem:v11+s7+$0x0], $0xffff  }
0x3e2: {  	v10 =	vadd.s32 v1, v14;
	v5 =	vld.idx.msk [tilespmem:v5+s7+$0x0], $0xffff;
	[tilespmem:s4+$0x730] =	vst v4  }
0x3e3: {  	[tilespmem:s4+$0xFFFFFE10] =	vst v12;
	v4 =	vadd.s32 v3, v14;
	v12 =	vld.idx.msk [tilespmem:v16+s7+$0x0], $0xffff  }
0x3e4: {  	v14 =	vperm.xlane v28, v36;
	[tilespmem:s10+$0xFFFFF800] =	vst v17;
	v13 =	vld.idx.msk [tilespmem:v13+s7+$0x0], $0xffff  }
0x3e5: {  	[tilespmem:s10+$0xFFFFF810] =	vst v7;
	v0 =	vld.idx.msk [tilespmem:v0+s17+$0x0], $0xffff  }
0x3e6: {  	v7 =	vperm.xlane v59, v36;
	v16 =	vadd.s32 v1, v14;
	[tilespmem:s10+$0xFFFFF820] =	vst v15;
	v8 =	vld.idx.msk [tilespmem:v8+s17+$0x0], $0xffff  }
0x3e7: {  	v14 =	vadd.s32 v3, v14;
	[tilespmem:s10+$0xFFFFF830] =	vst v9;
	v10 =	vld.idx.msk [tilespmem:v10+s17+$0x0], $0xffff  }
0x3e8: {  	v15 =	vadd.s32 v1, v7;
	v9 =	vld.idx.msk [tilespmem:v4+s17+$0x0], $0xffff;
	[tilespmem:s10+$0x80] =	vst v11  }
0x3e9: {  	v7 =	vadd.s32 v3, v7;
	v4 =	vperm.xlane v20, v29;
	[tilespmem:s10+$0x90] =	vst v5  }
0x3ea: {  	[tilespmem:s4+$0x780] =	vst v12;
	v12 =	vperm.xlane v21, v29  }
0x3eb: {  	[tilespmem:s4+$0x790] =	vst v13;
	v13 =	vadd.s32 v1, v4;
	v16 =	vld.idx.msk [tilespmem:v16+s7+$0x0], $0xffff  }
0x3ec: {  	v14 =	vld.idx.msk [tilespmem:v14+s7+$0x0], $0xffff;
	v5 =	vadd.s32 v1, v12;
	[tilespmem:s4+$0x7A0] =	vst v0  }
0x3ed: {  	v17 =	vperm.xlane v28, v29;
	v0 =	vadd.s32 v3, v4;
	v15 =	vld.idx.msk [tilespmem:v15+s17+$0x0], $0xffff;
	[tilespmem:s4+$0x7B0] =	vst v8  }
0x3ee: {  	v4 =	vperm.xlane v23, v47;
	v7 =	vld.idx.msk [tilespmem:v7+s17+$0x0], $0xffff;
	[tilespmem:s10+$0xA0] =	vst v10;
	v10 =	vadd.s32 v3, v12  }
0x3ef: {  	v18 =	vadd.s32 v1, v17;
	[tilespmem:s10+$0xB0] =	vst v9  }
0x3f0: {  	v9 =	vperm.xlane v59, v29;
	v12 =	vadd.s32 v1, v4;
	v8 =	vld.idx.msk [tilespmem:v13+s7+$0x0], $0xffff;
	[tilespmem:s10+$0xFFFFF880] =	vst v16  }
0x3f1: {  	v13 =	vadd.s32 v3, v17;
	[tilespmem:s10+$0xFFFFF890] =	vst v14;
	v5 =	vld.idx.msk [tilespmem:v5+s17+$0x0], $0xffff  }
0x3f2: {  	v17 =	vadd.s32 v1, v9;
	v16 =	vld.idx.msk [tilespmem:v0+s7+$0x0], $0xffff;
	[tilespmem:s10+$0xFFFFF8A0] =	vst v15  }
0x3f3: {  	v27 =	vimm.s32 $0x3;
	v9 =	vadd.s32 v3, v9;
	[tilespmem:s10+$0xFFFFF8B0] =	vst v7;
	v10 =	vld.idx.msk [tilespmem:v10+s17+$0x0], $0xffff  }
0x3f4: {  	v14 =	vperm.xlane v20, v27;
	v15 =	vld.idx.msk [tilespmem:v18+s7+$0x0], $0xffff  }
0x3f5: {  	v7 =	vperm.xlane v21, v27;
	v0 =	vld.idx.msk [tilespmem:v12+s7+$0x0], $0xffff  }
0x3f6: {  	v12 =	vadd.s32 v1, v14;
	[tilespmem:s10+$0x100] =	vst v8;
	v13 =	vld.idx.msk [tilespmem:v13+s7+$0x0], $0xffff  }
0x3f7: {  	v8 =	vadd.s32 v3, v14;
	v14 =	vadd.s32 v1, v7;
	v17 =	vld.idx.msk [tilespmem:v17+s17+$0x0], $0xffff;
	[tilespmem:s10+$0x120] =	vst v5  }
0x3f8: {  	v5 =	vadd.s32 v3, v7;
	v7 =	vld.idx.msk [tilespmem:v9+s17+$0x0], $0xffff;
	v9 =	vperm.xlane v59, v27;
	[tilespmem:s10+$0x110] =	vst v16  }
0x3f9: {  	s19 =	simm.s32 $0xFF10;
	v16 =	vperm.xlane v28, v27;
	[tilespmem:s10+$0x130] =	vst v10  }
0x3fa: {  	v11 =	vld [tilespmem:s19+$0x0];
	[tilespmem:s10+$0xFFFFF900] =	vst v15;
	v15 =	vadd.s32 v1, v9  }
0x3fb: {  	[tilespmem:s4+$0xFFFFFE20] =	vst v6;
	v10 =	vadd.s32 v1, v16;
	v12 =	vld.idx.msk [tilespmem:v12+s7+$0x0], $0xffff  }
0x3fc: {  	v6 =	vadd.s32 v3, v16;
	v8 =	vld.idx.msk [tilespmem:v8+s7+$0x0], $0xffff;
	[tilespmem:s10+$0xFFFFF910] =	vst v13  }
0x3fd: {  	v9 =	vadd.s32 v3, v9;
	v13 =	vld.idx.msk [tilespmem:v14+s17+$0x0], $0xffff;
	v14 =	vperm.xlane v20, v63;
	[tilespmem:s10+$0xFFFFF920] =	vst v17  }
0x3fe: {  	v5 =	vld.idx.msk [tilespmem:v5+s17+$0x0], $0xffff;
	[tilespmem:s10+$0xFFFFF930] =	vst v7  }
0x3ff: {  	s20 =	simm.s32 $0x2;
	[tilespmem:s4+$0xFFFFFE30] =	vst v2;
	v7 =	vperm.xlane v21, v63;
	v18 =	vadd.s32 v1, v14;
	v15 =	vld.idx.msk [tilespmem:v15+s17+$0x0], $0xffff  }
0x400: {  	v16 =	vmov s20;
	v10 =	vld.idx.msk [tilespmem:v10+s7+$0x0], $0xffff;
	[tilespmem:s10+$0x180] =	vst v12;
	v12 =	vadd.s32 v3, v14  }
0x401: {  	v19 =	vperm.xlane v28, v63;
	v16 =	vshll.u32 v16, $0xA;
	v6 =	vld.idx.msk [tilespmem:v6+s7+$0x0], $0xffff;
	[tilespmem:s10+$0x190] =	vst v8;
	v8 =	vadd.s32 v1, v7  }
0x402: {  	s11 =	simm.s32 $0xFF30;
	v16 =	vor.u32 v46, v16;
	v9 =	vld.idx.msk [tilespmem:v9+s17+$0x0], $0xffff;
	[tilespmem:s10+$0x1A0] =	vst v13;
	v7 =	vadd.s32 v3, v7  }
0x403: {  	v23 =	vadd.s32 v1, v19;
	v17 =	vld [tilespmem:s11+$0x0];
	v14 =	vperm.xlane v24, v45;
	v13 =	vor.u32 v39, v16;
	[tilespmem:s10+$0x1B0] =	vst v5  }
0x404: {  	v2 =	vadd.s32 v3, v19;
	v5 =	vperm.xlane v59, v63;
	v18 =	vld.idx.msk [tilespmem:v18+s7+$0x0], $0xffff;
	[tilespmem:s10+$0xFFFFF9A0] =	vst v15  }
0x405: {  	v16 =	vadd.s32 v1, v14;
	[tilespmem:s10+$0xFFFFF980] =	vst v10;
	v10 =	vld.idx.msk [tilespmem:v12+s7+$0x0], $0xffff  }
0x406: {  	v12 =	vadd.s32 v1, v5;
	[tilespmem:s10+$0xFFFFF990] =	vst v6;
	v6 =	vld.idx.msk [tilespmem:v8+s17+$0x0], $0xffff  }
0x407: {  	[tilespmem:s10+$0xFFFFF9B0] =	vst v9;
	v5 =	vadd.s32 v3, v5;
	v7 =	vld.idx.msk [tilespmem:v7+s17+$0x0], $0xffff;
	v8 =	vperm.xlane v20, v52  }
0x408: {  	v14 =	vadd.s32 v3, v14;
	[tilespmem:v13+s28+$0x0] =	vst.idx.msk $0xffff, v11;
	v11 =	vld.idx.msk [tilespmem:v23+s7+$0x0], $0xffff  }
0x409: {  	s29 =	simm.s32 $0x6;
	v13 =	vperm.xlane v21, v52;
	v2 =	vld.idx.msk [tilespmem:v2+s7+$0x0], $0xffff;
	v15 =	vadd.s32 v1, v8  }
0x40a: {  	v19 =	vperm.xlane v28, v52;
	v9 =	vld.idx.msk [tilespmem:v16+s7+$0x0], $0xffff;
	[tilespmem:s10+$0x200] =	vst v18;
	v8 =	vadd.s32 v3, v8;
	v18 =	vmov s29  }
0x40b: {  	v16 =	vperm.xlane v25, v45;
	v18 =	vshll.u32 v18, $0xA;
	v12 =	vld.idx.msk [tilespmem:v12+s17+$0x0], $0xffff;
	[tilespmem:s10+$0x210] =	vst v10;
	v10 =	vadd.s32 v1, v13  }
0x40c: {  	v5 =	vld.idx.msk [tilespmem:v5+s17+$0x0], $0xffff;
	v18 =	vor.u32 v46, v18;
	[tilespmem:s10+$0x220] =	vst v6;
	v6 =	vadd.s32 v3, v13  }
0x40d: {  	v13 =	vadd.s32 v1, v16;
	[tilespmem:s10+$0x230] =	vst v7;
	v7 =	vld.idx.msk [tilespmem:v14+s7+$0x0], $0xffff;
	v18 =	vor.u32 v39, v18  }
0x40e: {  	v23 =	vadd.s32 v1, v19;
	v14 =	vperm.xlane v59, v52;
	[tilespmem:s10+$0xFFFFFA00] =	vst v11;
	v15 =	vld.idx.msk [tilespmem:v15+s7+$0x0], $0xffff  }
0x40f: {  	v19 =	vadd.s32 v3, v19;
	[tilespmem:s10+$0xFFFFFA10] =	vst v2;
	v8 =	vld.idx.msk [tilespmem:v8+s7+$0x0], $0xffff  }
0x410: {  	v11 =	vadd.s32 v1, v14;
	v2 =	vld.idx.msk [tilespmem:v10+s17+$0x0], $0xffff;
	[tilespmem:s10+$0xFFFFFA20] =	vst v12  }
0x411: {  	v10 =	vadd.s32 v3, v14;
	[tilespmem:s10+$0xFFFFFA30] =	vst v5;
	v6 =	vld.idx.msk [tilespmem:v6+s17+$0x0], $0xffff  }
0x412: {  	v12 =	vperm.xlane v20, v53;
	v14 =	vadd.s32 v3, v16;
	v5 =	vld.idx.msk [tilespmem:v13+s17+$0x0], $0xffff;
	[tilespmem:v18+s28+$0x0] =	vst.idx.msk $0xffff, v17  }
0x413: {  	v4 =	vadd.s32 v3, v4;
	v13 =	vld.idx.msk [tilespmem:v23+s7+$0x0], $0xffff;
	[tilespmem:s10+$0x280] =	vst v15  }
0x414: {  	v16 =	vperm.xlane v21, v53;
	v18 =	vld.idx.msk [tilespmem:v19+s7+$0x0], $0xffff;
	v17 =	vadd.s32 v1, v12;
	[tilespmem:s10+$0x290] =	vst v8  }
0x415: {  	v12 =	vadd.s32 v3, v12;
	v11 =	vld.idx.msk [tilespmem:v11+s17+$0x0], $0xffff;
	[tilespmem:s10+$0x2A0] =	vst v2  }
0x416: {  	v8 =	vadd.s32 v1, v16;
	v15 =	vperm.xlane v28, v53;
	v10 =	vld.idx.msk [tilespmem:v10+s17+$0x0], $0xffff;
	[tilespmem:s10+$0x2B0] =	vst v6  }
0x417: {  	v2 =	vadd.s32 v3, v16;
	v6 =	vld.idx.msk [tilespmem:v14+s17+$0x0], $0xffff;
	[tilespmem:s4+$0xFFFFFE80] =	vst v9  }
0x418: {  	v4 =	vld.idx.msk [tilespmem:v4+s7+$0x0], $0xffff;
	v16 =	vadd.s32 v1, v15;
	v14 =	vperm.xlane v59, v53;
	[tilespmem:s10+$0xFFFFFA80] =	vst v13  }
0x419: {  	v9 =	vadd.s32 v3, v15;
	[tilespmem:s10+$0xFFFFFA90] =	vst v18;
	v17 =	vld.idx.msk [tilespmem:v17+s7+$0x0], $0xffff  }
0x41a: {  	v13 =	vperm.xlane v22, v47;
	[tilespmem:s4+$0xFFFFFE90] =	vst v7;
	v12 =	vld.idx.msk [tilespmem:v12+s7+$0x0], $0xffff;
	v15 =	vadd.s32 v1, v14  }
0x41b: {  	v8 =	vld.idx.msk [tilespmem:v8+s17+$0x0], $0xffff;
	v14 =	vadd.s32 v3, v14;
	[tilespmem:s10+$0xFFFFFAA0] =	vst v11;
	v11 =	vperm.xlane v20, v54  }
0x41c: {  	v18 =	vadd.s32 v1, v13;
	v2 =	vld.idx.msk [tilespmem:v2+s17+$0x0], $0xffff;
	[tilespmem:s10+$0xFFFFFAB0] =	vst v10  }
0x41d: {  	[tilespmem:s4+$0xFFFFFEA0] =	vst v5;
	v19 =	vadd.s32 v1, v11;
	v10 =	vld.idx.msk [tilespmem:v16+s7+$0x0], $0xffff;
	v16 =	vperm.xlane v21, v54  }
0x41e: {  	v7 =	vld.idx.msk [tilespmem:v9+s7+$0x0], $0xffff;
	v9 =	vadd.s32 v3, v11;
	[tilespmem:s10+$0x300] =	vst v17  }
0x41f: {  	[tilespmem:s10+$0x310] =	vst v12;
	v11 =	vld.idx.msk [tilespmem:v15+s17+$0x0], $0xffff;
	v12 =	vadd.s32 v1, v16  }
0x420: {  	v15 =	vperm.xlane v28, v54;
	v14 =	vld.idx.msk [tilespmem:v14+s17+$0x0], $0xffff;
	[tilespmem:s10+$0x320] =	vst v8;
	v8 =	vadd.s32 v3, v16  }
0x421: {  	v13 =	vadd.s32 v3, v13;
	v16 =	vld.idx.msk [tilespmem:v18+s17+$0x0], $0xffff;
	[tilespmem:s10+$0x330] =	vst v2  }
0x422: {  	[tilespmem:s4+$0xFFFFFEB0] =	vst v6;
	v2 =	vperm.xlane v59, v54;
	v17 =	vadd.s32 v1, v15;
	v18 =	vld.idx.msk [tilespmem:v19+s7+$0x0], $0xffff  }
0x423: {  	v5 =	vadd.s32 v3, v15;
	[tilespmem:s10+$0xFFFFFB00] =	vst v10;
	v9 =	vld.idx.msk [tilespmem:v9+s7+$0x0], $0xffff  }
0x424: {  	v10 =	vperm.xlane v24, v48;
	[tilespmem:s10+$0xFFFFFB10] =	vst v7;
	v15 =	vadd.s32 v1, v2;
	v7 =	vld.idx.msk [tilespmem:v12+s17+$0x0], $0xffff  }
0x425: {  	v12 =	vadd.s32 v3, v2;
	[tilespmem:s10+$0xFFFFFB20] =	vst v11;
	v8 =	vld.idx.msk [tilespmem:v8+s17+$0x0], $0xffff  }
0x426: {  	v11 =	vperm.xlane v20, v55;
	v19 =	vadd.s32 v1, v10;
	[tilespmem:s10+$0xFFFFFB30] =	vst v14;
	v2 =	vld.idx.msk [tilespmem:v13+s17+$0x0], $0xffff  }
0x427: {  	v10 =	vadd.s32 v3, v10;
	[tilespmem:s6+$0xFFFFFF80] =	vst v0;
	v13 =	vld.idx.msk [tilespmem:v17+s7+$0x0], $0xffff  }
0x428: {  	v14 =	vperm.xlane v21, v55;
	[tilespmem:s6+$0xFFFFFF90] =	vst v4;
	v17 =	vadd.s32 v1, v11;
	v5 =	vld.idx.msk [tilespmem:v5+s7+$0x0], $0xffff  }
0x429: {  	v6 =	vadd.s32 v3, v11;
	[tilespmem:s10+$0x390] =	vst v9;
	v11 =	vld.idx.msk [tilespmem:v15+s17+$0x0], $0xffff  }
0x42a: {  	v9 =	vadd.s32 v1, v14;
	v15 =	vperm.xlane v28, v55;
	v12 =	vld.idx.msk [tilespmem:v12+s17+$0x0], $0xffff;
	[tilespmem:s10+$0x3A0] =	vst v7  }
0x42b: {  	v7 =	vadd.s32 v3, v14;
	[tilespmem:s10+$0x3B0] =	vst v8;
	v8 =	vld.idx.msk [tilespmem:v19+s7+$0x0], $0xffff  }
0x42c: {  	[tilespmem:s10+$0x380] =	vst v18;
	v14 =	vperm.xlane v59, v55;
	v10 =	vld.idx.msk [tilespmem:v10+s7+$0x0], $0xffff;
	v18 =	vadd.s32 v1, v15  }
0x42d: {  	v0 =	vadd.s32 v3, v15;
	v17 =	vld.idx.msk [tilespmem:v17+s7+$0x0], $0xffff;
	[tilespmem:s10+$0xFFFFFB80] =	vst v13  }
0x42e: {  	v6 =	vld.idx.msk [tilespmem:v6+s7+$0x0], $0xffff;
	v13 =	vperm.xlane v25, v48;
	v15 =	vadd.s32 v1, v14;
	[tilespmem:s10+$0xFFFFFB90] =	vst v5  }
0x42f: {  	v5 =	vld.idx.msk [tilespmem:v9+s17+$0x0], $0xffff;
	v9 =	vadd.s32 v3, v14;
	[tilespmem:s10+$0xFFFFFBA0] =	vst v11;
	v11 =	vperm.xlane v20, v35  }
0x430: {  	v14 =	vadd.s32 v1, v13;
	v7 =	vld.idx.msk [tilespmem:v7+s17+$0x0], $0xffff;
	[tilespmem:s10+$0xFFFFFBB0] =	vst v12  }
0x431: {  	[tilespmem:s6+$0xFFFFFFA0] =	vst v16;
	v12 =	vld.idx.msk [tilespmem:v18+s7+$0x0], $0xffff;
	v18 =	vperm.xlane v21, v35;
	v19 =	vadd.s32 v1, v11  }
0x432: {  	s30 =	simm.s32 $0x0;
	v22 =	vperm.xlane v24, v47;
	v24 =	vimm.s32 $0x9;
	v0 =	vld.idx.msk [tilespmem:v0+s7+$0x0], $0xffff;
	v11 =	vadd.s32 v3, v11;
	[tilespmem:s10+$0x400] =	vst v17  }
0x433: {  	v4 =	vmov s30;
	v17 =	vperm.xlane v25, v47;
	v15 =	vld.idx.msk [tilespmem:v15+s17+$0x0], $0xffff;
	[tilespmem:s10+$0x410] =	vst v6;
	v6 =	vadd.s32 v1, v18  }
0x434: {  	v4 =	vshll.u32 v4, $0xA;
	v25 =	vperm.xlane v28, v24;
	v9 =	vld.idx.msk [tilespmem:v9+s17+$0x0], $0xffff;
	[tilespmem:s10+$0x420] =	vst v5;
	v5 =	vadd.s32 v3, v18  }
0x435: {  	v4 =	vor.u32 v46, v4;
	v13 =	vadd.s32 v3, v13;
	[tilespmem:s10+$0x430] =	vst v7;
	v7 =	vld.idx.msk [tilespmem:v14+s17+$0x0], $0xffff  }
0x436: {  	v35 =	vor.u32 v39, v4;
	v16 =	vadd.s32 v1, v25;
	v4 =	vld.idx.msk [tilespmem:v19+s7+$0x0], $0xffff;
	[tilespmem:s10+$0xFFFFFC00] =	vst v12  }
0x437: {  	v14 =	vperm.xlane v59, v24;
	v11 =	vld.idx.msk [tilespmem:v11+s7+$0x0], $0xffff;
	[tilespmem:s10+$0xFFFFFC10] =	vst v0  }
0x438: {  	v12 =	vadd.s32 v3, v25;
	[tilespmem:s10+$0xFFFFFC20] =	vst v15;
	v0 =	vld.idx.msk [tilespmem:v6+s17+$0x0], $0xffff  }
0x439: {  	v19 =	vperm.xlane v20, v37;
	v6 =	vadd.s32 v1, v14;
	v5 =	vld.idx.msk [tilespmem:v5+s17+$0x0], $0xffff;
	[tilespmem:s10+$0xFFFFFC30] =	vst v9  }
0x43a: {  	v15 =	vperm.xlane v28, v37;
	v14 =	vadd.s32 v3, v14;
	v9 =	vld.idx.msk [tilespmem:v13+s17+$0x0], $0xffff;
	[tilespmem:s4+$0xFFFFFF00] =	vst v8  }
0x43b: {  	v26 =	vadd.s32 v1, v19;
	[tilespmem:s4+$0xFFFFFF10] =	vst v10;
	v8 =	vld.idx.msk [tilespmem:v16+s7+$0x0], $0xffff;
	v16 =	vperm.xlane v21, v37  }
0x43c: {  	v19 =	vadd.s32 v3, v19;
	[tilespmem:s10+$0x480] =	vst v4;
	v4 =	vadd.s32 v1, v15  }
0x43d: {  	v12 =	vld.idx.msk [tilespmem:v12+s7+$0x0], $0xffff;
	[tilespmem:s10+$0x490] =	vst v11;
	v11 =	vadd.s32 v3, v15;
	v15 =	vadd.s32 v1, v16  }
0x43e: {  	v50 =	vadd.s32 v1, v17;
	v25 =	vadd.s32 v3, v17;
	v6 =	vld.idx.msk [tilespmem:v6+s17+$0x0], $0xffff;
	[tilespmem:s10+$0x4A0] =	vst v0  }
0x43f: {  	v17 =	vperm.xlane v28, v56;
	v16 =	vadd.s32 v3, v16;
	v14 =	vld.idx.msk [tilespmem:v14+s17+$0x0], $0xffff;
	[tilespmem:s10+$0x4B0] =	vst v5  }
0x440: {  	[tilespmem:s4+$0xFFFFFF20] =	vst v7;
	v26 =	vld.idx.msk [tilespmem:v26+s7+$0x0], $0xffff  }
0x441: {  	v57 =	vimm.s32 $0xC;
	v13 =	vperm.xlane v59, v37;
	v30 =	vadd.s32 v1, v17;
	[tilespmem:s10+$0xFFFFFC80] =	vst v8;
	v8 =	vld.idx.msk [tilespmem:v19+s7+$0x0], $0xffff  }
0x442: {  	v10 =	vadd.s32 v3, v17;
	v17 =	vperm.xlane v28, v57;
	[tilespmem:s10+$0xFFFFFC90] =	vst v12;
	v15 =	vld.idx.msk [tilespmem:v15+s17+$0x0], $0xffff  }
0x443: {  	v38 =	vadd.s32 v3, v22;
	v18 =	vadd.s32 v1, v22;
	v12 =	vperm.xlane v59, v57;
	[tilespmem:s10+$0xFFFFFCA0] =	vst v6  }
0x444: {  	v43 =	vadd.s32 v1, v17;
	v0 =	vadd.s32 v1, v13;
	v6 =	vld.idx.msk [tilespmem:v16+s17+$0x0], $0xffff;
	[tilespmem:s10+$0xFFFFFCB0] =	vst v14  }
0x445: {  	v41 =	vadd.s32 v1, v12;
	v40 =	vadd.s32 v3, v12;
	v12 =	vperm.xlane v28, v45;
	[tilespmem:s10+$0x500] =	vst v26  }
0x446: {  	v42 =	vadd.s32 v3, v17;
	v17 =	vperm.xlane v59, v45;
	v16 =	vperm.xlane v20, v56;
	[tilespmem:s10+$0x510] =	vst v8  }
0x447: {  	v5 =	vadd.s32 v3, v13;
	v4 =	vld.idx.msk [tilespmem:v4+s7+$0x0], $0xffff;
	[tilespmem:s10+$0x520] =	vst v15;
	v15 =	vadd.s32 v1, v12  }
0x448: {  	v7 =	vperm.xlane v21, v56;
	v11 =	vld.idx.msk [tilespmem:v11+s7+$0x0], $0xffff;
	v14 =	vadd.s32 v1, v16;
	[tilespmem:$0x1FE60] =	vst v15  }
0x449: {  	v63 =	vadd.s32 v1, v17;
	v16 =	vadd.s32 v3, v16;
	[tilespmem:s10+$0x530] =	vst v6;
	v6 =	vadd.s32 v3, v12  }
0x44a: {  	v13 =	vperm.xlane v59, v56;
	v26 =	vadd.s32 v1, v7;
	v0 =	vld.idx.msk [tilespmem:v0+s17+$0x0], $0xffff;
	[tilespmem:$0x1FE70] =	vst v6  }
0x44b: {  	v19 =	vperm.xlane v59, v48;
	v7 =	vadd.s32 v3, v7;
	[tilespmem:s4+$0xFFFFFF30] =	vst v9;
	v9 =	vadd.s32 v3, v17  }
0x44c: {  	v44 =	vadd.s32 v1, v13;
	v8 =	vperm.xlane v28, v48;
	v5 =	vld.idx.msk [tilespmem:v5+s17+$0x0], $0xffff;
	[tilespmem:$0x1FE80] =	vst v9  }
0x44d: {  	s12 =	simm.s32 $0x4;
	v13 =	vadd.s32 v3, v13;
	v33 =	vadd.s32 v1, v19;
	[tilespmem:s10+$0xFFFFFD00] =	vst v4;
	v9 =	vld.idx.msk [tilespmem:v14+s7+$0x0], $0xffff  }
0x44e: {  	v22 =	vadd.s32 v1, v8;
	v23 =	vadd.s32 v3, v8;
	v6 =	vmov s12;
	v8 =	vld.idx.msk [tilespmem:v16+s7+$0x0], $0xffff;
	[tilespmem:s10+$0xFFFFFD10] =	vst v11  }
0x44f: {  	v4 =	vshll.u32 v6, $0xA;
	v6 =	vperm.xlane v28, v47;
	v11 =	vperm.xlane v59, v47;
	v12 =	vld.idx.msk [tilespmem:v26+s17+$0x0], $0xffff;
	[tilespmem:s6+$0xFFFFFFB0] =	vst v2  }
0x450: {  	v16 =	vadd.s32 v3, v19;
	v14 =	vor.u32 v46, v4;
	[tilespmem:s10+$0xFFFFFD20] =	vst v0;
	v4 =	vld.idx.msk [tilespmem:v7+s17+$0x0], $0xffff  }
0x451: {  	v28 =	vimm.s32 $0xC;
	v32 =	vor.u32 v39, v14;
	v14 =	vld.idx.msk [tilespmem:v18+s7+$0x0], $0xffff;
	v49 =	vadd.s32 v1, v11;
	[tilespmem:s10+$0xFFFFFD30] =	vst v5  }
0x452: {  	v18 =	vadd.s32 v3, v11;
	v11 =	vperm.xlane v21, v28;
	v5 =	vperm.xlane v20, v28;
	v0 =	vld.idx.msk [tilespmem:v30+s7+$0x0], $0xffff  }
0x453: {  	v15 =	vadd.s32 v1, v6;
	v34 =	vadd.s32 v3, v6;
	v2 =	vld.idx.msk [tilespmem:v10+s7+$0x0], $0xffff;
	[tilespmem:s10+$0x580] =	vst v9  }
0x454: {  	v6 =	vld.idx.msk [tilespmem:v13+s17+$0x0], $0xffff;
	v10 =	vadd.s32 v3, v11;
	[tilespmem:s10+$0x590] =	vst v8;
	v7 =	vadd.s32 v1, v5  }
0x455: {  	s15 =	simm.s32 $0x4;
	s20 =	simm.s32 $0xFB70;
	s6 =	simm.s32 $0x17800;
	v8 =	vadd.s32 v3, v5;
	v5 =	vld.idx.msk [tilespmem:v44+s17+$0x0], $0xffff;
	[tilespmem:s10+$0x5A0] =	vst v12;
	v9 =	vadd.s32 v1, v11  }
.LBB2_5:
0x456: {  	[tilespmem:$0x1FD80] =	vst v34  }
0x457: {  	[tilespmem:$0x1FD40] =	vst v63  }
0x458: {  	v11 =	vld [tilespmem:s20+$0x0];
	[tilespmem:s10+$0x5B0] =	vst v4  }
0x459: {  	[tilespmem:$0x1FE00] =	vst v33;
	v4 =	vld.idx.msk [tilespmem:v7+s7+$0x0], $0xffff  }
0x45a: {  	[tilespmem:s10+$0xFFFFFD80] =	vst v0;
	v0 =	vld.idx.msk [tilespmem:v8+s7+$0x0], $0xffff  }
0x45b: {  	[tilespmem:s10+$0xFFFFFD90] =	vst v2;
	v2 =	vld.idx.msk [tilespmem:v9+s17+$0x0], $0xffff  }
0x45c: {  	v33 =	vimm.s32 $0xD;
	[tilespmem:s10+$0xFFFFFDA0] =	vst v5;
	v5 =	vld.idx.msk [tilespmem:v10+s17+$0x0], $0xffff  }
0x45d: {  	[tilespmem:$0x1FD60] =	vst v32;
	s18 =	sadd.s32 $0x20, s18;
	v7 =	vperm.xlane v20, v33;
	v8 =	vld [tilespmem:s20+$0xFFFFFFF0]  }
0x45e: {  	[tilespmem:s10+$0xFFFFFDB0] =	vst v6;
	v6 =	vld [tilespmem:s18+$0x0]  }
0x45f: {  	[tilespmem:$0x1FD90] =	vst v50;
	v9 =	vperm.xlane v21, v33;
	v12 =	vld [tilespmem:s18+$0xFFFFFFF0];
	v10 =	vadd.s32 v1, v7  }
0x460: {  	v13 =	vld.idx.msk [tilespmem:v42+s7+$0x0], $0xffff;
	[tilespmem:s10+$0x600] =	vst v4;
	v4 =	vadd.s32 v3, v7  }
0x461: {  	v11 =	vshll.u32 v11, $0x5;
	v41 =	vld.idx.msk [tilespmem:v41+s17+$0x0], $0xffff;
	[tilespmem:s10+$0x610] =	vst v0;
	v0 =	vadd.s32 v1, v9  }
0x462: {  	v7 =	vld.idx.msk [tilespmem:v43+s7+$0x0], $0xffff;
	[tilespmem:s10+$0x620] =	vst v2;
	v2 =	vadd.s32 v3, v9;
	v48 =	vshll.u32 v8, $0x5;
	v8 =	vperm.xlane v11, v31  }
0x463: {  	v63 =	vld.idx.msk [tilespmem:v40+s17+$0x0], $0xffff;
	[tilespmem:s10+$0x630] =	vst v5  }
0x464: {  	[tilespmem:$0x1FDD0] =	vst v14;
	v6 =	vshll.u32 v6, $0x5;
	v5 =	vperm.xlane v48, v31;
	v10 =	vld.idx.msk [tilespmem:v10+s7+$0x0], $0xffff;
	v14 =	vadd.s32 v1, v8  }
0x465: {  	[tilespmem:$0x1FDB0] =	vst v18;
	v50 =	vshll.u32 v12, $0x5;
	v12 =	vperm.xlane v6, v31;
	v8 =	vadd.s32 v3, v8;
	v4 =	vld.idx.msk [tilespmem:v4+s7+$0x0], $0xffff  }
0x466: {  	[tilespmem:$0x1FE10] =	vst v16;
	v32 =	vimm.s32 $0xE;
	v16 =	vadd.s32 v1, v5;
	v5 =	vadd.s32 v3, v5;
	v0 =	vld.idx.msk [tilespmem:v0+s17+$0x0], $0xffff  }
0x467: {  	v18 =	vperm.xlane v20, v32;
	v17 =	vadd.s32 v1, v12;
	v2 =	vld.idx.msk [tilespmem:v2+s17+$0x0], $0xffff;
	[tilespmem:s10+$0xFFFFFE00] =	vst v7  }
0x468: {  	[tilespmem:$0x1FE50] =	vst v15;
	v12 =	vadd.s32 v3, v12;
	v26 =	vld [tilespmem:s19+$0xFFFFFFF0]  }
0x469: {  	v60 =	vadd.s32 v1, v18;
	v7 =	vperm.xlane v21, v32;
	v14 =	vld.idx.msk [tilespmem:v14+s7+$0x0], $0xffff;
	[tilespmem:s10+$0x680] =	vst v10  }
0x46a: {  	[tilespmem:s10+$0xFFFFFE10] =	vst v13;
	v10 =	vadd.s32 v3, v18;
	v8 =	vld.idx.msk [tilespmem:v8+s7+$0x0], $0xffff  }
0x46b: {  	v5 =	vld.idx.msk [tilespmem:v5+s7+$0x0], $0xffff;
	[tilespmem:s10+$0x690] =	vst v4;
	v4 =	vadd.s32 v1, v7  }
0x46c: {  	v17 =	vld.idx.msk [tilespmem:v17+s17+$0x0], $0xffff;
	[tilespmem:s10+$0x6A0] =	vst v0;
	v0 =	vadd.s32 v3, v7  }
0x46d: {  	v15 =	vperm.xlane v50, v31;
	v12 =	vld.idx.msk [tilespmem:v12+s17+$0x0], $0xffff;
	[tilespmem:s10+$0x6B0] =	vst v2  }
0x46e: {  	[tilespmem:$0x1FD70] =	vst v38;
	v34 =	vperm.xlane v11, v36;
	v2 =	vperm.xlane v50, v29;
	s10 =	sadd.s32 $0x1000, s10;
	v13 =	vld.idx.msk [tilespmem:v60+s7+$0x0], $0xffff  }
0x46f: {  	v19 =	vadd.s32 v1, v15;
	v15 =	vadd.s32 v3, v15;
	v10 =	vld.idx.msk [tilespmem:v10+s7+$0x0], $0xffff;
	[tilespmem:s10+$0x0] =	vst v14  }
0x470: {  	v38 =	vimm.s32 $0xF;
	v46 =	vadd.s32 v1, v2;
	v44 =	vadd.s32 v3, v2;
	v2 =	vld.idx.msk [tilespmem:v4+s17+$0x0], $0xffff;
	[tilespmem:s10+$0x10] =	vst v8  }
0x471: {  	v4 =	vadd.s32 v1, v34;
	v8 =	vperm.xlane v20, v38;
	v0 =	vld.idx.msk [tilespmem:v0+s17+$0x0], $0xffff;
	[tilespmem:s10+$0x20] =	vst v17  }
0x472: {  	v20 =	vmov v11;
	v11 =	vld.idx.msk [tilespmem:v16+s7+$0x0], $0xffff;
	v16 =	vadd.s32 v3, v34;
	[tilespmem:s10+$0x30] =	vst v12  }
0x473: {  	v9 =	vperm.xlane v48, v36;
	v12 =	vperm.xlane v21, v38;
	v17 =	vadd.s32 v1, v8;
	[tilespmem:s6+$0x700] =	vst v13  }
0x474: {  	v21 =	vmov v6;
	v6 =	vld.idx.msk [tilespmem:v19+s17+$0x0], $0xffff;
	v8 =	vadd.s32 v3, v8;
	[tilespmem:s6+$0x710] =	vst v10  }
0x475: {  	v51 =	vadd.s32 v1, v9;
	v13 =	vld.idx.msk [tilespmem:v15+s17+$0x0], $0xffff;
	[tilespmem:s10+$0xFFFFF810] =	vst v5;
	v10 =	vadd.s32 v1, v12  }
0x476: {  	v9 =	vadd.s32 v3, v9;
	v15 =	vperm.xlane v21, v36;
	v4 =	vld.idx.msk [tilespmem:v4+s7+$0x0], $0xffff;
	[tilespmem:s6+$0x720] =	vst v2  }
0x477: {  	v2 =	vadd.s32 v3, v12;
	v52 =	vld.idx.msk [tilespmem:v16+s7+$0x0], $0xffff;
	[tilespmem:s6+$0x730] =	vst v0  }
0x478: {  	v34 =	vimm.s32 $0x5;
	v12 =	vadd.s32 v1, v15;
	[tilespmem:s10+$0xFFFFF800] =	vst v11;
	v11 =	vld.idx.msk [tilespmem:v17+s7+$0x0], $0xffff  }
0x479: {  	v54 =	vperm.xlane v50, v34;
	v0 =	vadd.s32 v3, v15;
	v53 =	vld.idx.msk [tilespmem:v8+s7+$0x0], $0xffff;
	[tilespmem:s10+$0xFFFFF820] =	vst v6  }
0x47a: {  	v59 =	vperm.xlane v50, v36;
	v31 =	vimm.s32 $0x4;
	[tilespmem:s10+$0xFFFFF830] =	vst v13;
	v55 =	vld.idx.msk [tilespmem:v10+s17+$0x0], $0xffff  }
0x47b: {  	v5 =	vperm.xlane v48, v31;
	v8 =	vadd.s32 v1, v54;
	v10 =	vadd.s32 v3, v54;
	v54 =	vld.idx.msk [tilespmem:v9+s7+$0x0], $0xffff  }
0x47c: {  	[tilespmem:$0x1FDC0] =	vst v22;
	v18 =	vadd.s32 v1, v59;
	v2 =	vld.idx.msk [tilespmem:v2+s17+$0x0], $0xffff  }
0x47d: {  	v16 =	vadd.s32 v3, v5;
	v6 =	vperm.xlane v48, v34;
	v17 =	vadd.s32 v1, v5;
	v5 =	vld.idx.msk [tilespmem:v12+s17+$0x0], $0xffff  }
0x47e: {  	v7 =	vadd.s32 v3, v59;
	v0 =	vld.idx.msk [tilespmem:v0+s17+$0x0], $0xffff;
	[tilespmem:s10+$0x80] =	vst v4  }
0x47f: {  	v13 =	vadd.s32 v1, v6;
	[tilespmem:s10+$0x90] =	vst v52  }
0x480: {  	s12 =	sadd.s32 $0x4, s12;
	v12 =	vadd.s32 v3, v6;
	v6 =	vperm.xlane v20, v29;
	v4 =	vld.idx.msk [tilespmem:v51+s7+$0x0], $0xffff;
	[tilespmem:s6+$0x780] =	vst v11  }
0x481: {  	v36 =	vmov s12;
	[tilespmem:s6+$0x790] =	vst v53;
	v53 =	vld.idx.msk [tilespmem:v18+s17+$0x0], $0xffff  }
0x482: {  	v57 =	vperm.xlane v21, v29;
	v58 =	vadd.s32 v1, v6;
	v18 =	vshll.u32 v36, $0xA;
	v36 =	vld [tilespmem:$0x1FFF0];
	[tilespmem:s6+$0x7A0] =	vst v55  }
0x483: {  	v61 =	vperm.xlane v48, v29;
	v59 =	vadd.s32 v3, v6;
	v55 =	vld.idx.msk [tilespmem:v7+s17+$0x0], $0xffff;
	[tilespmem:s10+$0xFFFFF890] =	vst v54  }
0x484: {  	s19 =	smov.u32 s11;
	s11 =	sadd.s32 $0x20, s11;
	v51 =	vadd.s32 v1, v57;
	v6 =	vmov v35;
	v35 =	vld [tilespmem:$0x1FFE0];
	[tilespmem:s6+$0x7B0] =	vst v2  }
0x485: {  	v47 =	vadd.s32 v1, v61;
	v52 =	vld [tilespmem:s11+$0x0];
	[tilespmem:s10+$0xA0] =	vst v5  }
0x486: {  	v39 =	vimm.s32 $0x8;
	s29 =	sadd.s32 $0x2, s12;
	v45 =	vadd.s32 v3, v61;
	[tilespmem:s10+$0xB0] =	vst v0  }
0x487: {  	v22 =	vperm.xlane v50, v39;
	v9 =	vmov s29;
	[tilespmem:s10+$0xFFFFF880] =	vst v4;
	v58 =	vld.idx.msk [tilespmem:v58+s7+$0x0], $0xffff  }
0x488: {  	v9 =	vshll.u32 v9, $0xA;
	v54 =	vld.idx.msk [tilespmem:v59+s7+$0x0], $0xffff;
	[tilespmem:s10+$0xFFFFF8A0] =	vst v53  }
0x489: {  	v0 =	vadd.s32 v1, v22;
	v2 =	vor.u32 v36, v9;
	v51 =	vld.idx.msk [tilespmem:v51+s17+$0x0], $0xffff;
	[tilespmem:s10+$0xFFFFF8B0] =	vst v55  }
0x48a: {  	[tilespmem:$0x1FDE0] =	vst v0;
	v0 =	vadd.s32 v3, v22;
	v60 =	vor.u32 v35, v2;
	v22 =	vld.idx.msk [tilespmem:v47+s7+$0x0], $0xffff  }
0x48b: {  	[tilespmem:$0x1FD50] =	vst v26;
	v57 =	vadd.s32 v3, v57;
	v47 =	vperm.xlane v48, v24;
	v45 =	vld.idx.msk [tilespmem:v45+s7+$0x0], $0xffff  }
0x48c: {  	[tilespmem:$0x1FDF0] =	vst v0;
	v46 =	vld.idx.msk [tilespmem:v46+s17+$0x0], $0xffff  }
0x48d: {  	v44 =	vld.idx.msk [tilespmem:v44+s17+$0x0], $0xffff;
	[tilespmem:s6+$0xFFFFFE20] =	vst v41;
	v26 =	vadd.s32 v1, v47  }
0x48e: {  	[tilespmem:$0x1FE20] =	vst v26  }
0x48f: {  	v53 =	vperm.xlane v20, v27;
	[tilespmem:v60+s28+$0x0] =	vst.idx.msk $0xffff, v52  }
0x490: {  	v37 =	vperm.xlane v21, v27;
	v52 =	vld.idx.msk [tilespmem:v57+s17+$0x0], $0xffff;
	[tilespmem:s10+$0x100] =	vst v58  }
0x491: {  	v62 =	vperm.xlane v48, v27;
	v24 =	vimm.s32 $0x9;
	v0 =	vmovc v25;
	v57 =	vmovc v23;
	v23 =	vadd.s32 v1, v53;
	[tilespmem:s10+$0x110] =	vst v54  }
0x492: {  	v25 =	vadd.s32 v1, v37;
	v24 =	vperm.xlane v50, v24;
	v53 =	vadd.s32 v3, v53;
	[tilespmem:s10+$0x120] =	vst v51  }
0x493: {  	v54 =	vadd.s32 v3, v47;
	v47 =	vadd.s32 v3, v37;
	v37 =	vimm.s32 $0xA;
	[tilespmem:s10+$0xFFFFF900] =	vst v22  }
0x494: {  	v55 =	vadd.s32 v3, v24;
	v58 =	vadd.s32 v1, v24;
	[tilespmem:s10+$0xFFFFF910] =	vst v45;
	v24 =	vperm.xlane v48, v37  }
0x495: {  	v40 =	vadd.s32 v1, v62;
	[tilespmem:s10+$0x130] =	vst v52  }
0x496: {  	v14 =	vperm.xlane v50, v27;
	[tilespmem:s10+$0xFFFFF920] =	vst v46;
	v22 =	vadd.s32 v1, v24;
	v52 =	vimm.s32 $0xB;
	v23 =	vld.idx.msk [tilespmem:v23+s7+$0x0], $0xffff  }
0x497: {  	[tilespmem:$0x1FE30] =	vst v22;
	v22 =	vadd.s32 v3, v24;
	v26 =	vperm.xlane v48, v52;
	v24 =	vld.idx.msk [tilespmem:v25+s17+$0x0], $0xffff  }
0x498: {  	v43 =	vadd.s32 v3, v14;
	[tilespmem:$0x1FE40] =	vst v22;
	v22 =	vld.idx.msk [tilespmem:v53+s7+$0x0], $0xffff  }
0x499: {  	v19 =	vadd.s32 v3, v62;
	[tilespmem:s10+$0xFFFFF930] =	vst v44;
	v27 =	vld.idx.msk [tilespmem:v47+s17+$0x0], $0xffff;
	v47 =	vadd.s32 v1, v26  }
0x49a: {  	v44 =	vadd.s32 v3, v26;
	v26 =	vperm.xlane v48, v28;
	v28 =	vld.idx.msk [tilespmem:v40+s7+$0x0], $0xffff;
	v40 =	vperm.xlane v21, v31  }
0x49b: {  	v42 =	vadd.s32 v1, v14;
	v41 =	vperm.xlane v20, v31  }
0x49c: {  	[tilespmem:s10+$0x1A0] =	vst v24;
	v24 =	vadd.s32 v3, v40  }
0x49d: {  	v29 =	vadd.s32 v1, v41;
	v25 =	vperm.xlane v50, v52  }
0x49e: {  	v14 =	vperm.xlane v50, v31;
	v31 =	vld.idx.msk [tilespmem:v43+s17+$0x0], $0xffff;
	[tilespmem:s10+$0x180] =	vst v23  }
0x49f: {  	v19 =	vld.idx.msk [tilespmem:v19+s7+$0x0], $0xffff;
	v45 =	vadd.s32 v1, v25;
	v23 =	vadd.s32 v3, v41;
	[tilespmem:s10+$0x190] =	vst v22  }
0x4a0: {  	v46 =	vadd.s32 v3, v25;
	v25 =	vld.idx.msk [tilespmem:v42+s17+$0x0], $0xffff;
	v22 =	vadd.s32 v1, v40;
	[tilespmem:s10+$0x1B0] =	vst v27  }
0x4a1: {  	v24 =	vld.idx.msk [tilespmem:v24+s17+$0x0], $0xffff  }
0x4a2: {  	v29 =	vld.idx.msk [tilespmem:v29+s7+$0x0], $0xffff  }
0x4a3: {  	v30 =	vimm.s32 $0xC;
	[tilespmem:s10+$0xFFFFF9B0] =	vst v31;
	v31 =	vld [tilespmem:$0x1FE60]  }
0x4a4: {  	v30 =	vperm.xlane v50, v30;
	[tilespmem:s6+$0xFFFFFE30] =	vst v63;
	v23 =	vld.idx.msk [tilespmem:v23+s7+$0x0], $0xffff  }
0x4a5: {  	v15 =	vadd.s32 v1, v14;
	v14 =	vadd.s32 v3, v14;
	[tilespmem:s10+$0xFFFFF990] =	vst v19;
	v22 =	vld.idx.msk [tilespmem:v22+s17+$0x0], $0xffff  }
0x4a6: {  	v43 =	vadd.s32 v1, v26;
	v42 =	vadd.s32 v3, v26;
	v26 =	vperm.xlane v48, v33;
	[tilespmem:s10+$0x230] =	vst v24;
	v24 =	vld [tilespmem:$0x1FE70]  }
0x4a7: {  	[tilespmem:s10+$0xFFFFF980] =	vst v28  }
0x4a8: {  	v41 =	vadd.s32 v1, v30;
	v40 =	vadd.s32 v3, v30;
	v63 =	vadd.s32 v1, v26;
	[tilespmem:s10+$0xFFFFF9A0] =	vst v25  }
0x4a9: {  	v27 =	vperm.xlane v50, v33;
	v28 =	vperm.xlane v48, v32;
	v33 =	vmov v63;
	v63 =	vld.idx.msk [tilespmem:v17+s7+$0x0], $0xffff  }
0x4aa: {  	v30 =	vperm.xlane v50, v32;
	v32 =	vperm.xlane v20, v34;
	[tilespmem:$0x1FE60] =	vst v33;
	v14 =	vld.idx.msk [tilespmem:v14+s17+$0x0], $0xffff  }
0x4ab: {  	v19 =	vadd.s32 v1, v28;
	v17 =	vadd.s32 v3, v28;
	v28 =	vperm.xlane v21, v34;
	v34 =	vld.idx.msk [tilespmem:v16+s7+$0x0], $0xffff  }
0x4ac: {  	v33 =	vadd.s32 v1, v32;
	[tilespmem:s10+$0x200] =	vst v29;
	v29 =	vadd.s32 v3, v32;
	v32 =	vld.idx.msk [tilespmem:v15+s17+$0x0], $0xffff  }
0x4ad: {  	v31 =	vld.idx.msk [tilespmem:v31+s7+$0x0], $0xffff  }
0x4ae: {  	[tilespmem:$0x1FDA0] =	vst v49;
	v49 =	vimm.s32 $0x6;
	v24 =	vld.idx.msk [tilespmem:v24+s7+$0x0], $0xffff  }
0x4af: {  	v56 =	vperm.xlane v50, v49;
	[tilespmem:s10+$0xFFFFFA30] =	vst v14;
	v14 =	vld [tilespmem:$0x1FD40];
	_ =	sdelay $0x1  }
0x4b0: {  	v61 =	vadd.s32 v1, v56;
	v5 =	vimm.s32 $0x7;
	[tilespmem:s10+$0x210] =	vst v23  }
0x4b1: {  	v7 =	vadd.s32 v3, v56;
	v56 =	vperm.xlane v50, v5;
	v51 =	vperm.xlane v50, v37;
	[tilespmem:s10+$0x220] =	vst v22  }
0x4b2: {  	v23 =	vadd.s32 v1, v28;
	v22 =	vadd.s32 v3, v28;
	v28 =	vperm.xlane v50, v38;
	v50 =	vld [tilespmem:$0x1FD50];
	[tilespmem:s10+$0xFFFFFA00] =	vst v63  }
0x4b3: {  	[tilespmem:s10+$0xFFFFFA10] =	vst v34  }
0x4b4: {  	[tilespmem:s10+$0xFFFFFA20] =	vst v32  }
0x4b5: {  	v13 =	vld.idx.msk [tilespmem:v13+s7+$0x0], $0xffff  }
0x4b6: {  	v14 =	vld.idx.msk [tilespmem:v14+s17+$0x0], $0xffff  }
0x4b7: {  	[tilespmem:v6+s28+$0x0] =	vst.idx.msk $0xffff, v50;
	v6 =	vld [tilespmem:$0x1FD60];
	_ =	sdelay $0x1  }
0x4b8: {  	v62 =	vperm.xlane v48, v39  }
0x4b9: {  	v11 =	vperm.xlane v48, v49;
	v18 =	vor.u32 v36, v18;
	v26 =	vadd.s32 v3, v26  }
0x4ba: {  	v16 =	vadd.s32 v1, v30;
	v15 =	vadd.s32 v3, v30;
	v30 =	vperm.xlane v48, v38  }
0x4bb: {  	v2 =	vperm.xlane v48, v5;
	v18 =	vor.u32 v35, v18;
	v48 =	vmovc v26;
	v35 =	vmov v6;
	v6 =	vld [tilespmem:$0x1FE80]  }
0x4bc: {  	v26 =	vadd.s32 v3, v30;
	[tilespmem:$0x1FE70] =	vst v48;
	v48 =	vadd.s32 v1, v30;
	v30 =	vld.idx.msk [tilespmem:v33+s7+$0x0], $0xffff  }
0x4bd: {  	v23 =	vld.idx.msk [tilespmem:v23+s17+$0x0], $0xffff  }
0x4be: {  	v22 =	vld.idx.msk [tilespmem:v22+s17+$0x0], $0xffff  }
0x4bf: {  	v38 =	vperm.xlane v20, v49  }
0x4c0: {  	v25 =	vadd.s32 v1, v27;
	v29 =	vld.idx.msk [tilespmem:v29+s7+$0x0], $0xffff  }
0x4c1: {  	[tilespmem:s10+$0x280] =	vst v30;
	v63 =	vmov v25;
	v25 =	vperm.xlane v21, v49;
	v49 =	vadd.s32 v1, v38;
	v12 =	vld.idx.msk [tilespmem:v12+s7+$0x0], $0xffff  }
0x4c2: {  	v27 =	vadd.s32 v3, v27;
	v30 =	vadd.s32 v3, v38;
	[tilespmem:s10+$0x2A0] =	vst v23;
	v8 =	vld.idx.msk [tilespmem:v8+s17+$0x0], $0xffff  }
0x4c3: {  	v32 =	vmov v18;
	v18 =	vadd.s32 v1, v25;
	[tilespmem:s10+$0x2B0] =	vst v22;
	v22 =	vld.idx.msk [tilespmem:v6+s17+$0x0], $0xffff;
	v6 =	vmov v27  }
0x4c4: {  	v23 =	vadd.s32 v3, v25;
	[tilespmem:$0x1FE80] =	vst v6;
	v6 =	vld [tilespmem:$0x1FD70]  }
0x4c5: {  	[tilespmem:s10+$0x290] =	vst v29;
	v10 =	vld.idx.msk [tilespmem:v10+s17+$0x0], $0xffff  }
0x4c6: {  	v25 =	vld.idx.msk [tilespmem:v49+s7+$0x0], $0xffff;
	[tilespmem:s6+$0xFFFFFE80] =	vst v31  }
0x4c7: {  	[tilespmem:s10+$0xFFFFFA80] =	vst v13;
	v13 =	vld.idx.msk [tilespmem:v30+s7+$0x0], $0xffff  }
0x4c8: {  	[tilespmem:s10+$0xFFFFFA90] =	vst v12;
	v12 =	vld.idx.msk [tilespmem:v18+s17+$0x0], $0xffff;
	v18 =	vperm.xlane v20, v5  }
0x4c9: {  	v9 =	vadd.s32 v1, v11;
	[tilespmem:s10+$0xFFFFFAA0] =	vst v8;
	v8 =	vld.idx.msk [tilespmem:v23+s17+$0x0], $0xffff  }
0x4ca: {  	v34 =	vmov v26;
	[tilespmem:s10+$0xFFFFFAB0] =	vst v10;
	v26 =	vadd.s32 v1, v18  }
0x4cb: {  	v11 =	vadd.s32 v3, v11;
	v23 =	vperm.xlane v21, v5;
	[tilespmem:s10+$0x300] =	vst v25;
	v5 =	vld [tilespmem:$0x1FD90]  }
0x4cc: {  	[tilespmem:s10+$0x310] =	vst v13;
	v10 =	vld.idx.msk [tilespmem:v6+s7+$0x0], $0xffff  }
0x4cd: {  	[tilespmem:s10+$0x320] =	vst v12;
	v6 =	vld [tilespmem:$0x1FD80]  }
0x4ce: {  	v9 =	vld.idx.msk [tilespmem:v9+s7+$0x0], $0xffff;
	[tilespmem:s10+$0x330] =	vst v8  }
0x4cf: {  	v13 =	vadd.s32 v1, v23;
	v12 =	vadd.s32 v3, v23;
	v23 =	vld.idx.msk [tilespmem:v26+s7+$0x0], $0xffff;
	[tilespmem:s6+$0xFFFFFE90] =	vst v24  }
0x4d0: {  	v11 =	vld.idx.msk [tilespmem:v11+s7+$0x0], $0xffff  }
0x4d1: {  	v7 =	vld.idx.msk [tilespmem:v7+s17+$0x0], $0xffff  }
0x4d2: {  	v18 =	vadd.s32 v3, v18;
	v38 =	vmov v6;
	v6 =	vld.idx.msk [tilespmem:v61+s17+$0x0], $0xffff  }
0x4d3: {  	v8 =	vld.idx.msk [tilespmem:v5+s17+$0x0], $0xffff;
	[tilespmem:s6+$0xFFFFFEA0] =	vst v14  }
0x4d4: {  	v5 =	vld [tilespmem:$0x1FDA0];
	[tilespmem:s10+$0xFFFFFB00] =	vst v9  }
0x4d5: {  	[tilespmem:s10+$0xFFFFFB10] =	vst v11;
	v11 =	vld.idx.msk [tilespmem:v13+s17+$0x0], $0xffff  }
0x4d6: {  	v4 =	vadd.s32 v1, v2;
	v12 =	vld.idx.msk [tilespmem:v12+s17+$0x0], $0xffff;
	[tilespmem:s10+$0xFFFFFB30] =	vst v7  }
0x4d7: {  	v2 =	vadd.s32 v3, v2;
	v9 =	vld.idx.msk [tilespmem:v18+s7+$0x0], $0xffff;
	v13 =	vperm.xlane v20, v39;
	[tilespmem:s10+$0xFFFFFB20] =	vst v6  }
0x4d8: {  	v59 =	vadd.s32 v1, v56;
	v6 =	vld.idx.msk [tilespmem:v0+s17+$0x0], $0xffff  }
0x4d9: {  	[tilespmem:s10+$0x380] =	vst v23;
	v14 =	vadd.s32 v1, v13;
	v0 =	vld [tilespmem:$0x1FDB0]  }
0x4da: {  	[tilespmem:s10+$0x3A0] =	vst v11;
	v11 =	vld [tilespmem:$0x1FDC0]  }
0x4db: {  	v50 =	vmov v5;
	v5 =	vld.idx.msk [tilespmem:v4+s7+$0x0], $0xffff;
	[tilespmem:s6+$0xFFFFFEB0] =	vst v22  }
0x4dc: {  	v56 =	vadd.s32 v3, v56;
	v7 =	vperm.xlane v21, v39;
	[tilespmem:s10+$0x3B0] =	vst v12;
	v4 =	vld.idx.msk [tilespmem:v2+s7+$0x0], $0xffff  }
0x4dd: {  	[tilespmem:s10+$0x390] =	vst v9;
	v2 =	vld.idx.msk [tilespmem:v59+s17+$0x0], $0xffff  }
0x4de: {  	v9 =	vadd.s32 v1, v7;
	v7 =	vadd.s32 v3, v7;
	v12 =	vld.idx.msk [tilespmem:v14+s7+$0x0], $0xffff  }
0x4df: {  	v14 =	vld [tilespmem:$0x1FDD0]  }
0x4e0: {  	v13 =	vadd.s32 v3, v13  }
0x4e1: {  	v25 =	vmov v0;
	v0 =	vld.idx.msk [tilespmem:v56+s17+$0x0], $0xffff  }
0x4e2: {  	v11 =	vld.idx.msk [tilespmem:v11+s7+$0x0], $0xffff  }
0x4e3: {  	[tilespmem:s10+$0xFFFFFBA0] =	vst v2;
	v2 =	vld.idx.msk [tilespmem:v7+s17+$0x0], $0xffff  }
0x4e4: {  	v23 =	vmov v17;
	v17 =	vld [tilespmem:$0x1FDF0];
	[tilespmem:s4+$0xFFFFFF80] =	vst v14  }
0x4e5: {  	[tilespmem:s10+$0xFFFFFB80] =	vst v5;
	v5 =	vld.idx.msk [tilespmem:v13+s7+$0x0], $0xffff  }
0x4e6: {  	v60 =	vadd.s32 v1, v62;
	[tilespmem:s10+$0xFFFFFB90] =	vst v4;
	v4 =	vld.idx.msk [tilespmem:v9+s17+$0x0], $0xffff  }
0x4e7: {  	v62 =	vadd.s32 v3, v62;
	[tilespmem:s10+$0x400] =	vst v12;
	v12 =	vld [tilespmem:$0x1FDE0]  }
0x4e8: {  	[tilespmem:s10+$0x430] =	vst v2;
	v2 =	vld [tilespmem:$0x1FE00]  }
0x4e9: {  	[tilespmem:s10+$0xFFFFFBB0] =	vst v0  }
0x4ea: {  	v0 =	vld.idx.msk [tilespmem:v57+s7+$0x0], $0xffff  }
0x4eb: {  	v9 =	vld.idx.msk [tilespmem:v60+s7+$0x0], $0xffff;
	[tilespmem:s4+$0xFFFFFF90] =	vst v10  }
0x4ec: {  	v10 =	vld.idx.msk [tilespmem:v62+s7+$0x0], $0xffff  }
0x4ed: {  	v24 =	vimm.s32 $0x9  }
0x4ee: {  	v7 =	vperm.xlane v20, v24;
	v17 =	vld.idx.msk [tilespmem:v17+s17+$0x0], $0xffff  }
0x4ef: {  	v12 =	vld.idx.msk [tilespmem:v12+s17+$0x0], $0xffff  }
0x4f0: {  	v13 =	vperm.xlane v21, v24;
	v14 =	vadd.s32 v1, v7;
	[tilespmem:s10+$0x410] =	vst v5;
	v2 =	vld.idx.msk [tilespmem:v2+s17+$0x0], $0xffff  }
0x4f1: {  	v7 =	vadd.s32 v3, v7;
	[tilespmem:s10+$0xFFFFFC10] =	vst v10;
	v10 =	vld [tilespmem:$0x1FE20]  }
0x4f2: {  	v5 =	vadd.s32 v1, v13;
	[tilespmem:s10+$0xFFFFFC00] =	vst v9;
	v9 =	vld [tilespmem:$0x1FE10]  }
0x4f3: {  	[tilespmem:s10+$0x420] =	vst v4;
	v4 =	vadd.s32 v3, v13;
	_ =	sdelay $0x1  }
0x4f4: {  	v13 =	vld.idx.msk [tilespmem:v14+s7+$0x0], $0xffff  }
0x4f5: {  	v7 =	vld.idx.msk [tilespmem:v7+s7+$0x0], $0xffff;
	[tilespmem:s4+$0xFFFFFFA0] =	vst v8  }
0x4f6: {  	v5 =	vld.idx.msk [tilespmem:v5+s17+$0x0], $0xffff;
	[tilespmem:s10+$0xFFFFFC20] =	vst v12  }
0x4f7: {  	v4 =	vld.idx.msk [tilespmem:v4+s17+$0x0], $0xffff;
	[tilespmem:s10+$0xFFFFFC30] =	vst v17  }
0x4f8: {  	v10 =	vld.idx.msk [tilespmem:v10+s7+$0x0], $0xffff  }
0x4f9: {  	v33 =	vadd.s32 v1, v28;
	v9 =	vld.idx.msk [tilespmem:v9+s17+$0x0], $0xffff;
	[tilespmem:s6+$0xFFFFFF00] =	vst v11  }
0x4fa: {  	v11 =	vld.idx.msk [tilespmem:v54+s7+$0x0], $0xffff  }
0x4fb: {  	[tilespmem:s10+$0x480] =	vst v13;
	v13 =	vld.idx.msk [tilespmem:v58+s17+$0x0], $0xffff  }
0x4fc: {  	v49 =	vmov v33;
	v33 =	vmov v16;
	v16 =	vmov v15;
	v15 =	vld.idx.msk [tilespmem:v55+s17+$0x0], $0xffff  }
0x4fd: {  	v8 =	vperm.xlane v20, v37;
	[tilespmem:s10+$0xFFFFFC80] =	vst v10;
	v10 =	vld [tilespmem:$0x1FE30]  }
0x4fe: {  	[tilespmem:s10+$0x490] =	vst v7  }
0x4ff: {  	v14 =	vadd.s32 v1, v8;
	v8 =	vadd.s32 v3, v8;
	[tilespmem:s10+$0x4A0] =	vst v5  }
0x500: {  	[tilespmem:s10+$0x4B0] =	vst v4  }
0x501: {  	v12 =	vperm.xlane v21, v37;
	[tilespmem:s6+$0xFFFFFF10] =	vst v0  }
0x502: {  	[tilespmem:s10+$0xFFFFFC90] =	vst v11  }
0x503: {  	v7 =	vadd.s32 v1, v12;
	[tilespmem:s10+$0xFFFFFCA0] =	vst v13  }
0x504: {  	v5 =	vadd.s32 v3, v12;
	v0 =	vld.idx.msk [tilespmem:v8+s7+$0x0], $0xffff;
	[tilespmem:s10+$0xFFFFFCB0] =	vst v15  }
0x505: {  	v10 =	vld.idx.msk [tilespmem:v10+s7+$0x0], $0xffff  }
0x506: {  	[tilespmem:s6+$0xFFFFFF20] =	vst v2;
	v2 =	vld [tilespmem:$0x1FE40]  }
0x507: {  	v53 =	vadd.s32 v1, v51;
	v4 =	vld.idx.msk [tilespmem:v14+s7+$0x0], $0xffff  }
0x508: {  	v51 =	vadd.s32 v3, v51;
	v7 =	vld.idx.msk [tilespmem:v7+s17+$0x0], $0xffff;
	v11 =	vperm.xlane v21, v52  }
0x509: {  	v5 =	vld.idx.msk [tilespmem:v5+s17+$0x0], $0xffff  }
0x50a: {  	v8 =	vperm.xlane v20, v52;
	[tilespmem:s10+$0x510] =	vst v0;
	v0 =	vadd.s32 v1, v11;
	_ =	sdelay $0x1  }
0x50b: {  	v12 =	vadd.s32 v1, v8;
	[tilespmem:s10+$0x500] =	vst v4;
	v4 =	vadd.s32 v3, v8;
	v8 =	vld.idx.msk [tilespmem:v53+s17+$0x0], $0xffff  }
0x50c: {  	[tilespmem:s10+$0x520] =	vst v7;
	v13 =	vld.idx.msk [tilespmem:v51+s17+$0x0], $0xffff  }
0x50d: {  	[tilespmem:s10+$0x530] =	vst v5;
	v2 =	vld.idx.msk [tilespmem:v2+s7+$0x0], $0xffff  }
0x50e: {  	[tilespmem:s10+$0xFFFFFD00] =	vst v10;
	v10 =	vld.idx.msk [tilespmem:v0+s17+$0x0], $0xffff  }
0x50f: {  	v0 =	vld [tilespmem:$0x1FE50];
	_ =	sdelay $0x1  }
0x510: {  	v7 =	vadd.s32 v3, v11;
	_ =	sdelay $0x1  }
0x511: {  	[tilespmem:s6+$0xFFFFFF30] =	vst v9  }
0x512: {  	v5 =	vld.idx.msk [tilespmem:v12+s7+$0x0], $0xffff;
	[tilespmem:s10+$0xFFFFFD20] =	vst v8  }
0x513: {  	s15 =	sadd.s32 $0x2, s15;
	v9 =	vld.idx.msk [tilespmem:v4+s7+$0x0], $0xffff;
	[tilespmem:s10+$0xFFFFFD30] =	vst v13  }
0x514: {  	p0 =	slt.u32 s15, $0x8;
	v28 =	vadd.s32 v3, v28;
	v4 =	vld.idx.msk [tilespmem:v7+s17+$0x0], $0xffff;
	[tilespmem:s10+$0xFFFFFD10] =	vst v2  }
.Ltmp1:
0x515: {  	v18 =	vmov v28;
	v28 =	vimm.s32 $0xC;
	v14 =	vld.idx.msk [tilespmem:v0+s7+$0x0], $0xffff;
	(pc) =	sbr.rel @p0 .LBB2_5-.Ltmp1, $4  }
0x516: {  	v8 =	vperm.xlane v20, v28;
	v0 =	vld.idx.msk [tilespmem:v47+s7+$0x0], $0xffff;
	[tilespmem:s4+$0xFFFFFFB0] =	vst v6  }
0x517: {  	v36 =	vimm.s32 $0x1;
	v29 =	vimm.s32 $0x2;
	v11 =	vperm.xlane v21, v28;
	[tilespmem:s10+$0x580] =	vst v5;
	v2 =	vld.idx.msk [tilespmem:v44+s7+$0x0], $0xffff  }
0x518: {  	v27 =	vimm.s32 $0x3;
	v22 =	vmovc v19;
	v7 =	vadd.s32 v1, v8;
	v8 =	vadd.s32 v3, v8;
	[tilespmem:s10+$0x590] =	vst v9;
	v5 =	vld.idx.msk [tilespmem:v45+s17+$0x0], $0xffff  }
0x519: {  	s20 =	sadd.s32 $0x20, s20;
	v31 =	vimm.s32 $0x0;
	v15 =	vmovc v48;
	v9 =	vadd.s32 v1, v11;
	[tilespmem:s10+$0x5A0] =	vst v10;
	v10 =	vadd.s32 v3, v11;
	s4 =	smov.u32 s6;
	s6 =	smov.u32 s10;
	v6 =	vld.idx.msk [tilespmem:v46+s17+$0x0], $0xffff  }
0x51a: {  	_ =	sdelay $0x2  }
0x51b: {  	[tilespmem:s10+$0x5B0] =	vst v4  }
0x51c: {  	v4 =	vld.idx.msk [tilespmem:v7+s7+$0x0], $0xffff  }
0x51d: {  	v11 =	vimm.s32 $0xD;
	v62 =	vld.idx.msk [tilespmem:v8+s7+$0x0], $0xffff  }
0x51e: {  	v19 =	vld.idx.msk [tilespmem:v9+s17+$0x0], $0xffff;
	v37 =	vperm.xlane v20, v11  }
0x51f: {  	v10 =	vld.idx.msk [tilespmem:v10+s17+$0x0], $0xffff  }
0x520: {  	v11 =	vperm.xlane v21, v11;
	v12 =	vadd.s32 v1, v37  }
0x521: {  	[tilespmem:s10+$0x600] =	vst v4;
	v4 =	vadd.s32 v3, v37  }
0x522: {  	v44 =	vadd.s32 v3, v11;
	[tilespmem:s10+$0x610] =	vst v62  }
0x523: {  	v39 =	vadd.s32 v1, v11;
	[tilespmem:s10+$0x620] =	vst v19  }
0x524: {  	[tilespmem:s10+$0x630] =	vst v10  }
0x525: {  	[tilespmem:s10+$0xFFFFFD80] =	vst v0;
	v0 =	vld.idx.msk [tilespmem:v12+s7+$0x0], $0xffff  }
0x526: {  	v45 =	vimm.s32 $0xE;
	[tilespmem:s10+$0xFFFFFD90] =	vst v2;
	v2 =	vld.idx.msk [tilespmem:v4+s7+$0x0], $0xffff  }
0x527: {  	[tilespmem:s10+$0xFFFFFDA0] =	vst v5;
	v5 =	vperm.xlane v20, v45;
	v46 =	vld.idx.msk [tilespmem:v44+s17+$0x0], $0xffff  }
0x528: {  	[tilespmem:s10+$0xFFFFFDB0] =	vst v6;
	v4 =	vld.idx.msk [tilespmem:v39+s17+$0x0], $0xffff  }
0x529: {  	v48 =	vperm.xlane v21, v45;
	v47 =	vld.idx.msk [tilespmem:v43+s7+$0x0], $0xffff;
	v51 =	vadd.s32 v1, v5  }
0x52a: {  	v52 =	vld.idx.msk [tilespmem:v42+s7+$0x0], $0xffff;
	[tilespmem:s10+$0x680] =	vst v0;
	v0 =	vadd.s32 v3, v5  }
0x52b: {  	v53 =	vld.idx.msk [tilespmem:v40+s17+$0x0], $0xffff;
	[tilespmem:s10+$0x690] =	vst v2;
	v2 =	vadd.s32 v1, v48  }
0x52c: {  	v5 =	vld.idx.msk [tilespmem:v41+s17+$0x0], $0xffff;
	[tilespmem:s10+$0x6B0] =	vst v46  }
0x52d: {  	[tilespmem:s10+$0x6A0] =	vst v4  }
0x52e: {  	[tilespmem:s10+$0xFFFFFE00] =	vst v47;
	v4 =	vadd.s32 v3, v48;
	v6 =	vld.idx.msk [tilespmem:v51+s7+$0x0], $0xffff  }
0x52f: {  	[tilespmem:s10+$0xFFFFFE10] =	vst v52;
	v0 =	vld.idx.msk [tilespmem:v0+s7+$0x0], $0xffff  }
0x530: {  	[tilespmem:s6+$0xFFFFFE30] =	vst v53;
	v2 =	vld.idx.msk [tilespmem:v2+s17+$0x0], $0xffff  }
0x531: {  	[tilespmem:s6+$0xFFFFFE20] =	vst v5  }
0x532: {  	v57 =	vld [tilespmem:$0x1FE60]  }
0x533: {  	v54 =	vimm.s32 $0xF;
	v4 =	vld.idx.msk [tilespmem:v4+s17+$0x0], $0xffff;
	[tilespmem:s6+$0x700] =	vst v6  }
0x534: {  	v5 =	vperm.xlane v21, v54;
	v59 =	vld [tilespmem:$0x1FE70];
	[tilespmem:s6+$0x710] =	vst v0  }
0x535: {  	[tilespmem:s6+$0x720] =	vst v2  }
0x536: {  	v0 =	vadd.s32 v1, v5;
	v2 =	vadd.s32 v3, v5;
	v5 =	vld [tilespmem:$0x1FE80];
	_ =	sdelay $0x2  }
0x537: {  	v55 =	vperm.xlane v20, v54;
	_ =	sdelay $0x1  }
0x538: {  	v56 =	vadd.s32 v1, v55;
	v9 =	vld.idx.msk [tilespmem:v57+s7+$0x0], $0xffff  }
0x539: {  	v58 =	vadd.s32 v3, v55;
	v10 =	vld.idx.msk [tilespmem:v63+s17+$0x0], $0xffff  }
0x53a: {  	v7 =	vld.idx.msk [tilespmem:v59+s7+$0x0], $0xffff  }
0x53b: {  	v5 =	vld.idx.msk [tilespmem:v5+s17+$0x0], $0xffff  }
0x53c: {  	[tilespmem:s6+$0x730] =	vst v4  }
0x53d: {  	v4 =	vld.idx.msk [tilespmem:v56+s7+$0x0], $0xffff;
	[tilespmem:s6+$0xFFFFFE80] =	vst v9  }
0x53e: {  	v6 =	vld.idx.msk [tilespmem:v58+s7+$0x0], $0xffff;
	[tilespmem:s6+$0xFFFFFEA0] =	vst v10  }
0x53f: {  	v0 =	vld.idx.msk [tilespmem:v0+s17+$0x0], $0xffff;
	[tilespmem:s6+$0xFFFFFE90] =	vst v7  }
0x540: {  	v2 =	vld.idx.msk [tilespmem:v2+s17+$0x0], $0xffff;
	[tilespmem:s6+$0xFFFFFEB0] =	vst v5  }
0x541: {  	v5 =	vld.idx.msk [tilespmem:v22+s7+$0x0], $0xffff  }
0x542: {  	v7 =	vld.idx.msk [tilespmem:v23+s7+$0x0], $0xffff  }
0x543: {  	[tilespmem:s6+$0x780] =	vst v4;
	v4 =	vld.idx.msk [tilespmem:v33+s17+$0x0], $0xffff  }
0x544: {  	[tilespmem:s6+$0x790] =	vst v6;
	v60 =	vld.idx.msk [tilespmem:v16+s17+$0x0], $0xffff  }
0x545: {  	[tilespmem:s6+$0x7A0] =	vst v0  }
0x546: {  	[tilespmem:s6+$0xFFFFFF00] =	vst v5  }
0x547: {  	v0 =	vld.idx.msk [tilespmem:v38+s7+$0x0], $0xffff;
	[tilespmem:s6+$0xFFFFFF10] =	vst v7  }
0x548: {  	v5 =	vld.idx.msk [tilespmem:v50+s17+$0x0], $0xffff;
	[tilespmem:s6+$0xFFFFFF20] =	vst v4  }
0x549: {  	v4 =	vld.idx.msk [tilespmem:v25+s17+$0x0], $0xffff;
	[tilespmem:s6+$0xFFFFFF30] =	vst v60  }
0x54a: {  	[tilespmem:s6+$0x7B0] =	vst v2;
	v2 =	vld.idx.msk [tilespmem:v15+s7+$0x0], $0xffff  }
0x54b: {  	[tilespmem:s4+$0xFFFFFF80] =	vst v14  }
0x54c: {  	[tilespmem:s4+$0xFFFFFF90] =	vst v0;
	v6 =	vld.idx.msk [tilespmem:v34+s7+$0x0], $0xffff  }
0x54d: {  	v0 =	vld.idx.msk [tilespmem:v49+s17+$0x0], $0xffff;
	[tilespmem:s4+$0xFFFFFFA0] =	vst v5  }
0x54e: {  	v5 =	vld.idx.msk [tilespmem:v18+s17+$0x0], $0xffff;
	[tilespmem:s4+$0xFFFFFFB0] =	vst v4  }
0x54f: {  	v45 =	vld [tilespmem:$0x1FFF0];
	[tilespmem:s6+$0xFFFFFF80] =	vst v2  }
0x550: {  	s29 =	sadd.s32 $0x4, s12;
	v49 =	vld [tilespmem:$0x1FFE0]  }
0x551: {  	s12 =	sadd.s32 $0x2, s29  }
0x552: {  	v61 =	vmov s12;
	v2 =	vmov s29  }
0x553: {  	v63 =	vld [tilespmem:s19+$0xFFFFFFF0];
	v7 =	vshll.u32 v61, $0xA;
	[tilespmem:s6+$0xFFFFFF90] =	vst v6;
	v2 =	vshll.u32 v2, $0xA  }
0x554: {  	s30 =	sadd.s32 $0x20, s11;
	[tilespmem:s6+$0xFFFFFFA0] =	vst v0;
	v4 =	vor.u32 v45, v7;
	v0 =	vor.u32 v45, v2;
	v2 =	vld [tilespmem:s11+$0xFFFFFFF0]  }
0x555: {  	v62 =	vld [tilespmem:s30+$0x0];
	[tilespmem:s6+$0xFFFFFFB0] =	vst v5;
	v4 =	vor.u32 v49, v4  }
0x556: {  	s5 =	sadd.s32 $0x1, s5;
	v5 =	vld [tilespmem:s30+$0xFFFFFFF0];
	v0 =	vor.u32 v49, v0  }
0x557: {  	p0 =	sne.s32 s5, $0x140  }
.Ltmp2:
0x558: {  	[tilespmem:v35+s28+$0x0] =	vst.idx.msk $0xffff, v63;
	(pc) =	sbr.rel @p0 .LBB2_2-.Ltmp2, $4  }
0x559: {  	s2 =	sshll.u32 s2, $0x4;
	[tilespmem:v32+s28+$0x0] =	vst.idx.msk $0xffff, v2  }
0x55a: {  	s2 =	sand.u32 $0x1FFFFE00, s2;
	v40 =	vimm.s32 $0xA;
	v37 =	vimm.s32 $0x7;
	v46 =	vimm.s32 $0xB;
	[tilespmem:v4+s28+$0x0] =	vst.idx.msk $0xffff, v62  }
0x55b: {  	s2 =	sadd.s32 s9, s2;
	v47 =	vimm.s32 $0xE;
	v48 =	vimm.s32 $0xF;
	v38 =	vimm.s32 $0x8;
	[tilespmem:v0+s28+$0x0] =	vst.idx.msk $0xffff, v5  }
0x55c: {  	v15 =	vimm.s32 $0xD;
	v35 =	vimm.s32 $0x4;
	v32 =	vimm.s32 $0x6;
	[hbm4b:s2+s7] =	stream.linear.scatter [tilespmem:s28], [sflag:$0x4], $0x5000, $0x38;
	[tilespmem:$0x1A000] =	vst v63  }
0x55d: {  	s2 =	simm.s32 $0x3  }
0x55e: {  	_ =	swait.ge [sflag:s2], $0x5000  }
0x55f: {  	[sflag:s2] =	ssyncset.done $0x0  }
0x560: {  	s4 =	simm.s32 $0x4;
	[sflag:s2] =	ssyncadd.s32 $0xFFFFB000  }
0x561: {  	_ =	swait.ge [sflag:s4], $0x5000  }
0x562: {  	s31 =	sadd.s32 $0x1, s31;
	s30 =	rddreg [dreg:$0xa]  }
0x563: {  	p0 =	sne.s32 s31, s30  }
.Ltmp3:
0x564: {  	_ = 	snop;
	(pc) =	sbr.rel @p0 .LBB2_1-.Ltmp3, $3  }
0x565: {  	_ =	sdelay $0x1  }
0x566: {  	[sflag:s4] =	ssyncset.done $0x0  }
0x567: {  	[sflag:s4] =	ssyncadd.s32 $0xFFFFB000  }
0x568: {  	_ =	sfence.sel $0x180000  }
0x569: {  	[bflag:$0x0] =	sbarrier.arrive $0xFFFF  }
0x56a: {  	_ =	strace $0x90000047  }
0x56b: {  	s0 =	stileid.u32;
	[bflag:$0x2] =	sbarrier.arrive $0xFFFF  }
0x56c: {  	p0 =	sne.s32 s0, $0x0;
	s0 =	rddreg [dreg:$0x6]  }
0x56d: {  	s0 =	sadd.s32 @!p0 $0x100000, s0  }
0x56e: {  	[sflag:s0] =	ssyncadd.tile.s32 @!p0 $0x1;
	_ =	shalt  }
.Lfunc_end2:
_tile_overlayer_lowered:
.L_overlay_start_2:
0x56f: {  	(tag) =	ssettag $0x2  }
0x570: {  	s0 =	rddreg [dreg:$0x0];
	s2 =	stileid.u32  }
0x571: {  	s1 =	rddreg [dreg:$0x1];
	p0 =	sne.s32 s2, $0x0  }
0x572: {  	s3 =	rddreg [dreg:$0x2];
	[bflag:$0x3] =	sbarrier.arrive $0xFFFF;
	s2 =	simm.s32 @!p0 $0x1C05  }
0x573: {  	[timem:s3], [sflag:s2] =	dma.local @!p0 [hbm:s0], s1  }
0x574: {  	s0 =	simm.s32 @!p0 $0x5  }
0x575: {  	_ =	swait.ge @!p0 [sflag:s0], s1  }
0x576: {  	s1 =	ssub.s32 @!p0 $0x0, s1;
	[sflag:s0] =	ssyncset.done @!p0 $0x0  }
0x577: {  	[sflag:s0] =	ssyncadd.s32 @!p0 s1  }
0x578: {  	[bflag:$0x3] =	sbarrier.arrive $0xFFFF  }
0x579: {  	_ =	shalt  }

</sc_bundles>
